<compile_context>
chip_gen: v7x
topology: tpu7x:2x2x1
jax: 0.10.2.dev20260603
libtpu: 0.0.44.dev20260713+nightly
codegen_flags: <defaults>
</compile_context>

<pallas_src>
import functools

import jax
import jax.numpy as jnp
from jax import lax
from jax.experimental import pallas as pl
from jax.experimental.pallas import tpu as pltpu
from jax.experimental.pallas import tpu_sc as plsc

HIDDEN = 128
SEQ = 81
VOCAB = 10
NC = 2
NS = 16
NW = NC * NS
LANES = 16

CHUNK = 384
SUB = CHUNK // 128


def _lut_body(tok_ref, pos_ref, g_ref, b_ref, out_ref):
    lat = tok_ref[...][:, None, :] + pos_ref[...][None, :, :]
    mean = jnp.mean(lat, axis=-1, keepdims=True)
    var = jnp.mean(lat * lat, axis=-1, keepdims=True) - mean * mean
    normed = (lat - mean) * lax.rsqrt(var + 1e-5)
    out_ref[...] = normed * g_ref[...][None, :, :] + b_ref[...][None, :, :]


def _compute_lut(token_table, pos_table, gamma, beta):
    lut3 = pl.pallas_call(
        _lut_body,
        out_shape=jax.ShapeDtypeStruct((VOCAB, SEQ, HIDDEN), jnp.float32),
    )(token_table, pos_table, gamma.reshape(1, HIDDEN), beta.reshape(1, HIDDEN))
    return lut3.reshape(VOCAB * SEQ, HIDDEN)


def _sc_gather_body(lut_hbm, tok_hbm, out_hbm,
                    tok_v0, tok_v1, idx_v0, idx_v1, rows_v0, rows_v1,
                    gsem0, gsem1, ssem0, ssem1):
    wid = lax.axis_index("s") * NC + lax.axis_index("c")
    n_rows = tok_hbm.shape[0]
    per_w = n_rows // NW
    n_chunks = per_w // CHUNK
    tok_v = (tok_v0, tok_v1)
    idx_v = (idx_v0, idx_v1)
    rows_v = (rows_v0, rows_v1)
    gsem = (gsem0, gsem1)
    ssem = (ssem0, ssem1)

    def process(b, chunk_idx, drain_first):
        base = wid * per_w + chunk_idx * CHUNK
        if drain_first:
            pltpu.make_async_copy(
                rows_v[b], out_hbm.at[pl.ds(0, CHUNK)], ssem[b]
            ).wait()
        pltpu.sync_copy(tok_hbm.at[pl.ds(base, CHUNK)], tok_v[b])
        for j in range(CHUNK // LANES):
            t = tok_v[b][pl.ds(j * LANES, LANES)]
            pos = (base + j * LANES + lax.iota(jnp.int32, LANES)) % SEQ
            idx_v[b][j // 8, pl.ds((j % 8) * LANES, LANES)] = t * SEQ + pos
        copies = [
            pltpu.async_copy(
                lut_hbm.at[idx_v[b].at[g]],
                rows_v[b].at[pl.ds(g * 128, 128)],
                gsem[b],
            )
            for g in range(SUB)
        ]
        for cp in copies:
            cp.wait()
        pltpu.async_copy(rows_v[b], out_hbm.at[pl.ds(base, CHUNK)], ssem[b])

    process(0, 0, False)
    process(1, 1, False)

    def pair_body(k, _):
        process(0, 2 * k, True)
        process(1, 2 * k + 1, True)
        return ()

    lax.fori_loop(1, n_chunks // 2, pair_body, (), unroll=False)

    for b in range(2):
        pltpu.make_async_copy(
            rows_v[b], out_hbm.at[pl.ds(0, CHUNK)], ssem[b]
        ).wait()


def _sc_gather(lut, tok_flat):
    n_rows = tok_flat.shape[0]
    mesh = plsc.VectorSubcoreMesh(core_axis_name="c", subcore_axis_name="s")
    run = pl.kernel(
        _sc_gather_body,
        out_type=jax.ShapeDtypeStruct((n_rows, HIDDEN), jnp.float32),
        mesh=mesh,
        scratch_types=[
            pltpu.VMEM((CHUNK,), jnp.int32),
            pltpu.VMEM((CHUNK,), jnp.int32),
            pltpu.VMEM((SUB, 128), jnp.int32),
            pltpu.VMEM((SUB, 128), jnp.int32),
            pltpu.VMEM((CHUNK, HIDDEN), jnp.float32),
            pltpu.VMEM((CHUNK, HIDDEN), jnp.float32),
            pltpu.SemaphoreType.DMA,
            pltpu.SemaphoreType.DMA,
            pltpu.SemaphoreType.DMA,
            pltpu.SemaphoreType.DMA,
        ],
    )
    return run(lut, tok_flat)


def kernel(token_ids, token_table, pos_table, gamma, beta):
    lut = _compute_lut(token_table, pos_table, gamma, beta)
    batch, seq = token_ids.shape
    tok_flat = token_ids.reshape(-1).astype(jnp.int32)
    out_flat = _sc_gather(lut, tok_flat)
    return out_flat.reshape(batch, seq, HIDDEN)

# --- scband reference (transcript-rebuilt; emitter-appended) ---
"""Pipeline reference for scband-encoder-51067161149645 (READ-ONLY COPY).

The authoritative reference and input builder live on the scoring server;
editing this copy changes nothing except your own understanding.
"""

import jax, jax.numpy as jnp
import numpy as np

HIDDEN_DIM = 128
SEQ = 81
VOCAB = 10
BATCH = 16384


def setup_inputs(seed: int = 0) -> dict:
    key = jax.random.key(seed)
    k1, k2, k3 = jax.random.split(key, 3)
    token_ids = jax.random.randint(k1, (BATCH, SEQ), 0, VOCAB, dtype=jnp.int64 if jax.config.jax_enable_x64 else jnp.int32)
    token_table = jax.random.normal(k2, (VOCAB, HIDDEN_DIM), dtype=jnp.float32)
    pos_table = jax.random.normal(k3, (SEQ, HIDDEN_DIM), dtype=jnp.float32)
    gamma = jnp.ones((HIDDEN_DIM,), dtype=jnp.float32)
    beta = jnp.zeros((HIDDEN_DIM,), dtype=jnp.float32)
    return {
        "token_ids": token_ids,
        "token_table": token_table,
        "pos_table": pos_table,
        "gamma": gamma,
        "beta": beta,
    }


def reference(token_ids, token_table, pos_table, gamma, beta):
    # token embedding lookup: gather rows from table
    tok_emb = jnp.take(token_table, token_ids, axis=0)  # [B, 81, H]
    position_ids = jnp.arange(SEQ)
    pos_emb = jnp.take(pos_table, position_ids, axis=0)  # [81, H]
    latent = tok_emb + pos_emb[None, :, :]
    # LayerNorm over last dim, eps=1e-5 (torch default)
    mean = jnp.mean(latent, axis=-1, keepdims=True)
    var = jnp.var(latent, axis=-1, keepdims=True)
    normed = (latent - mean) / jnp.sqrt(var + 1e-5)
    return normed * gamma + beta

if __name__ == "__main__":
    import jax
    _d = setup_inputs()
    print(jax.jit(kernel)(*tuple(_d.values())))

</pallas_src>

<mosaic_0001>
#map = affine_map<(d0, d1) -> (0, 0)>
#map1 = affine_map<(d0, d1) -> (0)>
module attributes {stable_mosaic.version = 14 : i64} {
  func.func @_sc_gather_body(%arg0: i32, %arg1: i32, %arg2: memref<810x128xf32, #tpu.memory_space<hbm>>, %arg3: memref<1327104xi32, #tpu.memory_space<hbm>>, %arg4: memref<1327104x128xf32, #tpu.memory_space<hbm>>, %arg5: memref<384xi32, #tpu.memory_space<vmem>>, %arg6: memref<384xi32, #tpu.memory_space<vmem>>, %arg7: memref<3x128xi32, #tpu.memory_space<vmem>>, %arg8: memref<3x128xi32, #tpu.memory_space<vmem>>, %arg9: memref<384x128xf32, #tpu.memory_space<vmem>>, %arg10: memref<384x128xf32, #tpu.memory_space<vmem>>, %arg11: memref<!tpu.dma_semaphore, #tpu.memory_space<semaphore_mem>>, %arg12: memref<!tpu.dma_semaphore, #tpu.memory_space<semaphore_mem>>, %arg13: memref<!tpu.dma_semaphore, #tpu.memory_space<semaphore_mem>>, %arg14: memref<!tpu.dma_semaphore, #tpu.memory_space<semaphore_mem>>) attributes {dimension_semantics = [#tpu.dimension_semantics<core_parallel>, #tpu.dimension_semantics<subcore_parallel>], iteration_bounds = array<i64: 2, 16>, scalar_prefetch = 0 : i64, scratch_operands = 10 : i64, tpu.core_type = #tpu.core_type<sc_vector_subcore>, window_params = [{transform_indices = #map}, {transform_indices = #map1}, {transform_indices = #map}]} {
    %mul3A = arith.constant 2 : i32
    %mul3A_0 = arith.muli %arg1, %mul3A : i32
    %add3A = arith.addi %mul3A_0, %arg0 : i32
    %mul3A_1 = arith.constant 41472 : i32
    %mul3A_2 = arith.muli %add3A, %mul3A_1 : i32
    %add3A_3 = arith.constant 0 : i32
    %add3A_4 = arith.addi %mul3A_2, %add3A_3 : i32
    "tpu.region"() ({
      %run_scoped3A = tpu.sem_alloc : memref<!tpu.dma_semaphore, #tpu.memory_space<semaphore_mem>>
      %dma_start3A_2061 = tpu.memref_slice %arg3[%add3A_4] : memref<1327104xi32, #tpu.memory_space<hbm>> -> memref<384xi32, #tpu.memory_space<hbm>>
      %dma_start3A_2062 = tpu.memref_slice %arg3[%add3A_4] : memref<1327104xi32, #tpu.memory_space<hbm>> -> memref<384xi32, #tpu.memory_space<hbm>>
      tpu.enqueue_dma source(%dma_start3A_2062 : memref<384xi32, #tpu.memory_space<hbm>>) target(%arg5 : memref<384xi32, #tpu.memory_space<vmem>>) target_semaphore(%run_scoped3A : memref<!tpu.dma_semaphore, #tpu.memory_space<semaphore_mem>>)
      %dma_wait3A_2063 = tpu.memref_slice %arg3[%add3A_4] : memref<1327104xi32, #tpu.memory_space<hbm>> -> memref<384xi32, #tpu.memory_space<hbm>>
      %dma_wait3A_2064 = tpu.memref_slice %arg3[%add3A_4] : memref<1327104xi32, #tpu.memory_space<hbm>> -> memref<384xi32, #tpu.memory_space<hbm>>
      tpu.wait_dma2 semaphore(%run_scoped3A : memref<!tpu.dma_semaphore, #tpu.memory_space<semaphore_mem>>) src(%dma_wait3A_2064 : memref<384xi32, #tpu.memory_space<hbm>>) dst(%arg5 : memref<384xi32, #tpu.memory_space<vmem>>)
      tpu.yield
    }) : () -> ()
    %get3A = arith.constant 0 : index
    %get3A_5 = tpu.vector_load %arg5[%get3A] {strides = array<i32>} : memref<384xi32, #tpu.memory_space<vmem>>, vector<16xi32>,
    %get3A_6 = vector.shape_cast %get3A_5 : vector<16xi32> to vector<16xi32>
    %add3A_7 = arith.constant 0 : i32
    %add3A_8 = arith.addi %add3A_4, %add3A_7 : i32
    %iota3A = tpu.iota {dimensions = array<i32: 0>} : vector<16xi32>
    %add3A_9 = vector.broadcast %add3A_8 : i32 to vector<16xi32>
    %add3A_10 = arith.addi %add3A_9, %iota3A : vector<16xi32>
    %jit3A = arith.constant 81 : i32
    %eq3A = arith.constant 0 : i32
    %eq3A_11 = arith.cmpi eq, %jit3A, %eq3A : i32
    %jit3A_12 = arith.constant 1 : i32
    %select_n3A = arith.select %eq3A_11, %jit3A_12, %jit3A : i32
    %rem3A = vector.broadcast %select_n3A : i32 to vector<16xi32>
    %rem3A_13 = arith.remsi %add3A_10, %rem3A : vector<16xi32>
    %ne3A = arith.constant 0 : i32
    %ne3A_14 = vector.broadcast %ne3A : i32 to vector<16xi32>
    %ne3A_15 = arith.cmpi ne, %rem3A_13, %ne3A_14 : vector<16xi32>
    %lt3A = arith.constant 0 : i32
    %lt3A_16 = vector.broadcast %lt3A : i32 to vector<16xi32>
    %lt3A_17 = arith.cmpi slt, %rem3A_13, %lt3A_16 : vector<16xi32>
    %lt3A_18 = arith.constant 0 : i32
    %lt3A_19 = arith.cmpi slt, %select_n3A, %lt3A_18 : i32
    %ne3A_20 = vector.broadcast %lt3A_19 : i1 to vector<16xi1>
    %ne3A_21 = vector.broadcast %ne3A_20 : vector<16xi1> to vector<16xi1>
    %ne3A_22 = arith.xori %lt3A_17, %ne3A_21 : vector<16xi1>
    %and3A = arith.andi %ne3A_22, %ne3A_15 : vector<16xi1>
    %add3A_23 = vector.broadcast %select_n3A : i32 to vector<16xi32>
    %add3A_24 = arith.addi %rem3A_13, %add3A_23 : vector<16xi32>
    %select_n3A_25 = arith.select %and3A, %add3A_24, %rem3A_13 : vector<16xi1>, vector<16xi32>
    %mul3A_26 = arith.constant 81 : i32
    %mul3A_27 = vector.broadcast %mul3A_26 : i32 to vector<16xi32>
    %mul3A_28 = arith.muli %get3A_6, %mul3A_27 : vector<16xi32>
    %add3A_29 = arith.addi %mul3A_28, %select_n3A_25 : vector<16xi32>
    %swap3A = arith.constant 0 : i32
    %swap3A_30 = arith.index_cast %swap3A : i32 to index
    %swap3A_31 = arith.constant 0 : index
    %swap3A_32 = tpu.vector_load %arg7[%swap3A_30, %swap3A_31] {strides = array<i32>} : memref<3x128xi32, #tpu.memory_space<vmem>>, vector<1x16xi32>,
    %swap3A_33 = vector.shape_cast %swap3A_32 : vector<1x16xi32> to vector<16xi32>
    %swap3A_34 = vector.shape_cast %add3A_29 : vector<16xi32> to vector<1x16xi32>
    tpu.vector_store %arg7[%swap3A_30, %swap3A_31], %swap3A_34 {strides = array<i32>} : memref<3x128xi32, #tpu.memory_space<vmem>>, vector<1x16xi32>,
    %get3A_35 = arith.constant 16 : index
    %get3A_36 = tpu.vector_load %arg5[%get3A_35] {strides = array<i32>} : memref<384xi32, #tpu.memory_space<vmem>>, vector<16xi32>,
    %get3A_37 = vector.shape_cast %get3A_36 : vector<16xi32> to vector<16xi32>
    %add3A_38 = arith.constant 16 : i32
    %add3A_39 = arith.addi %add3A_4, %add3A_38 : i32
    %iota3A_40 = tpu.iota {dimensions = array<i32: 0>} : vector<16xi32>
    %add3A_41 = vector.broadcast %add3A_39 : i32 to vector<16xi32>
    %add3A_42 = arith.addi %add3A_41, %iota3A_40 : vector<16xi32>
    %jit3A_43 = arith.constant 81 : i32
    %eq3A_44 = arith.constant 0 : i32
    %eq3A_45 = arith.cmpi eq, %jit3A_43, %eq3A_44 : i32
    %jit3A_46 = arith.constant 1 : i32
    %select_n3A_47 = arith.select %eq3A_45, %jit3A_46, %jit3A_43 : i32
    %rem3A_48 = vector.broadcast %select_n3A_47 : i32 to vector<16xi32>
    %rem3A_49 = arith.remsi %add3A_42, %rem3A_48 : vector<16xi32>
    %ne3A_50 = arith.constant 0 : i32
    %ne3A_51 = vector.broadcast %ne3A_50 : i32 to vector<16xi32>
    %ne3A_52 = arith.cmpi ne, %rem3A_49, %ne3A_51 : vector<16xi32>
    %lt3A_53 = arith.constant 0 : i32
    %lt3A_54 = vector.broadcast %lt3A_53 : i32 to vector<16xi32>
    %lt3A_55 = arith.cmpi slt, %rem3A_49, %lt3A_54 : vector<16xi32>
    %lt3A_56 = arith.constant 0 : i32
    %lt3A_57 = arith.cmpi slt, %select_n3A_47, %lt3A_56 : i32
    %ne3A_58 = vector.broadcast %lt3A_57 : i1 to vector<16xi1>
    %ne3A_59 = vector.broadcast %ne3A_58 : vector<16xi1> to vector<16xi1>
    %ne3A_60 = arith.xori %lt3A_55, %ne3A_59 : vector<16xi1>
    %and3A_61 = arith.andi %ne3A_60, %ne3A_52 : vector<16xi1>
    %add3A_62 = vector.broadcast %select_n3A_47 : i32 to vector<16xi32>
    %add3A_63 = arith.addi %rem3A_49, %add3A_62 : vector<16xi32>
    %select_n3A_64 = arith.select %and3A_61, %add3A_63, %rem3A_49 : vector<16xi1>, vector<16xi32>
    %mul3A_65 = arith.constant 81 : i32
    %mul3A_66 = vector.broadcast %mul3A_65 : i32 to vector<16xi32>
    %mul3A_67 = arith.muli %get3A_37, %mul3A_66 : vector<16xi32>
    %add3A_68 = arith.addi %mul3A_67, %select_n3A_64 : vector<16xi32>
    %swap3A_69 = arith.constant 0 : i32
    %swap3A_70 = arith.index_cast %swap3A_69 : i32 to index
    %swap3A_71 = arith.constant 16 : index
    %swap3A_72 = tpu.vector_load %arg7[%swap3A_70, %swap3A_71] {strides = array<i32>} : memref<3x128xi32, #tpu.memory_space<vmem>>, vector<1x16xi32>,
    %swap3A_73 = vector.shape_cast %swap3A_72 : vector<1x16xi32> to vector<16xi32>
    %swap3A_74 = vector.shape_cast %add3A_68 : vector<16xi32> to vector<1x16xi32>
    tpu.vector_store %arg7[%swap3A_70, %swap3A_71], %swap3A_74 {strides = array<i32>} : memref<3x128xi32, #tpu.memory_space<vmem>>, vector<1x16xi32>,
    %get3A_75 = arith.constant 32 : index
    %get3A_76 = tpu.vector_load %arg5[%get3A_75] {strides = array<i32>} : memref<384xi32, #tpu.memory_space<vmem>>, vector<16xi32>,
    %get3A_77 = vector.shape_cast %get3A_76 : vector<16xi32> to vector<16xi32>
    %add3A_78 = arith.constant 32 : i32
    %add3A_79 = arith.addi %add3A_4, %add3A_78 : i32
    %iota3A_80 = tpu.iota {dimensions = array<i32: 0>} : vector<16xi32>
    %add3A_81 = vector.broadcast %add3A_79 : i32 to vector<16xi32>
    %add3A_82 = arith.addi %add3A_81, %iota3A_80 : vector<16xi32>
    %jit3A_83 = arith.constant 81 : i32
    %eq3A_84 = arith.constant 0 : i32
    %eq3A_85 = arith.cmpi eq, %jit3A_83, %eq3A_84 : i32
    %jit3A_86 = arith.constant 1 : i32
    %select_n3A_87 = arith.select %eq3A_85, %jit3A_86, %jit3A_83 : i32
    %rem3A_88 = vector.broadcast %select_n3A_87 : i32 to vector<16xi32>
    %rem3A_89 = arith.remsi %add3A_82, %rem3A_88 : vector<16xi32>
    %ne3A_90 = arith.constant 0 : i32
    %ne3A_91 = vector.broadcast %ne3A_90 : i32 to vector<16xi32>
    %ne3A_92 = arith.cmpi ne, %rem3A_89, %ne3A_91 : vector<16xi32>
    %lt3A_93 = arith.constant 0 : i32
    %lt3A_94 = vector.broadcast %lt3A_93 : i32 to vector<16xi32>
    %lt3A_95 = arith.cmpi slt, %rem3A_89, %lt3A_94 : vector<16xi32>
    %lt3A_96 = arith.constant 0 : i32
    %lt3A_97 = arith.cmpi slt, %select_n3A_87, %lt3A_96 : i32
    %ne3A_98 = vector.broadcast %lt3A_97 : i1 to vector<16xi1>
    %ne3A_99 = vector.broadcast %ne3A_98 : vector<16xi1> to vector<16xi1>
    %ne3A_100 = arith.xori %lt3A_95, %ne3A_99 : vector<16xi1>
    %and3A_101 = arith.andi %ne3A_100, %ne3A_92 : vector<16xi1>
    %add3A_102 = vector.broadcast %select_n3A_87 : i32 to vector<16xi32>
    %add3A_103 = arith.addi %rem3A_89, %add3A_102 : vector<16xi32>
    %select_n3A_104 = arith.select %and3A_101, %add3A_103, %rem3A_89 : vector<16xi1>, vector<16xi32>
    %mul3A_105 = arith.constant 81 : i32
    %mul3A_106 = vector.broadcast %mul3A_105 : i32 to vector<16xi32>
    %mul3A_107 = arith.muli %get3A_77, %mul3A_106 : vector<16xi32>
    %add3A_108 = arith.addi %mul3A_107, %select_n3A_104 : vector<16xi32>
    %swap3A_109 = arith.constant 0 : i32
    %swap3A_110 = arith.index_cast %swap3A_109 : i32 to index
    %swap3A_111 = arith.constant 32 : index
    %swap3A_112 = tpu.vector_load %arg7[%swap3A_110, %swap3A_111] {strides = array<i32>} : memref<3x128xi32, #tpu.memory_space<vmem>>, vector<1x16xi32>,
    %swap3A_113 = vector.shape_cast %swap3A_112 : vector<1x16xi32> to vector<16xi32>
    %swap3A_114 = vector.shape_cast %add3A_108 : vector<16xi32> to vector<1x16xi32>
    tpu.vector_store %arg7[%swap3A_110, %swap3A_111], %swap3A_114 {strides = array<i32>} : memref<3x128xi32, #tpu.memory_space<vmem>>, vector<1x16xi32>,
    %get3A_115 = arith.constant 48 : index
    %get3A_116 = tpu.vector_load %arg5[%get3A_115] {strides = array<i32>} : memref<384xi32, #tpu.memory_space<vmem>>, vector<16xi32>,
    %get3A_117 = vector.shape_cast %get3A_116 : vector<16xi32> to vector<16xi32>
    %add3A_118 = arith.constant 48 : i32
    %add3A_119 = arith.addi %add3A_4, %add3A_118 : i32
    %iota3A_120 = tpu.iota {dimensions = array<i32: 0>} : vector<16xi32>
    %add3A_121 = vector.broadcast %add3A_119 : i32 to vector<16xi32>
    %add3A_122 = arith.addi %add3A_121, %iota3A_120 : vector<16xi32>
    %jit3A_123 = arith.constant 81 : i32
    %eq3A_124 = arith.constant 0 : i32
    %eq3A_125 = arith.cmpi eq, %jit3A_123, %eq3A_124 : i32
    %jit3A_126 = arith.constant 1 : i32
    %select_n3A_127 = arith.select %eq3A_125, %jit3A_126, %jit3A_123 : i32
    %rem3A_128 = vector.broadcast %select_n3A_127 : i32 to vector<16xi32>
    %rem3A_129 = arith.remsi %add3A_122, %rem3A_128 : vector<16xi32>
    %ne3A_130 = arith.constant 0 : i32
    %ne3A_131 = vector.broadcast %ne3A_130 : i32 to vector<16xi32>
    %ne3A_132 = arith.cmpi ne, %rem3A_129, %ne3A_131 : vector<16xi32>
    %lt3A_133 = arith.constant 0 : i32
    %lt3A_134 = vector.broadcast %lt3A_133 : i32 to vector<16xi32>
    %lt3A_135 = arith.cmpi slt, %rem3A_129, %lt3A_134 : vector<16xi32>
    %lt3A_136 = arith.constant 0 : i32
    %lt3A_137 = arith.cmpi slt, %select_n3A_127, %lt3A_136 : i32
    %ne3A_138 = vector.broadcast %lt3A_137 : i1 to vector<16xi1>
    %ne3A_139 = vector.broadcast %ne3A_138 : vector<16xi1> to vector<16xi1>
    %ne3A_140 = arith.xori %lt3A_135, %ne3A_139 : vector<16xi1>
    %and3A_141 = arith.andi %ne3A_140, %ne3A_132 : vector<16xi1>
    %add3A_142 = vector.broadcast %select_n3A_127 : i32 to vector<16xi32>
    %add3A_143 = arith.addi %rem3A_129, %add3A_142 : vector<16xi32>
    %select_n3A_144 = arith.select %and3A_141, %add3A_143, %rem3A_129 : vector<16xi1>, vector<16xi32>
    %mul3A_145 = arith.constant 81 : i32
    %mul3A_146 = vector.broadcast %mul3A_145 : i32 to vector<16xi32>
    %mul3A_147 = arith.muli %get3A_117, %mul3A_146 : vector<16xi32>
    %add3A_148 = arith.addi %mul3A_147, %select_n3A_144 : vector<16xi32>
    %swap3A_149 = arith.constant 0 : i32
    %swap3A_150 = arith.index_cast %swap3A_149 : i32 to index
    %swap3A_151 = arith.constant 48 : index
    %swap3A_152 = tpu.vector_load %arg7[%swap3A_150, %swap3A_151] {strides = array<i32>} : memref<3x128xi32, #tpu.memory_space<vmem>>, vector<1x16xi32>,
    %swap3A_153 = vector.shape_cast %swap3A_152 : vector<1x16xi32> to vector<16xi32>
    %swap3A_154 = vector.shape_cast %add3A_148 : vector<16xi32> to vector<1x16xi32>
    tpu.vector_store %arg7[%swap3A_150, %swap3A_151], %swap3A_154 {strides = array<i32>} : memref<3x128xi32, #tpu.memory_space<vmem>>, vector<1x16xi32>,
    %get3A_155 = arith.constant 64 : index
    %get3A_156 = tpu.vector_load %arg5[%get3A_155] {strides = array<i32>} : memref<384xi32, #tpu.memory_space<vmem>>, vector<16xi32>,
    %get3A_157 = vector.shape_cast %get3A_156 : vector<16xi32> to vector<16xi32>
    %add3A_158 = arith.constant 64 : i32
    %add3A_159 = arith.addi %add3A_4, %add3A_158 : i32
    %iota3A_160 = tpu.iota {dimensions = array<i32: 0>} : vector<16xi32>
    %add3A_161 = vector.broadcast %add3A_159 : i32 to vector<16xi32>
    %add3A_162 = arith.addi %add3A_161, %iota3A_160 : vector<16xi32>
    %jit3A_163 = arith.constant 81 : i32
    %eq3A_164 = arith.constant 0 : i32
    %eq3A_165 = arith.cmpi eq, %jit3A_163, %eq3A_164 : i32
    %jit3A_166 = arith.constant 1 : i32
    %select_n3A_167 = arith.select %eq3A_165, %jit3A_166, %jit3A_163 : i32
    %rem3A_168 = vector.broadcast %select_n3A_167 : i32 to vector<16xi32>
    %rem3A_169 = arith.remsi %add3A_162, %rem3A_168 : vector<16xi32>
    %ne3A_170 = arith.constant 0 : i32
    %ne3A_171 = vector.broadcast %ne3A_170 : i32 to vector<16xi32>
    %ne3A_172 = arith.cmpi ne, %rem3A_169, %ne3A_171 : vector<16xi32>
    %lt3A_173 = arith.constant 0 : i32
    %lt3A_174 = vector.broadcast %lt3A_173 : i32 to vector<16xi32>
    %lt3A_175 = arith.cmpi slt, %rem3A_169, %lt3A_174 : vector<16xi32>
    %lt3A_176 = arith.constant 0 : i32
    %lt3A_177 = arith.cmpi slt, %select_n3A_167, %lt3A_176 : i32
    %ne3A_178 = vector.broadcast %lt3A_177 : i1 to vector<16xi1>
    %ne3A_179 = vector.broadcast %ne3A_178 : vector<16xi1> to vector<16xi1>
    %ne3A_180 = arith.xori %lt3A_175, %ne3A_179 : vector<16xi1>
    %and3A_181 = arith.andi %ne3A_180, %ne3A_172 : vector<16xi1>
    %add3A_182 = vector.broadcast %select_n3A_167 : i32 to vector<16xi32>
    %add3A_183 = arith.addi %rem3A_169, %add3A_182 : vector<16xi32>
    %select_n3A_184 = arith.select %and3A_181, %add3A_183, %rem3A_169 : vector<16xi1>, vector<16xi32>
    %mul3A_185 = arith.constant 81 : i32
    %mul3A_186 = vector.broadcast %mul3A_185 : i32 to vector<16xi32>
    %mul3A_187 = arith.muli %get3A_157, %mul3A_186 : vector<16xi32>
    %add3A_188 = arith.addi %mul3A_187, %select_n3A_184 : vector<16xi32>
    %swap3A_189 = arith.constant 0 : i32
    %swap3A_190 = arith.index_cast %swap3A_189 : i32 to index
    %swap3A_191 = arith.constant 64 : index
    %swap3A_192 = tpu.vector_load %arg7[%swap3A_190, %swap3A_191] {strides = array<i32>} : memref<3x128xi32, #tpu.memory_space<vmem>>, vector<1x16xi32>,
    %swap3A_193 = vector.shape_cast %swap3A_192 : vector<1x16xi32> to vector<16xi32>
    %swap3A_194 = vector.shape_cast %add3A_188 : vector<16xi32> to vector<1x16xi32>
    tpu.vector_store %arg7[%swap3A_190, %swap3A_191], %swap3A_194 {strides = array<i32>} : memref<3x128xi32, #tpu.memory_space<vmem>>, vector<1x16xi32>,
    %get3A_195 = arith.constant 80 : index
    %get3A_196 = tpu.vector_load %arg5[%get3A_195] {strides = array<i32>} : memref<384xi32, #tpu.memory_space<vmem>>, vector<16xi32>,
    %get3A_197 = vector.shape_cast %get3A_196 : vector<16xi32> to vector<16xi32>
    %add3A_198 = arith.constant 80 : i32
    %add3A_199 = arith.addi %add3A_4, %add3A_198 : i32
    %iota3A_200 = tpu.iota {dimensions = array<i32: 0>} : vector<16xi32>
    %add3A_201 = vector.broadcast %add3A_199 : i32 to vector<16xi32>
    %add3A_202 = arith.addi %add3A_201, %iota3A_200 : vector<16xi32>
    %jit3A_203 = arith.constant 81 : i32
    %eq3A_204 = arith.constant 0 : i32
    %eq3A_205 = arith.cmpi eq, %jit3A_203, %eq3A_204 : i32
    %jit3A_206 = arith.constant 1 : i32
    %select_n3A_207 = arith.select %eq3A_205, %jit3A_206, %jit3A_203 : i32
    %rem3A_208 = vector.broadcast %select_n3A_207 : i32 to vector<16xi32>
    %rem3A_209 = arith.remsi %add3A_202, %rem3A_208 : vector<16xi32>
    %ne3A_210 = arith.constant 0 : i32
    %ne3A_211 = vector.broadcast %ne3A_210 : i32 to vector<16xi32>
    %ne3A_212 = arith.cmpi ne, %rem3A_209, %ne3A_211 : vector<16xi32>
    %lt3A_213 = arith.constant 0 : i32
    %lt3A_214 = vector.broadcast %lt3A_213 : i32 to vector<16xi32>
    %lt3A_215 = arith.cmpi slt, %rem3A_209, %lt3A_214 : vector<16xi32>
    %lt3A_216 = arith.constant 0 : i32
    %lt3A_217 = arith.cmpi slt, %select_n3A_207, %lt3A_216 : i32
    %ne3A_218 = vector.broadcast %lt3A_217 : i1 to vector<16xi1>
    %ne3A_219 = vector.broadcast %ne3A_218 : vector<16xi1> to vector<16xi1>
    %ne3A_220 = arith.xori %lt3A_215, %ne3A_219 : vector<16xi1>
    %and3A_221 = arith.andi %ne3A_220, %ne3A_212 : vector<16xi1>
    %add3A_222 = vector.broadcast %select_n3A_207 : i32 to vector<16xi32>
    %add3A_223 = arith.addi %rem3A_209, %add3A_222 : vector<16xi32>
    %select_n3A_224 = arith.select %and3A_221, %add3A_223, %rem3A_209 : vector<16xi1>, vector<16xi32>
    %mul3A_225 = arith.constant 81 : i32
    %mul3A_226 = vector.broadcast %mul3A_225 : i32 to vector<16xi32>
    %mul3A_227 = arith.muli %get3A_197, %mul3A_226 : vector<16xi32>
    %add3A_228 = arith.addi %mul3A_227, %select_n3A_224 : vector<16xi32>
    %swap3A_229 = arith.constant 0 : i32
    %swap3A_230 = arith.index_cast %swap3A_229 : i32 to index
    %swap3A_231 = arith.constant 80 : index
    %swap3A_232 = tpu.vector_load %arg7[%swap3A_230, %swap3A_231] {strides = array<i32>} : memref<3x128xi32, #tpu.memory_space<vmem>>, vector<1x16xi32>,
    %swap3A_233 = vector.shape_cast %swap3A_232 : vector<1x16xi32> to vector<16xi32>
    %swap3A_234 = vector.shape_cast %add3A_228 : vector<16xi32> to vector<1x16xi32>
    tpu.vector_store %arg7[%swap3A_230, %swap3A_231], %swap3A_234 {strides = array<i32>} : memref<3x128xi32, #tpu.memory_space<vmem>>, vector<1x16xi32>,
    %get3A_235 = arith.constant 96 : index
    %get3A_236 = tpu.vector_load %arg5[%get3A_235] {strides = array<i32>} : memref<384xi32, #tpu.memory_space<vmem>>, vector<16xi32>,
    %get3A_237 = vector.shape_cast %get3A_236 : vector<16xi32> to vector<16xi32>
    %add3A_238 = arith.constant 96 : i32
    %add3A_239 = arith.addi %add3A_4, %add3A_238 : i32
    %iota3A_240 = tpu.iota {dimensions = array<i32: 0>} : vector<16xi32>
    %add3A_241 = vector.broadcast %add3A_239 : i32 to vector<16xi32>
    %add3A_242 = arith.addi %add3A_241, %iota3A_240 : vector<16xi32>
    %jit3A_243 = arith.constant 81 : i32
    %eq3A_244 = arith.constant 0 : i32
    %eq3A_245 = arith.cmpi eq, %jit3A_243, %eq3A_244 : i32
    %jit3A_246 = arith.constant 1 : i32
    %select_n3A_247 = arith.select %eq3A_245, %jit3A_246, %jit3A_243 : i32
    %rem3A_248 = vector.broadcast %select_n3A_247 : i32 to vector<16xi32>
    %rem3A_249 = arith.remsi %add3A_242, %rem3A_248 : vector<16xi32>
    %ne3A_250 = arith.constant 0 : i32
    %ne3A_251 = vector.broadcast %ne3A_250 : i32 to vector<16xi32>
    %ne3A_252 = arith.cmpi ne, %rem3A_249, %ne3A_251 : vector<16xi32>
    %lt3A_253 = arith.constant 0 : i32
    %lt3A_254 = vector.broadcast %lt3A_253 : i32 to vector<16xi32>
    %lt3A_255 = arith.cmpi slt, %rem3A_249, %lt3A_254 : vector<16xi32>
    %lt3A_256 = arith.constant 0 : i32
    %lt3A_257 = arith.cmpi slt, %select_n3A_247, %lt3A_256 : i32
    %ne3A_258 = vector.broadcast %lt3A_257 : i1 to vector<16xi1>
    %ne3A_259 = vector.broadcast %ne3A_258 : vector<16xi1> to vector<16xi1>
    %ne3A_260 = arith.xori %lt3A_255, %ne3A_259 : vector<16xi1>
    %and3A_261 = arith.andi %ne3A_260, %ne3A_252 : vector<16xi1>
    %add3A_262 = vector.broadcast %select_n3A_247 : i32 to vector<16xi32>
    %add3A_263 = arith.addi %rem3A_249, %add3A_262 : vector<16xi32>
    %select_n3A_264 = arith.select %and3A_261, %add3A_263, %rem3A_249 : vector<16xi1>, vector<16xi32>
    %mul3A_265 = arith.constant 81 : i32
    %mul3A_266 = vector.broadcast %mul3A_265 : i32 to vector<16xi32>
    %mul3A_267 = arith.muli %get3A_237, %mul3A_266 : vector<16xi32>
    %add3A_268 = arith.addi %mul3A_267, %select_n3A_264 : vector<16xi32>
    %swap3A_269 = arith.constant 0 : i32
    %swap3A_270 = arith.index_cast %swap3A_269 : i32 to index
    %swap3A_271 = arith.constant 96 : index
    %swap3A_272 = tpu.vector_load %arg7[%swap3A_270, %swap3A_271] {strides = array<i32>} : memref<3x128xi32, #tpu.memory_space<vmem>>, vector<1x16xi32>,
    %swap3A_273 = vector.shape_cast %swap3A_272 : vector<1x16xi32> to vector<16xi32>
    %swap3A_274 = vector.shape_cast %add3A_268 : vector<16xi32> to vector<1x16xi32>
    tpu.vector_store %arg7[%swap3A_270, %swap3A_271], %swap3A_274 {strides = array<i32>} : memref<3x128xi32, #tpu.memory_space<vmem>>, vector<1x16xi32>,
    %get3A_275 = arith.constant 112 : index
    %get3A_276 = tpu.vector_load %arg5[%get3A_275] {strides = array<i32>} : memref<384xi32, #tpu.memory_space<vmem>>, vector<16xi32>,
    %get3A_277 = vector.shape_cast %get3A_276 : vector<16xi32> to vector<16xi32>
    %add3A_278 = arith.constant 112 : i32
    %add3A_279 = arith.addi %add3A_4, %add3A_278 : i32
    %iota3A_280 = tpu.iota {dimensions = array<i32: 0>} : vector<16xi32>
    %add3A_281 = vector.broadcast %add3A_279 : i32 to vector<16xi32>
    %add3A_282 = arith.addi %add3A_281, %iota3A_280 : vector<16xi32>
    %jit3A_283 = arith.constant 81 : i32
    %eq3A_284 = arith.constant 0 : i32
    %eq3A_285 = arith.cmpi eq, %jit3A_283, %eq3A_284 : i32
    %jit3A_286 = arith.constant 1 : i32
    %select_n3A_287 = arith.select %eq3A_285, %jit3A_286, %jit3A_283 : i32
    %rem3A_288 = vector.broadcast %select_n3A_287 : i32 to vector<16xi32>
    %rem3A_289 = arith.remsi %add3A_282, %rem3A_288 : vector<16xi32>
    %ne3A_290 = arith.constant 0 : i32
    %ne3A_291 = vector.broadcast %ne3A_290 : i32 to vector<16xi32>
    %ne3A_292 = arith.cmpi ne, %rem3A_289, %ne3A_291 : vector<16xi32>
    %lt3A_293 = arith.constant 0 : i32
    %lt3A_294 = vector.broadcast %lt3A_293 : i32 to vector<16xi32>
    %lt3A_295 = arith.cmpi slt, %rem3A_289, %lt3A_294 : vector<16xi32>
    %lt3A_296 = arith.constant 0 : i32
    %lt3A_297 = arith.cmpi slt, %select_n3A_287, %lt3A_296 : i32
    %ne3A_298 = vector.broadcast %lt3A_297 : i1 to vector<16xi1>
    %ne3A_299 = vector.broadcast %ne3A_298 : vector<16xi1> to vector<16xi1>
    %ne3A_300 = arith.xori %lt3A_295, %ne3A_299 : vector<16xi1>
    %and3A_301 = arith.andi %ne3A_300, %ne3A_292 : vector<16xi1>
    %add3A_302 = vector.broadcast %select_n3A_287 : i32 to vector<16xi32>
    %add3A_303 = arith.addi %rem3A_289, %add3A_302 : vector<16xi32>
    %select_n3A_304 = arith.select %and3A_301, %add3A_303, %rem3A_289 : vector<16xi1>, vector<16xi32>
    %mul3A_305 = arith.constant 81 : i32
    %mul3A_306 = vector.broadcast %mul3A_305 : i32 to vector<16xi32>
    %mul3A_307 = arith.muli %get3A_277, %mul3A_306 : vector<16xi32>
    %add3A_308 = arith.addi %mul3A_307, %select_n3A_304 : vector<16xi32>
    %swap3A_309 = arith.constant 0 : i32
    %swap3A_310 = arith.index_cast %swap3A_309 : i32 to index
    %swap3A_311 = arith.constant 112 : index
    %swap3A_312 = tpu.vector_load %arg7[%swap3A_310, %swap3A_311] {strides = array<i32>} : memref<3x128xi32, #tpu.memory_space<vmem>>, vector<1x16xi32>,
    %swap3A_313 = vector.shape_cast %swap3A_312 : vector<1x16xi32> to vector<16xi32>
    %swap3A_314 = vector.shape_cast %add3A_308 : vector<16xi32> to vector<1x16xi32>
    tpu.vector_store %arg7[%swap3A_310, %swap3A_311], %swap3A_314 {strides = array<i32>} : memref<3x128xi32, #tpu.memory_space<vmem>>, vector<1x16xi32>,
    %get3A_315 = arith.constant 128 : index
    %get3A_316 = tpu.vector_load %arg5[%get3A_315] {strides = array<i32>} : memref<384xi32, #tpu.memory_space<vmem>>, vector<16xi32>,
    %get3A_317 = vector.shape_cast %get3A_316 : vector<16xi32> to vector<16xi32>
    %add3A_318 = arith.constant 128 : i32
    %add3A_319 = arith.addi %add3A_4, %add3A_318 : i32
    %iota3A_320 = tpu.iota {dimensions = array<i32: 0>} : vector<16xi32>
    %add3A_321 = vector.broadcast %add3A_319 : i32 to vector<16xi32>
    %add3A_322 = arith.addi %add3A_321, %iota3A_320 : vector<16xi32>
    %jit3A_323 = arith.constant 81 : i32
    %eq3A_324 = arith.constant 0 : i32
    %eq3A_325 = arith.cmpi eq, %jit3A_323, %eq3A_324 : i32
    %jit3A_326 = arith.constant 1 : i32
    %select_n3A_327 = arith.select %eq3A_325, %jit3A_326, %jit3A_323 : i32
    %rem3A_328 = vector.broadcast %select_n3A_327 : i32 to vector<16xi32>
    %rem3A_329 = arith.remsi %add3A_322, %rem3A_328 : vector<16xi32>
    %ne3A_330 = arith.constant 0 : i32
    %ne3A_331 = vector.broadcast %ne3A_330 : i32 to vector<16xi32>
    %ne3A_332 = arith.cmpi ne, %rem3A_329, %ne3A_331 : vector<16xi32>
    %lt3A_333 = arith.constant 0 : i32
    %lt3A_334 = vector.broadcast %lt3A_333 : i32 to vector<16xi32>
    %lt3A_335 = arith.cmpi slt, %rem3A_329, %lt3A_334 : vector<16xi32>
    %lt3A_336 = arith.constant 0 : i32
    %lt3A_337 = arith.cmpi slt, %select_n3A_327, %lt3A_336 : i32
    %ne3A_338 = vector.broadcast %lt3A_337 : i1 to vector<16xi1>
    %ne3A_339 = vector.broadcast %ne3A_338 : vector<16xi1> to vector<16xi1>
    %ne3A_340 = arith.xori %lt3A_335, %ne3A_339 : vector<16xi1>
    %and3A_341 = arith.andi %ne3A_340, %ne3A_332 : vector<16xi1>
    %add3A_342 = vector.broadcast %select_n3A_327 : i32 to vector<16xi32>
    %add3A_343 = arith.addi %rem3A_329, %add3A_342 : vector<16xi32>
    %select_n3A_344 = arith.select %and3A_341, %add3A_343, %rem3A_329 : vector<16xi1>, vector<16xi32>
    %mul3A_345 = arith.constant 81 : i32
    %mul3A_346 = vector.broadcast %mul3A_345 : i32 to vector<16xi32>
    %mul3A_347 = arith.muli %get3A_317, %mul3A_346 : vector<16xi32>
    %add3A_348 = arith.addi %mul3A_347, %select_n3A_344 : vector<16xi32>
    %swap3A_349 = arith.constant 1 : i32
    %swap3A_350 = arith.index_cast %swap3A_349 : i32 to index
    %swap3A_351 = arith.constant 0 : index
    %swap3A_352 = tpu.vector_load %arg7[%swap3A_350, %swap3A_351] {strides = array<i32>} : memref<3x128xi32, #tpu.memory_space<vmem>>, vector<1x16xi32>,
    %swap3A_353 = vector.shape_cast %swap3A_352 : vector<1x16xi32> to vector<16xi32>
    %swap3A_354 = vector.shape_cast %add3A_348 : vector<16xi32> to vector<1x16xi32>
    tpu.vector_store %arg7[%swap3A_350, %swap3A_351], %swap3A_354 {strides = array<i32>} : memref<3x128xi32, #tpu.memory_space<vmem>>, vector<1x16xi32>,
    %get3A_355 = arith.constant 144 : index
    %get3A_356 = tpu.vector_load %arg5[%get3A_355] {strides = array<i32>} : memref<384xi32, #tpu.memory_space<vmem>>, vector<16xi32>,
    %get3A_357 = vector.shape_cast %get3A_356 : vector<16xi32> to vector<16xi32>
    %add3A_358 = arith.constant 144 : i32
    %add3A_359 = arith.addi %add3A_4, %add3A_358 : i32
    %iota3A_360 = tpu.iota {dimensions = array<i32: 0>} : vector<16xi32>
    %add3A_361 = vector.broadcast %add3A_359 : i32 to vector<16xi32>
    %add3A_362 = arith.addi %add3A_361, %iota3A_360 : vector<16xi32>
    %jit3A_363 = arith.constant 81 : i32
    %eq3A_364 = arith.constant 0 : i32
    %eq3A_365 = arith.cmpi eq, %jit3A_363, %eq3A_364 : i32
    %jit3A_366 = arith.constant 1 : i32
    %select_n3A_367 = arith.select %eq3A_365, %jit3A_366, %jit3A_363 : i32
    %rem3A_368 = vector.broadcast %select_n3A_367 : i32 to vector<16xi32>
    %rem3A_369 = arith.remsi %add3A_362, %rem3A_368 : vector<16xi32>
    %ne3A_370 = arith.constant 0 : i32
    %ne3A_371 = vector.broadcast %ne3A_370 : i32 to vector<16xi32>
    %ne3A_372 = arith.cmpi ne, %rem3A_369, %ne3A_371 : vector<16xi32>
    %lt3A_373 = arith.constant 0 : i32
    %lt3A_374 = vector.broadcast %lt3A_373 : i32 to vector<16xi32>
    %lt3A_375 = arith.cmpi slt, %rem3A_369, %lt3A_374 : vector<16xi32>
    %lt3A_376 = arith.constant 0 : i32
    %lt3A_377 = arith.cmpi slt, %select_n3A_367, %lt3A_376 : i32
    %ne3A_378 = vector.broadcast %lt3A_377 : i1 to vector<16xi1>
    %ne3A_379 = vector.broadcast %ne3A_378 : vector<16xi1> to vector<16xi1>
    %ne3A_380 = arith.xori %lt3A_375, %ne3A_379 : vector<16xi1>
    %and3A_381 = arith.andi %ne3A_380, %ne3A_372 : vector<16xi1>
    %add3A_382 = vector.broadcast %select_n3A_367 : i32 to vector<16xi32>
    %add3A_383 = arith.addi %rem3A_369, %add3A_382 : vector<16xi32>
    %select_n3A_384 = arith.select %and3A_381, %add3A_383, %rem3A_369 : vector<16xi1>, vector<16xi32>
    %mul3A_385 = arith.constant 81 : i32
    %mul3A_386 = vector.broadcast %mul3A_385 : i32 to vector<16xi32>
    %mul3A_387 = arith.muli %get3A_357, %mul3A_386 : vector<16xi32>
    %add3A_388 = arith.addi %mul3A_387, %select_n3A_384 : vector<16xi32>
    %swap3A_389 = arith.constant 1 : i32
    %swap3A_390 = arith.index_cast %swap3A_389 : i32 to index
    %swap3A_391 = arith.constant 16 : index
    %swap3A_392 = tpu.vector_load %arg7[%swap3A_390, %swap3A_391] {strides = array<i32>} : memref<3x128xi32, #tpu.memory_space<vmem>>, vector<1x16xi32>,
    %swap3A_393 = vector.shape_cast %swap3A_392 : vector<1x16xi32> to vector<16xi32>
    %swap3A_394 = vector.shape_cast %add3A_388 : vector<16xi32> to vector<1x16xi32>
    tpu.vector_store %arg7[%swap3A_390, %swap3A_391], %swap3A_394 {strides = array<i32>} : memref<3x128xi32, #tpu.memory_space<vmem>>, vector<1x16xi32>,
    %get3A_395 = arith.constant 160 : index
    %get3A_396 = tpu.vector_load %arg5[%get3A_395] {strides = array<i32>} : memref<384xi32, #tpu.memory_space<vmem>>, vector<16xi32>,
    %get3A_397 = vector.shape_cast %get3A_396 : vector<16xi32> to vector<16xi32>
    %add3A_398 = arith.constant 160 : i32
    %add3A_399 = arith.addi %add3A_4, %add3A_398 : i32
    %iota3A_400 = tpu.iota {dimensions = array<i32: 0>} : vector<16xi32>
    %add3A_401 = vector.broadcast %add3A_399 : i32 to vector<16xi32>
    %add3A_402 = arith.addi %add3A_401, %iota3A_400 : vector<16xi32>
    %jit3A_403 = arith.constant 81 : i32
    %eq3A_404 = arith.constant 0 : i32
    %eq3A_405 = arith.cmpi eq, %jit3A_403, %eq3A_404 : i32
    %jit3A_406 = arith.constant 1 : i32
    %select_n3A_407 = arith.select %eq3A_405, %jit3A_406, %jit3A_403 : i32
    %rem3A_408 = vector.broadcast %select_n3A_407 : i32 to vector<16xi32>
    %rem3A_409 = arith.remsi %add3A_402, %rem3A_408 : vector<16xi32>
    %ne3A_410 = arith.constant 0 : i32
    %ne3A_411 = vector.broadcast %ne3A_410 : i32 to vector<16xi32>
    %ne3A_412 = arith.cmpi ne, %rem3A_409, %ne3A_411 : vector<16xi32>
    %lt3A_413 = arith.constant 0 : i32
    %lt3A_414 = vector.broadcast %lt3A_413 : i32 to vector<16xi32>
    %lt3A_415 = arith.cmpi slt, %rem3A_409, %lt3A_414 : vector<16xi32>
    %lt3A_416 = arith.constant 0 : i32
    %lt3A_417 = arith.cmpi slt, %select_n3A_407, %lt3A_416 : i32
    %ne3A_418 = vector.broadcast %lt3A_417 : i1 to vector<16xi1>
    %ne3A_419 = vector.broadcast %ne3A_418 : vector<16xi1> to vector<16xi1>
    %ne3A_420 = arith.xori %lt3A_415, %ne3A_419 : vector<16xi1>
    %and3A_421 = arith.andi %ne3A_420, %ne3A_412 : vector<16xi1>
    %add3A_422 = vector.broadcast %select_n3A_407 : i32 to vector<16xi32>
    %add3A_423 = arith.addi %rem3A_409, %add3A_422 : vector<16xi32>
    %select_n3A_424 = arith.select %and3A_421, %add3A_423, %rem3A_409 : vector<16xi1>, vector<16xi32>
    %mul3A_425 = arith.constant 81 : i32
    %mul3A_426 = vector.broadcast %mul3A_425 : i32 to vector<16xi32>
    %mul3A_427 = arith.muli %get3A_397, %mul3A_426 : vector<16xi32>
    %add3A_428 = arith.addi %mul3A_427, %select_n3A_424 : vector<16xi32>
    %swap3A_429 = arith.constant 1 : i32
    %swap3A_430 = arith.index_cast %swap3A_429 : i32 to index
    %swap3A_431 = arith.constant 32 : index
    %swap3A_432 = tpu.vector_load %arg7[%swap3A_430, %swap3A_431] {strides = array<i32>} : memref<3x128xi32, #tpu.memory_space<vmem>>, vector<1x16xi32>,
    %swap3A_433 = vector.shape_cast %swap3A_432 : vector<1x16xi32> to vector<16xi32>
    %swap3A_434 = vector.shape_cast %add3A_428 : vector<16xi32> to vector<1x16xi32>
    tpu.vector_store %arg7[%swap3A_430, %swap3A_431], %swap3A_434 {strides = array<i32>} : memref<3x128xi32, #tpu.memory_space<vmem>>, vector<1x16xi32>,
    %get3A_435 = arith.constant 176 : index
    %get3A_436 = tpu.vector_load %arg5[%get3A_435] {strides = array<i32>} : memref<384xi32, #tpu.memory_space<vmem>>, vector<16xi32>,
    %get3A_437 = vector.shape_cast %get3A_436 : vector<16xi32> to vector<16xi32>
    %add3A_438 = arith.constant 176 : i32
    %add3A_439 = arith.addi %add3A_4, %add3A_438 : i32
    %iota3A_440 = tpu.iota {dimensions = array<i32: 0>} : vector<16xi32>
    %add3A_441 = vector.broadcast %add3A_439 : i32 to vector<16xi32>
    %add3A_442 = arith.addi %add3A_441, %iota3A_440 : vector<16xi32>
    %jit3A_443 = arith.constant 81 : i32
    %eq3A_444 = arith.constant 0 : i32
    %eq3A_445 = arith.cmpi eq, %jit3A_443, %eq3A_444 : i32
    %jit3A_446 = arith.constant 1 : i32
    %select_n3A_447 = arith.select %eq3A_445, %jit3A_446, %jit3A_443 : i32
    %rem3A_448 = vector.broadcast %select_n3A_447 : i32 to vector<16xi32>
    %rem3A_449 = arith.remsi %add3A_442, %rem3A_448 : vector<16xi32>
    %ne3A_450 = arith.constant 0 : i32
    %ne3A_451 = vector.broadcast %ne3A_450 : i32 to vector<16xi32>
    %ne3A_452 = arith.cmpi ne, %rem3A_449, %ne3A_451 : vector<16xi32>
    %lt3A_453 = arith.constant 0 : i32
    %lt3A_454 = vector.broadcast %lt3A_453 : i32 to vector<16xi32>
    %lt3A_455 = arith.cmpi slt, %rem3A_449, %lt3A_454 : vector<16xi32>
    %lt3A_456 = arith.constant 0 : i32
    %lt3A_457 = arith.cmpi slt, %select_n3A_447, %lt3A_456 : i32
    %ne3A_458 = vector.broadcast %lt3A_457 : i1 to vector<16xi1>
    %ne3A_459 = vector.broadcast %ne3A_458 : vector<16xi1> to vector<16xi1>
    %ne3A_460 = arith.xori %lt3A_455, %ne3A_459 : vector<16xi1>
    %and3A_461 = arith.andi %ne3A_460, %ne3A_452 : vector<16xi1>
    %add3A_462 = vector.broadcast %select_n3A_447 : i32 to vector<16xi32>
    %add3A_463 = arith.addi %rem3A_449, %add3A_462 : vector<16xi32>
    %select_n3A_464 = arith.select %and3A_461, %add3A_463, %rem3A_449 : vector<16xi1>, vector<16xi32>
    %mul3A_465 = arith.constant 81 : i32
    %mul3A_466 = vector.broadcast %mul3A_465 : i32 to vector<16xi32>
    %mul3A_467 = arith.muli %get3A_437, %mul3A_466 : vector<16xi32>
    %add3A_468 = arith.addi %mul3A_467, %select_n3A_464 : vector<16xi32>
    %swap3A_469 = arith.constant 1 : i32
    %swap3A_470 = arith.index_cast %swap3A_469 : i32 to index
    %swap3A_471 = arith.constant 48 : index
    %swap3A_472 = tpu.vector_load %arg7[%swap3A_470, %swap3A_471] {strides = array<i32>} : memref<3x128xi32, #tpu.memory_space<vmem>>, vector<1x16xi32>,
    %swap3A_473 = vector.shape_cast %swap3A_472 : vector<1x16xi32> to vector<16xi32>
    %swap3A_474 = vector.shape_cast %add3A_468 : vector<16xi32> to vector<1x16xi32>
    tpu.vector_store %arg7[%swap3A_470, %swap3A_471], %swap3A_474 {strides = array<i32>} : memref<3x128xi32, #tpu.memory_space<vmem>>, vector<1x16xi32>,
    %get3A_475 = arith.constant 192 : index
    %get3A_476 = tpu.vector_load %arg5[%get3A_475] {strides = array<i32>} : memref<384xi32, #tpu.memory_space<vmem>>, vector<16xi32>,
    %get3A_477 = vector.shape_cast %get3A_476 : vector<16xi32> to vector<16xi32>
    %add3A_478 = arith.constant 192 : i32
    %add3A_479 = arith.addi %add3A_4, %add3A_478 : i32
    %iota3A_480 = tpu.iota {dimensions = array<i32: 0>} : vector<16xi32>
    %add3A_481 = vector.broadcast %add3A_479 : i32 to vector<16xi32>
    %add3A_482 = arith.addi %add3A_481, %iota3A_480 : vector<16xi32>
    %jit3A_483 = arith.constant 81 : i32
    %eq3A_484 = arith.constant 0 : i32
    %eq3A_485 = arith.cmpi eq, %jit3A_483, %eq3A_484 : i32
    %jit3A_486 = arith.constant 1 : i32
    %select_n3A_487 = arith.select %eq3A_485, %jit3A_486, %jit3A_483 : i32
    %rem3A_488 = vector.broadcast %select_n3A_487 : i32 to vector<16xi32>
    %rem3A_489 = arith.remsi %add3A_482, %rem3A_488 : vector<16xi32>
    %ne3A_490 = arith.constant 0 : i32
    %ne3A_491 = vector.broadcast %ne3A_490 : i32 to vector<16xi32>
    %ne3A_492 = arith.cmpi ne, %rem3A_489, %ne3A_491 : vector<16xi32>
    %lt3A_493 = arith.constant 0 : i32
    %lt3A_494 = vector.broadcast %lt3A_493 : i32 to vector<16xi32>
    %lt3A_495 = arith.cmpi slt, %rem3A_489, %lt3A_494 : vector<16xi32>
    %lt3A_496 = arith.constant 0 : i32
    %lt3A_497 = arith.cmpi slt, %select_n3A_487, %lt3A_496 : i32
    %ne3A_498 = vector.broadcast %lt3A_497 : i1 to vector<16xi1>
    %ne3A_499 = vector.broadcast %ne3A_498 : vector<16xi1> to vector<16xi1>
    %ne3A_500 = arith.xori %lt3A_495, %ne3A_499 : vector<16xi1>
    %and3A_501 = arith.andi %ne3A_500, %ne3A_492 : vector<16xi1>
    %add3A_502 = vector.broadcast %select_n3A_487 : i32 to vector<16xi32>
    %add3A_503 = arith.addi %rem3A_489, %add3A_502 : vector<16xi32>
    %select_n3A_504 = arith.select %and3A_501, %add3A_503, %rem3A_489 : vector<16xi1>, vector<16xi32>
    %mul3A_505 = arith.constant 81 : i32
    %mul3A_506 = vector.broadcast %mul3A_505 : i32 to vector<16xi32>
    %mul3A_507 = arith.muli %get3A_477, %mul3A_506 : vector<16xi32>
    %add3A_508 = arith.addi %mul3A_507, %select_n3A_504 : vector<16xi32>
    %swap3A_509 = arith.constant 1 : i32
    %swap3A_510 = arith.index_cast %swap3A_509 : i32 to index
    %swap3A_511 = arith.constant 64 : index
    %swap3A_512 = tpu.vector_load %arg7[%swap3A_510, %swap3A_511] {strides = array<i32>} : memref<3x128xi32, #tpu.memory_space<vmem>>, vector<1x16xi32>,
    %swap3A_513 = vector.shape_cast %swap3A_512 : vector<1x16xi32> to vector<16xi32>
    %swap3A_514 = vector.shape_cast %add3A_508 : vector<16xi32> to vector<1x16xi32>
    tpu.vector_store %arg7[%swap3A_510, %swap3A_511], %swap3A_514 {strides = array<i32>} : memref<3x128xi32, #tpu.memory_space<vmem>>, vector<1x16xi32>,
    %get3A_515 = arith.constant 208 : index
    %get3A_516 = tpu.vector_load %arg5[%get3A_515] {strides = array<i32>} : memref<384xi32, #tpu.memory_space<vmem>>, vector<16xi32>,
    %get3A_517 = vector.shape_cast %get3A_516 : vector<16xi32> to vector<16xi32>
    %add3A_518 = arith.constant 208 : i32
    %add3A_519 = arith.addi %add3A_4, %add3A_518 : i32
    %iota3A_520 = tpu.iota {dimensions = array<i32: 0>} : vector<16xi32>
    %add3A_521 = vector.broadcast %add3A_519 : i32 to vector<16xi32>
    %add3A_522 = arith.addi %add3A_521, %iota3A_520 : vector<16xi32>
    %jit3A_523 = arith.constant 81 : i32
    %eq3A_524 = arith.constant 0 : i32
    %eq3A_525 = arith.cmpi eq, %jit3A_523, %eq3A_524 : i32
    %jit3A_526 = arith.constant 1 : i32
    %select_n3A_527 = arith.select %eq3A_525, %jit3A_526, %jit3A_523 : i32
    %rem3A_528 = vector.broadcast %select_n3A_527 : i32 to vector<16xi32>
    %rem3A_529 = arith.remsi %add3A_522, %rem3A_528 : vector<16xi32>
    %ne3A_530 = arith.constant 0 : i32
    %ne3A_531 = vector.broadcast %ne3A_530 : i32 to vector<16xi32>
    %ne3A_532 = arith.cmpi ne, %rem3A_529, %ne3A_531 : vector<16xi32>
    %lt3A_533 = arith.constant 0 : i32
    %lt3A_534 = vector.broadcast %lt3A_533 : i32 to vector<16xi32>
    %lt3A_535 = arith.cmpi slt, %rem3A_529, %lt3A_534 : vector<16xi32>
    %lt3A_536 = arith.constant 0 : i32
    %lt3A_537 = arith.cmpi slt, %select_n3A_527, %lt3A_536 : i32
    %ne3A_538 = vector.broadcast %lt3A_537 : i1 to vector<16xi1>
    %ne3A_539 = vector.broadcast %ne3A_538 : vector<16xi1> to vector<16xi1>
    %ne3A_540 = arith.xori %lt3A_535, %ne3A_539 : vector<16xi1>
    %and3A_541 = arith.andi %ne3A_540, %ne3A_532 : vector<16xi1>
    %add3A_542 = vector.broadcast %select_n3A_527 : i32 to vector<16xi32>
    %add3A_543 = arith.addi %rem3A_529, %add3A_542 : vector<16xi32>
    %select_n3A_544 = arith.select %and3A_541, %add3A_543, %rem3A_529 : vector<16xi1>, vector<16xi32>
    %mul3A_545 = arith.constant 81 : i32
    %mul3A_546 = vector.broadcast %mul3A_545 : i32 to vector<16xi32>
    %mul3A_547 = arith.muli %get3A_517, %mul3A_546 : vector<16xi32>
    %add3A_548 = arith.addi %mul3A_547, %select_n3A_544 : vector<16xi32>
    %swap3A_549 = arith.constant 1 : i32
    %swap3A_550 = arith.index_cast %swap3A_549 : i32 to index
    %swap3A_551 = arith.constant 80 : index
    %swap3A_552 = tpu.vector_load %arg7[%swap3A_550, %swap3A_551] {strides = array<i32>} : memref<3x128xi32, #tpu.memory_space<vmem>>, vector<1x16xi32>,
    %swap3A_553 = vector.shape_cast %swap3A_552 : vector<1x16xi32> to vector<16xi32>
    %swap3A_554 = vector.shape_cast %add3A_548 : vector<16xi32> to vector<1x16xi32>
    tpu.vector_store %arg7[%swap3A_550, %swap3A_551], %swap3A_554 {strides = array<i32>} : memref<3x128xi32, #tpu.memory_space<vmem>>, vector<1x16xi32>,
    %get3A_555 = arith.constant 224 : index
    %get3A_556 = tpu.vector_load %arg5[%get3A_555] {strides = array<i32>} : memref<384xi32, #tpu.memory_space<vmem>>, vector<16xi32>,
    %get3A_557 = vector.shape_cast %get3A_556 : vector<16xi32> to vector<16xi32>
    %add3A_558 = arith.constant 224 : i32
    %add3A_559 = arith.addi %add3A_4, %add3A_558 : i32
    %iota3A_560 = tpu.iota {dimensions = array<i32: 0>} : vector<16xi32>
    %add3A_561 = vector.broadcast %add3A_559 : i32 to vector<16xi32>
    %add3A_562 = arith.addi %add3A_561, %iota3A_560 : vector<16xi32>
    %jit3A_563 = arith.constant 81 : i32
    %eq3A_564 = arith.constant 0 : i32
    %eq3A_565 = arith.cmpi eq, %jit3A_563, %eq3A_564 : i32
    %jit3A_566 = arith.constant 1 : i32
    %select_n3A_567 = arith.select %eq3A_565, %jit3A_566, %jit3A_563 : i32
    %rem3A_568 = vector.broadcast %select_n3A_567 : i32 to vector<16xi32>
    %rem3A_569 = arith.remsi %add3A_562, %rem3A_568 : vector<16xi32>
    %ne3A_570 = arith.constant 0 : i32
    %ne3A_571 = vector.broadcast %ne3A_570 : i32 to vector<16xi32>
    %ne3A_572 = arith.cmpi ne, %rem3A_569, %ne3A_571 : vector<16xi32>
    %lt3A_573 = arith.constant 0 : i32
    %lt3A_574 = vector.broadcast %lt3A_573 : i32 to vector<16xi32>
    %lt3A_575 = arith.cmpi slt, %rem3A_569, %lt3A_574 : vector<16xi32>
    %lt3A_576 = arith.constant 0 : i32
    %lt3A_577 = arith.cmpi slt, %select_n3A_567, %lt3A_576 : i32
    %ne3A_578 = vector.broadcast %lt3A_577 : i1 to vector<16xi1>
    %ne3A_579 = vector.broadcast %ne3A_578 : vector<16xi1> to vector<16xi1>
    %ne3A_580 = arith.xori %lt3A_575, %ne3A_579 : vector<16xi1>
    %and3A_581 = arith.andi %ne3A_580, %ne3A_572 : vector<16xi1>
    %add3A_582 = vector.broadcast %select_n3A_567 : i32 to vector<16xi32>
    %add3A_583 = arith.addi %rem3A_569, %add3A_582 : vector<16xi32>
    %select_n3A_584 = arith.select %and3A_581, %add3A_583, %rem3A_569 : vector<16xi1>, vector<16xi32>
    %mul3A_585 = arith.constant 81 : i32
    %mul3A_586 = vector.broadcast %mul3A_585 : i32 to vector<16xi32>
    %mul3A_587 = arith.muli %get3A_557, %mul3A_586 : vector<16xi32>
    %add3A_588 = arith.addi %mul3A_587, %select_n3A_584 : vector<16xi32>
    %swap3A_589 = arith.constant 1 : i32
    %swap3A_590 = arith.index_cast %swap3A_589 : i32 to index
    %swap3A_591 = arith.constant 96 : index
    %swap3A_592 = tpu.vector_load %arg7[%swap3A_590, %swap3A_591] {strides = array<i32>} : memref<3x128xi32, #tpu.memory_space<vmem>>, vector<1x16xi32>,
    %swap3A_593 = vector.shape_cast %swap3A_592 : vector<1x16xi32> to vector<16xi32>
    %swap3A_594 = vector.shape_cast %add3A_588 : vector<16xi32> to vector<1x16xi32>
    tpu.vector_store %arg7[%swap3A_590, %swap3A_591], %swap3A_594 {strides = array<i32>} : memref<3x128xi32, #tpu.memory_space<vmem>>, vector<1x16xi32>,
    %get3A_595 = arith.constant 240 : index
    %get3A_596 = tpu.vector_load %arg5[%get3A_595] {strides = array<i32>} : memref<384xi32, #tpu.memory_space<vmem>>, vector<16xi32>,
    %get3A_597 = vector.shape_cast %get3A_596 : vector<16xi32> to vector<16xi32>
    %add3A_598 = arith.constant 240 : i32
    %add3A_599 = arith.addi %add3A_4, %add3A_598 : i32
    %iota3A_600 = tpu.iota {dimensions = array<i32: 0>} : vector<16xi32>
    %add3A_601 = vector.broadcast %add3A_599 : i32 to vector<16xi32>
    %add3A_602 = arith.addi %add3A_601, %iota3A_600 : vector<16xi32>
    %jit3A_603 = arith.constant 81 : i32
    %eq3A_604 = arith.constant 0 : i32
    %eq3A_605 = arith.cmpi eq, %jit3A_603, %eq3A_604 : i32
    %jit3A_606 = arith.constant 1 : i32
    %select_n3A_607 = arith.select %eq3A_605, %jit3A_606, %jit3A_603 : i32
    %rem3A_608 = vector.broadcast %select_n3A_607 : i32 to vector<16xi32>
    %rem3A_609 = arith.remsi %add3A_602, %rem3A_608 : vector<16xi32>
    %ne3A_610 = arith.constant 0 : i32
    %ne3A_611 = vector.broadcast %ne3A_610 : i32 to vector<16xi32>
    %ne3A_612 = arith.cmpi ne, %rem3A_609, %ne3A_611 : vector<16xi32>
    %lt3A_613 = arith.constant 0 : i32
    %lt3A_614 = vector.broadcast %lt3A_613 : i32 to vector<16xi32>
    %lt3A_615 = arith.cmpi slt, %rem3A_609, %lt3A_614 : vector<16xi32>
    %lt3A_616 = arith.constant 0 : i32
    %lt3A_617 = arith.cmpi slt, %select_n3A_607, %lt3A_616 : i32
    %ne3A_618 = vector.broadcast %lt3A_617 : i1 to vector<16xi1>
    %ne3A_619 = vector.broadcast %ne3A_618 : vector<16xi1> to vector<16xi1>
    %ne3A_620 = arith.xori %lt3A_615, %ne3A_619 : vector<16xi1>
    %and3A_621 = arith.andi %ne3A_620, %ne3A_612 : vector<16xi1>
    %add3A_622 = vector.broadcast %select_n3A_607 : i32 to vector<16xi32>
    %add3A_623 = arith.addi %rem3A_609, %add3A_622 : vector<16xi32>
    %select_n3A_624 = arith.select %and3A_621, %add3A_623, %rem3A_609 : vector<16xi1>, vector<16xi32>
    %mul3A_625 = arith.constant 81 : i32
    %mul3A_626 = vector.broadcast %mul3A_625 : i32 to vector<16xi32>
    %mul3A_627 = arith.muli %get3A_597, %mul3A_626 : vector<16xi32>
    %add3A_628 = arith.addi %mul3A_627, %select_n3A_624 : vector<16xi32>
    %swap3A_629 = arith.constant 1 : i32
    %swap3A_630 = arith.index_cast %swap3A_629 : i32 to index
    %swap3A_631 = arith.constant 112 : index
    %swap3A_632 = tpu.vector_load %arg7[%swap3A_630, %swap3A_631] {strides = array<i32>} : memref<3x128xi32, #tpu.memory_space<vmem>>, vector<1x16xi32>,
    %swap3A_633 = vector.shape_cast %swap3A_632 : vector<1x16xi32> to vector<16xi32>
    %swap3A_634 = vector.shape_cast %add3A_628 : vector<16xi32> to vector<1x16xi32>
    tpu.vector_store %arg7[%swap3A_630, %swap3A_631], %swap3A_634 {strides = array<i32>} : memref<3x128xi32, #tpu.memory_space<vmem>>, vector<1x16xi32>,
    %get3A_635 = arith.constant 256 : index
    %get3A_636 = tpu.vector_load %arg5[%get3A_635] {strides = array<i32>} : memref<384xi32, #tpu.memory_space<vmem>>, vector<16xi32>,
    %get3A_637 = vector.shape_cast %get3A_636 : vector<16xi32> to vector<16xi32>
    %add3A_638 = arith.constant 256 : i32
    %add3A_639 = arith.addi %add3A_4, %add3A_638 : i32
    %iota3A_640 = tpu.iota {dimensions = array<i32: 0>} : vector<16xi32>
    %add3A_641 = vector.broadcast %add3A_639 : i32 to vector<16xi32>
    %add3A_642 = arith.addi %add3A_641, %iota3A_640 : vector<16xi32>
    %jit3A_643 = arith.constant 81 : i32
    %eq3A_644 = arith.constant 0 : i32
    %eq3A_645 = arith.cmpi eq, %jit3A_643, %eq3A_644 : i32
    %jit3A_646 = arith.constant 1 : i32
    %select_n3A_647 = arith.select %eq3A_645, %jit3A_646, %jit3A_643 : i32
    %rem3A_648 = vector.broadcast %select_n3A_647 : i32 to vector<16xi32>
    %rem3A_649 = arith.remsi %add3A_642, %rem3A_648 : vector<16xi32>
    %ne3A_650 = arith.constant 0 : i32
    %ne3A_651 = vector.broadcast %ne3A_650 : i32 to vector<16xi32>
    %ne3A_652 = arith.cmpi ne, %rem3A_649, %ne3A_651 : vector<16xi32>
    %lt3A_653 = arith.constant 0 : i32
    %lt3A_654 = vector.broadcast %lt3A_653 : i32 to vector<16xi32>
    %lt3A_655 = arith.cmpi slt, %rem3A_649, %lt3A_654 : vector<16xi32>
    %lt3A_656 = arith.constant 0 : i32
    %lt3A_657 = arith.cmpi slt, %select_n3A_647, %lt3A_656 : i32
    %ne3A_658 = vector.broadcast %lt3A_657 : i1 to vector<16xi1>
    %ne3A_659 = vector.broadcast %ne3A_658 : vector<16xi1> to vector<16xi1>
    %ne3A_660 = arith.xori %lt3A_655, %ne3A_659 : vector<16xi1>
    %and3A_661 = arith.andi %ne3A_660, %ne3A_652 : vector<16xi1>
    %add3A_662 = vector.broadcast %select_n3A_647 : i32 to vector<16xi32>
    %add3A_663 = arith.addi %rem3A_649, %add3A_662 : vector<16xi32>
    %select_n3A_664 = arith.select %and3A_661, %add3A_663, %rem3A_649 : vector<16xi1>, vector<16xi32>
    %mul3A_665 = arith.constant 81 : i32
    %mul3A_666 = vector.broadcast %mul3A_665 : i32 to vector<16xi32>
    %mul3A_667 = arith.muli %get3A_637, %mul3A_666 : vector<16xi32>
    %add3A_668 = arith.addi %mul3A_667, %select_n3A_664 : vector<16xi32>
    %swap3A_669 = arith.constant 2 : i32
    %swap3A_670 = arith.index_cast %swap3A_669 : i32 to index
    %swap3A_671 = arith.constant 0 : index
    %swap3A_672 = tpu.vector_load %arg7[%swap3A_670, %swap3A_671] {strides = array<i32>} : memref<3x128xi32, #tpu.memory_space<vmem>>, vector<1x16xi32>,
    %swap3A_673 = vector.shape_cast %swap3A_672 : vector<1x16xi32> to vector<16xi32>
    %swap3A_674 = vector.shape_cast %add3A_668 : vector<16xi32> to vector<1x16xi32>
    tpu.vector_store %arg7[%swap3A_670, %swap3A_671], %swap3A_674 {strides = array<i32>} : memref<3x128xi32, #tpu.memory_space<vmem>>, vector<1x16xi32>,
    %get3A_675 = arith.constant 272 : index
    %get3A_676 = tpu.vector_load %arg5[%get3A_675] {strides = array<i32>} : memref<384xi32, #tpu.memory_space<vmem>>, vector<16xi32>,
    %get3A_677 = vector.shape_cast %get3A_676 : vector<16xi32> to vector<16xi32>
    %add3A_678 = arith.constant 272 : i32
    %add3A_679 = arith.addi %add3A_4, %add3A_678 : i32
    %iota3A_680 = tpu.iota {dimensions = array<i32: 0>} : vector<16xi32>
    %add3A_681 = vector.broadcast %add3A_679 : i32 to vector<16xi32>
    %add3A_682 = arith.addi %add3A_681, %iota3A_680 : vector<16xi32>
    %jit3A_683 = arith.constant 81 : i32
    %eq3A_684 = arith.constant 0 : i32
    %eq3A_685 = arith.cmpi eq, %jit3A_683, %eq3A_684 : i32
    %jit3A_686 = arith.constant 1 : i32
    %select_n3A_687 = arith.select %eq3A_685, %jit3A_686, %jit3A_683 : i32
    %rem3A_688 = vector.broadcast %select_n3A_687 : i32 to vector<16xi32>
    %rem3A_689 = arith.remsi %add3A_682, %rem3A_688 : vector<16xi32>
    %ne3A_690 = arith.constant 0 : i32
    %ne3A_691 = vector.broadcast %ne3A_690 : i32 to vector<16xi32>
    %ne3A_692 = arith.cmpi ne, %rem3A_689, %ne3A_691 : vector<16xi32>
    %lt3A_693 = arith.constant 0 : i32
    %lt3A_694 = vector.broadcast %lt3A_693 : i32 to vector<16xi32>
    %lt3A_695 = arith.cmpi slt, %rem3A_689, %lt3A_694 : vector<16xi32>
    %lt3A_696 = arith.constant 0 : i32
    %lt3A_697 = arith.cmpi slt, %select_n3A_687, %lt3A_696 : i32
    %ne3A_698 = vector.broadcast %lt3A_697 : i1 to vector<16xi1>
    %ne3A_699 = vector.broadcast %ne3A_698 : vector<16xi1> to vector<16xi1>
    %ne3A_700 = arith.xori %lt3A_695, %ne3A_699 : vector<16xi1>
    %and3A_701 = arith.andi %ne3A_700, %ne3A_692 : vector<16xi1>
    %add3A_702 = vector.broadcast %select_n3A_687 : i32 to vector<16xi32>
    %add3A_703 = arith.addi %rem3A_689, %add3A_702 : vector<16xi32>
    %select_n3A_704 = arith.select %and3A_701, %add3A_703, %rem3A_689 : vector<16xi1>, vector<16xi32>
    %mul3A_705 = arith.constant 81 : i32
    %mul3A_706 = vector.broadcast %mul3A_705 : i32 to vector<16xi32>
    %mul3A_707 = arith.muli %get3A_677, %mul3A_706 : vector<16xi32>
    %add3A_708 = arith.addi %mul3A_707, %select_n3A_704 : vector<16xi32>
    %swap3A_709 = arith.constant 2 : i32
    %swap3A_710 = arith.index_cast %swap3A_709 : i32 to index
    %swap3A_711 = arith.constant 16 : index
    %swap3A_712 = tpu.vector_load %arg7[%swap3A_710, %swap3A_711] {strides = array<i32>} : memref<3x128xi32, #tpu.memory_space<vmem>>, vector<1x16xi32>,
    %swap3A_713 = vector.shape_cast %swap3A_712 : vector<1x16xi32> to vector<16xi32>
    %swap3A_714 = vector.shape_cast %add3A_708 : vector<16xi32> to vector<1x16xi32>
    tpu.vector_store %arg7[%swap3A_710, %swap3A_711], %swap3A_714 {strides = array<i32>} : memref<3x128xi32, #tpu.memory_space<vmem>>, vector<1x16xi32>,
    %get3A_715 = arith.constant 288 : index
    %get3A_716 = tpu.vector_load %arg5[%get3A_715] {strides = array<i32>} : memref<384xi32, #tpu.memory_space<vmem>>, vector<16xi32>,
    %get3A_717 = vector.shape_cast %get3A_716 : vector<16xi32> to vector<16xi32>
    %add3A_718 = arith.constant 288 : i32
    %add3A_719 = arith.addi %add3A_4, %add3A_718 : i32
    %iota3A_720 = tpu.iota {dimensions = array<i32: 0>} : vector<16xi32>
    %add3A_721 = vector.broadcast %add3A_719 : i32 to vector<16xi32>
    %add3A_722 = arith.addi %add3A_721, %iota3A_720 : vector<16xi32>
    %jit3A_723 = arith.constant 81 : i32
    %eq3A_724 = arith.constant 0 : i32
    %eq3A_725 = arith.cmpi eq, %jit3A_723, %eq3A_724 : i32
    %jit3A_726 = arith.constant 1 : i32
    %select_n3A_727 = arith.select %eq3A_725, %jit3A_726, %jit3A_723 : i32
    %rem3A_728 = vector.broadcast %select_n3A_727 : i32 to vector<16xi32>
    %rem3A_729 = arith.remsi %add3A_722, %rem3A_728 : vector<16xi32>
    %ne3A_730 = arith.constant 0 : i32
    %ne3A_731 = vector.broadcast %ne3A_730 : i32 to vector<16xi32>
    %ne3A_732 = arith.cmpi ne, %rem3A_729, %ne3A_731 : vector<16xi32>
    %lt3A_733 = arith.constant 0 : i32
    %lt3A_734 = vector.broadcast %lt3A_733 : i32 to vector<16xi32>
    %lt3A_735 = arith.cmpi slt, %rem3A_729, %lt3A_734 : vector<16xi32>
    %lt3A_736 = arith.constant 0 : i32
    %lt3A_737 = arith.cmpi slt, %select_n3A_727, %lt3A_736 : i32
    %ne3A_738 = vector.broadcast %lt3A_737 : i1 to vector<16xi1>
    %ne3A_739 = vector.broadcast %ne3A_738 : vector<16xi1> to vector<16xi1>
    %ne3A_740 = arith.xori %lt3A_735, %ne3A_739 : vector<16xi1>
    %and3A_741 = arith.andi %ne3A_740, %ne3A_732 : vector<16xi1>
    %add3A_742 = vector.broadcast %select_n3A_727 : i32 to vector<16xi32>
    %add3A_743 = arith.addi %rem3A_729, %add3A_742 : vector<16xi32>
    %select_n3A_744 = arith.select %and3A_741, %add3A_743, %rem3A_729 : vector<16xi1>, vector<16xi32>
    %mul3A_745 = arith.constant 81 : i32
    %mul3A_746 = vector.broadcast %mul3A_745 : i32 to vector<16xi32>
    %mul3A_747 = arith.muli %get3A_717, %mul3A_746 : vector<16xi32>
    %add3A_748 = arith.addi %mul3A_747, %select_n3A_744 : vector<16xi32>
    %swap3A_749 = arith.constant 2 : i32
    %swap3A_750 = arith.index_cast %swap3A_749 : i32 to index
    %swap3A_751 = arith.constant 32 : index
    %swap3A_752 = tpu.vector_load %arg7[%swap3A_750, %swap3A_751] {strides = array<i32>} : memref<3x128xi32, #tpu.memory_space<vmem>>, vector<1x16xi32>,
    %swap3A_753 = vector.shape_cast %swap3A_752 : vector<1x16xi32> to vector<16xi32>
    %swap3A_754 = vector.shape_cast %add3A_748 : vector<16xi32> to vector<1x16xi32>
    tpu.vector_store %arg7[%swap3A_750, %swap3A_751], %swap3A_754 {strides = array<i32>} : memref<3x128xi32, #tpu.memory_space<vmem>>, vector<1x16xi32>,
    %get3A_755 = arith.constant 304 : index
    %get3A_756 = tpu.vector_load %arg5[%get3A_755] {strides = array<i32>} : memref<384xi32, #tpu.memory_space<vmem>>, vector<16xi32>,
    %get3A_757 = vector.shape_cast %get3A_756 : vector<16xi32> to vector<16xi32>
    %add3A_758 = arith.constant 304 : i32
    %add3A_759 = arith.addi %add3A_4, %add3A_758 : i32
    %iota3A_760 = tpu.iota {dimensions = array<i32: 0>} : vector<16xi32>
    %add3A_761 = vector.broadcast %add3A_759 : i32 to vector<16xi32>
    %add3A_762 = arith.addi %add3A_761, %iota3A_760 : vector<16xi32>
    %jit3A_763 = arith.constant 81 : i32
    %eq3A_764 = arith.constant 0 : i32
    %eq3A_765 = arith.cmpi eq, %jit3A_763, %eq3A_764 : i32
    %jit3A_766 = arith.constant 1 : i32
    %select_n3A_767 = arith.select %eq3A_765, %jit3A_766, %jit3A_763 : i32
    %rem3A_768 = vector.broadcast %select_n3A_767 : i32 to vector<16xi32>
    %rem3A_769 = arith.remsi %add3A_762, %rem3A_768 : vector<16xi32>
    %ne3A_770 = arith.constant 0 : i32
    %ne3A_771 = vector.broadcast %ne3A_770 : i32 to vector<16xi32>
    %ne3A_772 = arith.cmpi ne, %rem3A_769, %ne3A_771 : vector<16xi32>
    %lt3A_773 = arith.constant 0 : i32
    %lt3A_774 = vector.broadcast %lt3A_773 : i32 to vector<16xi32>
    %lt3A_775 = arith.cmpi slt, %rem3A_769, %lt3A_774 : vector<16xi32>
    %lt3A_776 = arith.constant 0 : i32
    %lt3A_777 = arith.cmpi slt, %select_n3A_767, %lt3A_776 : i32
    %ne3A_778 = vector.broadcast %lt3A_777 : i1 to vector<16xi1>
    %ne3A_779 = vector.broadcast %ne3A_778 : vector<16xi1> to vector<16xi1>
    %ne3A_780 = arith.xori %lt3A_775, %ne3A_779 : vector<16xi1>
    %and3A_781 = arith.andi %ne3A_780, %ne3A_772 : vector<16xi1>
    %add3A_782 = vector.broadcast %select_n3A_767 : i32 to vector<16xi32>
    %add3A_783 = arith.addi %rem3A_769, %add3A_782 : vector<16xi32>
    %select_n3A_784 = arith.select %and3A_781, %add3A_783, %rem3A_769 : vector<16xi1>, vector<16xi32>
    %mul3A_785 = arith.constant 81 : i32
    %mul3A_786 = vector.broadcast %mul3A_785 : i32 to vector<16xi32>
    %mul3A_787 = arith.muli %get3A_757, %mul3A_786 : vector<16xi32>
    %add3A_788 = arith.addi %mul3A_787, %select_n3A_784 : vector<16xi32>
    %swap3A_789 = arith.constant 2 : i32
    %swap3A_790 = arith.index_cast %swap3A_789 : i32 to index
    %swap3A_791 = arith.constant 48 : index
    %swap3A_792 = tpu.vector_load %arg7[%swap3A_790, %swap3A_791] {strides = array<i32>} : memref<3x128xi32, #tpu.memory_space<vmem>>, vector<1x16xi32>,
    %swap3A_793 = vector.shape_cast %swap3A_792 : vector<1x16xi32> to vector<16xi32>
    %swap3A_794 = vector.shape_cast %add3A_788 : vector<16xi32> to vector<1x16xi32>
    tpu.vector_store %arg7[%swap3A_790, %swap3A_791], %swap3A_794 {strides = array<i32>} : memref<3x128xi32, #tpu.memory_space<vmem>>, vector<1x16xi32>,
    %get3A_795 = arith.constant 320 : index
    %get3A_796 = tpu.vector_load %arg5[%get3A_795] {strides = array<i32>} : memref<384xi32, #tpu.memory_space<vmem>>, vector<16xi32>,
    %get3A_797 = vector.shape_cast %get3A_796 : vector<16xi32> to vector<16xi32>
    %add3A_798 = arith.constant 320 : i32
    %add3A_799 = arith.addi %add3A_4, %add3A_798 : i32
    %iota3A_800 = tpu.iota {dimensions = array<i32: 0>} : vector<16xi32>
    %add3A_801 = vector.broadcast %add3A_799 : i32 to vector<16xi32>
    %add3A_802 = arith.addi %add3A_801, %iota3A_800 : vector<16xi32>
    %jit3A_803 = arith.constant 81 : i32
    %eq3A_804 = arith.constant 0 : i32
    %eq3A_805 = arith.cmpi eq, %jit3A_803, %eq3A_804 : i32
    %jit3A_806 = arith.constant 1 : i32
    %select_n3A_807 = arith.select %eq3A_805, %jit3A_806, %jit3A_803 : i32
    %rem3A_808 = vector.broadcast %select_n3A_807 : i32 to vector<16xi32>
    %rem3A_809 = arith.remsi %add3A_802, %rem3A_808 : vector<16xi32>
    %ne3A_810 = arith.constant 0 : i32
    %ne3A_811 = vector.broadcast %ne3A_810 : i32 to vector<16xi32>
    %ne3A_812 = arith.cmpi ne, %rem3A_809, %ne3A_811 : vector<16xi32>
    %lt3A_813 = arith.constant 0 : i32
    %lt3A_814 = vector.broadcast %lt3A_813 : i32 to vector<16xi32>
    %lt3A_815 = arith.cmpi slt, %rem3A_809, %lt3A_814 : vector<16xi32>
    %lt3A_816 = arith.constant 0 : i32
    %lt3A_817 = arith.cmpi slt, %select_n3A_807, %lt3A_816 : i32
    %ne3A_818 = vector.broadcast %lt3A_817 : i1 to vector<16xi1>
    %ne3A_819 = vector.broadcast %ne3A_818 : vector<16xi1> to vector<16xi1>
    %ne3A_820 = arith.xori %lt3A_815, %ne3A_819 : vector<16xi1>
    %and3A_821 = arith.andi %ne3A_820, %ne3A_812 : vector<16xi1>
    %add3A_822 = vector.broadcast %select_n3A_807 : i32 to vector<16xi32>
    %add3A_823 = arith.addi %rem3A_809, %add3A_822 : vector<16xi32>
    %select_n3A_824 = arith.select %and3A_821, %add3A_823, %rem3A_809 : vector<16xi1>, vector<16xi32>
    %mul3A_825 = arith.constant 81 : i32
    %mul3A_826 = vector.broadcast %mul3A_825 : i32 to vector<16xi32>
    %mul3A_827 = arith.muli %get3A_797, %mul3A_826 : vector<16xi32>
    %add3A_828 = arith.addi %mul3A_827, %select_n3A_824 : vector<16xi32>
    %swap3A_829 = arith.constant 2 : i32
    %swap3A_830 = arith.index_cast %swap3A_829 : i32 to index
    %swap3A_831 = arith.constant 64 : index
    %swap3A_832 = tpu.vector_load %arg7[%swap3A_830, %swap3A_831] {strides = array<i32>} : memref<3x128xi32, #tpu.memory_space<vmem>>, vector<1x16xi32>,
    %swap3A_833 = vector.shape_cast %swap3A_832 : vector<1x16xi32> to vector<16xi32>
    %swap3A_834 = vector.shape_cast %add3A_828 : vector<16xi32> to vector<1x16xi32>
    tpu.vector_store %arg7[%swap3A_830, %swap3A_831], %swap3A_834 {strides = array<i32>} : memref<3x128xi32, #tpu.memory_space<vmem>>, vector<1x16xi32>,
    %get3A_835 = arith.constant 336 : index
    %get3A_836 = tpu.vector_load %arg5[%get3A_835] {strides = array<i32>} : memref<384xi32, #tpu.memory_space<vmem>>, vector<16xi32>,
    %get3A_837 = vector.shape_cast %get3A_836 : vector<16xi32> to vector<16xi32>
    %add3A_838 = arith.constant 336 : i32
    %add3A_839 = arith.addi %add3A_4, %add3A_838 : i32
    %iota3A_840 = tpu.iota {dimensions = array<i32: 0>} : vector<16xi32>
    %add3A_841 = vector.broadcast %add3A_839 : i32 to vector<16xi32>
    %add3A_842 = arith.addi %add3A_841, %iota3A_840 : vector<16xi32>
    %jit3A_843 = arith.constant 81 : i32
    %eq3A_844 = arith.constant 0 : i32
    %eq3A_845 = arith.cmpi eq, %jit3A_843, %eq3A_844 : i32
    %jit3A_846 = arith.constant 1 : i32
    %select_n3A_847 = arith.select %eq3A_845, %jit3A_846, %jit3A_843 : i32
    %rem3A_848 = vector.broadcast %select_n3A_847 : i32 to vector<16xi32>
    %rem3A_849 = arith.remsi %add3A_842, %rem3A_848 : vector<16xi32>
    %ne3A_850 = arith.constant 0 : i32
    %ne3A_851 = vector.broadcast %ne3A_850 : i32 to vector<16xi32>
    %ne3A_852 = arith.cmpi ne, %rem3A_849, %ne3A_851 : vector<16xi32>
    %lt3A_853 = arith.constant 0 : i32
    %lt3A_854 = vector.broadcast %lt3A_853 : i32 to vector<16xi32>
    %lt3A_855 = arith.cmpi slt, %rem3A_849, %lt3A_854 : vector<16xi32>
    %lt3A_856 = arith.constant 0 : i32
    %lt3A_857 = arith.cmpi slt, %select_n3A_847, %lt3A_856 : i32
    %ne3A_858 = vector.broadcast %lt3A_857 : i1 to vector<16xi1>
    %ne3A_859 = vector.broadcast %ne3A_858 : vector<16xi1> to vector<16xi1>
    %ne3A_860 = arith.xori %lt3A_855, %ne3A_859 : vector<16xi1>
    %and3A_861 = arith.andi %ne3A_860, %ne3A_852 : vector<16xi1>
    %add3A_862 = vector.broadcast %select_n3A_847 : i32 to vector<16xi32>
    %add3A_863 = arith.addi %rem3A_849, %add3A_862 : vector<16xi32>
    %select_n3A_864 = arith.select %and3A_861, %add3A_863, %rem3A_849 : vector<16xi1>, vector<16xi32>
    %mul3A_865 = arith.constant 81 : i32
    %mul3A_866 = vector.broadcast %mul3A_865 : i32 to vector<16xi32>
    %mul3A_867 = arith.muli %get3A_837, %mul3A_866 : vector<16xi32>
    %add3A_868 = arith.addi %mul3A_867, %select_n3A_864 : vector<16xi32>
    %swap3A_869 = arith.constant 2 : i32
    %swap3A_870 = arith.index_cast %swap3A_869 : i32 to index
    %swap3A_871 = arith.constant 80 : index
    %swap3A_872 = tpu.vector_load %arg7[%swap3A_870, %swap3A_871] {strides = array<i32>} : memref<3x128xi32, #tpu.memory_space<vmem>>, vector<1x16xi32>,
    %swap3A_873 = vector.shape_cast %swap3A_872 : vector<1x16xi32> to vector<16xi32>
    %swap3A_874 = vector.shape_cast %add3A_868 : vector<16xi32> to vector<1x16xi32>
    tpu.vector_store %arg7[%swap3A_870, %swap3A_871], %swap3A_874 {strides = array<i32>} : memref<3x128xi32, #tpu.memory_space<vmem>>, vector<1x16xi32>,
    %get3A_875 = arith.constant 352 : index
    %get3A_876 = tpu.vector_load %arg5[%get3A_875] {strides = array<i32>} : memref<384xi32, #tpu.memory_space<vmem>>, vector<16xi32>,
    %get3A_877 = vector.shape_cast %get3A_876 : vector<16xi32> to vector<16xi32>
    %add3A_878 = arith.constant 352 : i32
    %add3A_879 = arith.addi %add3A_4, %add3A_878 : i32
    %iota3A_880 = tpu.iota {dimensions = array<i32: 0>} : vector<16xi32>
    %add3A_881 = vector.broadcast %add3A_879 : i32 to vector<16xi32>
    %add3A_882 = arith.addi %add3A_881, %iota3A_880 : vector<16xi32>
    %jit3A_883 = arith.constant 81 : i32
    %eq3A_884 = arith.constant 0 : i32
    %eq3A_885 = arith.cmpi eq, %jit3A_883, %eq3A_884 : i32
    %jit3A_886 = arith.constant 1 : i32
    %select_n3A_887 = arith.select %eq3A_885, %jit3A_886, %jit3A_883 : i32
    %rem3A_888 = vector.broadcast %select_n3A_887 : i32 to vector<16xi32>
    %rem3A_889 = arith.remsi %add3A_882, %rem3A_888 : vector<16xi32>
    %ne3A_890 = arith.constant 0 : i32
    %ne3A_891 = vector.broadcast %ne3A_890 : i32 to vector<16xi32>
    %ne3A_892 = arith.cmpi ne, %rem3A_889, %ne3A_891 : vector<16xi32>
    %lt3A_893 = arith.constant 0 : i32
    %lt3A_894 = vector.broadcast %lt3A_893 : i32 to vector<16xi32>
    %lt3A_895 = arith.cmpi slt, %rem3A_889, %lt3A_894 : vector<16xi32>
    %lt3A_896 = arith.constant 0 : i32
    %lt3A_897 = arith.cmpi slt, %select_n3A_887, %lt3A_896 : i32
    %ne3A_898 = vector.broadcast %lt3A_897 : i1 to vector<16xi1>
    %ne3A_899 = vector.broadcast %ne3A_898 : vector<16xi1> to vector<16xi1>
    %ne3A_900 = arith.xori %lt3A_895, %ne3A_899 : vector<16xi1>
    %and3A_901 = arith.andi %ne3A_900, %ne3A_892 : vector<16xi1>
    %add3A_902 = vector.broadcast %select_n3A_887 : i32 to vector<16xi32>
    %add3A_903 = arith.addi %rem3A_889, %add3A_902 : vector<16xi32>
    %select_n3A_904 = arith.select %and3A_901, %add3A_903, %rem3A_889 : vector<16xi1>, vector<16xi32>
    %mul3A_905 = arith.constant 81 : i32
    %mul3A_906 = vector.broadcast %mul3A_905 : i32 to vector<16xi32>
    %mul3A_907 = arith.muli %get3A_877, %mul3A_906 : vector<16xi32>
    %add3A_908 = arith.addi %mul3A_907, %select_n3A_904 : vector<16xi32>
    %swap3A_909 = arith.constant 2 : i32
    %swap3A_910 = arith.index_cast %swap3A_909 : i32 to index
    %swap3A_911 = arith.constant 96 : index
    %swap3A_912 = tpu.vector_load %arg7[%swap3A_910, %swap3A_911] {strides = array<i32>} : memref<3x128xi32, #tpu.memory_space<vmem>>, vector<1x16xi32>,
    %swap3A_913 = vector.shape_cast %swap3A_912 : vector<1x16xi32> to vector<16xi32>
    %swap3A_914 = vector.shape_cast %add3A_908 : vector<16xi32> to vector<1x16xi32>
    tpu.vector_store %arg7[%swap3A_910, %swap3A_911], %swap3A_914 {strides = array<i32>} : memref<3x128xi32, #tpu.memory_space<vmem>>, vector<1x16xi32>,
    %get3A_915 = arith.constant 368 : index
    %get3A_916 = tpu.vector_load %arg5[%get3A_915] {strides = array<i32>} : memref<384xi32, #tpu.memory_space<vmem>>, vector<16xi32>,
    %get3A_917 = vector.shape_cast %get3A_916 : vector<16xi32> to vector<16xi32>
    %add3A_918 = arith.constant 368 : i32
    %add3A_919 = arith.addi %add3A_4, %add3A_918 : i32
    %iota3A_920 = tpu.iota {dimensions = array<i32: 0>} : vector<16xi32>
    %add3A_921 = vector.broadcast %add3A_919 : i32 to vector<16xi32>
    %add3A_922 = arith.addi %add3A_921, %iota3A_920 : vector<16xi32>
    %jit3A_923 = arith.constant 81 : i32
    %eq3A_924 = arith.constant 0 : i32
    %eq3A_925 = arith.cmpi eq, %jit3A_923, %eq3A_924 : i32
    %jit3A_926 = arith.constant 1 : i32
    %select_n3A_927 = arith.select %eq3A_925, %jit3A_926, %jit3A_923 : i32
    %rem3A_928 = vector.broadcast %select_n3A_927 : i32 to vector<16xi32>
    %rem3A_929 = arith.remsi %add3A_922, %rem3A_928 : vector<16xi32>
    %ne3A_930 = arith.constant 0 : i32
    %ne3A_931 = vector.broadcast %ne3A_930 : i32 to vector<16xi32>
    %ne3A_932 = arith.cmpi ne, %rem3A_929, %ne3A_931 : vector<16xi32>
    %lt3A_933 = arith.constant 0 : i32
    %lt3A_934 = vector.broadcast %lt3A_933 : i32 to vector<16xi32>
    %lt3A_935 = arith.cmpi slt, %rem3A_929, %lt3A_934 : vector<16xi32>
    %lt3A_936 = arith.constant 0 : i32
    %lt3A_937 = arith.cmpi slt, %select_n3A_927, %lt3A_936 : i32
    %ne3A_938 = vector.broadcast %lt3A_937 : i1 to vector<16xi1>
    %ne3A_939 = vector.broadcast %ne3A_938 : vector<16xi1> to vector<16xi1>
    %ne3A_940 = arith.xori %lt3A_935, %ne3A_939 : vector<16xi1>
    %and3A_941 = arith.andi %ne3A_940, %ne3A_932 : vector<16xi1>
    %add3A_942 = vector.broadcast %select_n3A_927 : i32 to vector<16xi32>
    %add3A_943 = arith.addi %rem3A_929, %add3A_942 : vector<16xi32>
    %select_n3A_944 = arith.select %and3A_941, %add3A_943, %rem3A_929 : vector<16xi1>, vector<16xi32>
    %mul3A_945 = arith.constant 81 : i32
    %mul3A_946 = vector.broadcast %mul3A_945 : i32 to vector<16xi32>
    %mul3A_947 = arith.muli %get3A_917, %mul3A_946 : vector<16xi32>
    %add3A_948 = arith.addi %mul3A_947, %select_n3A_944 : vector<16xi32>
    %swap3A_949 = arith.constant 2 : i32
    %swap3A_950 = arith.index_cast %swap3A_949 : i32 to index
    %swap3A_951 = arith.constant 112 : index
    %swap3A_952 = tpu.vector_load %arg7[%swap3A_950, %swap3A_951] {strides = array<i32>} : memref<3x128xi32, #tpu.memory_space<vmem>>, vector<1x16xi32>,
    %swap3A_953 = vector.shape_cast %swap3A_952 : vector<1x16xi32> to vector<16xi32>
    %swap3A_954 = vector.shape_cast %add3A_948 : vector<16xi32> to vector<1x16xi32>
    tpu.vector_store %arg7[%swap3A_950, %swap3A_951], %swap3A_954 {strides = array<i32>} : memref<3x128xi32, #tpu.memory_space<vmem>>, vector<1x16xi32>,
    %dma_start3A = arith.constant 0 : i32
    %dma_start3A_955 = arith.constant 0 : i32
    %dma_start3A_956 = arith.constant 0 : i32
    %dma_start3A_957 = tpu.memref_slice %arg9[%dma_start3A_955, %dma_start3A_956] : memref<384x128xf32, #tpu.memory_space<vmem>> -> memref<128x128xf32, #tpu.memory_space<vmem>>
    %dma_start3A_958 = arith.constant 0 : i32
    %dma_start3A_959 = tpu.memref_slice %arg7[%dma_start3A, %dma_start3A_958] : memref<3x128xi32, #tpu.memory_space<vmem>> -> memref<1x128xi32, #tpu.memory_space<vmem>>
    %dma_start3A_960 = tpu.memref_squeeze %dma_start3A_959 : memref<1x128xi32, #tpu.memory_space<vmem>> -> memref<128xi32, #tpu.memory_space<vmem>>
    %dma_start3A_961 = arith.constant 0 : i32
    %dma_start3A_962 = arith.constant 0 : i32
    %dma_start3A_963 = tpu.memref_slice %arg2[%dma_start3A_961, %dma_start3A_962] : memref<810x128xf32, #tpu.memory_space<hbm>> -> memref<810x128xf32, #tpu.memory_space<hbm>>
    tpu.enqueue_indirect_dma source(%dma_start3A_963 : memref<810x128xf32, #tpu.memory_space<hbm>>) target(%dma_start3A_957 : memref<128x128xf32, #tpu.memory_space<vmem>>) offsets(%dma_start3A_960 : memref<128xi32, #tpu.memory_space<vmem>>) semaphore(%arg11 : memref<!tpu.dma_semaphore, #tpu.memory_space<semaphore_mem>>)
    %dma_start3A_964 = arith.constant 1 : i32
    %dma_start3A_965 = arith.constant 128 : i32
    %dma_start3A_966 = arith.constant 0 : i32
    %dma_start3A_967 = tpu.memref_slice %arg9[%dma_start3A_965, %dma_start3A_966] : memref<384x128xf32, #tpu.memory_space<vmem>> -> memref<128x128xf32, #tpu.memory_space<vmem>>
    %dma_start3A_968 = arith.constant 0 : i32
    %dma_start3A_969 = tpu.memref_slice %arg7[%dma_start3A_964, %dma_start3A_968] : memref<3x128xi32, #tpu.memory_space<vmem>> -> memref<1x128xi32, #tpu.memory_space<vmem>>
    %dma_start3A_970 = tpu.memref_squeeze %dma_start3A_969 : memref<1x128xi32, #tpu.memory_space<vmem>> -> memref<128xi32, #tpu.memory_space<vmem>>
    %dma_start3A_971 = arith.constant 0 : i32
    %dma_start3A_972 = arith.constant 0 : i32
    %dma_start3A_973 = tpu.memref_slice %arg2[%dma_start3A_971, %dma_start3A_972] : memref<810x128xf32, #tpu.memory_space<hbm>> -> memref<810x128xf32, #tpu.memory_space<hbm>>
    tpu.enqueue_indirect_dma source(%dma_start3A_973 : memref<810x128xf32, #tpu.memory_space<hbm>>) target(%dma_start3A_967 : memref<128x128xf32, #tpu.memory_space<vmem>>) offsets(%dma_start3A_970 : memref<128xi32, #tpu.memory_space<vmem>>) semaphore(%arg11 : memref<!tpu.dma_semaphore, #tpu.memory_space<semaphore_mem>>)
    %dma_start3A_974 = arith.constant 2 : i32
    %dma_start3A_975 = arith.constant 256 : i32
    %dma_start3A_976 = arith.constant 0 : i32
    %dma_start3A_977 = tpu.memref_slice %arg9[%dma_start3A_975, %dma_start3A_976] : memref<384x128xf32, #tpu.memory_space<vmem>> -> memref<128x128xf32, #tpu.memory_space<vmem>>
    %dma_start3A_978 = arith.constant 0 : i32
    %dma_start3A_979 = tpu.memref_slice %arg7[%dma_start3A_974, %dma_start3A_978] : memref<3x128xi32, #tpu.memory_space<vmem>> -> memref<1x128xi32, #tpu.memory_space<vmem>>
    %dma_start3A_980 = tpu.memref_squeeze %dma_start3A_979 : memref<1x128xi32, #tpu.memory_space<vmem>> -> memref<128xi32, #tpu.memory_space<vmem>>
    %dma_start3A_981 = arith.constant 0 : i32
    %dma_start3A_982 = arith.constant 0 : i32
    %dma_start3A_983 = tpu.memref_slice %arg2[%dma_start3A_981, %dma_start3A_982] : memref<810x128xf32, #tpu.memory_space<hbm>> -> memref<810x128xf32, #tpu.memory_space<hbm>>
    tpu.enqueue_indirect_dma source(%dma_start3A_983 : memref<810x128xf32, #tpu.memory_space<hbm>>) target(%dma_start3A_977 : memref<128x128xf32, #tpu.memory_space<vmem>>) offsets(%dma_start3A_980 : memref<128xi32, #tpu.memory_space<vmem>>) semaphore(%arg11 : memref<!tpu.dma_semaphore, #tpu.memory_space<semaphore_mem>>)
    %dma_wait3A = arith.constant 0 : i32
    %dma_wait3A_984 = arith.constant 0 : i32
    %dma_wait3A_985 = arith.constant 0 : i32
    %dma_wait3A_986 = tpu.memref_slice %arg9[%dma_wait3A_984, %dma_wait3A_985] : memref<384x128xf32, #tpu.memory_space<vmem>> -> memref<128x128xf32, #tpu.memory_space<vmem>>
    %dma_wait3A_987 = arith.constant 0 : i32
    %dma_wait3A_988 = tpu.memref_slice %arg7[%dma_wait3A, %dma_wait3A_987] : memref<3x128xi32, #tpu.memory_space<vmem>> -> memref<1x128xi32, #tpu.memory_space<vmem>>
    %dma_wait3A_989 = tpu.memref_squeeze %dma_wait3A_988 : memref<1x128xi32, #tpu.memory_space<vmem>> -> memref<128xi32, #tpu.memory_space<vmem>>
    %dma_wait3A_990 = arith.constant 0 : i32
    %dma_wait3A_991 = arith.constant 0 : i32
    %dma_wait3A_992 = tpu.memref_slice %arg2[%dma_wait3A_990, %dma_wait3A_991] : memref<810x128xf32, #tpu.memory_space<hbm>> -> memref<810x128xf32, #tpu.memory_space<hbm>>
    tpu.wait_indirect_dma semaphore(%arg11 : memref<!tpu.dma_semaphore, #tpu.memory_space<semaphore_mem>>) src(%dma_wait3A_992 : memref<810x128xf32, #tpu.memory_space<hbm>>) dst(%dma_wait3A_986 : memref<128x128xf32, #tpu.memory_space<vmem>>)
    %dma_wait3A_993 = arith.constant 1 : i32
    %dma_wait3A_994 = arith.constant 128 : i32
    %dma_wait3A_995 = arith.constant 0 : i32
    %dma_wait3A_996 = tpu.memref_slice %arg9[%dma_wait3A_994, %dma_wait3A_995] : memref<384x128xf32, #tpu.memory_space<vmem>> -> memref<128x128xf32, #tpu.memory_space<vmem>>
    %dma_wait3A_997 = arith.constant 0 : i32
    %dma_wait3A_998 = tpu.memref_slice %arg7[%dma_wait3A_993, %dma_wait3A_997] : memref<3x128xi32, #tpu.memory_space<vmem>> -> memref<1x128xi32, #tpu.memory_space<vmem>>
    %dma_wait3A_999 = tpu.memref_squeeze %dma_wait3A_998 : memref<1x128xi32, #tpu.memory_space<vmem>> -> memref<128xi32, #tpu.memory_space<vmem>>
    %dma_wait3A_1000 = arith.constant 0 : i32
    %dma_wait3A_1001 = arith.constant 0 : i32
    %dma_wait3A_1002 = tpu.memref_slice %arg2[%dma_wait3A_1000, %dma_wait3A_1001] : memref<810x128xf32, #tpu.memory_space<hbm>> -> memref<810x128xf32, #tpu.memory_space<hbm>>
    tpu.wait_indirect_dma semaphore(%arg11 : memref<!tpu.dma_semaphore, #tpu.memory_space<semaphore_mem>>) src(%dma_wait3A_1002 : memref<810x128xf32, #tpu.memory_space<hbm>>) dst(%dma_wait3A_996 : memref<128x128xf32, #tpu.memory_space<vmem>>)
    %dma_wait3A_1003 = arith.constant 2 : i32
    %dma_wait3A_1004 = arith.constant 256 : i32
    %dma_wait3A_1005 = arith.constant 0 : i32
    %dma_wait3A_1006 = tpu.memref_slice %arg9[%dma_wait3A_1004, %dma_wait3A_1005] : memref<384x128xf32, #tpu.memory_space<vmem>> -> memref<128x128xf32, #tpu.memory_space<vmem>>
    %dma_wait3A_1007 = arith.constant 0 : i32
    %dma_wait3A_1008 = tpu.memref_slice %arg7[%dma_wait3A_1003, %dma_wait3A_1007] : memref<3x128xi32, #tpu.memory_space<vmem>> -> memref<1x128xi32, #tpu.memory_space<vmem>>
    %dma_wait3A_1009 = tpu.memref_squeeze %dma_wait3A_1008 : memref<1x128xi32, #tpu.memory_space<vmem>> -> memref<128xi32, #tpu.memory_space<vmem>>
    %dma_wait3A_1010 = arith.constant 0 : i32
    %dma_wait3A_1011 = arith.constant 0 : i32
    %dma_wait3A_1012 = tpu.memref_slice %arg2[%dma_wait3A_1010, %dma_wait3A_1011] : memref<810x128xf32, #tpu.memory_space<hbm>> -> memref<810x128xf32, #tpu.memory_space<hbm>>
    tpu.wait_indirect_dma semaphore(%arg11 : memref<!tpu.dma_semaphore, #tpu.memory_space<semaphore_mem>>) src(%dma_wait3A_1012 : memref<810x128xf32, #tpu.memory_space<hbm>>) dst(%dma_wait3A_1006 : memref<128x128xf32, #tpu.memory_space<vmem>>)
    %dma_start3A_1013 = arith.constant 0 : i32
    %dma_start3A_1014 = tpu.memref_slice %arg4[%add3A_4, %dma_start3A_1013] : memref<1327104x128xf32, #tpu.memory_space<hbm>> -> memref<384x128xf32, #tpu.memory_space<hbm>>
    %dma_start3A_1015 = arith.constant 0 : i32
    %dma_start3A_1016 = tpu.memref_slice %arg4[%add3A_4, %dma_start3A_1015] : memref<1327104x128xf32, #tpu.memory_space<hbm>> -> memref<384x128xf32, #tpu.memory_space<hbm>>
    tpu.enqueue_dma source(%arg9 : memref<384x128xf32, #tpu.memory_space<vmem>>) target(%dma_start3A_1016 : memref<384x128xf32, #tpu.memory_space<hbm>>) target_semaphore(%arg13 : memref<!tpu.dma_semaphore, #tpu.memory_space<semaphore_mem>>)
    %mul3A_1017 = arith.constant 41472 : i32
    %mul3A_1018 = arith.muli %add3A, %mul3A_1017 : i32
    %add3A_1019 = arith.constant 384 : i32
    %add3A_1020 = arith.addi %mul3A_1018, %add3A_1019 : i32
    "tpu.region"() ({
      %run_scoped3A = tpu.sem_alloc : memref<!tpu.dma_semaphore, #tpu.memory_space<semaphore_mem>>
      %dma_start3A_2061 = tpu.memref_slice %arg3[%add3A_1020] : memref<1327104xi32, #tpu.memory_space<hbm>> -> memref<384xi32, #tpu.memory_space<hbm>>
      %dma_start3A_2062 = tpu.memref_slice %arg3[%add3A_1020] : memref<1327104xi32, #tpu.memory_space<hbm>> -> memref<384xi32, #tpu.memory_space<hbm>>
      tpu.enqueue_dma source(%dma_start3A_2062 : memref<384xi32, #tpu.memory_space<hbm>>) target(%arg6 : memref<384xi32, #tpu.memory_space<vmem>>) target_semaphore(%run_scoped3A : memref<!tpu.dma_semaphore, #tpu.memory_space<semaphore_mem>>)
      %dma_wait3A_2063 = tpu.memref_slice %arg3[%add3A_1020] : memref<1327104xi32, #tpu.memory_space<hbm>> -> memref<384xi32, #tpu.memory_space<hbm>>
      %dma_wait3A_2064 = tpu.memref_slice %arg3[%add3A_1020] : memref<1327104xi32, #tpu.memory_space<hbm>> -> memref<384xi32, #tpu.memory_space<hbm>>
      tpu.wait_dma2 semaphore(%run_scoped3A : memref<!tpu.dma_semaphore, #tpu.memory_space<semaphore_mem>>) src(%dma_wait3A_2064 : memref<384xi32, #tpu.memory_space<hbm>>) dst(%arg6 : memref<384xi32, #tpu.memory_space<vmem>>)
      tpu.yield
    }) : () -> ()
    %get3A_1021 = arith.constant 0 : index
    %get3A_1022 = tpu.vector_load %arg6[%get3A_1021] {strides = array<i32>} : memref<384xi32, #tpu.memory_space<vmem>>, vector<16xi32>,
    %get3A_1023 = vector.shape_cast %get3A_1022 : vector<16xi32> to vector<16xi32>
    %add3A_1024 = arith.constant 0 : i32
    %add3A_1025 = arith.addi %add3A_1020, %add3A_1024 : i32
    %iota3A_1026 = tpu.iota {dimensions = array<i32: 0>} : vector<16xi32>
    %add3A_1027 = vector.broadcast %add3A_1025 : i32 to vector<16xi32>
    %add3A_1028 = arith.addi %add3A_1027, %iota3A_1026 : vector<16xi32>
    %jit3A_1029 = arith.constant 81 : i32
    %eq3A_1030 = arith.constant 0 : i32
    %eq3A_1031 = arith.cmpi eq, %jit3A_1029, %eq3A_1030 : i32
    %jit3A_1032 = arith.constant 1 : i32
    %select_n3A_1033 = arith.select %eq3A_1031, %jit3A_1032, %jit3A_1029 : i32
    %rem3A_1034 = vector.broadcast %select_n3A_1033 : i32 to vector<16xi32>
    %rem3A_1035 = arith.remsi %add3A_1028, %rem3A_1034 : vector<16xi32>
    %ne3A_1036 = arith.constant 0 : i32
    %ne3A_1037 = vector.broadcast %ne3A_1036 : i32 to vector<16xi32>
    %ne3A_1038 = arith.cmpi ne, %rem3A_1035, %ne3A_1037 : vector<16xi32>
    %lt3A_1039 = arith.constant 0 : i32
    %lt3A_1040 = vector.broadcast %lt3A_1039 : i32 to vector<16xi32>
    %lt3A_1041 = arith.cmpi slt, %rem3A_1035, %lt3A_1040 : vector<16xi32>
    %lt3A_1042 = arith.constant 0 : i32
    %lt3A_1043 = arith.cmpi slt, %select_n3A_1033, %lt3A_1042 : i32
    %ne3A_1044 = vector.broadcast %lt3A_1043 : i1 to vector<16xi1>
    %ne3A_1045 = vector.broadcast %ne3A_1044 : vector<16xi1> to vector<16xi1>
    %ne3A_1046 = arith.xori %lt3A_1041, %ne3A_1045 : vector<16xi1>
    %and3A_1047 = arith.andi %ne3A_1046, %ne3A_1038 : vector<16xi1>
    %add3A_1048 = vector.broadcast %select_n3A_1033 : i32 to vector<16xi32>
    %add3A_1049 = arith.addi %rem3A_1035, %add3A_1048 : vector<16xi32>
    %select_n3A_1050 = arith.select %and3A_1047, %add3A_1049, %rem3A_1035 : vector<16xi1>, vector<16xi32>
    %mul3A_1051 = arith.constant 81 : i32
    %mul3A_1052 = vector.broadcast %mul3A_1051 : i32 to vector<16xi32>
    %mul3A_1053 = arith.muli %get3A_1023, %mul3A_1052 : vector<16xi32>
    %add3A_1054 = arith.addi %mul3A_1053, %select_n3A_1050 : vector<16xi32>
    %swap3A_1055 = arith.constant 0 : i32
    %swap3A_1056 = arith.index_cast %swap3A_1055 : i32 to index
    %swap3A_1057 = arith.constant 0 : index
    %swap3A_1058 = tpu.vector_load %arg8[%swap3A_1056, %swap3A_1057] {strides = array<i32>} : memref<3x128xi32, #tpu.memory_space<vmem>>, vector<1x16xi32>,
    %swap3A_1059 = vector.shape_cast %swap3A_1058 : vector<1x16xi32> to vector<16xi32>
    %swap3A_1060 = vector.shape_cast %add3A_1054 : vector<16xi32> to vector<1x16xi32>
    tpu.vector_store %arg8[%swap3A_1056, %swap3A_1057], %swap3A_1060 {strides = array<i32>} : memref<3x128xi32, #tpu.memory_space<vmem>>, vector<1x16xi32>,
    %get3A_1061 = arith.constant 16 : index
    %get3A_1062 = tpu.vector_load %arg6[%get3A_1061] {strides = array<i32>} : memref<384xi32, #tpu.memory_space<vmem>>, vector<16xi32>,
    %get3A_1063 = vector.shape_cast %get3A_1062 : vector<16xi32> to vector<16xi32>
    %add3A_1064 = arith.constant 16 : i32
    %add3A_1065 = arith.addi %add3A_1020, %add3A_1064 : i32
    %iota3A_1066 = tpu.iota {dimensions = array<i32: 0>} : vector<16xi32>
    %add3A_1067 = vector.broadcast %add3A_1065 : i32 to vector<16xi32>
    %add3A_1068 = arith.addi %add3A_1067, %iota3A_1066 : vector<16xi32>
    %jit3A_1069 = arith.constant 81 : i32
    %eq3A_1070 = arith.constant 0 : i32
    %eq3A_1071 = arith.cmpi eq, %jit3A_1069, %eq3A_1070 : i32
    %jit3A_1072 = arith.constant 1 : i32
    %select_n3A_1073 = arith.select %eq3A_1071, %jit3A_1072, %jit3A_1069 : i32
    %rem3A_1074 = vector.broadcast %select_n3A_1073 : i32 to vector<16xi32>
    %rem3A_1075 = arith.remsi %add3A_1068, %rem3A_1074 : vector<16xi32>
    %ne3A_1076 = arith.constant 0 : i32
    %ne3A_1077 = vector.broadcast %ne3A_1076 : i32 to vector<16xi32>
    %ne3A_1078 = arith.cmpi ne, %rem3A_1075, %ne3A_1077 : vector<16xi32>
    %lt3A_1079 = arith.constant 0 : i32
    %lt3A_1080 = vector.broadcast %lt3A_1079 : i32 to vector<16xi32>
    %lt3A_1081 = arith.cmpi slt, %rem3A_1075, %lt3A_1080 : vector<16xi32>
    %lt3A_1082 = arith.constant 0 : i32
    %lt3A_1083 = arith.cmpi slt, %select_n3A_1073, %lt3A_1082 : i32
    %ne3A_1084 = vector.broadcast %lt3A_1083 : i1 to vector<16xi1>
    %ne3A_1085 = vector.broadcast %ne3A_1084 : vector<16xi1> to vector<16xi1>
    %ne3A_1086 = arith.xori %lt3A_1081, %ne3A_1085 : vector<16xi1>
    %and3A_1087 = arith.andi %ne3A_1086, %ne3A_1078 : vector<16xi1>
    %add3A_1088 = vector.broadcast %select_n3A_1073 : i32 to vector<16xi32>
    %add3A_1089 = arith.addi %rem3A_1075, %add3A_1088 : vector<16xi32>
    %select_n3A_1090 = arith.select %and3A_1087, %add3A_1089, %rem3A_1075 : vector<16xi1>, vector<16xi32>
    %mul3A_1091 = arith.constant 81 : i32
    %mul3A_1092 = vector.broadcast %mul3A_1091 : i32 to vector<16xi32>
    %mul3A_1093 = arith.muli %get3A_1063, %mul3A_1092 : vector<16xi32>
    %add3A_1094 = arith.addi %mul3A_1093, %select_n3A_1090 : vector<16xi32>
    %swap3A_1095 = arith.constant 0 : i32
    %swap3A_1096 = arith.index_cast %swap3A_1095 : i32 to index
    %swap3A_1097 = arith.constant 16 : index
    %swap3A_1098 = tpu.vector_load %arg8[%swap3A_1096, %swap3A_1097] {strides = array<i32>} : memref<3x128xi32, #tpu.memory_space<vmem>>, vector<1x16xi32>,
    %swap3A_1099 = vector.shape_cast %swap3A_1098 : vector<1x16xi32> to vector<16xi32>
    %swap3A_1100 = vector.shape_cast %add3A_1094 : vector<16xi32> to vector<1x16xi32>
    tpu.vector_store %arg8[%swap3A_1096, %swap3A_1097], %swap3A_1100 {strides = array<i32>} : memref<3x128xi32, #tpu.memory_space<vmem>>, vector<1x16xi32>,
    %get3A_1101 = arith.constant 32 : index
    %get3A_1102 = tpu.vector_load %arg6[%get3A_1101] {strides = array<i32>} : memref<384xi32, #tpu.memory_space<vmem>>, vector<16xi32>,
    %get3A_1103 = vector.shape_cast %get3A_1102 : vector<16xi32> to vector<16xi32>
    %add3A_1104 = arith.constant 32 : i32
    %add3A_1105 = arith.addi %add3A_1020, %add3A_1104 : i32
    %iota3A_1106 = tpu.iota {dimensions = array<i32: 0>} : vector<16xi32>
    %add3A_1107 = vector.broadcast %add3A_1105 : i32 to vector<16xi32>
    %add3A_1108 = arith.addi %add3A_1107, %iota3A_1106 : vector<16xi32>
    %jit3A_1109 = arith.constant 81 : i32
    %eq3A_1110 = arith.constant 0 : i32
    %eq3A_1111 = arith.cmpi eq, %jit3A_1109, %eq3A_1110 : i32
    %jit3A_1112 = arith.constant 1 : i32
    %select_n3A_1113 = arith.select %eq3A_1111, %jit3A_1112, %jit3A_1109 : i32
    %rem3A_1114 = vector.broadcast %select_n3A_1113 : i32 to vector<16xi32>
    %rem3A_1115 = arith.remsi %add3A_1108, %rem3A_1114 : vector<16xi32>
    %ne3A_1116 = arith.constant 0 : i32
    %ne3A_1117 = vector.broadcast %ne3A_1116 : i32 to vector<16xi32>
    %ne3A_1118 = arith.cmpi ne, %rem3A_1115, %ne3A_1117 : vector<16xi32>
    %lt3A_1119 = arith.constant 0 : i32
    %lt3A_1120 = vector.broadcast %lt3A_1119 : i32 to vector<16xi32>
    %lt3A_1121 = arith.cmpi slt, %rem3A_1115, %lt3A_1120 : vector<16xi32>
    %lt3A_1122 = arith.constant 0 : i32
    %lt3A_1123 = arith.cmpi slt, %select_n3A_1113, %lt3A_1122 : i32
    %ne3A_1124 = vector.broadcast %lt3A_1123 : i1 to vector<16xi1>
    %ne3A_1125 = vector.broadcast %ne3A_1124 : vector<16xi1> to vector<16xi1>
    %ne3A_1126 = arith.xori %lt3A_1121, %ne3A_1125 : vector<16xi1>
    %and3A_1127 = arith.andi %ne3A_1126, %ne3A_1118 : vector<16xi1>
    %add3A_1128 = vector.broadcast %select_n3A_1113 : i32 to vector<16xi32>
    %add3A_1129 = arith.addi %rem3A_1115, %add3A_1128 : vector<16xi32>
    %select_n3A_1130 = arith.select %and3A_1127, %add3A_1129, %rem3A_1115 : vector<16xi1>, vector<16xi32>
    %mul3A_1131 = arith.constant 81 : i32
    %mul3A_1132 = vector.broadcast %mul3A_1131 : i32 to vector<16xi32>
    %mul3A_1133 = arith.muli %get3A_1103, %mul3A_1132 : vector<16xi32>
    %add3A_1134 = arith.addi %mul3A_1133, %select_n3A_1130 : vector<16xi32>
    %swap3A_1135 = arith.constant 0 : i32
    %swap3A_1136 = arith.index_cast %swap3A_1135 : i32 to index
    %swap3A_1137 = arith.constant 32 : index
    %swap3A_1138 = tpu.vector_load %arg8[%swap3A_1136, %swap3A_1137] {strides = array<i32>} : memref<3x128xi32, #tpu.memory_space<vmem>>, vector<1x16xi32>,
    %swap3A_1139 = vector.shape_cast %swap3A_1138 : vector<1x16xi32> to vector<16xi32>
    %swap3A_1140 = vector.shape_cast %add3A_1134 : vector<16xi32> to vector<1x16xi32>
    tpu.vector_store %arg8[%swap3A_1136, %swap3A_1137], %swap3A_1140 {strides = array<i32>} : memref<3x128xi32, #tpu.memory_space<vmem>>, vector<1x16xi32>,
    %get3A_1141 = arith.constant 48 : index
    %get3A_1142 = tpu.vector_load %arg6[%get3A_1141] {strides = array<i32>} : memref<384xi32, #tpu.memory_space<vmem>>, vector<16xi32>,
    %get3A_1143 = vector.shape_cast %get3A_1142 : vector<16xi32> to vector<16xi32>
    %add3A_1144 = arith.constant 48 : i32
    %add3A_1145 = arith.addi %add3A_1020, %add3A_1144 : i32
    %iota3A_1146 = tpu.iota {dimensions = array<i32: 0>} : vector<16xi32>
    %add3A_1147 = vector.broadcast %add3A_1145 : i32 to vector<16xi32>
    %add3A_1148 = arith.addi %add3A_1147, %iota3A_1146 : vector<16xi32>
    %jit3A_1149 = arith.constant 81 : i32
    %eq3A_1150 = arith.constant 0 : i32
    %eq3A_1151 = arith.cmpi eq, %jit3A_1149, %eq3A_1150 : i32
    %jit3A_1152 = arith.constant 1 : i32
    %select_n3A_1153 = arith.select %eq3A_1151, %jit3A_1152, %jit3A_1149 : i32
    %rem3A_1154 = vector.broadcast %select_n3A_1153 : i32 to vector<16xi32>
    %rem3A_1155 = arith.remsi %add3A_1148, %rem3A_1154 : vector<16xi32>
    %ne3A_1156 = arith.constant 0 : i32
    %ne3A_1157 = vector.broadcast %ne3A_1156 : i32 to vector<16xi32>
    %ne3A_1158 = arith.cmpi ne, %rem3A_1155, %ne3A_1157 : vector<16xi32>
    %lt3A_1159 = arith.constant 0 : i32
    %lt3A_1160 = vector.broadcast %lt3A_1159 : i32 to vector<16xi32>
    %lt3A_1161 = arith.cmpi slt, %rem3A_1155, %lt3A_1160 : vector<16xi32>
    %lt3A_1162 = arith.constant 0 : i32
    %lt3A_1163 = arith.cmpi slt, %select_n3A_1153, %lt3A_1162 : i32
    %ne3A_1164 = vector.broadcast %lt3A_1163 : i1 to vector<16xi1>
    %ne3A_1165 = vector.broadcast %ne3A_1164 : vector<16xi1> to vector<16xi1>
    %ne3A_1166 = arith.xori %lt3A_1161, %ne3A_1165 : vector<16xi1>
    %and3A_1167 = arith.andi %ne3A_1166, %ne3A_1158 : vector<16xi1>
    %add3A_1168 = vector.broadcast %select_n3A_1153 : i32 to vector<16xi32>
    %add3A_1169 = arith.addi %rem3A_1155, %add3A_1168 : vector<16xi32>
    %select_n3A_1170 = arith.select %and3A_1167, %add3A_1169, %rem3A_1155 : vector<16xi1>, vector<16xi32>
    %mul3A_1171 = arith.constant 81 : i32
    %mul3A_1172 = vector.broadcast %mul3A_1171 : i32 to vector<16xi32>
    %mul3A_1173 = arith.muli %get3A_1143, %mul3A_1172 : vector<16xi32>
    %add3A_1174 = arith.addi %mul3A_1173, %select_n3A_1170 : vector<16xi32>
    %swap3A_1175 = arith.constant 0 : i32
    %swap3A_1176 = arith.index_cast %swap3A_1175 : i32 to index
    %swap3A_1177 = arith.constant 48 : index
    %swap3A_1178 = tpu.vector_load %arg8[%swap3A_1176, %swap3A_1177] {strides = array<i32>} : memref<3x128xi32, #tpu.memory_space<vmem>>, vector<1x16xi32>,
    %swap3A_1179 = vector.shape_cast %swap3A_1178 : vector<1x16xi32> to vector<16xi32>
    %swap3A_1180 = vector.shape_cast %add3A_1174 : vector<16xi32> to vector<1x16xi32>
    tpu.vector_store %arg8[%swap3A_1176, %swap3A_1177], %swap3A_1180 {strides = array<i32>} : memref<3x128xi32, #tpu.memory_space<vmem>>, vector<1x16xi32>,
    %get3A_1181 = arith.constant 64 : index
    %get3A_1182 = tpu.vector_load %arg6[%get3A_1181] {strides = array<i32>} : memref<384xi32, #tpu.memory_space<vmem>>, vector<16xi32>,
    %get3A_1183 = vector.shape_cast %get3A_1182 : vector<16xi32> to vector<16xi32>
    %add3A_1184 = arith.constant 64 : i32
    %add3A_1185 = arith.addi %add3A_1020, %add3A_1184 : i32
    %iota3A_1186 = tpu.iota {dimensions = array<i32: 0>} : vector<16xi32>
    %add3A_1187 = vector.broadcast %add3A_1185 : i32 to vector<16xi32>
    %add3A_1188 = arith.addi %add3A_1187, %iota3A_1186 : vector<16xi32>
    %jit3A_1189 = arith.constant 81 : i32
    %eq3A_1190 = arith.constant 0 : i32
    %eq3A_1191 = arith.cmpi eq, %jit3A_1189, %eq3A_1190 : i32
    %jit3A_1192 = arith.constant 1 : i32
    %select_n3A_1193 = arith.select %eq3A_1191, %jit3A_1192, %jit3A_1189 : i32
    %rem3A_1194 = vector.broadcast %select_n3A_1193 : i32 to vector<16xi32>
    %rem3A_1195 = arith.remsi %add3A_1188, %rem3A_1194 : vector<16xi32>
    %ne3A_1196 = arith.constant 0 : i32
    %ne3A_1197 = vector.broadcast %ne3A_1196 : i32 to vector<16xi32>
    %ne3A_1198 = arith.cmpi ne, %rem3A_1195, %ne3A_1197 : vector<16xi32>
    %lt3A_1199 = arith.constant 0 : i32
    %lt3A_1200 = vector.broadcast %lt3A_1199 : i32 to vector<16xi32>
    %lt3A_1201 = arith.cmpi slt, %rem3A_1195, %lt3A_1200 : vector<16xi32>
    %lt3A_1202 = arith.constant 0 : i32
    %lt3A_1203 = arith.cmpi slt, %select_n3A_1193, %lt3A_1202 : i32
    %ne3A_1204 = vector.broadcast %lt3A_1203 : i1 to vector<16xi1>
    %ne3A_1205 = vector.broadcast %ne3A_1204 : vector<16xi1> to vector<16xi1>
    %ne3A_1206 = arith.xori %lt3A_1201, %ne3A_1205 : vector<16xi1>
    %and3A_1207 = arith.andi %ne3A_1206, %ne3A_1198 : vector<16xi1>
    %add3A_1208 = vector.broadcast %select_n3A_1193 : i32 to vector<16xi32>
    %add3A_1209 = arith.addi %rem3A_1195, %add3A_1208 : vector<16xi32>
    %select_n3A_1210 = arith.select %and3A_1207, %add3A_1209, %rem3A_1195 : vector<16xi1>, vector<16xi32>
    %mul3A_1211 = arith.constant 81 : i32
    %mul3A_1212 = vector.broadcast %mul3A_1211 : i32 to vector<16xi32>
    %mul3A_1213 = arith.muli %get3A_1183, %mul3A_1212 : vector<16xi32>
    %add3A_1214 = arith.addi %mul3A_1213, %select_n3A_1210 : vector<16xi32>
    %swap3A_1215 = arith.constant 0 : i32
    %swap3A_1216 = arith.index_cast %swap3A_1215 : i32 to index
    %swap3A_1217 = arith.constant 64 : index
    %swap3A_1218 = tpu.vector_load %arg8[%swap3A_1216, %swap3A_1217] {strides = array<i32>} : memref<3x128xi32, #tpu.memory_space<vmem>>, vector<1x16xi32>,
    %swap3A_1219 = vector.shape_cast %swap3A_1218 : vector<1x16xi32> to vector<16xi32>
    %swap3A_1220 = vector.shape_cast %add3A_1214 : vector<16xi32> to vector<1x16xi32>
    tpu.vector_store %arg8[%swap3A_1216, %swap3A_1217], %swap3A_1220 {strides = array<i32>} : memref<3x128xi32, #tpu.memory_space<vmem>>, vector<1x16xi32>,
    %get3A_1221 = arith.constant 80 : index
    %get3A_1222 = tpu.vector_load %arg6[%get3A_1221] {strides = array<i32>} : memref<384xi32, #tpu.memory_space<vmem>>, vector<16xi32>,
    %get3A_1223 = vector.shape_cast %get3A_1222 : vector<16xi32> to vector<16xi32>
    %add3A_1224 = arith.constant 80 : i32
    %add3A_1225 = arith.addi %add3A_1020, %add3A_1224 : i32
    %iota3A_1226 = tpu.iota {dimensions = array<i32: 0>} : vector<16xi32>
    %add3A_1227 = vector.broadcast %add3A_1225 : i32 to vector<16xi32>
    %add3A_1228 = arith.addi %add3A_1227, %iota3A_1226 : vector<16xi32>
    %jit3A_1229 = arith.constant 81 : i32
    %eq3A_1230 = arith.constant 0 : i32
    %eq3A_1231 = arith.cmpi eq, %jit3A_1229, %eq3A_1230 : i32
    %jit3A_1232 = arith.constant 1 : i32
    %select_n3A_1233 = arith.select %eq3A_1231, %jit3A_1232, %jit3A_1229 : i32
    %rem3A_1234 = vector.broadcast %select_n3A_1233 : i32 to vector<16xi32>
    %rem3A_1235 = arith.remsi %add3A_1228, %rem3A_1234 : vector<16xi32>
    %ne3A_1236 = arith.constant 0 : i32
    %ne3A_1237 = vector.broadcast %ne3A_1236 : i32 to vector<16xi32>
    %ne3A_1238 = arith.cmpi ne, %rem3A_1235, %ne3A_1237 : vector<16xi32>
    %lt3A_1239 = arith.constant 0 : i32
    %lt3A_1240 = vector.broadcast %lt3A_1239 : i32 to vector<16xi32>
    %lt3A_1241 = arith.cmpi slt, %rem3A_1235, %lt3A_1240 : vector<16xi32>
    %lt3A_1242 = arith.constant 0 : i32
    %lt3A_1243 = arith.cmpi slt, %select_n3A_1233, %lt3A_1242 : i32
    %ne3A_1244 = vector.broadcast %lt3A_1243 : i1 to vector<16xi1>
    %ne3A_1245 = vector.broadcast %ne3A_1244 : vector<16xi1> to vector<16xi1>
    %ne3A_1246 = arith.xori %lt3A_1241, %ne3A_1245 : vector<16xi1>
    %and3A_1247 = arith.andi %ne3A_1246, %ne3A_1238 : vector<16xi1>
    %add3A_1248 = vector.broadcast %select_n3A_1233 : i32 to vector<16xi32>
    %add3A_1249 = arith.addi %rem3A_1235, %add3A_1248 : vector<16xi32>
    %select_n3A_1250 = arith.select %and3A_1247, %add3A_1249, %rem3A_1235 : vector<16xi1>, vector<16xi32>
    %mul3A_1251 = arith.constant 81 : i32
    %mul3A_1252 = vector.broadcast %mul3A_1251 : i32 to vector<16xi32>
    %mul3A_1253 = arith.muli %get3A_1223, %mul3A_1252 : vector<16xi32>
    %add3A_1254 = arith.addi %mul3A_1253, %select_n3A_1250 : vector<16xi32>
    %swap3A_1255 = arith.constant 0 : i32
    %swap3A_1256 = arith.index_cast %swap3A_1255 : i32 to index
    %swap3A_1257 = arith.constant 80 : index
    %swap3A_1258 = tpu.vector_load %arg8[%swap3A_1256, %swap3A_1257] {strides = array<i32>} : memref<3x128xi32, #tpu.memory_space<vmem>>, vector<1x16xi32>,
    %swap3A_1259 = vector.shape_cast %swap3A_1258 : vector<1x16xi32> to vector<16xi32>
    %swap3A_1260 = vector.shape_cast %add3A_1254 : vector<16xi32> to vector<1x16xi32>
    tpu.vector_store %arg8[%swap3A_1256, %swap3A_1257], %swap3A_1260 {strides = array<i32>} : memref<3x128xi32, #tpu.memory_space<vmem>>, vector<1x16xi32>,
    %get3A_1261 = arith.constant 96 : index
    %get3A_1262 = tpu.vector_load %arg6[%get3A_1261] {strides = array<i32>} : memref<384xi32, #tpu.memory_space<vmem>>, vector<16xi32>,
    %get3A_1263 = vector.shape_cast %get3A_1262 : vector<16xi32> to vector<16xi32>
    %add3A_1264 = arith.constant 96 : i32
    %add3A_1265 = arith.addi %add3A_1020, %add3A_1264 : i32
    %iota3A_1266 = tpu.iota {dimensions = array<i32: 0>} : vector<16xi32>
    %add3A_1267 = vector.broadcast %add3A_1265 : i32 to vector<16xi32>
    %add3A_1268 = arith.addi %add3A_1267, %iota3A_1266 : vector<16xi32>
    %jit3A_1269 = arith.constant 81 : i32
    %eq3A_1270 = arith.constant 0 : i32
    %eq3A_1271 = arith.cmpi eq, %jit3A_1269, %eq3A_1270 : i32
    %jit3A_1272 = arith.constant 1 : i32
    %select_n3A_1273 = arith.select %eq3A_1271, %jit3A_1272, %jit3A_1269 : i32
    %rem3A_1274 = vector.broadcast %select_n3A_1273 : i32 to vector<16xi32>
    %rem3A_1275 = arith.remsi %add3A_1268, %rem3A_1274 : vector<16xi32>
    %ne3A_1276 = arith.constant 0 : i32
    %ne3A_1277 = vector.broadcast %ne3A_1276 : i32 to vector<16xi32>
    %ne3A_1278 = arith.cmpi ne, %rem3A_1275, %ne3A_1277 : vector<16xi32>
    %lt3A_1279 = arith.constant 0 : i32
    %lt3A_1280 = vector.broadcast %lt3A_1279 : i32 to vector<16xi32>
    %lt3A_1281 = arith.cmpi slt, %rem3A_1275, %lt3A_1280 : vector<16xi32>
    %lt3A_1282 = arith.constant 0 : i32
    %lt3A_1283 = arith.cmpi slt, %select_n3A_1273, %lt3A_1282 : i32
    %ne3A_1284 = vector.broadcast %lt3A_1283 : i1 to vector<16xi1>
    %ne3A_1285 = vector.broadcast %ne3A_1284 : vector<16xi1> to vector<16xi1>
    %ne3A_1286 = arith.xori %lt3A_1281, %ne3A_1285 : vector<16xi1>
    %and3A_1287 = arith.andi %ne3A_1286, %ne3A_1278 : vector<16xi1>
    %add3A_1288 = vector.broadcast %select_n3A_1273 : i32 to vector<16xi32>
    %add3A_1289 = arith.addi %rem3A_1275, %add3A_1288 : vector<16xi32>
    %select_n3A_1290 = arith.select %and3A_1287, %add3A_1289, %rem3A_1275 : vector<16xi1>, vector<16xi32>
    %mul3A_1291 = arith.constant 81 : i32
    %mul3A_1292 = vector.broadcast %mul3A_1291 : i32 to vector<16xi32>
    %mul3A_1293 = arith.muli %get3A_1263, %mul3A_1292 : vector<16xi32>
    %add3A_1294 = arith.addi %mul3A_1293, %select_n3A_1290 : vector<16xi32>
    %swap3A_1295 = arith.constant 0 : i32
    %swap3A_1296 = arith.index_cast %swap3A_1295 : i32 to index
    %swap3A_1297 = arith.constant 96 : index
    %swap3A_1298 = tpu.vector_load %arg8[%swap3A_1296, %swap3A_1297] {strides = array<i32>} : memref<3x128xi32, #tpu.memory_space<vmem>>, vector<1x16xi32>,
    %swap3A_1299 = vector.shape_cast %swap3A_1298 : vector<1x16xi32> to vector<16xi32>
    %swap3A_1300 = vector.shape_cast %add3A_1294 : vector<16xi32> to vector<1x16xi32>
    tpu.vector_store %arg8[%swap3A_1296, %swap3A_1297], %swap3A_1300 {strides = array<i32>} : memref<3x128xi32, #tpu.memory_space<vmem>>, vector<1x16xi32>,
    %get3A_1301 = arith.constant 112 : index
    %get3A_1302 = tpu.vector_load %arg6[%get3A_1301] {strides = array<i32>} : memref<384xi32, #tpu.memory_space<vmem>>, vector<16xi32>,
    %get3A_1303 = vector.shape_cast %get3A_1302 : vector<16xi32> to vector<16xi32>
    %add3A_1304 = arith.constant 112 : i32
    %add3A_1305 = arith.addi %add3A_1020, %add3A_1304 : i32
    %iota3A_1306 = tpu.iota {dimensions = array<i32: 0>} : vector<16xi32>
    %add3A_1307 = vector.broadcast %add3A_1305 : i32 to vector<16xi32>
    %add3A_1308 = arith.addi %add3A_1307, %iota3A_1306 : vector<16xi32>
    %jit3A_1309 = arith.constant 81 : i32
    %eq3A_1310 = arith.constant 0 : i32
    %eq3A_1311 = arith.cmpi eq, %jit3A_1309, %eq3A_1310 : i32
    %jit3A_1312 = arith.constant 1 : i32
    %select_n3A_1313 = arith.select %eq3A_1311, %jit3A_1312, %jit3A_1309 : i32
    %rem3A_1314 = vector.broadcast %select_n3A_1313 : i32 to vector<16xi32>
    %rem3A_1315 = arith.remsi %add3A_1308, %rem3A_1314 : vector<16xi32>
    %ne3A_1316 = arith.constant 0 : i32
    %ne3A_1317 = vector.broadcast %ne3A_1316 : i32 to vector<16xi32>
    %ne3A_1318 = arith.cmpi ne, %rem3A_1315, %ne3A_1317 : vector<16xi32>
    %lt3A_1319 = arith.constant 0 : i32
    %lt3A_1320 = vector.broadcast %lt3A_1319 : i32 to vector<16xi32>
    %lt3A_1321 = arith.cmpi slt, %rem3A_1315, %lt3A_1320 : vector<16xi32>
    %lt3A_1322 = arith.constant 0 : i32
    %lt3A_1323 = arith.cmpi slt, %select_n3A_1313, %lt3A_1322 : i32
    %ne3A_1324 = vector.broadcast %lt3A_1323 : i1 to vector<16xi1>
    %ne3A_1325 = vector.broadcast %ne3A_1324 : vector<16xi1> to vector<16xi1>
    %ne3A_1326 = arith.xori %lt3A_1321, %ne3A_1325 : vector<16xi1>
    %and3A_1327 = arith.andi %ne3A_1326, %ne3A_1318 : vector<16xi1>
    %add3A_1328 = vector.broadcast %select_n3A_1313 : i32 to vector<16xi32>
    %add3A_1329 = arith.addi %rem3A_1315, %add3A_1328 : vector<16xi32>
    %select_n3A_1330 = arith.select %and3A_1327, %add3A_1329, %rem3A_1315 : vector<16xi1>, vector<16xi32>
    %mul3A_1331 = arith.constant 81 : i32
    %mul3A_1332 = vector.broadcast %mul3A_1331 : i32 to vector<16xi32>
    %mul3A_1333 = arith.muli %get3A_1303, %mul3A_1332 : vector<16xi32>
    %add3A_1334 = arith.addi %mul3A_1333, %select_n3A_1330 : vector<16xi32>
    %swap3A_1335 = arith.constant 0 : i32
    %swap3A_1336 = arith.index_cast %swap3A_1335 : i32 to index
    %swap3A_1337 = arith.constant 112 : index
    %swap3A_1338 = tpu.vector_load %arg8[%swap3A_1336, %swap3A_1337] {strides = array<i32>} : memref<3x128xi32, #tpu.memory_space<vmem>>, vector<1x16xi32>,
    %swap3A_1339 = vector.shape_cast %swap3A_1338 : vector<1x16xi32> to vector<16xi32>
    %swap3A_1340 = vector.shape_cast %add3A_1334 : vector<16xi32> to vector<1x16xi32>
    tpu.vector_store %arg8[%swap3A_1336, %swap3A_1337], %swap3A_1340 {strides = array<i32>} : memref<3x128xi32, #tpu.memory_space<vmem>>, vector<1x16xi32>,
    %get3A_1341 = arith.constant 128 : index
    %get3A_1342 = tpu.vector_load %arg6[%get3A_1341] {strides = array<i32>} : memref<384xi32, #tpu.memory_space<vmem>>, vector<16xi32>,
    %get3A_1343 = vector.shape_cast %get3A_1342 : vector<16xi32> to vector<16xi32>
    %add3A_1344 = arith.constant 128 : i32
    %add3A_1345 = arith.addi %add3A_1020, %add3A_1344 : i32
    %iota3A_1346 = tpu.iota {dimensions = array<i32: 0>} : vector<16xi32>
    %add3A_1347 = vector.broadcast %add3A_1345 : i32 to vector<16xi32>
    %add3A_1348 = arith.addi %add3A_1347, %iota3A_1346 : vector<16xi32>
    %jit3A_1349 = arith.constant 81 : i32
    %eq3A_1350 = arith.constant 0 : i32
    %eq3A_1351 = arith.cmpi eq, %jit3A_1349, %eq3A_1350 : i32
    %jit3A_1352 = arith.constant 1 : i32
    %select_n3A_1353 = arith.select %eq3A_1351, %jit3A_1352, %jit3A_1349 : i32
    %rem3A_1354 = vector.broadcast %select_n3A_1353 : i32 to vector<16xi32>
    %rem3A_1355 = arith.remsi %add3A_1348, %rem3A_1354 : vector<16xi32>
    %ne3A_1356 = arith.constant 0 : i32
    %ne3A_1357 = vector.broadcast %ne3A_1356 : i32 to vector<16xi32>
    %ne3A_1358 = arith.cmpi ne, %rem3A_1355, %ne3A_1357 : vector<16xi32>
    %lt3A_1359 = arith.constant 0 : i32
    %lt3A_1360 = vector.broadcast %lt3A_1359 : i32 to vector<16xi32>
    %lt3A_1361 = arith.cmpi slt, %rem3A_1355, %lt3A_1360 : vector<16xi32>
    %lt3A_1362 = arith.constant 0 : i32
    %lt3A_1363 = arith.cmpi slt, %select_n3A_1353, %lt3A_1362 : i32
    %ne3A_1364 = vector.broadcast %lt3A_1363 : i1 to vector<16xi1>
    %ne3A_1365 = vector.broadcast %ne3A_1364 : vector<16xi1> to vector<16xi1>
    %ne3A_1366 = arith.xori %lt3A_1361, %ne3A_1365 : vector<16xi1>
    %and3A_1367 = arith.andi %ne3A_1366, %ne3A_1358 : vector<16xi1>
    %add3A_1368 = vector.broadcast %select_n3A_1353 : i32 to vector<16xi32>
    %add3A_1369 = arith.addi %rem3A_1355, %add3A_1368 : vector<16xi32>
    %select_n3A_1370 = arith.select %and3A_1367, %add3A_1369, %rem3A_1355 : vector<16xi1>, vector<16xi32>
    %mul3A_1371 = arith.constant 81 : i32
    %mul3A_1372 = vector.broadcast %mul3A_1371 : i32 to vector<16xi32>
    %mul3A_1373 = arith.muli %get3A_1343, %mul3A_1372 : vector<16xi32>
    %add3A_1374 = arith.addi %mul3A_1373, %select_n3A_1370 : vector<16xi32>
    %swap3A_1375 = arith.constant 1 : i32
    %swap3A_1376 = arith.index_cast %swap3A_1375 : i32 to index
    %swap3A_1377 = arith.constant 0 : index
    %swap3A_1378 = tpu.vector_load %arg8[%swap3A_1376, %swap3A_1377] {strides = array<i32>} : memref<3x128xi32, #tpu.memory_space<vmem>>, vector<1x16xi32>,
    %swap3A_1379 = vector.shape_cast %swap3A_1378 : vector<1x16xi32> to vector<16xi32>
    %swap3A_1380 = vector.shape_cast %add3A_1374 : vector<16xi32> to vector<1x16xi32>
    tpu.vector_store %arg8[%swap3A_1376, %swap3A_1377], %swap3A_1380 {strides = array<i32>} : memref<3x128xi32, #tpu.memory_space<vmem>>, vector<1x16xi32>,
    %get3A_1381 = arith.constant 144 : index
    %get3A_1382 = tpu.vector_load %arg6[%get3A_1381] {strides = array<i32>} : memref<384xi32, #tpu.memory_space<vmem>>, vector<16xi32>,
    %get3A_1383 = vector.shape_cast %get3A_1382 : vector<16xi32> to vector<16xi32>
    %add3A_1384 = arith.constant 144 : i32
    %add3A_1385 = arith.addi %add3A_1020, %add3A_1384 : i32
    %iota3A_1386 = tpu.iota {dimensions = array<i32: 0>} : vector<16xi32>
    %add3A_1387 = vector.broadcast %add3A_1385 : i32 to vector<16xi32>
    %add3A_1388 = arith.addi %add3A_1387, %iota3A_1386 : vector<16xi32>
    %jit3A_1389 = arith.constant 81 : i32
    %eq3A_1390 = arith.constant 0 : i32
    %eq3A_1391 = arith.cmpi eq, %jit3A_1389, %eq3A_1390 : i32
    %jit3A_1392 = arith.constant 1 : i32
    %select_n3A_1393 = arith.select %eq3A_1391, %jit3A_1392, %jit3A_1389 : i32
    %rem3A_1394 = vector.broadcast %select_n3A_1393 : i32 to vector<16xi32>
    %rem3A_1395 = arith.remsi %add3A_1388, %rem3A_1394 : vector<16xi32>
    %ne3A_1396 = arith.constant 0 : i32
    %ne3A_1397 = vector.broadcast %ne3A_1396 : i32 to vector<16xi32>
    %ne3A_1398 = arith.cmpi ne, %rem3A_1395, %ne3A_1397 : vector<16xi32>
    %lt3A_1399 = arith.constant 0 : i32
    %lt3A_1400 = vector.broadcast %lt3A_1399 : i32 to vector<16xi32>
    %lt3A_1401 = arith.cmpi slt, %rem3A_1395, %lt3A_1400 : vector<16xi32>
    %lt3A_1402 = arith.constant 0 : i32
    %lt3A_1403 = arith.cmpi slt, %select_n3A_1393, %lt3A_1402 : i32
    %ne3A_1404 = vector.broadcast %lt3A_1403 : i1 to vector<16xi1>
    %ne3A_1405 = vector.broadcast %ne3A_1404 : vector<16xi1> to vector<16xi1>
    %ne3A_1406 = arith.xori %lt3A_1401, %ne3A_1405 : vector<16xi1>
    %and3A_1407 = arith.andi %ne3A_1406, %ne3A_1398 : vector<16xi1>
    %add3A_1408 = vector.broadcast %select_n3A_1393 : i32 to vector<16xi32>
    %add3A_1409 = arith.addi %rem3A_1395, %add3A_1408 : vector<16xi32>
    %select_n3A_1410 = arith.select %and3A_1407, %add3A_1409, %rem3A_1395 : vector<16xi1>, vector<16xi32>
    %mul3A_1411 = arith.constant 81 : i32
    %mul3A_1412 = vector.broadcast %mul3A_1411 : i32 to vector<16xi32>
    %mul3A_1413 = arith.muli %get3A_1383, %mul3A_1412 : vector<16xi32>
    %add3A_1414 = arith.addi %mul3A_1413, %select_n3A_1410 : vector<16xi32>
    %swap3A_1415 = arith.constant 1 : i32
    %swap3A_1416 = arith.index_cast %swap3A_1415 : i32 to index
    %swap3A_1417 = arith.constant 16 : index
    %swap3A_1418 = tpu.vector_load %arg8[%swap3A_1416, %swap3A_1417] {strides = array<i32>} : memref<3x128xi32, #tpu.memory_space<vmem>>, vector<1x16xi32>,
    %swap3A_1419 = vector.shape_cast %swap3A_1418 : vector<1x16xi32> to vector<16xi32>
    %swap3A_1420 = vector.shape_cast %add3A_1414 : vector<16xi32> to vector<1x16xi32>
    tpu.vector_store %arg8[%swap3A_1416, %swap3A_1417], %swap3A_1420 {strides = array<i32>} : memref<3x128xi32, #tpu.memory_space<vmem>>, vector<1x16xi32>,
    %get3A_1421 = arith.constant 160 : index
    %get3A_1422 = tpu.vector_load %arg6[%get3A_1421] {strides = array<i32>} : memref<384xi32, #tpu.memory_space<vmem>>, vector<16xi32>,
    %get3A_1423 = vector.shape_cast %get3A_1422 : vector<16xi32> to vector<16xi32>
    %add3A_1424 = arith.constant 160 : i32
    %add3A_1425 = arith.addi %add3A_1020, %add3A_1424 : i32
    %iota3A_1426 = tpu.iota {dimensions = array<i32: 0>} : vector<16xi32>
    %add3A_1427 = vector.broadcast %add3A_1425 : i32 to vector<16xi32>
    %add3A_1428 = arith.addi %add3A_1427, %iota3A_1426 : vector<16xi32>
    %jit3A_1429 = arith.constant 81 : i32
    %eq3A_1430 = arith.constant 0 : i32
    %eq3A_1431 = arith.cmpi eq, %jit3A_1429, %eq3A_1430 : i32
    %jit3A_1432 = arith.constant 1 : i32
    %select_n3A_1433 = arith.select %eq3A_1431, %jit3A_1432, %jit3A_1429 : i32
    %rem3A_1434 = vector.broadcast %select_n3A_1433 : i32 to vector<16xi32>
    %rem3A_1435 = arith.remsi %add3A_1428, %rem3A_1434 : vector<16xi32>
    %ne3A_1436 = arith.constant 0 : i32
    %ne3A_1437 = vector.broadcast %ne3A_1436 : i32 to vector<16xi32>
    %ne3A_1438 = arith.cmpi ne, %rem3A_1435, %ne3A_1437 : vector<16xi32>
    %lt3A_1439 = arith.constant 0 : i32
    %lt3A_1440 = vector.broadcast %lt3A_1439 : i32 to vector<16xi32>
    %lt3A_1441 = arith.cmpi slt, %rem3A_1435, %lt3A_1440 : vector<16xi32>
    %lt3A_1442 = arith.constant 0 : i32
    %lt3A_1443 = arith.cmpi slt, %select_n3A_1433, %lt3A_1442 : i32
    %ne3A_1444 = vector.broadcast %lt3A_1443 : i1 to vector<16xi1>
    %ne3A_1445 = vector.broadcast %ne3A_1444 : vector<16xi1> to vector<16xi1>
    %ne3A_1446 = arith.xori %lt3A_1441, %ne3A_1445 : vector<16xi1>
    %and3A_1447 = arith.andi %ne3A_1446, %ne3A_1438 : vector<16xi1>
    %add3A_1448 = vector.broadcast %select_n3A_1433 : i32 to vector<16xi32>
    %add3A_1449 = arith.addi %rem3A_1435, %add3A_1448 : vector<16xi32>
    %select_n3A_1450 = arith.select %and3A_1447, %add3A_1449, %rem3A_1435 : vector<16xi1>, vector<16xi32>
    %mul3A_1451 = arith.constant 81 : i32
    %mul3A_1452 = vector.broadcast %mul3A_1451 : i32 to vector<16xi32>
    %mul3A_1453 = arith.muli %get3A_1423, %mul3A_1452 : vector<16xi32>
    %add3A_1454 = arith.addi %mul3A_1453, %select_n3A_1450 : vector<16xi32>
    %swap3A_1455 = arith.constant 1 : i32
    %swap3A_1456 = arith.index_cast %swap3A_1455 : i32 to index
    %swap3A_1457 = arith.constant 32 : index
    %swap3A_1458 = tpu.vector_load %arg8[%swap3A_1456, %swap3A_1457] {strides = array<i32>} : memref<3x128xi32, #tpu.memory_space<vmem>>, vector<1x16xi32>,
    %swap3A_1459 = vector.shape_cast %swap3A_1458 : vector<1x16xi32> to vector<16xi32>
    %swap3A_1460 = vector.shape_cast %add3A_1454 : vector<16xi32> to vector<1x16xi32>
    tpu.vector_store %arg8[%swap3A_1456, %swap3A_1457], %swap3A_1460 {strides = array<i32>} : memref<3x128xi32, #tpu.memory_space<vmem>>, vector<1x16xi32>,
    %get3A_1461 = arith.constant 176 : index
    %get3A_1462 = tpu.vector_load %arg6[%get3A_1461] {strides = array<i32>} : memref<384xi32, #tpu.memory_space<vmem>>, vector<16xi32>,
    %get3A_1463 = vector.shape_cast %get3A_1462 : vector<16xi32> to vector<16xi32>
    %add3A_1464 = arith.constant 176 : i32
    %add3A_1465 = arith.addi %add3A_1020, %add3A_1464 : i32
    %iota3A_1466 = tpu.iota {dimensions = array<i32: 0>} : vector<16xi32>
    %add3A_1467 = vector.broadcast %add3A_1465 : i32 to vector<16xi32>
    %add3A_1468 = arith.addi %add3A_1467, %iota3A_1466 : vector<16xi32>
    %jit3A_1469 = arith.constant 81 : i32
    %eq3A_1470 = arith.constant 0 : i32
    %eq3A_1471 = arith.cmpi eq, %jit3A_1469, %eq3A_1470 : i32
    %jit3A_1472 = arith.constant 1 : i32
    %select_n3A_1473 = arith.select %eq3A_1471, %jit3A_1472, %jit3A_1469 : i32
    %rem3A_1474 = vector.broadcast %select_n3A_1473 : i32 to vector<16xi32>
    %rem3A_1475 = arith.remsi %add3A_1468, %rem3A_1474 : vector<16xi32>
    %ne3A_1476 = arith.constant 0 : i32
    %ne3A_1477 = vector.broadcast %ne3A_1476 : i32 to vector<16xi32>
    %ne3A_1478 = arith.cmpi ne, %rem3A_1475, %ne3A_1477 : vector<16xi32>
    %lt3A_1479 = arith.constant 0 : i32
    %lt3A_1480 = vector.broadcast %lt3A_1479 : i32 to vector<16xi32>
    %lt3A_1481 = arith.cmpi slt, %rem3A_1475, %lt3A_1480 : vector<16xi32>
    %lt3A_1482 = arith.constant 0 : i32
    %lt3A_1483 = arith.cmpi slt, %select_n3A_1473, %lt3A_1482 : i32
    %ne3A_1484 = vector.broadcast %lt3A_1483 : i1 to vector<16xi1>
    %ne3A_1485 = vector.broadcast %ne3A_1484 : vector<16xi1> to vector<16xi1>
    %ne3A_1486 = arith.xori %lt3A_1481, %ne3A_1485 : vector<16xi1>
    %and3A_1487 = arith.andi %ne3A_1486, %ne3A_1478 : vector<16xi1>
    %add3A_1488 = vector.broadcast %select_n3A_1473 : i32 to vector<16xi32>
    %add3A_1489 = arith.addi %rem3A_1475, %add3A_1488 : vector<16xi32>
    %select_n3A_1490 = arith.select %and3A_1487, %add3A_1489, %rem3A_1475 : vector<16xi1>, vector<16xi32>
    %mul3A_1491 = arith.constant 81 : i32
    %mul3A_1492 = vector.broadcast %mul3A_1491 : i32 to vector<16xi32>
    %mul3A_1493 = arith.muli %get3A_1463, %mul3A_1492 : vector<16xi32>
    %add3A_1494 = arith.addi %mul3A_1493, %select_n3A_1490 : vector<16xi32>
    %swap3A_1495 = arith.constant 1 : i32
    %swap3A_1496 = arith.index_cast %swap3A_1495 : i32 to index
    %swap3A_1497 = arith.constant 48 : index
    %swap3A_1498 = tpu.vector_load %arg8[%swap3A_1496, %swap3A_1497] {strides = array<i32>} : memref<3x128xi32, #tpu.memory_space<vmem>>, vector<1x16xi32>,
    %swap3A_1499 = vector.shape_cast %swap3A_1498 : vector<1x16xi32> to vector<16xi32>
    %swap3A_1500 = vector.shape_cast %add3A_1494 : vector<16xi32> to vector<1x16xi32>
    tpu.vector_store %arg8[%swap3A_1496, %swap3A_1497], %swap3A_1500 {strides = array<i32>} : memref<3x128xi32, #tpu.memory_space<vmem>>, vector<1x16xi32>,
    %get3A_1501 = arith.constant 192 : index
    %get3A_1502 = tpu.vector_load %arg6[%get3A_1501] {strides = array<i32>} : memref<384xi32, #tpu.memory_space<vmem>>, vector<16xi32>,
    %get3A_1503 = vector.shape_cast %get3A_1502 : vector<16xi32> to vector<16xi32>
    %add3A_1504 = arith.constant 192 : i32
    %add3A_1505 = arith.addi %add3A_1020, %add3A_1504 : i32
    %iota3A_1506 = tpu.iota {dimensions = array<i32: 0>} : vector<16xi32>
    %add3A_1507 = vector.broadcast %add3A_1505 : i32 to vector<16xi32>
    %add3A_1508 = arith.addi %add3A_1507, %iota3A_1506 : vector<16xi32>
    %jit3A_1509 = arith.constant 81 : i32
    %eq3A_1510 = arith.constant 0 : i32
    %eq3A_1511 = arith.cmpi eq, %jit3A_1509, %eq3A_1510 : i32
    %jit3A_1512 = arith.constant 1 : i32
    %select_n3A_1513 = arith.select %eq3A_1511, %jit3A_1512, %jit3A_1509 : i32
    %rem3A_1514 = vector.broadcast %select_n3A_1513 : i32 to vector<16xi32>
    %rem3A_1515 = arith.remsi %add3A_1508, %rem3A_1514 : vector<16xi32>
    %ne3A_1516 = arith.constant 0 : i32
    %ne3A_1517 = vector.broadcast %ne3A_1516 : i32 to vector<16xi32>
    %ne3A_1518 = arith.cmpi ne, %rem3A_1515, %ne3A_1517 : vector<16xi32>
    %lt3A_1519 = arith.constant 0 : i32
    %lt3A_1520 = vector.broadcast %lt3A_1519 : i32 to vector<16xi32>
    %lt3A_1521 = arith.cmpi slt, %rem3A_1515, %lt3A_1520 : vector<16xi32>
    %lt3A_1522 = arith.constant 0 : i32
    %lt3A_1523 = arith.cmpi slt, %select_n3A_1513, %lt3A_1522 : i32
    %ne3A_1524 = vector.broadcast %lt3A_1523 : i1 to vector<16xi1>
    %ne3A_1525 = vector.broadcast %ne3A_1524 : vector<16xi1> to vector<16xi1>
    %ne3A_1526 = arith.xori %lt3A_1521, %ne3A_1525 : vector<16xi1>
    %and3A_1527 = arith.andi %ne3A_1526, %ne3A_1518 : vector<16xi1>
    %add3A_1528 = vector.broadcast %select_n3A_1513 : i32 to vector<16xi32>
    %add3A_1529 = arith.addi %rem3A_1515, %add3A_1528 : vector<16xi32>
    %select_n3A_1530 = arith.select %and3A_1527, %add3A_1529, %rem3A_1515 : vector<16xi1>, vector<16xi32>
    %mul3A_1531 = arith.constant 81 : i32
    %mul3A_1532 = vector.broadcast %mul3A_1531 : i32 to vector<16xi32>
    %mul3A_1533 = arith.muli %get3A_1503, %mul3A_1532 : vector<16xi32>
    %add3A_1534 = arith.addi %mul3A_1533, %select_n3A_1530 : vector<16xi32>
    %swap3A_1535 = arith.constant 1 : i32
    %swap3A_1536 = arith.index_cast %swap3A_1535 : i32 to index
    %swap3A_1537 = arith.constant 64 : index
    %swap3A_1538 = tpu.vector_load %arg8[%swap3A_1536, %swap3A_1537] {strides = array<i32>} : memref<3x128xi32, #tpu.memory_space<vmem>>, vector<1x16xi32>,
    %swap3A_1539 = vector.shape_cast %swap3A_1538 : vector<1x16xi32> to vector<16xi32>
    %swap3A_1540 = vector.shape_cast %add3A_1534 : vector<16xi32> to vector<1x16xi32>
    tpu.vector_store %arg8[%swap3A_1536, %swap3A_1537], %swap3A_1540 {strides = array<i32>} : memref<3x128xi32, #tpu.memory_space<vmem>>, vector<1x16xi32>,
    %get3A_1541 = arith.constant 208 : index
    %get3A_1542 = tpu.vector_load %arg6[%get3A_1541] {strides = array<i32>} : memref<384xi32, #tpu.memory_space<vmem>>, vector<16xi32>,
    %get3A_1543 = vector.shape_cast %get3A_1542 : vector<16xi32> to vector<16xi32>
    %add3A_1544 = arith.constant 208 : i32
    %add3A_1545 = arith.addi %add3A_1020, %add3A_1544 : i32
    %iota3A_1546 = tpu.iota {dimensions = array<i32: 0>} : vector<16xi32>
    %add3A_1547 = vector.broadcast %add3A_1545 : i32 to vector<16xi32>
    %add3A_1548 = arith.addi %add3A_1547, %iota3A_1546 : vector<16xi32>
    %jit3A_1549 = arith.constant 81 : i32
    %eq3A_1550 = arith.constant 0 : i32
    %eq3A_1551 = arith.cmpi eq, %jit3A_1549, %eq3A_1550 : i32
    %jit3A_1552 = arith.constant 1 : i32
    %select_n3A_1553 = arith.select %eq3A_1551, %jit3A_1552, %jit3A_1549 : i32
    %rem3A_1554 = vector.broadcast %select_n3A_1553 : i32 to vector<16xi32>
    %rem3A_1555 = arith.remsi %add3A_1548, %rem3A_1554 : vector<16xi32>
    %ne3A_1556 = arith.constant 0 : i32
    %ne3A_1557 = vector.broadcast %ne3A_1556 : i32 to vector<16xi32>
    %ne3A_1558 = arith.cmpi ne, %rem3A_1555, %ne3A_1557 : vector<16xi32>
    %lt3A_1559 = arith.constant 0 : i32
    %lt3A_1560 = vector.broadcast %lt3A_1559 : i32 to vector<16xi32>
    %lt3A_1561 = arith.cmpi slt, %rem3A_1555, %lt3A_1560 : vector<16xi32>
    %lt3A_1562 = arith.constant 0 : i32
    %lt3A_1563 = arith.cmpi slt, %select_n3A_1553, %lt3A_1562 : i32
    %ne3A_1564 = vector.broadcast %lt3A_1563 : i1 to vector<16xi1>
    %ne3A_1565 = vector.broadcast %ne3A_1564 : vector<16xi1> to vector<16xi1>
    %ne3A_1566 = arith.xori %lt3A_1561, %ne3A_1565 : vector<16xi1>
    %and3A_1567 = arith.andi %ne3A_1566, %ne3A_1558 : vector<16xi1>
    %add3A_1568 = vector.broadcast %select_n3A_1553 : i32 to vector<16xi32>
    %add3A_1569 = arith.addi %rem3A_1555, %add3A_1568 : vector<16xi32>
    %select_n3A_1570 = arith.select %and3A_1567, %add3A_1569, %rem3A_1555 : vector<16xi1>, vector<16xi32>
    %mul3A_1571 = arith.constant 81 : i32
    %mul3A_1572 = vector.broadcast %mul3A_1571 : i32 to vector<16xi32>
    %mul3A_1573 = arith.muli %get3A_1543, %mul3A_1572 : vector<16xi32>
    %add3A_1574 = arith.addi %mul3A_1573, %select_n3A_1570 : vector<16xi32>
    %swap3A_1575 = arith.constant 1 : i32
    %swap3A_1576 = arith.index_cast %swap3A_1575 : i32 to index
    %swap3A_1577 = arith.constant 80 : index
    %swap3A_1578 = tpu.vector_load %arg8[%swap3A_1576, %swap3A_1577] {strides = array<i32>} : memref<3x128xi32, #tpu.memory_space<vmem>>, vector<1x16xi32>,
    %swap3A_1579 = vector.shape_cast %swap3A_1578 : vector<1x16xi32> to vector<16xi32>
    %swap3A_1580 = vector.shape_cast %add3A_1574 : vector<16xi32> to vector<1x16xi32>
    tpu.vector_store %arg8[%swap3A_1576, %swap3A_1577], %swap3A_1580 {strides = array<i32>} : memref<3x128xi32, #tpu.memory_space<vmem>>, vector<1x16xi32>,
    %get3A_1581 = arith.constant 224 : index
    %get3A_1582 = tpu.vector_load %arg6[%get3A_1581] {strides = array<i32>} : memref<384xi32, #tpu.memory_space<vmem>>, vector<16xi32>,
    %get3A_1583 = vector.shape_cast %get3A_1582 : vector<16xi32> to vector<16xi32>
    %add3A_1584 = arith.constant 224 : i32
    %add3A_1585 = arith.addi %add3A_1020, %add3A_1584 : i32
    %iota3A_1586 = tpu.iota {dimensions = array<i32: 0>} : vector<16xi32>
    %add3A_1587 = vector.broadcast %add3A_1585 : i32 to vector<16xi32>
    %add3A_1588 = arith.addi %add3A_1587, %iota3A_1586 : vector<16xi32>
    %jit3A_1589 = arith.constant 81 : i32
    %eq3A_1590 = arith.constant 0 : i32
    %eq3A_1591 = arith.cmpi eq, %jit3A_1589, %eq3A_1590 : i32
    %jit3A_1592 = arith.constant 1 : i32
    %select_n3A_1593 = arith.select %eq3A_1591, %jit3A_1592, %jit3A_1589 : i32
    %rem3A_1594 = vector.broadcast %select_n3A_1593 : i32 to vector<16xi32>
    %rem3A_1595 = arith.remsi %add3A_1588, %rem3A_1594 : vector<16xi32>
    %ne3A_1596 = arith.constant 0 : i32
    %ne3A_1597 = vector.broadcast %ne3A_1596 : i32 to vector<16xi32>
    %ne3A_1598 = arith.cmpi ne, %rem3A_1595, %ne3A_1597 : vector<16xi32>
    %lt3A_1599 = arith.constant 0 : i32
    %lt3A_1600 = vector.broadcast %lt3A_1599 : i32 to vector<16xi32>
    %lt3A_1601 = arith.cmpi slt, %rem3A_1595, %lt3A_1600 : vector<16xi32>
    %lt3A_1602 = arith.constant 0 : i32
    %lt3A_1603 = arith.cmpi slt, %select_n3A_1593, %lt3A_1602 : i32
    %ne3A_1604 = vector.broadcast %lt3A_1603 : i1 to vector<16xi1>
    %ne3A_1605 = vector.broadcast %ne3A_1604 : vector<16xi1> to vector<16xi1>
    %ne3A_1606 = arith.xori %lt3A_1601, %ne3A_1605 : vector<16xi1>
    %and3A_1607 = arith.andi %ne3A_1606, %ne3A_1598 : vector<16xi1>
    %add3A_1608 = vector.broadcast %select_n3A_1593 : i32 to vector<16xi32>
    %add3A_1609 = arith.addi %rem3A_1595, %add3A_1608 : vector<16xi32>
    %select_n3A_1610 = arith.select %and3A_1607, %add3A_1609, %rem3A_1595 : vector<16xi1>, vector<16xi32>
    %mul3A_1611 = arith.constant 81 : i32
    %mul3A_1612 = vector.broadcast %mul3A_1611 : i32 to vector<16xi32>
    %mul3A_1613 = arith.muli %get3A_1583, %mul3A_1612 : vector<16xi32>
    %add3A_1614 = arith.addi %mul3A_1613, %select_n3A_1610 : vector<16xi32>
    %swap3A_1615 = arith.constant 1 : i32
    %swap3A_1616 = arith.index_cast %swap3A_1615 : i32 to index
    %swap3A_1617 = arith.constant 96 : index
    %swap3A_1618 = tpu.vector_load %arg8[%swap3A_1616, %swap3A_1617] {strides = array<i32>} : memref<3x128xi32, #tpu.memory_space<vmem>>, vector<1x16xi32>,
    %swap3A_1619 = vector.shape_cast %swap3A_1618 : vector<1x16xi32> to vector<16xi32>
    %swap3A_1620 = vector.shape_cast %add3A_1614 : vector<16xi32> to vector<1x16xi32>
    tpu.vector_store %arg8[%swap3A_1616, %swap3A_1617], %swap3A_1620 {strides = array<i32>} : memref<3x128xi32, #tpu.memory_space<vmem>>, vector<1x16xi32>,
    %get3A_1621 = arith.constant 240 : index
    %get3A_1622 = tpu.vector_load %arg6[%get3A_1621] {strides = array<i32>} : memref<384xi32, #tpu.memory_space<vmem>>, vector<16xi32>,
    %get3A_1623 = vector.shape_cast %get3A_1622 : vector<16xi32> to vector<16xi32>
    %add3A_1624 = arith.constant 240 : i32
    %add3A_1625 = arith.addi %add3A_1020, %add3A_1624 : i32
    %iota3A_1626 = tpu.iota {dimensions = array<i32: 0>} : vector<16xi32>
    %add3A_1627 = vector.broadcast %add3A_1625 : i32 to vector<16xi32>
    %add3A_1628 = arith.addi %add3A_1627, %iota3A_1626 : vector<16xi32>
    %jit3A_1629 = arith.constant 81 : i32
    %eq3A_1630 = arith.constant 0 : i32
    %eq3A_1631 = arith.cmpi eq, %jit3A_1629, %eq3A_1630 : i32
    %jit3A_1632 = arith.constant 1 : i32
    %select_n3A_1633 = arith.select %eq3A_1631, %jit3A_1632, %jit3A_1629 : i32
    %rem3A_1634 = vector.broadcast %select_n3A_1633 : i32 to vector<16xi32>
    %rem3A_1635 = arith.remsi %add3A_1628, %rem3A_1634 : vector<16xi32>
    %ne3A_1636 = arith.constant 0 : i32
    %ne3A_1637 = vector.broadcast %ne3A_1636 : i32 to vector<16xi32>
    %ne3A_1638 = arith.cmpi ne, %rem3A_1635, %ne3A_1637 : vector<16xi32>
    %lt3A_1639 = arith.constant 0 : i32
    %lt3A_1640 = vector.broadcast %lt3A_1639 : i32 to vector<16xi32>
    %lt3A_1641 = arith.cmpi slt, %rem3A_1635, %lt3A_1640 : vector<16xi32>
    %lt3A_1642 = arith.constant 0 : i32
    %lt3A_1643 = arith.cmpi slt, %select_n3A_1633, %lt3A_1642 : i32
    %ne3A_1644 = vector.broadcast %lt3A_1643 : i1 to vector<16xi1>
    %ne3A_1645 = vector.broadcast %ne3A_1644 : vector<16xi1> to vector<16xi1>
    %ne3A_1646 = arith.xori %lt3A_1641, %ne3A_1645 : vector<16xi1>
    %and3A_1647 = arith.andi %ne3A_1646, %ne3A_1638 : vector<16xi1>
    %add3A_1648 = vector.broadcast %select_n3A_1633 : i32 to vector<16xi32>
    %add3A_1649 = arith.addi %rem3A_1635, %add3A_1648 : vector<16xi32>
    %select_n3A_1650 = arith.select %and3A_1647, %add3A_1649, %rem3A_1635 : vector<16xi1>, vector<16xi32>
    %mul3A_1651 = arith.constant 81 : i32
    %mul3A_1652 = vector.broadcast %mul3A_1651 : i32 to vector<16xi32>
    %mul3A_1653 = arith.muli %get3A_1623, %mul3A_1652 : vector<16xi32>
    %add3A_1654 = arith.addi %mul3A_1653, %select_n3A_1650 : vector<16xi32>
    %swap3A_1655 = arith.constant 1 : i32
    %swap3A_1656 = arith.index_cast %swap3A_1655 : i32 to index
    %swap3A_1657 = arith.constant 112 : index
    %swap3A_1658 = tpu.vector_load %arg8[%swap3A_1656, %swap3A_1657] {strides = array<i32>} : memref<3x128xi32, #tpu.memory_space<vmem>>, vector<1x16xi32>,
    %swap3A_1659 = vector.shape_cast %swap3A_1658 : vector<1x16xi32> to vector<16xi32>
    %swap3A_1660 = vector.shape_cast %add3A_1654 : vector<16xi32> to vector<1x16xi32>
    tpu.vector_store %arg8[%swap3A_1656, %swap3A_1657], %swap3A_1660 {strides = array<i32>} : memref<3x128xi32, #tpu.memory_space<vmem>>, vector<1x16xi32>,
    %get3A_1661 = arith.constant 256 : index
    %get3A_1662 = tpu.vector_load %arg6[%get3A_1661] {strides = array<i32>} : memref<384xi32, #tpu.memory_space<vmem>>, vector<16xi32>,
    %get3A_1663 = vector.shape_cast %get3A_1662 : vector<16xi32> to vector<16xi32>
    %add3A_1664 = arith.constant 256 : i32
    %add3A_1665 = arith.addi %add3A_1020, %add3A_1664 : i32
    %iota3A_1666 = tpu.iota {dimensions = array<i32: 0>} : vector<16xi32>
    %add3A_1667 = vector.broadcast %add3A_1665 : i32 to vector<16xi32>
    %add3A_1668 = arith.addi %add3A_1667, %iota3A_1666 : vector<16xi32>
    %jit3A_1669 = arith.constant 81 : i32
    %eq3A_1670 = arith.constant 0 : i32
    %eq3A_1671 = arith.cmpi eq, %jit3A_1669, %eq3A_1670 : i32
    %jit3A_1672 = arith.constant 1 : i32
    %select_n3A_1673 = arith.select %eq3A_1671, %jit3A_1672, %jit3A_1669 : i32
    %rem3A_1674 = vector.broadcast %select_n3A_1673 : i32 to vector<16xi32>
    %rem3A_1675 = arith.remsi %add3A_1668, %rem3A_1674 : vector<16xi32>
    %ne3A_1676 = arith.constant 0 : i32
    %ne3A_1677 = vector.broadcast %ne3A_1676 : i32 to vector<16xi32>
    %ne3A_1678 = arith.cmpi ne, %rem3A_1675, %ne3A_1677 : vector<16xi32>
    %lt3A_1679 = arith.constant 0 : i32
    %lt3A_1680 = vector.broadcast %lt3A_1679 : i32 to vector<16xi32>
    %lt3A_1681 = arith.cmpi slt, %rem3A_1675, %lt3A_1680 : vector<16xi32>
    %lt3A_1682 = arith.constant 0 : i32
    %lt3A_1683 = arith.cmpi slt, %select_n3A_1673, %lt3A_1682 : i32
    %ne3A_1684 = vector.broadcast %lt3A_1683 : i1 to vector<16xi1>
    %ne3A_1685 = vector.broadcast %ne3A_1684 : vector<16xi1> to vector<16xi1>
    %ne3A_1686 = arith.xori %lt3A_1681, %ne3A_1685 : vector<16xi1>
    %and3A_1687 = arith.andi %ne3A_1686, %ne3A_1678 : vector<16xi1>
    %add3A_1688 = vector.broadcast %select_n3A_1673 : i32 to vector<16xi32>
    %add3A_1689 = arith.addi %rem3A_1675, %add3A_1688 : vector<16xi32>
    %select_n3A_1690 = arith.select %and3A_1687, %add3A_1689, %rem3A_1675 : vector<16xi1>, vector<16xi32>
    %mul3A_1691 = arith.constant 81 : i32
    %mul3A_1692 = vector.broadcast %mul3A_1691 : i32 to vector<16xi32>
    %mul3A_1693 = arith.muli %get3A_1663, %mul3A_1692 : vector<16xi32>
    %add3A_1694 = arith.addi %mul3A_1693, %select_n3A_1690 : vector<16xi32>
    %swap3A_1695 = arith.constant 2 : i32
    %swap3A_1696 = arith.index_cast %swap3A_1695 : i32 to index
    %swap3A_1697 = arith.constant 0 : index
    %swap3A_1698 = tpu.vector_load %arg8[%swap3A_1696, %swap3A_1697] {strides = array<i32>} : memref<3x128xi32, #tpu.memory_space<vmem>>, vector<1x16xi32>,
    %swap3A_1699 = vector.shape_cast %swap3A_1698 : vector<1x16xi32> to vector<16xi32>
    %swap3A_1700 = vector.shape_cast %add3A_1694 : vector<16xi32> to vector<1x16xi32>
    tpu.vector_store %arg8[%swap3A_1696, %swap3A_1697], %swap3A_1700 {strides = array<i32>} : memref<3x128xi32, #tpu.memory_space<vmem>>, vector<1x16xi32>,
    %get3A_1701 = arith.constant 272 : index
    %get3A_1702 = tpu.vector_load %arg6[%get3A_1701] {strides = array<i32>} : memref<384xi32, #tpu.memory_space<vmem>>, vector<16xi32>,
    %get3A_1703 = vector.shape_cast %get3A_1702 : vector<16xi32> to vector<16xi32>
    %add3A_1704 = arith.constant 272 : i32
    %add3A_1705 = arith.addi %add3A_1020, %add3A_1704 : i32
    %iota3A_1706 = tpu.iota {dimensions = array<i32: 0>} : vector<16xi32>
    %add3A_1707 = vector.broadcast %add3A_1705 : i32 to vector<16xi32>
    %add3A_1708 = arith.addi %add3A_1707, %iota3A_1706 : vector<16xi32>
    %jit3A_1709 = arith.constant 81 : i32
    %eq3A_1710 = arith.constant 0 : i32
    %eq3A_1711 = arith.cmpi eq, %jit3A_1709, %eq3A_1710 : i32
    %jit3A_1712 = arith.constant 1 : i32
    %select_n3A_1713 = arith.select %eq3A_1711, %jit3A_1712, %jit3A_1709 : i32
    %rem3A_1714 = vector.broadcast %select_n3A_1713 : i32 to vector<16xi32>
    %rem3A_1715 = arith.remsi %add3A_1708, %rem3A_1714 : vector<16xi32>
    %ne3A_1716 = arith.constant 0 : i32
    %ne3A_1717 = vector.broadcast %ne3A_1716 : i32 to vector<16xi32>
    %ne3A_1718 = arith.cmpi ne, %rem3A_1715, %ne3A_1717 : vector<16xi32>
    %lt3A_1719 = arith.constant 0 : i32
    %lt3A_1720 = vector.broadcast %lt3A_1719 : i32 to vector<16xi32>
    %lt3A_1721 = arith.cmpi slt, %rem3A_1715, %lt3A_1720 : vector<16xi32>
    %lt3A_1722 = arith.constant 0 : i32
    %lt3A_1723 = arith.cmpi slt, %select_n3A_1713, %lt3A_1722 : i32
    %ne3A_1724 = vector.broadcast %lt3A_1723 : i1 to vector<16xi1>
    %ne3A_1725 = vector.broadcast %ne3A_1724 : vector<16xi1> to vector<16xi1>
    %ne3A_1726 = arith.xori %lt3A_1721, %ne3A_1725 : vector<16xi1>
    %and3A_1727 = arith.andi %ne3A_1726, %ne3A_1718 : vector<16xi1>
    %add3A_1728 = vector.broadcast %select_n3A_1713 : i32 to vector<16xi32>
    %add3A_1729 = arith.addi %rem3A_1715, %add3A_1728 : vector<16xi32>
    %select_n3A_1730 = arith.select %and3A_1727, %add3A_1729, %rem3A_1715 : vector<16xi1>, vector<16xi32>
    %mul3A_1731 = arith.constant 81 : i32
    %mul3A_1732 = vector.broadcast %mul3A_1731 : i32 to vector<16xi32>
    %mul3A_1733 = arith.muli %get3A_1703, %mul3A_1732 : vector<16xi32>
    %add3A_1734 = arith.addi %mul3A_1733, %select_n3A_1730 : vector<16xi32>
    %swap3A_1735 = arith.constant 2 : i32
    %swap3A_1736 = arith.index_cast %swap3A_1735 : i32 to index
    %swap3A_1737 = arith.constant 16 : index
    %swap3A_1738 = tpu.vector_load %arg8[%swap3A_1736, %swap3A_1737] {strides = array<i32>} : memref<3x128xi32, #tpu.memory_space<vmem>>, vector<1x16xi32>,
    %swap3A_1739 = vector.shape_cast %swap3A_1738 : vector<1x16xi32> to vector<16xi32>
    %swap3A_1740 = vector.shape_cast %add3A_1734 : vector<16xi32> to vector<1x16xi32>
    tpu.vector_store %arg8[%swap3A_1736, %swap3A_1737], %swap3A_1740 {strides = array<i32>} : memref<3x128xi32, #tpu.memory_space<vmem>>, vector<1x16xi32>,
    %get3A_1741 = arith.constant 288 : index
    %get3A_1742 = tpu.vector_load %arg6[%get3A_1741] {strides = array<i32>} : memref<384xi32, #tpu.memory_space<vmem>>, vector<16xi32>,
    %get3A_1743 = vector.shape_cast %get3A_1742 : vector<16xi32> to vector<16xi32>
    %add3A_1744 = arith.constant 288 : i32
    %add3A_1745 = arith.addi %add3A_1020, %add3A_1744 : i32
    %iota3A_1746 = tpu.iota {dimensions = array<i32: 0>} : vector<16xi32>
    %add3A_1747 = vector.broadcast %add3A_1745 : i32 to vector<16xi32>
    %add3A_1748 = arith.addi %add3A_1747, %iota3A_1746 : vector<16xi32>
    %jit3A_1749 = arith.constant 81 : i32
    %eq3A_1750 = arith.constant 0 : i32
    %eq3A_1751 = arith.cmpi eq, %jit3A_1749, %eq3A_1750 : i32
    %jit3A_1752 = arith.constant 1 : i32
    %select_n3A_1753 = arith.select %eq3A_1751, %jit3A_1752, %jit3A_1749 : i32
    %rem3A_1754 = vector.broadcast %select_n3A_1753 : i32 to vector<16xi32>
    %rem3A_1755 = arith.remsi %add3A_1748, %rem3A_1754 : vector<16xi32>
    %ne3A_1756 = arith.constant 0 : i32
    %ne3A_1757 = vector.broadcast %ne3A_1756 : i32 to vector<16xi32>
    %ne3A_1758 = arith.cmpi ne, %rem3A_1755, %ne3A_1757 : vector<16xi32>
    %lt3A_1759 = arith.constant 0 : i32
    %lt3A_1760 = vector.broadcast %lt3A_1759 : i32 to vector<16xi32>
    %lt3A_1761 = arith.cmpi slt, %rem3A_1755, %lt3A_1760 : vector<16xi32>
    %lt3A_1762 = arith.constant 0 : i32
    %lt3A_1763 = arith.cmpi slt, %select_n3A_1753, %lt3A_1762 : i32
    %ne3A_1764 = vector.broadcast %lt3A_1763 : i1 to vector<16xi1>
    %ne3A_1765 = vector.broadcast %ne3A_1764 : vector<16xi1> to vector<16xi1>
    %ne3A_1766 = arith.xori %lt3A_1761, %ne3A_1765 : vector<16xi1>
    %and3A_1767 = arith.andi %ne3A_1766, %ne3A_1758 : vector<16xi1>
    %add3A_1768 = vector.broadcast %select_n3A_1753 : i32 to vector<16xi32>
    %add3A_1769 = arith.addi %rem3A_1755, %add3A_1768 : vector<16xi32>
    %select_n3A_1770 = arith.select %and3A_1767, %add3A_1769, %rem3A_1755 : vector<16xi1>, vector<16xi32>
    %mul3A_1771 = arith.constant 81 : i32
    %mul3A_1772 = vector.broadcast %mul3A_1771 : i32 to vector<16xi32>
    %mul3A_1773 = arith.muli %get3A_1743, %mul3A_1772 : vector<16xi32>
    %add3A_1774 = arith.addi %mul3A_1773, %select_n3A_1770 : vector<16xi32>
    %swap3A_1775 = arith.constant 2 : i32
    %swap3A_1776 = arith.index_cast %swap3A_1775 : i32 to index
    %swap3A_1777 = arith.constant 32 : index
    %swap3A_1778 = tpu.vector_load %arg8[%swap3A_1776, %swap3A_1777] {strides = array<i32>} : memref<3x128xi32, #tpu.memory_space<vmem>>, vector<1x16xi32>,
    %swap3A_1779 = vector.shape_cast %swap3A_1778 : vector<1x16xi32> to vector<16xi32>
    %swap3A_1780 = vector.shape_cast %add3A_1774 : vector<16xi32> to vector<1x16xi32>
    tpu.vector_store %arg8[%swap3A_1776, %swap3A_1777], %swap3A_1780 {strides = array<i32>} : memref<3x128xi32, #tpu.memory_space<vmem>>, vector<1x16xi32>,
    %get3A_1781 = arith.constant 304 : index
    %get3A_1782 = tpu.vector_load %arg6[%get3A_1781] {strides = array<i32>} : memref<384xi32, #tpu.memory_space<vmem>>, vector<16xi32>,
    %get3A_1783 = vector.shape_cast %get3A_1782 : vector<16xi32> to vector<16xi32>
    %add3A_1784 = arith.constant 304 : i32
    %add3A_1785 = arith.addi %add3A_1020, %add3A_1784 : i32
    %iota3A_1786 = tpu.iota {dimensions = array<i32: 0>} : vector<16xi32>
    %add3A_1787 = vector.broadcast %add3A_1785 : i32 to vector<16xi32>
    %add3A_1788 = arith.addi %add3A_1787, %iota3A_1786 : vector<16xi32>
    %jit3A_1789 = arith.constant 81 : i32
    %eq3A_1790 = arith.constant 0 : i32
    %eq3A_1791 = arith.cmpi eq, %jit3A_1789, %eq3A_1790 : i32
    %jit3A_1792 = arith.constant 1 : i32
    %select_n3A_1793 = arith.select %eq3A_1791, %jit3A_1792, %jit3A_1789 : i32
    %rem3A_1794 = vector.broadcast %select_n3A_1793 : i32 to vector<16xi32>
    %rem3A_1795 = arith.remsi %add3A_1788, %rem3A_1794 : vector<16xi32>
    %ne3A_1796 = arith.constant 0 : i32
    %ne3A_1797 = vector.broadcast %ne3A_1796 : i32 to vector<16xi32>
    %ne3A_1798 = arith.cmpi ne, %rem3A_1795, %ne3A_1797 : vector<16xi32>
    %lt3A_1799 = arith.constant 0 : i32
    %lt3A_1800 = vector.broadcast %lt3A_1799 : i32 to vector<16xi32>
    %lt3A_1801 = arith.cmpi slt, %rem3A_1795, %lt3A_1800 : vector<16xi32>
    %lt3A_1802 = arith.constant 0 : i32
    %lt3A_1803 = arith.cmpi slt, %select_n3A_1793, %lt3A_1802 : i32
    %ne3A_1804 = vector.broadcast %lt3A_1803 : i1 to vector<16xi1>
    %ne3A_1805 = vector.broadcast %ne3A_1804 : vector<16xi1> to vector<16xi1>
    %ne3A_1806 = arith.xori %lt3A_1801, %ne3A_1805 : vector<16xi1>
    %and3A_1807 = arith.andi %ne3A_1806, %ne3A_1798 : vector<16xi1>
    %add3A_1808 = vector.broadcast %select_n3A_1793 : i32 to vector<16xi32>
    %add3A_1809 = arith.addi %rem3A_1795, %add3A_1808 : vector<16xi32>
    %select_n3A_1810 = arith.select %and3A_1807, %add3A_1809, %rem3A_1795 : vector<16xi1>, vector<16xi32>
    %mul3A_1811 = arith.constant 81 : i32
    %mul3A_1812 = vector.broadcast %mul3A_1811 : i32 to vector<16xi32>
    %mul3A_1813 = arith.muli %get3A_1783, %mul3A_1812 : vector<16xi32>
    %add3A_1814 = arith.addi %mul3A_1813, %select_n3A_1810 : vector<16xi32>
    %swap3A_1815 = arith.constant 2 : i32
    %swap3A_1816 = arith.index_cast %swap3A_1815 : i32 to index
    %swap3A_1817 = arith.constant 48 : index
    %swap3A_1818 = tpu.vector_load %arg8[%swap3A_1816, %swap3A_1817] {strides = array<i32>} : memref<3x128xi32, #tpu.memory_space<vmem>>, vector<1x16xi32>,
    %swap3A_1819 = vector.shape_cast %swap3A_1818 : vector<1x16xi32> to vector<16xi32>
    %swap3A_1820 = vector.shape_cast %add3A_1814 : vector<16xi32> to vector<1x16xi32>
    tpu.vector_store %arg8[%swap3A_1816, %swap3A_1817], %swap3A_1820 {strides = array<i32>} : memref<3x128xi32, #tpu.memory_space<vmem>>, vector<1x16xi32>,
    %get3A_1821 = arith.constant 320 : index
    %get3A_1822 = tpu.vector_load %arg6[%get3A_1821] {strides = array<i32>} : memref<384xi32, #tpu.memory_space<vmem>>, vector<16xi32>,
    %get3A_1823 = vector.shape_cast %get3A_1822 : vector<16xi32> to vector<16xi32>
    %add3A_1824 = arith.constant 320 : i32
    %add3A_1825 = arith.addi %add3A_1020, %add3A_1824 : i32
    %iota3A_1826 = tpu.iota {dimensions = array<i32: 0>} : vector<16xi32>
    %add3A_1827 = vector.broadcast %add3A_1825 : i32 to vector<16xi32>
    %add3A_1828 = arith.addi %add3A_1827, %iota3A_1826 : vector<16xi32>
    %jit3A_1829 = arith.constant 81 : i32
    %eq3A_1830 = arith.constant 0 : i32
    %eq3A_1831 = arith.cmpi eq, %jit3A_1829, %eq3A_1830 : i32
    %jit3A_1832 = arith.constant 1 : i32
    %select_n3A_1833 = arith.select %eq3A_1831, %jit3A_1832, %jit3A_1829 : i32
    %rem3A_1834 = vector.broadcast %select_n3A_1833 : i32 to vector<16xi32>
    %rem3A_1835 = arith.remsi %add3A_1828, %rem3A_1834 : vector<16xi32>
    %ne3A_1836 = arith.constant 0 : i32
    %ne3A_1837 = vector.broadcast %ne3A_1836 : i32 to vector<16xi32>
    %ne3A_1838 = arith.cmpi ne, %rem3A_1835, %ne3A_1837 : vector<16xi32>
    %lt3A_1839 = arith.constant 0 : i32
    %lt3A_1840 = vector.broadcast %lt3A_1839 : i32 to vector<16xi32>
    %lt3A_1841 = arith.cmpi slt, %rem3A_1835, %lt3A_1840 : vector<16xi32>
    %lt3A_1842 = arith.constant 0 : i32
    %lt3A_1843 = arith.cmpi slt, %select_n3A_1833, %lt3A_1842 : i32
    %ne3A_1844 = vector.broadcast %lt3A_1843 : i1 to vector<16xi1>
    %ne3A_1845 = vector.broadcast %ne3A_1844 : vector<16xi1> to vector<16xi1>
    %ne3A_1846 = arith.xori %lt3A_1841, %ne3A_1845 : vector<16xi1>
    %and3A_1847 = arith.andi %ne3A_1846, %ne3A_1838 : vector<16xi1>
    %add3A_1848 = vector.broadcast %select_n3A_1833 : i32 to vector<16xi32>
    %add3A_1849 = arith.addi %rem3A_1835, %add3A_1848 : vector<16xi32>
    %select_n3A_1850 = arith.select %and3A_1847, %add3A_1849, %rem3A_1835 : vector<16xi1>, vector<16xi32>
    %mul3A_1851 = arith.constant 81 : i32
    %mul3A_1852 = vector.broadcast %mul3A_1851 : i32 to vector<16xi32>
    %mul3A_1853 = arith.muli %get3A_1823, %mul3A_1852 : vector<16xi32>
    %add3A_1854 = arith.addi %mul3A_1853, %select_n3A_1850 : vector<16xi32>
    %swap3A_1855 = arith.constant 2 : i32
    %swap3A_1856 = arith.index_cast %swap3A_1855 : i32 to index
    %swap3A_1857 = arith.constant 64 : index
    %swap3A_1858 = tpu.vector_load %arg8[%swap3A_1856, %swap3A_1857] {strides = array<i32>} : memref<3x128xi32, #tpu.memory_space<vmem>>, vector<1x16xi32>,
    %swap3A_1859 = vector.shape_cast %swap3A_1858 : vector<1x16xi32> to vector<16xi32>
    %swap3A_1860 = vector.shape_cast %add3A_1854 : vector<16xi32> to vector<1x16xi32>
    tpu.vector_store %arg8[%swap3A_1856, %swap3A_1857], %swap3A_1860 {strides = array<i32>} : memref<3x128xi32, #tpu.memory_space<vmem>>, vector<1x16xi32>,
    %get3A_1861 = arith.constant 336 : index
    %get3A_1862 = tpu.vector_load %arg6[%get3A_1861] {strides = array<i32>} : memref<384xi32, #tpu.memory_space<vmem>>, vector<16xi32>,
    %get3A_1863 = vector.shape_cast %get3A_1862 : vector<16xi32> to vector<16xi32>
    %add3A_1864 = arith.constant 336 : i32
    %add3A_1865 = arith.addi %add3A_1020, %add3A_1864 : i32
    %iota3A_1866 = tpu.iota {dimensions = array<i32: 0>} : vector<16xi32>
    %add3A_1867 = vector.broadcast %add3A_1865 : i32 to vector<16xi32>
    %add3A_1868 = arith.addi %add3A_1867, %iota3A_1866 : vector<16xi32>
    %jit3A_1869 = arith.constant 81 : i32
    %eq3A_1870 = arith.constant 0 : i32
    %eq3A_1871 = arith.cmpi eq, %jit3A_1869, %eq3A_1870 : i32
    %jit3A_1872 = arith.constant 1 : i32
    %select_n3A_1873 = arith.select %eq3A_1871, %jit3A_1872, %jit3A_1869 : i32
    %rem3A_1874 = vector.broadcast %select_n3A_1873 : i32 to vector<16xi32>
    %rem3A_1875 = arith.remsi %add3A_1868, %rem3A_1874 : vector<16xi32>
    %ne3A_1876 = arith.constant 0 : i32
    %ne3A_1877 = vector.broadcast %ne3A_1876 : i32 to vector<16xi32>
    %ne3A_1878 = arith.cmpi ne, %rem3A_1875, %ne3A_1877 : vector<16xi32>
    %lt3A_1879 = arith.constant 0 : i32
    %lt3A_1880 = vector.broadcast %lt3A_1879 : i32 to vector<16xi32>
    %lt3A_1881 = arith.cmpi slt, %rem3A_1875, %lt3A_1880 : vector<16xi32>
    %lt3A_1882 = arith.constant 0 : i32
    %lt3A_1883 = arith.cmpi slt, %select_n3A_1873, %lt3A_1882 : i32
    %ne3A_1884 = vector.broadcast %lt3A_1883 : i1 to vector<16xi1>
    %ne3A_1885 = vector.broadcast %ne3A_1884 : vector<16xi1> to vector<16xi1>
    %ne3A_1886 = arith.xori %lt3A_1881, %ne3A_1885 : vector<16xi1>
    %and3A_1887 = arith.andi %ne3A_1886, %ne3A_1878 : vector<16xi1>
    %add3A_1888 = vector.broadcast %select_n3A_1873 : i32 to vector<16xi32>
    %add3A_1889 = arith.addi %rem3A_1875, %add3A_1888 : vector<16xi32>
    %select_n3A_1890 = arith.select %and3A_1887, %add3A_1889, %rem3A_1875 : vector<16xi1>, vector<16xi32>
    %mul3A_1891 = arith.constant 81 : i32
    %mul3A_1892 = vector.broadcast %mul3A_1891 : i32 to vector<16xi32>
    %mul3A_1893 = arith.muli %get3A_1863, %mul3A_1892 : vector<16xi32>
    %add3A_1894 = arith.addi %mul3A_1893, %select_n3A_1890 : vector<16xi32>
    %swap3A_1895 = arith.constant 2 : i32
    %swap3A_1896 = arith.index_cast %swap3A_1895 : i32 to index
    %swap3A_1897 = arith.constant 80 : index
    %swap3A_1898 = tpu.vector_load %arg8[%swap3A_1896, %swap3A_1897] {strides = array<i32>} : memref<3x128xi32, #tpu.memory_space<vmem>>, vector<1x16xi32>,
    %swap3A_1899 = vector.shape_cast %swap3A_1898 : vector<1x16xi32> to vector<16xi32>
    %swap3A_1900 = vector.shape_cast %add3A_1894 : vector<16xi32> to vector<1x16xi32>
    tpu.vector_store %arg8[%swap3A_1896, %swap3A_1897], %swap3A_1900 {strides = array<i32>} : memref<3x128xi32, #tpu.memory_space<vmem>>, vector<1x16xi32>,
    %get3A_1901 = arith.constant 352 : index
    %get3A_1902 = tpu.vector_load %arg6[%get3A_1901] {strides = array<i32>} : memref<384xi32, #tpu.memory_space<vmem>>, vector<16xi32>,
    %get3A_1903 = vector.shape_cast %get3A_1902 : vector<16xi32> to vector<16xi32>
    %add3A_1904 = arith.constant 352 : i32
    %add3A_1905 = arith.addi %add3A_1020, %add3A_1904 : i32
    %iota3A_1906 = tpu.iota {dimensions = array<i32: 0>} : vector<16xi32>
    %add3A_1907 = vector.broadcast %add3A_1905 : i32 to vector<16xi32>
    %add3A_1908 = arith.addi %add3A_1907, %iota3A_1906 : vector<16xi32>
    %jit3A_1909 = arith.constant 81 : i32
    %eq3A_1910 = arith.constant 0 : i32
    %eq3A_1911 = arith.cmpi eq, %jit3A_1909, %eq3A_1910 : i32
    %jit3A_1912 = arith.constant 1 : i32
    %select_n3A_1913 = arith.select %eq3A_1911, %jit3A_1912, %jit3A_1909 : i32
    %rem3A_1914 = vector.broadcast %select_n3A_1913 : i32 to vector<16xi32>
    %rem3A_1915 = arith.remsi %add3A_1908, %rem3A_1914 : vector<16xi32>
    %ne3A_1916 = arith.constant 0 : i32
    %ne3A_1917 = vector.broadcast %ne3A_1916 : i32 to vector<16xi32>
    %ne3A_1918 = arith.cmpi ne, %rem3A_1915, %ne3A_1917 : vector<16xi32>
    %lt3A_1919 = arith.constant 0 : i32
    %lt3A_1920 = vector.broadcast %lt3A_1919 : i32 to vector<16xi32>
    %lt3A_1921 = arith.cmpi slt, %rem3A_1915, %lt3A_1920 : vector<16xi32>
    %lt3A_1922 = arith.constant 0 : i32
    %lt3A_1923 = arith.cmpi slt, %select_n3A_1913, %lt3A_1922 : i32
    %ne3A_1924 = vector.broadcast %lt3A_1923 : i1 to vector<16xi1>
    %ne3A_1925 = vector.broadcast %ne3A_1924 : vector<16xi1> to vector<16xi1>
    %ne3A_1926 = arith.xori %lt3A_1921, %ne3A_1925 : vector<16xi1>
    %and3A_1927 = arith.andi %ne3A_1926, %ne3A_1918 : vector<16xi1>
    %add3A_1928 = vector.broadcast %select_n3A_1913 : i32 to vector<16xi32>
    %add3A_1929 = arith.addi %rem3A_1915, %add3A_1928 : vector<16xi32>
    %select_n3A_1930 = arith.select %and3A_1927, %add3A_1929, %rem3A_1915 : vector<16xi1>, vector<16xi32>
    %mul3A_1931 = arith.constant 81 : i32
    %mul3A_1932 = vector.broadcast %mul3A_1931 : i32 to vector<16xi32>
    %mul3A_1933 = arith.muli %get3A_1903, %mul3A_1932 : vector<16xi32>
    %add3A_1934 = arith.addi %mul3A_1933, %select_n3A_1930 : vector<16xi32>
    %swap3A_1935 = arith.constant 2 : i32
    %swap3A_1936 = arith.index_cast %swap3A_1935 : i32 to index
    %swap3A_1937 = arith.constant 96 : index
    %swap3A_1938 = tpu.vector_load %arg8[%swap3A_1936, %swap3A_1937] {strides = array<i32>} : memref<3x128xi32, #tpu.memory_space<vmem>>, vector<1x16xi32>,
    %swap3A_1939 = vector.shape_cast %swap3A_1938 : vector<1x16xi32> to vector<16xi32>
    %swap3A_1940 = vector.shape_cast %add3A_1934 : vector<16xi32> to vector<1x16xi32>
    tpu.vector_store %arg8[%swap3A_1936, %swap3A_1937], %swap3A_1940 {strides = array<i32>} : memref<3x128xi32, #tpu.memory_space<vmem>>, vector<1x16xi32>,
    %get3A_1941 = arith.constant 368 : index
    %get3A_1942 = tpu.vector_load %arg6[%get3A_1941] {strides = array<i32>} : memref<384xi32, #tpu.memory_space<vmem>>, vector<16xi32>,
    %get3A_1943 = vector.shape_cast %get3A_1942 : vector<16xi32> to vector<16xi32>
    %add3A_1944 = arith.constant 368 : i32
    %add3A_1945 = arith.addi %add3A_1020, %add3A_1944 : i32
    %iota3A_1946 = tpu.iota {dimensions = array<i32: 0>} : vector<16xi32>
    %add3A_1947 = vector.broadcast %add3A_1945 : i32 to vector<16xi32>
    %add3A_1948 = arith.addi %add3A_1947, %iota3A_1946 : vector<16xi32>
    %jit3A_1949 = arith.constant 81 : i32
    %eq3A_1950 = arith.constant 0 : i32
    %eq3A_1951 = arith.cmpi eq, %jit3A_1949, %eq3A_1950 : i32
    %jit3A_1952 = arith.constant 1 : i32
    %select_n3A_1953 = arith.select %eq3A_1951, %jit3A_1952, %jit3A_1949 : i32
    %rem3A_1954 = vector.broadcast %select_n3A_1953 : i32 to vector<16xi32>
    %rem3A_1955 = arith.remsi %add3A_1948, %rem3A_1954 : vector<16xi32>
    %ne3A_1956 = arith.constant 0 : i32
    %ne3A_1957 = vector.broadcast %ne3A_1956 : i32 to vector<16xi32>
    %ne3A_1958 = arith.cmpi ne, %rem3A_1955, %ne3A_1957 : vector<16xi32>
    %lt3A_1959 = arith.constant 0 : i32
    %lt3A_1960 = vector.broadcast %lt3A_1959 : i32 to vector<16xi32>
    %lt3A_1961 = arith.cmpi slt, %rem3A_1955, %lt3A_1960 : vector<16xi32>
    %lt3A_1962 = arith.constant 0 : i32
    %lt3A_1963 = arith.cmpi slt, %select_n3A_1953, %lt3A_1962 : i32
    %ne3A_1964 = vector.broadcast %lt3A_1963 : i1 to vector<16xi1>
    %ne3A_1965 = vector.broadcast %ne3A_1964 : vector<16xi1> to vector<16xi1>
    %ne3A_1966 = arith.xori %lt3A_1961, %ne3A_1965 : vector<16xi1>
    %and3A_1967 = arith.andi %ne3A_1966, %ne3A_1958 : vector<16xi1>
    %add3A_1968 = vector.broadcast %select_n3A_1953 : i32 to vector<16xi32>
    %add3A_1969 = arith.addi %rem3A_1955, %add3A_1968 : vector<16xi32>
    %select_n3A_1970 = arith.select %and3A_1967, %add3A_1969, %rem3A_1955 : vector<16xi1>, vector<16xi32>
    %mul3A_1971 = arith.constant 81 : i32
    %mul3A_1972 = vector.broadcast %mul3A_1971 : i32 to vector<16xi32>
    %mul3A_1973 = arith.muli %get3A_1943, %mul3A_1972 : vector<16xi32>
    %add3A_1974 = arith.addi %mul3A_1973, %select_n3A_1970 : vector<16xi32>
    %swap3A_1975 = arith.constant 2 : i32
    %swap3A_1976 = arith.index_cast %swap3A_1975 : i32 to index
    %swap3A_1977 = arith.constant 112 : index
    %swap3A_1978 = tpu.vector_load %arg8[%swap3A_1976, %swap3A_1977] {strides = array<i32>} : memref<3x128xi32, #tpu.memory_space<vmem>>, vector<1x16xi32>,
    %swap3A_1979 = vector.shape_cast %swap3A_1978 : vector<1x16xi32> to vector<16xi32>
    %swap3A_1980 = vector.shape_cast %add3A_1974 : vector<16xi32> to vector<1x16xi32>
    tpu.vector_store %arg8[%swap3A_1976, %swap3A_1977], %swap3A_1980 {strides = array<i32>} : memref<3x128xi32, #tpu.memory_space<vmem>>, vector<1x16xi32>,
    %dma_start3A_1981 = arith.constant 0 : i32
    %dma_start3A_1982 = arith.constant 0 : i32
    %dma_start3A_1983 = arith.constant 0 : i32
    %dma_start3A_1984 = tpu.memref_slice %arg10[%dma_start3A_1982, %dma_start3A_1983] : memref<384x128xf32, #tpu.memory_space<vmem>> -> memref<128x128xf32, #tpu.memory_space<vmem>>
    %dma_start3A_1985 = arith.constant 0 : i32
    %dma_start3A_1986 = tpu.memref_slice %arg8[%dma_start3A_1981, %dma_start3A_1985] : memref<3x128xi32, #tpu.memory_space<vmem>> -> memref<1x128xi32, #tpu.memory_space<vmem>>
    %dma_start3A_1987 = tpu.memref_squeeze %dma_start3A_1986 : memref<1x128xi32, #tpu.memory_space<vmem>> -> memref<128xi32, #tpu.memory_space<vmem>>
    %dma_start3A_1988 = arith.constant 0 : i32
    %dma_start3A_1989 = arith.constant 0 : i32
    %dma_start3A_1990 = tpu.memref_slice %arg2[%dma_start3A_1988, %dma_start3A_1989] : memref<810x128xf32, #tpu.memory_space<hbm>> -> memref<810x128xf32, #tpu.memory_space<hbm>>
    tpu.enqueue_indirect_dma source(%dma_start3A_1990 : memref<810x128xf32, #tpu.memory_space<hbm>>) target(%dma_start3A_1984 : memref<128x128xf32, #tpu.memory_space<vmem>>) offsets(%dma_start3A_1987 : memref<128xi32, #tpu.memory_space<vmem>>) semaphore(%arg12 : memref<!tpu.dma_semaphore, #tpu.memory_space<semaphore_mem>>)
    %dma_start3A_1991 = arith.constant 1 : i32
    %dma_start3A_1992 = arith.constant 128 : i32
    %dma_start3A_1993 = arith.constant 0 : i32
    %dma_start3A_1994 = tpu.memref_slice %arg10[%dma_start3A_1992, %dma_start3A_1993] : memref<384x128xf32, #tpu.memory_space<vmem>> -> memref<128x128xf32, #tpu.memory_space<vmem>>
    %dma_start3A_1995 = arith.constant 0 : i32
    %dma_start3A_1996 = tpu.memref_slice %arg8[%dma_start3A_1991, %dma_start3A_1995] : memref<3x128xi32, #tpu.memory_space<vmem>> -> memref<1x128xi32, #tpu.memory_space<vmem>>
    %dma_start3A_1997 = tpu.memref_squeeze %dma_start3A_1996 : memref<1x128xi32, #tpu.memory_space<vmem>> -> memref<128xi32, #tpu.memory_space<vmem>>
    %dma_start3A_1998 = arith.constant 0 : i32
    %dma_start3A_1999 = arith.constant 0 : i32
    %dma_start3A_2000 = tpu.memref_slice %arg2[%dma_start3A_1998, %dma_start3A_1999] : memref<810x128xf32, #tpu.memory_space<hbm>> -> memref<810x128xf32, #tpu.memory_space<hbm>>
    tpu.enqueue_indirect_dma source(%dma_start3A_2000 : memref<810x128xf32, #tpu.memory_space<hbm>>) target(%dma_start3A_1994 : memref<128x128xf32, #tpu.memory_space<vmem>>) offsets(%dma_start3A_1997 : memref<128xi32, #tpu.memory_space<vmem>>) semaphore(%arg12 : memref<!tpu.dma_semaphore, #tpu.memory_space<semaphore_mem>>)
    %dma_start3A_2001 = arith.constant 2 : i32
    %dma_start3A_2002 = arith.constant 256 : i32
    %dma_start3A_2003 = arith.constant 0 : i32
    %dma_start3A_2004 = tpu.memref_slice %arg10[%dma_start3A_2002, %dma_start3A_2003] : memref<384x128xf32, #tpu.memory_space<vmem>> -> memref<128x128xf32, #tpu.memory_space<vmem>>
    %dma_start3A_2005 = arith.constant 0 : i32
    %dma_start3A_2006 = tpu.memref_slice %arg8[%dma_start3A_2001, %dma_start3A_2005] : memref<3x128xi32, #tpu.memory_space<vmem>> -> memref<1x128xi32, #tpu.memory_space<vmem>>
    %dma_start3A_2007 = tpu.memref_squeeze %dma_start3A_2006 : memref<1x128xi32, #tpu.memory_space<vmem>> -> memref<128xi32, #tpu.memory_space<vmem>>
    %dma_start3A_2008 = arith.constant 0 : i32
    %dma_start3A_2009 = arith.constant 0 : i32
    %dma_start3A_2010 = tpu.memref_slice %arg2[%dma_start3A_2008, %dma_start3A_2009] : memref<810x128xf32, #tpu.memory_space<hbm>> -> memref<810x128xf32, #tpu.memory_space<hbm>>
    tpu.enqueue_indirect_dma source(%dma_start3A_2010 : memref<810x128xf32, #tpu.memory_space<hbm>>) target(%dma_start3A_2004 : memref<128x128xf32, #tpu.memory_space<vmem>>) offsets(%dma_start3A_2007 : memref<128xi32, #tpu.memory_space<vmem>>) semaphore(%arg12 : memref<!tpu.dma_semaphore, #tpu.memory_space<semaphore_mem>>)
    %dma_wait3A_2011 = arith.constant 0 : i32
    %dma_wait3A_2012 = arith.constant 0 : i32
    %dma_wait3A_2013 = arith.constant 0 : i32
    %dma_wait3A_2014 = tpu.memref_slice %arg10[%dma_wait3A_2012, %dma_wait3A_2013] : memref<384x128xf32, #tpu.memory_space<vmem>> -> memref<128x128xf32, #tpu.memory_space<vmem>>
    %dma_wait3A_2015 = arith.constant 0 : i32
    %dma_wait3A_2016 = tpu.memref_slice %arg8[%dma_wait3A_2011, %dma_wait3A_2015] : memref<3x128xi32, #tpu.memory_space<vmem>> -> memref<1x128xi32, #tpu.memory_space<vmem>>
    %dma_wait3A_2017 = tpu.memref_squeeze %dma_wait3A_2016 : memref<1x128xi32, #tpu.memory_space<vmem>> -> memref<128xi32, #tpu.memory_space<vmem>>
    %dma_wait3A_2018 = arith.constant 0 : i32
    %dma_wait3A_2019 = arith.constant 0 : i32
    %dma_wait3A_2020 = tpu.memref_slice %arg2[%dma_wait3A_2018, %dma_wait3A_2019] : memref<810x128xf32, #tpu.memory_space<hbm>> -> memref<810x128xf32, #tpu.memory_space<hbm>>
    tpu.wait_indirect_dma semaphore(%arg12 : memref<!tpu.dma_semaphore, #tpu.memory_space<semaphore_mem>>) src(%dma_wait3A_2020 : memref<810x128xf32, #tpu.memory_space<hbm>>) dst(%dma_wait3A_2014 : memref<128x128xf32, #tpu.memory_space<vmem>>)
    %dma_wait3A_2021 = arith.constant 1 : i32
    %dma_wait3A_2022 = arith.constant 128 : i32
    %dma_wait3A_2023 = arith.constant 0 : i32
    %dma_wait3A_2024 = tpu.memref_slice %arg10[%dma_wait3A_2022, %dma_wait3A_2023] : memref<384x128xf32, #tpu.memory_space<vmem>> -> memref<128x128xf32, #tpu.memory_space<vmem>>
    %dma_wait3A_2025 = arith.constant 0 : i32
    %dma_wait3A_2026 = tpu.memref_slice %arg8[%dma_wait3A_2021, %dma_wait3A_2025] : memref<3x128xi32, #tpu.memory_space<vmem>> -> memref<1x128xi32, #tpu.memory_space<vmem>>
    %dma_wait3A_2027 = tpu.memref_squeeze %dma_wait3A_2026 : memref<1x128xi32, #tpu.memory_space<vmem>> -> memref<128xi32, #tpu.memory_space<vmem>>
    %dma_wait3A_2028 = arith.constant 0 : i32
    %dma_wait3A_2029 = arith.constant 0 : i32
    %dma_wait3A_2030 = tpu.memref_slice %arg2[%dma_wait3A_2028, %dma_wait3A_2029] : memref<810x128xf32, #tpu.memory_space<hbm>> -> memref<810x128xf32, #tpu.memory_space<hbm>>
    tpu.wait_indirect_dma semaphore(%arg12 : memref<!tpu.dma_semaphore, #tpu.memory_space<semaphore_mem>>) src(%dma_wait3A_2030 : memref<810x128xf32, #tpu.memory_space<hbm>>) dst(%dma_wait3A_2024 : memref<128x128xf32, #tpu.memory_space<vmem>>)
    %dma_wait3A_2031 = arith.constant 2 : i32
    %dma_wait3A_2032 = arith.constant 256 : i32
    %dma_wait3A_2033 = arith.constant 0 : i32
    %dma_wait3A_2034 = tpu.memref_slice %arg10[%dma_wait3A_2032, %dma_wait3A_2033] : memref<384x128xf32, #tpu.memory_space<vmem>> -> memref<128x128xf32, #tpu.memory_space<vmem>>
    %dma_wait3A_2035 = arith.constant 0 : i32
    %dma_wait3A_2036 = tpu.memref_slice %arg8[%dma_wait3A_2031, %dma_wait3A_2035] : memref<3x128xi32, #tpu.memory_space<vmem>> -> memref<1x128xi32, #tpu.memory_space<vmem>>
    %dma_wait3A_2037 = tpu.memref_squeeze %dma_wait3A_2036 : memref<1x128xi32, #tpu.memory_space<vmem>> -> memref<128xi32, #tpu.memory_space<vmem>>
    %dma_wait3A_2038 = arith.constant 0 : i32
    %dma_wait3A_2039 = arith.constant 0 : i32
    %dma_wait3A_2040 = tpu.memref_slice %arg2[%dma_wait3A_2038, %dma_wait3A_2039] : memref<810x128xf32, #tpu.memory_space<hbm>> -> memref<810x128xf32, #tpu.memory_space<hbm>>
    tpu.wait_indirect_dma semaphore(%arg12 : memref<!tpu.dma_semaphore, #tpu.memory_space<semaphore_mem>>) src(%dma_wait3A_2040 : memref<810x128xf32, #tpu.memory_space<hbm>>) dst(%dma_wait3A_2034 : memref<128x128xf32, #tpu.memory_space<vmem>>)
    %dma_start3A_2041 = arith.constant 0 : i32
    %dma_start3A_2042 = tpu.memref_slice %arg4[%add3A_1020, %dma_start3A_2041] : memref<1327104x128xf32, #tpu.memory_space<hbm>> -> memref<384x128xf32, #tpu.memory_space<hbm>>
    %dma_start3A_2043 = arith.constant 0 : i32
    %dma_start3A_2044 = tpu.memref_slice %arg4[%add3A_1020, %dma_start3A_2043] : memref<1327104x128xf32, #tpu.memory_space<hbm>> -> memref<384x128xf32, #tpu.memory_space<hbm>>
    tpu.enqueue_dma source(%arg10 : memref<384x128xf32, #tpu.memory_space<vmem>>) target(%dma_start3A_2044 : memref<384x128xf32, #tpu.memory_space<hbm>>) target_semaphore(%arg14 : memref<!tpu.dma_semaphore, #tpu.memory_space<semaphore_mem>>)
    %scan3A = arith.constant 1 : i32
    %scan3A_2045 = arith.constant 53 : i32
    %scan3A_2046 = arith.addi %scan3A, %scan3A_2045 : i32
    %scan3A_2047 = arith.constant 1 : i32
    scf.for %scan3A_2061 = %scan3A to %scan3A_2046 step %scan3A_2047  : i32 {
      %mul3A_2062 = arith.constant 2 : i32
      %mul3A_2063 = arith.muli %mul3A_2062, %scan3A_2061 : i32
      %mul3A_2064 = arith.constant 41472 : i32
      %mul3A_2065 = arith.muli %add3A, %mul3A_2064 : i32
      %mul3A_2066 = arith.constant 384 : i32
      %mul3A_2067 = arith.muli %mul3A_2063, %mul3A_2066 : i32
      %add3A_2068 = arith.addi %mul3A_2065, %mul3A_2067 : i32
      %dma_wait3A_2069 = arith.constant 0 : i32
      %dma_wait3A_2070 = arith.constant 0 : i32
      %dma_wait3A_2071 = tpu.memref_slice %arg4[%dma_wait3A_2069, %dma_wait3A_2070] : memref<1327104x128xf32, #tpu.memory_space<hbm>> -> memref<384x128xf32, #tpu.memory_space<hbm>>
      %dma_wait3A_2072 = arith.constant 0 : i32
      %dma_wait3A_2073 = arith.constant 0 : i32
      %dma_wait3A_2074 = tpu.memref_slice %arg4[%dma_wait3A_2072, %dma_wait3A_2073] : memref<1327104x128xf32, #tpu.memory_space<hbm>> -> memref<384x128xf32, #tpu.memory_space<hbm>>
      tpu.wait_dma2 semaphore(%arg13 : memref<!tpu.dma_semaphore, #tpu.memory_space<semaphore_mem>>) src(%arg9 : memref<384x128xf32, #tpu.memory_space<vmem>>) dst(%dma_wait3A_2074 : memref<384x128xf32, #tpu.memory_space<hbm>>)
      "tpu.region"() ({
        %run_scoped3A = tpu.sem_alloc : memref<!tpu.dma_semaphore, #tpu.memory_space<semaphore_mem>>
        %dma_start3A_4138 = tpu.memref_slice %arg3[%add3A_2068] : memref<1327104xi32, #tpu.memory_space<hbm>> -> memref<384xi32, #tpu.memory_space<hbm>>
        %dma_start3A_4139 = tpu.memref_slice %arg3[%add3A_2068] : memref<1327104xi32, #tpu.memory_space<hbm>> -> memref<384xi32, #tpu.memory_space<hbm>>
        tpu.enqueue_dma source(%dma_start3A_4139 : memref<384xi32, #tpu.memory_space<hbm>>) target(%arg5 : memref<384xi32, #tpu.memory_space<vmem>>) target_semaphore(%run_scoped3A : memref<!tpu.dma_semaphore, #tpu.memory_space<semaphore_mem>>)
        %dma_wait3A_4140 = tpu.memref_slice %arg3[%add3A_2068] : memref<1327104xi32, #tpu.memory_space<hbm>> -> memref<384xi32, #tpu.memory_space<hbm>>
        %dma_wait3A_4141 = tpu.memref_slice %arg3[%add3A_2068] : memref<1327104xi32, #tpu.memory_space<hbm>> -> memref<384xi32, #tpu.memory_space<hbm>>
        tpu.wait_dma2 semaphore(%run_scoped3A : memref<!tpu.dma_semaphore, #tpu.memory_space<semaphore_mem>>) src(%dma_wait3A_4141 : memref<384xi32, #tpu.memory_space<hbm>>) dst(%arg5 : memref<384xi32, #tpu.memory_space<vmem>>)
        tpu.yield
      }) : () -> ()
      %get3A_2075 = arith.constant 0 : index
      %get3A_2076 = tpu.vector_load %arg5[%get3A_2075] {strides = array<i32>} : memref<384xi32, #tpu.memory_space<vmem>>, vector<16xi32>,
      %get3A_2077 = vector.shape_cast %get3A_2076 : vector<16xi32> to vector<16xi32>
      %add3A_2078 = arith.constant 0 : i32
      %add3A_2079 = arith.addi %add3A_2068, %add3A_2078 : i32
      %iota3A_2080 = tpu.iota {dimensions = array<i32: 0>} : vector<16xi32>
      %add3A_2081 = vector.broadcast %add3A_2079 : i32 to vector<16xi32>
      %add3A_2082 = arith.addi %add3A_2081, %iota3A_2080 : vector<16xi32>
      %jit3A_2083 = arith.constant 81 : i32
      %eq3A_2084 = arith.constant 0 : i32
      %eq3A_2085 = arith.cmpi eq, %jit3A_2083, %eq3A_2084 : i32
      %jit3A_2086 = arith.constant 1 : i32
      %select_n3A_2087 = arith.select %eq3A_2085, %jit3A_2086, %jit3A_2083 : i32
      %rem3A_2088 = vector.broadcast %select_n3A_2087 : i32 to vector<16xi32>
      %rem3A_2089 = arith.remsi %add3A_2082, %rem3A_2088 : vector<16xi32>
      %ne3A_2090 = arith.constant 0 : i32
      %ne3A_2091 = vector.broadcast %ne3A_2090 : i32 to vector<16xi32>
      %ne3A_2092 = arith.cmpi ne, %rem3A_2089, %ne3A_2091 : vector<16xi32>
      %lt3A_2093 = arith.constant 0 : i32
      %lt3A_2094 = vector.broadcast %lt3A_2093 : i32 to vector<16xi32>
      %lt3A_2095 = arith.cmpi slt, %rem3A_2089, %lt3A_2094 : vector<16xi32>
      %lt3A_2096 = arith.constant 0 : i32
      %lt3A_2097 = arith.cmpi slt, %select_n3A_2087, %lt3A_2096 : i32
      %ne3A_2098 = vector.broadcast %lt3A_2097 : i1 to vector<16xi1>
      %ne3A_2099 = vector.broadcast %ne3A_2098 : vector<16xi1> to vector<16xi1>
      %ne3A_2100 = arith.xori %lt3A_2095, %ne3A_2099 : vector<16xi1>
      %and3A_2101 = arith.andi %ne3A_2100, %ne3A_2092 : vector<16xi1>
      %add3A_2102 = vector.broadcast %select_n3A_2087 : i32 to vector<16xi32>
      %add3A_2103 = arith.addi %rem3A_2089, %add3A_2102 : vector<16xi32>
      %select_n3A_2104 = arith.select %and3A_2101, %add3A_2103, %rem3A_2089 : vector<16xi1>, vector<16xi32>
      %mul3A_2105 = arith.constant 81 : i32
      %mul3A_2106 = vector.broadcast %mul3A_2105 : i32 to vector<16xi32>
      %mul3A_2107 = arith.muli %get3A_2077, %mul3A_2106 : vector<16xi32>
      %add3A_2108 = arith.addi %mul3A_2107, %select_n3A_2104 : vector<16xi32>
      %swap3A_2109 = arith.constant 0 : i32
      %swap3A_2110 = arith.index_cast %swap3A_2109 : i32 to index
      %swap3A_2111 = arith.constant 0 : index
      %swap3A_2112 = tpu.vector_load %arg7[%swap3A_2110, %swap3A_2111] {strides = array<i32>} : memref<3x128xi32, #tpu.memory_space<vmem>>, vector<1x16xi32>,
      %swap3A_2113 = vector.shape_cast %swap3A_2112 : vector<1x16xi32> to vector<16xi32>
      %swap3A_2114 = vector.shape_cast %add3A_2108 : vector<16xi32> to vector<1x16xi32>
      tpu.vector_store %arg7[%swap3A_2110, %swap3A_2111], %swap3A_2114 {strides = array<i32>} : memref<3x128xi32, #tpu.memory_space<vmem>>, vector<1x16xi32>,
      %get3A_2115 = arith.constant 16 : index
      %get3A_2116 = tpu.vector_load %arg5[%get3A_2115] {strides = array<i32>} : memref<384xi32, #tpu.memory_space<vmem>>, vector<16xi32>,
      %get3A_2117 = vector.shape_cast %get3A_2116 : vector<16xi32> to vector<16xi32>
      %add3A_2118 = arith.constant 16 : i32
      %add3A_2119 = arith.addi %add3A_2068, %add3A_2118 : i32
      %iota3A_2120 = tpu.iota {dimensions = array<i32: 0>} : vector<16xi32>
      %add3A_2121 = vector.broadcast %add3A_2119 : i32 to vector<16xi32>
      %add3A_2122 = arith.addi %add3A_2121, %iota3A_2120 : vector<16xi32>
      %jit3A_2123 = arith.constant 81 : i32
      %eq3A_2124 = arith.constant 0 : i32
      %eq3A_2125 = arith.cmpi eq, %jit3A_2123, %eq3A_2124 : i32
      %jit3A_2126 = arith.constant 1 : i32
      %select_n3A_2127 = arith.select %eq3A_2125, %jit3A_2126, %jit3A_2123 : i32
      %rem3A_2128 = vector.broadcast %select_n3A_2127 : i32 to vector<16xi32>
      %rem3A_2129 = arith.remsi %add3A_2122, %rem3A_2128 : vector<16xi32>
      %ne3A_2130 = arith.constant 0 : i32
      %ne3A_2131 = vector.broadcast %ne3A_2130 : i32 to vector<16xi32>
      %ne3A_2132 = arith.cmpi ne, %rem3A_2129, %ne3A_2131 : vector<16xi32>
      %lt3A_2133 = arith.constant 0 : i32
      %lt3A_2134 = vector.broadcast %lt3A_2133 : i32 to vector<16xi32>
      %lt3A_2135 = arith.cmpi slt, %rem3A_2129, %lt3A_2134 : vector<16xi32>
      %lt3A_2136 = arith.constant 0 : i32
      %lt3A_2137 = arith.cmpi slt, %select_n3A_2127, %lt3A_2136 : i32
      %ne3A_2138 = vector.broadcast %lt3A_2137 : i1 to vector<16xi1>
      %ne3A_2139 = vector.broadcast %ne3A_2138 : vector<16xi1> to vector<16xi1>
      %ne3A_2140 = arith.xori %lt3A_2135, %ne3A_2139 : vector<16xi1>
      %and3A_2141 = arith.andi %ne3A_2140, %ne3A_2132 : vector<16xi1>
      %add3A_2142 = vector.broadcast %select_n3A_2127 : i32 to vector<16xi32>
      %add3A_2143 = arith.addi %rem3A_2129, %add3A_2142 : vector<16xi32>
      %select_n3A_2144 = arith.select %and3A_2141, %add3A_2143, %rem3A_2129 : vector<16xi1>, vector<16xi32>
      %mul3A_2145 = arith.constant 81 : i32
      %mul3A_2146 = vector.broadcast %mul3A_2145 : i32 to vector<16xi32>
      %mul3A_2147 = arith.muli %get3A_2117, %mul3A_2146 : vector<16xi32>
      %add3A_2148 = arith.addi %mul3A_2147, %select_n3A_2144 : vector<16xi32>
      %swap3A_2149 = arith.constant 0 : i32
      %swap3A_2150 = arith.index_cast %swap3A_2149 : i32 to index
      %swap3A_2151 = arith.constant 16 : index
      %swap3A_2152 = tpu.vector_load %arg7[%swap3A_2150, %swap3A_2151] {strides = array<i32>} : memref<3x128xi32, #tpu.memory_space<vmem>>, vector<1x16xi32>,
      %swap3A_2153 = vector.shape_cast %swap3A_2152 : vector<1x16xi32> to vector<16xi32>
      %swap3A_2154 = vector.shape_cast %add3A_2148 : vector<16xi32> to vector<1x16xi32>
      tpu.vector_store %arg7[%swap3A_2150, %swap3A_2151], %swap3A_2154 {strides = array<i32>} : memref<3x128xi32, #tpu.memory_space<vmem>>, vector<1x16xi32>,
      %get3A_2155 = arith.constant 32 : index
      %get3A_2156 = tpu.vector_load %arg5[%get3A_2155] {strides = array<i32>} : memref<384xi32, #tpu.memory_space<vmem>>, vector<16xi32>,
      %get3A_2157 = vector.shape_cast %get3A_2156 : vector<16xi32> to vector<16xi32>
      %add3A_2158 = arith.constant 32 : i32
      %add3A_2159 = arith.addi %add3A_2068, %add3A_2158 : i32
      %iota3A_2160 = tpu.iota {dimensions = array<i32: 0>} : vector<16xi32>
      %add3A_2161 = vector.broadcast %add3A_2159 : i32 to vector<16xi32>
      %add3A_2162 = arith.addi %add3A_2161, %iota3A_2160 : vector<16xi32>
      %jit3A_2163 = arith.constant 81 : i32
      %eq3A_2164 = arith.constant 0 : i32
      %eq3A_2165 = arith.cmpi eq, %jit3A_2163, %eq3A_2164 : i32
      %jit3A_2166 = arith.constant 1 : i32
      %select_n3A_2167 = arith.select %eq3A_2165, %jit3A_2166, %jit3A_2163 : i32
      %rem3A_2168 = vector.broadcast %select_n3A_2167 : i32 to vector<16xi32>
      %rem3A_2169 = arith.remsi %add3A_2162, %rem3A_2168 : vector<16xi32>
      %ne3A_2170 = arith.constant 0 : i32
      %ne3A_2171 = vector.broadcast %ne3A_2170 : i32 to vector<16xi32>
      %ne3A_2172 = arith.cmpi ne, %rem3A_2169, %ne3A_2171 : vector<16xi32>
      %lt3A_2173 = arith.constant 0 : i32
      %lt3A_2174 = vector.broadcast %lt3A_2173 : i32 to vector<16xi32>
      %lt3A_2175 = arith.cmpi slt, %rem3A_2169, %lt3A_2174 : vector<16xi32>
      %lt3A_2176 = arith.constant 0 : i32
      %lt3A_2177 = arith.cmpi slt, %select_n3A_2167, %lt3A_2176 : i32
      %ne3A_2178 = vector.broadcast %lt3A_2177 : i1 to vector<16xi1>
      %ne3A_2179 = vector.broadcast %ne3A_2178 : vector<16xi1> to vector<16xi1>
      %ne3A_2180 = arith.xori %lt3A_2175, %ne3A_2179 : vector<16xi1>
      %and3A_2181 = arith.andi %ne3A_2180, %ne3A_2172 : vector<16xi1>
      %add3A_2182 = vector.broadcast %select_n3A_2167 : i32 to vector<16xi32>
      %add3A_2183 = arith.addi %rem3A_2169, %add3A_2182 : vector<16xi32>
      %select_n3A_2184 = arith.select %and3A_2181, %add3A_2183, %rem3A_2169 : vector<16xi1>, vector<16xi32>
      %mul3A_2185 = arith.constant 81 : i32
      %mul3A_2186 = vector.broadcast %mul3A_2185 : i32 to vector<16xi32>
      %mul3A_2187 = arith.muli %get3A_2157, %mul3A_2186 : vector<16xi32>
      %add3A_2188 = arith.addi %mul3A_2187, %select_n3A_2184 : vector<16xi32>
      %swap3A_2189 = arith.constant 0 : i32
      %swap3A_2190 = arith.index_cast %swap3A_2189 : i32 to index
      %swap3A_2191 = arith.constant 32 : index
      %swap3A_2192 = tpu.vector_load %arg7[%swap3A_2190, %swap3A_2191] {strides = array<i32>} : memref<3x128xi32, #tpu.memory_space<vmem>>, vector<1x16xi32>,
      %swap3A_2193 = vector.shape_cast %swap3A_2192 : vector<1x16xi32> to vector<16xi32>
      %swap3A_2194 = vector.shape_cast %add3A_2188 : vector<16xi32> to vector<1x16xi32>
      tpu.vector_store %arg7[%swap3A_2190, %swap3A_2191], %swap3A_2194 {strides = array<i32>} : memref<3x128xi32, #tpu.memory_space<vmem>>, vector<1x16xi32>,
      %get3A_2195 = arith.constant 48 : index
      %get3A_2196 = tpu.vector_load %arg5[%get3A_2195] {strides = array<i32>} : memref<384xi32, #tpu.memory_space<vmem>>, vector<16xi32>,
      %get3A_2197 = vector.shape_cast %get3A_2196 : vector<16xi32> to vector<16xi32>
      %add3A_2198 = arith.constant 48 : i32
      %add3A_2199 = arith.addi %add3A_2068, %add3A_2198 : i32
      %iota3A_2200 = tpu.iota {dimensions = array<i32: 0>} : vector<16xi32>
      %add3A_2201 = vector.broadcast %add3A_2199 : i32 to vector<16xi32>
      %add3A_2202 = arith.addi %add3A_2201, %iota3A_2200 : vector<16xi32>
      %jit3A_2203 = arith.constant 81 : i32
      %eq3A_2204 = arith.constant 0 : i32
      %eq3A_2205 = arith.cmpi eq, %jit3A_2203, %eq3A_2204 : i32
      %jit3A_2206 = arith.constant 1 : i32
      %select_n3A_2207 = arith.select %eq3A_2205, %jit3A_2206, %jit3A_2203 : i32
      %rem3A_2208 = vector.broadcast %select_n3A_2207 : i32 to vector<16xi32>
      %rem3A_2209 = arith.remsi %add3A_2202, %rem3A_2208 : vector<16xi32>
      %ne3A_2210 = arith.constant 0 : i32
      %ne3A_2211 = vector.broadcast %ne3A_2210 : i32 to vector<16xi32>
      %ne3A_2212 = arith.cmpi ne, %rem3A_2209, %ne3A_2211 : vector<16xi32>
      %lt3A_2213 = arith.constant 0 : i32
      %lt3A_2214 = vector.broadcast %lt3A_2213 : i32 to vector<16xi32>
      %lt3A_2215 = arith.cmpi slt, %rem3A_2209, %lt3A_2214 : vector<16xi32>
      %lt3A_2216 = arith.constant 0 : i32
      %lt3A_2217 = arith.cmpi slt, %select_n3A_2207, %lt3A_2216 : i32
      %ne3A_2218 = vector.broadcast %lt3A_2217 : i1 to vector<16xi1>
      %ne3A_2219 = vector.broadcast %ne3A_2218 : vector<16xi1> to vector<16xi1>
      %ne3A_2220 = arith.xori %lt3A_2215, %ne3A_2219 : vector<16xi1>
      %and3A_2221 = arith.andi %ne3A_2220, %ne3A_2212 : vector<16xi1>
      %add3A_2222 = vector.broadcast %select_n3A_2207 : i32 to vector<16xi32>
      %add3A_2223 = arith.addi %rem3A_2209, %add3A_2222 : vector<16xi32>
      %select_n3A_2224 = arith.select %and3A_2221, %add3A_2223, %rem3A_2209 : vector<16xi1>, vector<16xi32>
      %mul3A_2225 = arith.constant 81 : i32
      %mul3A_2226 = vector.broadcast %mul3A_2225 : i32 to vector<16xi32>
      %mul3A_2227 = arith.muli %get3A_2197, %mul3A_2226 : vector<16xi32>
      %add3A_2228 = arith.addi %mul3A_2227, %select_n3A_2224 : vector<16xi32>
      %swap3A_2229 = arith.constant 0 : i32
      %swap3A_2230 = arith.index_cast %swap3A_2229 : i32 to index
      %swap3A_2231 = arith.constant 48 : index
      %swap3A_2232 = tpu.vector_load %arg7[%swap3A_2230, %swap3A_2231] {strides = array<i32>} : memref<3x128xi32, #tpu.memory_space<vmem>>, vector<1x16xi32>,
      %swap3A_2233 = vector.shape_cast %swap3A_2232 : vector<1x16xi32> to vector<16xi32>
      %swap3A_2234 = vector.shape_cast %add3A_2228 : vector<16xi32> to vector<1x16xi32>
      tpu.vector_store %arg7[%swap3A_2230, %swap3A_2231], %swap3A_2234 {strides = array<i32>} : memref<3x128xi32, #tpu.memory_space<vmem>>, vector<1x16xi32>,
      %get3A_2235 = arith.constant 64 : index
      %get3A_2236 = tpu.vector_load %arg5[%get3A_2235] {strides = array<i32>} : memref<384xi32, #tpu.memory_space<vmem>>, vector<16xi32>,
      %get3A_2237 = vector.shape_cast %get3A_2236 : vector<16xi32> to vector<16xi32>
      %add3A_2238 = arith.constant 64 : i32
      %add3A_2239 = arith.addi %add3A_2068, %add3A_2238 : i32
      %iota3A_2240 = tpu.iota {dimensions = array<i32: 0>} : vector<16xi32>
      %add3A_2241 = vector.broadcast %add3A_2239 : i32 to vector<16xi32>
      %add3A_2242 = arith.addi %add3A_2241, %iota3A_2240 : vector<16xi32>
      %jit3A_2243 = arith.constant 81 : i32
      %eq3A_2244 = arith.constant 0 : i32
      %eq3A_2245 = arith.cmpi eq, %jit3A_2243, %eq3A_2244 : i32
      %jit3A_2246 = arith.constant 1 : i32
      %select_n3A_2247 = arith.select %eq3A_2245, %jit3A_2246, %jit3A_2243 : i32
      %rem3A_2248 = vector.broadcast %select_n3A_2247 : i32 to vector<16xi32>
      %rem3A_2249 = arith.remsi %add3A_2242, %rem3A_2248 : vector<16xi32>
      %ne3A_2250 = arith.constant 0 : i32
      %ne3A_2251 = vector.broadcast %ne3A_2250 : i32 to vector<16xi32>
      %ne3A_2252 = arith.cmpi ne, %rem3A_2249, %ne3A_2251 : vector<16xi32>
      %lt3A_2253 = arith.constant 0 : i32
      %lt3A_2254 = vector.broadcast %lt3A_2253 : i32 to vector<16xi32>
      %lt3A_2255 = arith.cmpi slt, %rem3A_2249, %lt3A_2254 : vector<16xi32>
      %lt3A_2256 = arith.constant 0 : i32
      %lt3A_2257 = arith.cmpi slt, %select_n3A_2247, %lt3A_2256 : i32
      %ne3A_2258 = vector.broadcast %lt3A_2257 : i1 to vector<16xi1>
      %ne3A_2259 = vector.broadcast %ne3A_2258 : vector<16xi1> to vector<16xi1>
      %ne3A_2260 = arith.xori %lt3A_2255, %ne3A_2259 : vector<16xi1>
      %and3A_2261 = arith.andi %ne3A_2260, %ne3A_2252 : vector<16xi1>
      %add3A_2262 = vector.broadcast %select_n3A_2247 : i32 to vector<16xi32>
      %add3A_2263 = arith.addi %rem3A_2249, %add3A_2262 : vector<16xi32>
      %select_n3A_2264 = arith.select %and3A_2261, %add3A_2263, %rem3A_2249 : vector<16xi1>, vector<16xi32>
      %mul3A_2265 = arith.constant 81 : i32
      %mul3A_2266 = vector.broadcast %mul3A_2265 : i32 to vector<16xi32>
      %mul3A_2267 = arith.muli %get3A_2237, %mul3A_2266 : vector<16xi32>
      %add3A_2268 = arith.addi %mul3A_2267, %select_n3A_2264 : vector<16xi32>
      %swap3A_2269 = arith.constant 0 : i32
      %swap3A_2270 = arith.index_cast %swap3A_2269 : i32 to index
      %swap3A_2271 = arith.constant 64 : index
      %swap3A_2272 = tpu.vector_load %arg7[%swap3A_2270, %swap3A_2271] {strides = array<i32>} : memref<3x128xi32, #tpu.memory_space<vmem>>, vector<1x16xi32>,
      %swap3A_2273 = vector.shape_cast %swap3A_2272 : vector<1x16xi32> to vector<16xi32>
      %swap3A_2274 = vector.shape_cast %add3A_2268 : vector<16xi32> to vector<1x16xi32>
      tpu.vector_store %arg7[%swap3A_2270, %swap3A_2271], %swap3A_2274 {strides = array<i32>} : memref<3x128xi32, #tpu.memory_space<vmem>>, vector<1x16xi32>,
      %get3A_2275 = arith.constant 80 : index
      %get3A_2276 = tpu.vector_load %arg5[%get3A_2275] {strides = array<i32>} : memref<384xi32, #tpu.memory_space<vmem>>, vector<16xi32>,
      %get3A_2277 = vector.shape_cast %get3A_2276 : vector<16xi32> to vector<16xi32>
      %add3A_2278 = arith.constant 80 : i32
      %add3A_2279 = arith.addi %add3A_2068, %add3A_2278 : i32
      %iota3A_2280 = tpu.iota {dimensions = array<i32: 0>} : vector<16xi32>
      %add3A_2281 = vector.broadcast %add3A_2279 : i32 to vector<16xi32>
      %add3A_2282 = arith.addi %add3A_2281, %iota3A_2280 : vector<16xi32>
      %jit3A_2283 = arith.constant 81 : i32
      %eq3A_2284 = arith.constant 0 : i32
      %eq3A_2285 = arith.cmpi eq, %jit3A_2283, %eq3A_2284 : i32
      %jit3A_2286 = arith.constant 1 : i32
      %select_n3A_2287 = arith.select %eq3A_2285, %jit3A_2286, %jit3A_2283 : i32
      %rem3A_2288 = vector.broadcast %select_n3A_2287 : i32 to vector<16xi32>
      %rem3A_2289 = arith.remsi %add3A_2282, %rem3A_2288 : vector<16xi32>
      %ne3A_2290 = arith.constant 0 : i32
      %ne3A_2291 = vector.broadcast %ne3A_2290 : i32 to vector<16xi32>
      %ne3A_2292 = arith.cmpi ne, %rem3A_2289, %ne3A_2291 : vector<16xi32>
      %lt3A_2293 = arith.constant 0 : i32
      %lt3A_2294 = vector.broadcast %lt3A_2293 : i32 to vector<16xi32>
      %lt3A_2295 = arith.cmpi slt, %rem3A_2289, %lt3A_2294 : vector<16xi32>
      %lt3A_2296 = arith.constant 0 : i32
      %lt3A_2297 = arith.cmpi slt, %select_n3A_2287, %lt3A_2296 : i32
      %ne3A_2298 = vector.broadcast %lt3A_2297 : i1 to vector<16xi1>
      %ne3A_2299 = vector.broadcast %ne3A_2298 : vector<16xi1> to vector<16xi1>
      %ne3A_2300 = arith.xori %lt3A_2295, %ne3A_2299 : vector<16xi1>
      %and3A_2301 = arith.andi %ne3A_2300, %ne3A_2292 : vector<16xi1>
      %add3A_2302 = vector.broadcast %select_n3A_2287 : i32 to vector<16xi32>
      %add3A_2303 = arith.addi %rem3A_2289, %add3A_2302 : vector<16xi32>
      %select_n3A_2304 = arith.select %and3A_2301, %add3A_2303, %rem3A_2289 : vector<16xi1>, vector<16xi32>
      %mul3A_2305 = arith.constant 81 : i32
      %mul3A_2306 = vector.broadcast %mul3A_2305 : i32 to vector<16xi32>
      %mul3A_2307 = arith.muli %get3A_2277, %mul3A_2306 : vector<16xi32>
      %add3A_2308 = arith.addi %mul3A_2307, %select_n3A_2304 : vector<16xi32>
      %swap3A_2309 = arith.constant 0 : i32
      %swap3A_2310 = arith.index_cast %swap3A_2309 : i32 to index
      %swap3A_2311 = arith.constant 80 : index
      %swap3A_2312 = tpu.vector_load %arg7[%swap3A_2310, %swap3A_2311] {strides = array<i32>} : memref<3x128xi32, #tpu.memory_space<vmem>>, vector<1x16xi32>,
      %swap3A_2313 = vector.shape_cast %swap3A_2312 : vector<1x16xi32> to vector<16xi32>
      %swap3A_2314 = vector.shape_cast %add3A_2308 : vector<16xi32> to vector<1x16xi32>
      tpu.vector_store %arg7[%swap3A_2310, %swap3A_2311], %swap3A_2314 {strides = array<i32>} : memref<3x128xi32, #tpu.memory_space<vmem>>, vector<1x16xi32>,
      %get3A_2315 = arith.constant 96 : index
      %get3A_2316 = tpu.vector_load %arg5[%get3A_2315] {strides = array<i32>} : memref<384xi32, #tpu.memory_space<vmem>>, vector<16xi32>,
      %get3A_2317 = vector.shape_cast %get3A_2316 : vector<16xi32> to vector<16xi32>
      %add3A_2318 = arith.constant 96 : i32
      %add3A_2319 = arith.addi %add3A_2068, %add3A_2318 : i32
      %iota3A_2320 = tpu.iota {dimensions = array<i32: 0>} : vector<16xi32>
      %add3A_2321 = vector.broadcast %add3A_2319 : i32 to vector<16xi32>
      %add3A_2322 = arith.addi %add3A_2321, %iota3A_2320 : vector<16xi32>
      %jit3A_2323 = arith.constant 81 : i32
      %eq3A_2324 = arith.constant 0 : i32
      %eq3A_2325 = arith.cmpi eq, %jit3A_2323, %eq3A_2324 : i32
      %jit3A_2326 = arith.constant 1 : i32
      %select_n3A_2327 = arith.select %eq3A_2325, %jit3A_2326, %jit3A_2323 : i32
      %rem3A_2328 = vector.broadcast %select_n3A_2327 : i32 to vector<16xi32>
      %rem3A_2329 = arith.remsi %add3A_2322, %rem3A_2328 : vector<16xi32>
      %ne3A_2330 = arith.constant 0 : i32
      %ne3A_2331 = vector.broadcast %ne3A_2330 : i32 to vector<16xi32>
      %ne3A_2332 = arith.cmpi ne, %rem3A_2329, %ne3A_2331 : vector<16xi32>
      %lt3A_2333 = arith.constant 0 : i32
      %lt3A_2334 = vector.broadcast %lt3A_2333 : i32 to vector<16xi32>
      %lt3A_2335 = arith.cmpi slt, %rem3A_2329, %lt3A_2334 : vector<16xi32>
      %lt3A_2336 = arith.constant 0 : i32
      %lt3A_2337 = arith.cmpi slt, %select_n3A_2327, %lt3A_2336 : i32
      %ne3A_2338 = vector.broadcast %lt3A_2337 : i1 to vector<16xi1>
      %ne3A_2339 = vector.broadcast %ne3A_2338 : vector<16xi1> to vector<16xi1>
      %ne3A_2340 = arith.xori %lt3A_2335, %ne3A_2339 : vector<16xi1>
      %and3A_2341 = arith.andi %ne3A_2340, %ne3A_2332 : vector<16xi1>
      %add3A_2342 = vector.broadcast %select_n3A_2327 : i32 to vector<16xi32>
      %add3A_2343 = arith.addi %rem3A_2329, %add3A_2342 : vector<16xi32>
      %select_n3A_2344 = arith.select %and3A_2341, %add3A_2343, %rem3A_2329 : vector<16xi1>, vector<16xi32>
      %mul3A_2345 = arith.constant 81 : i32
      %mul3A_2346 = vector.broadcast %mul3A_2345 : i32 to vector<16xi32>
      %mul3A_2347 = arith.muli %get3A_2317, %mul3A_2346 : vector<16xi32>
      %add3A_2348 = arith.addi %mul3A_2347, %select_n3A_2344 : vector<16xi32>
      %swap3A_2349 = arith.constant 0 : i32
      %swap3A_2350 = arith.index_cast %swap3A_2349 : i32 to index
      %swap3A_2351 = arith.constant 96 : index
      %swap3A_2352 = tpu.vector_load %arg7[%swap3A_2350, %swap3A_2351] {strides = array<i32>} : memref<3x128xi32, #tpu.memory_space<vmem>>, vector<1x16xi32>,
      %swap3A_2353 = vector.shape_cast %swap3A_2352 : vector<1x16xi32> to vector<16xi32>
      %swap3A_2354 = vector.shape_cast %add3A_2348 : vector<16xi32> to vector<1x16xi32>
      tpu.vector_store %arg7[%swap3A_2350, %swap3A_2351], %swap3A_2354 {strides = array<i32>} : memref<3x128xi32, #tpu.memory_space<vmem>>, vector<1x16xi32>,
      %get3A_2355 = arith.constant 112 : index
      %get3A_2356 = tpu.vector_load %arg5[%get3A_2355] {strides = array<i32>} : memref<384xi32, #tpu.memory_space<vmem>>, vector<16xi32>,
      %get3A_2357 = vector.shape_cast %get3A_2356 : vector<16xi32> to vector<16xi32>
      %add3A_2358 = arith.constant 112 : i32
      %add3A_2359 = arith.addi %add3A_2068, %add3A_2358 : i32
      %iota3A_2360 = tpu.iota {dimensions = array<i32: 0>} : vector<16xi32>
      %add3A_2361 = vector.broadcast %add3A_2359 : i32 to vector<16xi32>
      %add3A_2362 = arith.addi %add3A_2361, %iota3A_2360 : vector<16xi32>
      %jit3A_2363 = arith.constant 81 : i32
      %eq3A_2364 = arith.constant 0 : i32
      %eq3A_2365 = arith.cmpi eq, %jit3A_2363, %eq3A_2364 : i32
      %jit3A_2366 = arith.constant 1 : i32
      %select_n3A_2367 = arith.select %eq3A_2365, %jit3A_2366, %jit3A_2363 : i32
      %rem3A_2368 = vector.broadcast %select_n3A_2367 : i32 to vector<16xi32>
      %rem3A_2369 = arith.remsi %add3A_2362, %rem3A_2368 : vector<16xi32>
      %ne3A_2370 = arith.constant 0 : i32
      %ne3A_2371 = vector.broadcast %ne3A_2370 : i32 to vector<16xi32>
      %ne3A_2372 = arith.cmpi ne, %rem3A_2369, %ne3A_2371 : vector<16xi32>
      %lt3A_2373 = arith.constant 0 : i32
      %lt3A_2374 = vector.broadcast %lt3A_2373 : i32 to vector<16xi32>
      %lt3A_2375 = arith.cmpi slt, %rem3A_2369, %lt3A_2374 : vector<16xi32>
      %lt3A_2376 = arith.constant 0 : i32
      %lt3A_2377 = arith.cmpi slt, %select_n3A_2367, %lt3A_2376 : i32
      %ne3A_2378 = vector.broadcast %lt3A_2377 : i1 to vector<16xi1>
      %ne3A_2379 = vector.broadcast %ne3A_2378 : vector<16xi1> to vector<16xi1>
      %ne3A_2380 = arith.xori %lt3A_2375, %ne3A_2379 : vector<16xi1>
      %and3A_2381 = arith.andi %ne3A_2380, %ne3A_2372 : vector<16xi1>
      %add3A_2382 = vector.broadcast %select_n3A_2367 : i32 to vector<16xi32>
      %add3A_2383 = arith.addi %rem3A_2369, %add3A_2382 : vector<16xi32>
      %select_n3A_2384 = arith.select %and3A_2381, %add3A_2383, %rem3A_2369 : vector<16xi1>, vector<16xi32>
      %mul3A_2385 = arith.constant 81 : i32
      %mul3A_2386 = vector.broadcast %mul3A_2385 : i32 to vector<16xi32>
      %mul3A_2387 = arith.muli %get3A_2357, %mul3A_2386 : vector<16xi32>
      %add3A_2388 = arith.addi %mul3A_2387, %select_n3A_2384 : vector<16xi32>
      %swap3A_2389 = arith.constant 0 : i32
      %swap3A_2390 = arith.index_cast %swap3A_2389 : i32 to index
      %swap3A_2391 = arith.constant 112 : index
      %swap3A_2392 = tpu.vector_load %arg7[%swap3A_2390, %swap3A_2391] {strides = array<i32>} : memref<3x128xi32, #tpu.memory_space<vmem>>, vector<1x16xi32>,
      %swap3A_2393 = vector.shape_cast %swap3A_2392 : vector<1x16xi32> to vector<16xi32>
      %swap3A_2394 = vector.shape_cast %add3A_2388 : vector<16xi32> to vector<1x16xi32>
      tpu.vector_store %arg7[%swap3A_2390, %swap3A_2391], %swap3A_2394 {strides = array<i32>} : memref<3x128xi32, #tpu.memory_space<vmem>>, vector<1x16xi32>,
      %get3A_2395 = arith.constant 128 : index
      %get3A_2396 = tpu.vector_load %arg5[%get3A_2395] {strides = array<i32>} : memref<384xi32, #tpu.memory_space<vmem>>, vector<16xi32>,
      %get3A_2397 = vector.shape_cast %get3A_2396 : vector<16xi32> to vector<16xi32>
      %add3A_2398 = arith.constant 128 : i32
      %add3A_2399 = arith.addi %add3A_2068, %add3A_2398 : i32
      %iota3A_2400 = tpu.iota {dimensions = array<i32: 0>} : vector<16xi32>
      %add3A_2401 = vector.broadcast %add3A_2399 : i32 to vector<16xi32>
      %add3A_2402 = arith.addi %add3A_2401, %iota3A_2400 : vector<16xi32>
      %jit3A_2403 = arith.constant 81 : i32
      %eq3A_2404 = arith.constant 0 : i32
      %eq3A_2405 = arith.cmpi eq, %jit3A_2403, %eq3A_2404 : i32
      %jit3A_2406 = arith.constant 1 : i32
      %select_n3A_2407 = arith.select %eq3A_2405, %jit3A_2406, %jit3A_2403 : i32
      %rem3A_2408 = vector.broadcast %select_n3A_2407 : i32 to vector<16xi32>
      %rem3A_2409 = arith.remsi %add3A_2402, %rem3A_2408 : vector<16xi32>
      %ne3A_2410 = arith.constant 0 : i32
      %ne3A_2411 = vector.broadcast %ne3A_2410 : i32 to vector<16xi32>
      %ne3A_2412 = arith.cmpi ne, %rem3A_2409, %ne3A_2411 : vector<16xi32>
      %lt3A_2413 = arith.constant 0 : i32
      %lt3A_2414 = vector.broadcast %lt3A_2413 : i32 to vector<16xi32>
      %lt3A_2415 = arith.cmpi slt, %rem3A_2409, %lt3A_2414 : vector<16xi32>
      %lt3A_2416 = arith.constant 0 : i32
      %lt3A_2417 = arith.cmpi slt, %select_n3A_2407, %lt3A_2416 : i32
      %ne3A_2418 = vector.broadcast %lt3A_2417 : i1 to vector<16xi1>
      %ne3A_2419 = vector.broadcast %ne3A_2418 : vector<16xi1> to vector<16xi1>
      %ne3A_2420 = arith.xori %lt3A_2415, %ne3A_2419 : vector<16xi1>
      %and3A_2421 = arith.andi %ne3A_2420, %ne3A_2412 : vector<16xi1>
      %add3A_2422 = vector.broadcast %select_n3A_2407 : i32 to vector<16xi32>
      %add3A_2423 = arith.addi %rem3A_2409, %add3A_2422 : vector<16xi32>
      %select_n3A_2424 = arith.select %and3A_2421, %add3A_2423, %rem3A_2409 : vector<16xi1>, vector<16xi32>
      %mul3A_2425 = arith.constant 81 : i32
      %mul3A_2426 = vector.broadcast %mul3A_2425 : i32 to vector<16xi32>
      %mul3A_2427 = arith.muli %get3A_2397, %mul3A_2426 : vector<16xi32>
      %add3A_2428 = arith.addi %mul3A_2427, %select_n3A_2424 : vector<16xi32>
      %swap3A_2429 = arith.constant 1 : i32
      %swap3A_2430 = arith.index_cast %swap3A_2429 : i32 to index
      %swap3A_2431 = arith.constant 0 : index
      %swap3A_2432 = tpu.vector_load %arg7[%swap3A_2430, %swap3A_2431] {strides = array<i32>} : memref<3x128xi32, #tpu.memory_space<vmem>>, vector<1x16xi32>,
      %swap3A_2433 = vector.shape_cast %swap3A_2432 : vector<1x16xi32> to vector<16xi32>
      %swap3A_2434 = vector.shape_cast %add3A_2428 : vector<16xi32> to vector<1x16xi32>
      tpu.vector_store %arg7[%swap3A_2430, %swap3A_2431], %swap3A_2434 {strides = array<i32>} : memref<3x128xi32, #tpu.memory_space<vmem>>, vector<1x16xi32>,
      %get3A_2435 = arith.constant 144 : index
      %get3A_2436 = tpu.vector_load %arg5[%get3A_2435] {strides = array<i32>} : memref<384xi32, #tpu.memory_space<vmem>>, vector<16xi32>,
      %get3A_2437 = vector.shape_cast %get3A_2436 : vector<16xi32> to vector<16xi32>
      %add3A_2438 = arith.constant 144 : i32
      %add3A_2439 = arith.addi %add3A_2068, %add3A_2438 : i32
      %iota3A_2440 = tpu.iota {dimensions = array<i32: 0>} : vector<16xi32>
      %add3A_2441 = vector.broadcast %add3A_2439 : i32 to vector<16xi32>
      %add3A_2442 = arith.addi %add3A_2441, %iota3A_2440 : vector<16xi32>
      %jit3A_2443 = arith.constant 81 : i32
      %eq3A_2444 = arith.constant 0 : i32
      %eq3A_2445 = arith.cmpi eq, %jit3A_2443, %eq3A_2444 : i32
      %jit3A_2446 = arith.constant 1 : i32
      %select_n3A_2447 = arith.select %eq3A_2445, %jit3A_2446, %jit3A_2443 : i32
      %rem3A_2448 = vector.broadcast %select_n3A_2447 : i32 to vector<16xi32>
      %rem3A_2449 = arith.remsi %add3A_2442, %rem3A_2448 : vector<16xi32>
      %ne3A_2450 = arith.constant 0 : i32
      %ne3A_2451 = vector.broadcast %ne3A_2450 : i32 to vector<16xi32>
      %ne3A_2452 = arith.cmpi ne, %rem3A_2449, %ne3A_2451 : vector<16xi32>
      %lt3A_2453 = arith.constant 0 : i32
      %lt3A_2454 = vector.broadcast %lt3A_2453 : i32 to vector<16xi32>
      %lt3A_2455 = arith.cmpi slt, %rem3A_2449, %lt3A_2454 : vector<16xi32>
      %lt3A_2456 = arith.constant 0 : i32
      %lt3A_2457 = arith.cmpi slt, %select_n3A_2447, %lt3A_2456 : i32
      %ne3A_2458 = vector.broadcast %lt3A_2457 : i1 to vector<16xi1>
      %ne3A_2459 = vector.broadcast %ne3A_2458 : vector<16xi1> to vector<16xi1>
      %ne3A_2460 = arith.xori %lt3A_2455, %ne3A_2459 : vector<16xi1>
      %and3A_2461 = arith.andi %ne3A_2460, %ne3A_2452 : vector<16xi1>
      %add3A_2462 = vector.broadcast %select_n3A_2447 : i32 to vector<16xi32>
      %add3A_2463 = arith.addi %rem3A_2449, %add3A_2462 : vector<16xi32>
      %select_n3A_2464 = arith.select %and3A_2461, %add3A_2463, %rem3A_2449 : vector<16xi1>, vector<16xi32>
      %mul3A_2465 = arith.constant 81 : i32
      %mul3A_2466 = vector.broadcast %mul3A_2465 : i32 to vector<16xi32>
      %mul3A_2467 = arith.muli %get3A_2437, %mul3A_2466 : vector<16xi32>
      %add3A_2468 = arith.addi %mul3A_2467, %select_n3A_2464 : vector<16xi32>
      %swap3A_2469 = arith.constant 1 : i32
      %swap3A_2470 = arith.index_cast %swap3A_2469 : i32 to index
      %swap3A_2471 = arith.constant 16 : index
      %swap3A_2472 = tpu.vector_load %arg7[%swap3A_2470, %swap3A_2471] {strides = array<i32>} : memref<3x128xi32, #tpu.memory_space<vmem>>, vector<1x16xi32>,
      %swap3A_2473 = vector.shape_cast %swap3A_2472 : vector<1x16xi32> to vector<16xi32>
      %swap3A_2474 = vector.shape_cast %add3A_2468 : vector<16xi32> to vector<1x16xi32>
      tpu.vector_store %arg7[%swap3A_2470, %swap3A_2471], %swap3A_2474 {strides = array<i32>} : memref<3x128xi32, #tpu.memory_space<vmem>>, vector<1x16xi32>,
      %get3A_2475 = arith.constant 160 : index
      %get3A_2476 = tpu.vector_load %arg5[%get3A_2475] {strides = array<i32>} : memref<384xi32, #tpu.memory_space<vmem>>, vector<16xi32>,
      %get3A_2477 = vector.shape_cast %get3A_2476 : vector<16xi32> to vector<16xi32>
      %add3A_2478 = arith.constant 160 : i32
      %add3A_2479 = arith.addi %add3A_2068, %add3A_2478 : i32
      %iota3A_2480 = tpu.iota {dimensions = array<i32: 0>} : vector<16xi32>
      %add3A_2481 = vector.broadcast %add3A_2479 : i32 to vector<16xi32>
      %add3A_2482 = arith.addi %add3A_2481, %iota3A_2480 : vector<16xi32>
      %jit3A_2483 = arith.constant 81 : i32
      %eq3A_2484 = arith.constant 0 : i32
      %eq3A_2485 = arith.cmpi eq, %jit3A_2483, %eq3A_2484 : i32
      %jit3A_2486 = arith.constant 1 : i32
      %select_n3A_2487 = arith.select %eq3A_2485, %jit3A_2486, %jit3A_2483 : i32
      %rem3A_2488 = vector.broadcast %select_n3A_2487 : i32 to vector<16xi32>
      %rem3A_2489 = arith.remsi %add3A_2482, %rem3A_2488 : vector<16xi32>
      %ne3A_2490 = arith.constant 0 : i32
      %ne3A_2491 = vector.broadcast %ne3A_2490 : i32 to vector<16xi32>
      %ne3A_2492 = arith.cmpi ne, %rem3A_2489, %ne3A_2491 : vector<16xi32>
      %lt3A_2493 = arith.constant 0 : i32
      %lt3A_2494 = vector.broadcast %lt3A_2493 : i32 to vector<16xi32>
      %lt3A_2495 = arith.cmpi slt, %rem3A_2489, %lt3A_2494 : vector<16xi32>
      %lt3A_2496 = arith.constant 0 : i32
      %lt3A_2497 = arith.cmpi slt, %select_n3A_2487, %lt3A_2496 : i32
      %ne3A_2498 = vector.broadcast %lt3A_2497 : i1 to vector<16xi1>
      %ne3A_2499 = vector.broadcast %ne3A_2498 : vector<16xi1> to vector<16xi1>
      %ne3A_2500 = arith.xori %lt3A_2495, %ne3A_2499 : vector<16xi1>
      %and3A_2501 = arith.andi %ne3A_2500, %ne3A_2492 : vector<16xi1>
      %add3A_2502 = vector.broadcast %select_n3A_2487 : i32 to vector<16xi32>
      %add3A_2503 = arith.addi %rem3A_2489, %add3A_2502 : vector<16xi32>
      %select_n3A_2504 = arith.select %and3A_2501, %add3A_2503, %rem3A_2489 : vector<16xi1>, vector<16xi32>
      %mul3A_2505 = arith.constant 81 : i32
      %mul3A_2506 = vector.broadcast %mul3A_2505 : i32 to vector<16xi32>
      %mul3A_2507 = arith.muli %get3A_2477, %mul3A_2506 : vector<16xi32>
      %add3A_2508 = arith.addi %mul3A_2507, %select_n3A_2504 : vector<16xi32>
      %swap3A_2509 = arith.constant 1 : i32
      %swap3A_2510 = arith.index_cast %swap3A_2509 : i32 to index
      %swap3A_2511 = arith.constant 32 : index
      %swap3A_2512 = tpu.vector_load %arg7[%swap3A_2510, %swap3A_2511] {strides = array<i32>} : memref<3x128xi32, #tpu.memory_space<vmem>>, vector<1x16xi32>,
      %swap3A_2513 = vector.shape_cast %swap3A_2512 : vector<1x16xi32> to vector<16xi32>
      %swap3A_2514 = vector.shape_cast %add3A_2508 : vector<16xi32> to vector<1x16xi32>
      tpu.vector_store %arg7[%swap3A_2510, %swap3A_2511], %swap3A_2514 {strides = array<i32>} : memref<3x128xi32, #tpu.memory_space<vmem>>, vector<1x16xi32>,
      %get3A_2515 = arith.constant 176 : index
      %get3A_2516 = tpu.vector_load %arg5[%get3A_2515] {strides = array<i32>} : memref<384xi32, #tpu.memory_space<vmem>>, vector<16xi32>,
      %get3A_2517 = vector.shape_cast %get3A_2516 : vector<16xi32> to vector<16xi32>
      %add3A_2518 = arith.constant 176 : i32
      %add3A_2519 = arith.addi %add3A_2068, %add3A_2518 : i32
      %iota3A_2520 = tpu.iota {dimensions = array<i32: 0>} : vector<16xi32>
      %add3A_2521 = vector.broadcast %add3A_2519 : i32 to vector<16xi32>
      %add3A_2522 = arith.addi %add3A_2521, %iota3A_2520 : vector<16xi32>
      %jit3A_2523 = arith.constant 81 : i32
      %eq3A_2524 = arith.constant 0 : i32
      %eq3A_2525 = arith.cmpi eq, %jit3A_2523, %eq3A_2524 : i32
      %jit3A_2526 = arith.constant 1 : i32
      %select_n3A_2527 = arith.select %eq3A_2525, %jit3A_2526, %jit3A_2523 : i32
      %rem3A_2528 = vector.broadcast %select_n3A_2527 : i32 to vector<16xi32>
      %rem3A_2529 = arith.remsi %add3A_2522, %rem3A_2528 : vector<16xi32>
      %ne3A_2530 = arith.constant 0 : i32
      %ne3A_2531 = vector.broadcast %ne3A_2530 : i32 to vector<16xi32>
      %ne3A_2532 = arith.cmpi ne, %rem3A_2529, %ne3A_2531 : vector<16xi32>
      %lt3A_2533 = arith.constant 0 : i32
      %lt3A_2534 = vector.broadcast %lt3A_2533 : i32 to vector<16xi32>
      %lt3A_2535 = arith.cmpi slt, %rem3A_2529, %lt3A_2534 : vector<16xi32>
      %lt3A_2536 = arith.constant 0 : i32
      %lt3A_2537 = arith.cmpi slt, %select_n3A_2527, %lt3A_2536 : i32
      %ne3A_2538 = vector.broadcast %lt3A_2537 : i1 to vector<16xi1>
      %ne3A_2539 = vector.broadcast %ne3A_2538 : vector<16xi1> to vector<16xi1>
      %ne3A_2540 = arith.xori %lt3A_2535, %ne3A_2539 : vector<16xi1>
      %and3A_2541 = arith.andi %ne3A_2540, %ne3A_2532 : vector<16xi1>
      %add3A_2542 = vector.broadcast %select_n3A_2527 : i32 to vector<16xi32>
      %add3A_2543 = arith.addi %rem3A_2529, %add3A_2542 : vector<16xi32>
      %select_n3A_2544 = arith.select %and3A_2541, %add3A_2543, %rem3A_2529 : vector<16xi1>, vector<16xi32>
      %mul3A_2545 = arith.constant 81 : i32
      %mul3A_2546 = vector.broadcast %mul3A_2545 : i32 to vector<16xi32>
      %mul3A_2547 = arith.muli %get3A_2517, %mul3A_2546 : vector<16xi32>
      %add3A_2548 = arith.addi %mul3A_2547, %select_n3A_2544 : vector<16xi32>
      %swap3A_2549 = arith.constant 1 : i32
      %swap3A_2550 = arith.index_cast %swap3A_2549 : i32 to index
      %swap3A_2551 = arith.constant 48 : index
      %swap3A_2552 = tpu.vector_load %arg7[%swap3A_2550, %swap3A_2551] {strides = array<i32>} : memref<3x128xi32, #tpu.memory_space<vmem>>, vector<1x16xi32>,
      %swap3A_2553 = vector.shape_cast %swap3A_2552 : vector<1x16xi32> to vector<16xi32>
      %swap3A_2554 = vector.shape_cast %add3A_2548 : vector<16xi32> to vector<1x16xi32>
      tpu.vector_store %arg7[%swap3A_2550, %swap3A_2551], %swap3A_2554 {strides = array<i32>} : memref<3x128xi32, #tpu.memory_space<vmem>>, vector<1x16xi32>,
      %get3A_2555 = arith.constant 192 : index
      %get3A_2556 = tpu.vector_load %arg5[%get3A_2555] {strides = array<i32>} : memref<384xi32, #tpu.memory_space<vmem>>, vector<16xi32>,
      %get3A_2557 = vector.shape_cast %get3A_2556 : vector<16xi32> to vector<16xi32>
      %add3A_2558 = arith.constant 192 : i32
      %add3A_2559 = arith.addi %add3A_2068, %add3A_2558 : i32
      %iota3A_2560 = tpu.iota {dimensions = array<i32: 0>} : vector<16xi32>
      %add3A_2561 = vector.broadcast %add3A_2559 : i32 to vector<16xi32>
      %add3A_2562 = arith.addi %add3A_2561, %iota3A_2560 : vector<16xi32>
      %jit3A_2563 = arith.constant 81 : i32
      %eq3A_2564 = arith.constant 0 : i32
      %eq3A_2565 = arith.cmpi eq, %jit3A_2563, %eq3A_2564 : i32
      %jit3A_2566 = arith.constant 1 : i32
      %select_n3A_2567 = arith.select %eq3A_2565, %jit3A_2566, %jit3A_2563 : i32
      %rem3A_2568 = vector.broadcast %select_n3A_2567 : i32 to vector<16xi32>
      %rem3A_2569 = arith.remsi %add3A_2562, %rem3A_2568 : vector<16xi32>
      %ne3A_2570 = arith.constant 0 : i32
      %ne3A_2571 = vector.broadcast %ne3A_2570 : i32 to vector<16xi32>
      %ne3A_2572 = arith.cmpi ne, %rem3A_2569, %ne3A_2571 : vector<16xi32>
      %lt3A_2573 = arith.constant 0 : i32
      %lt3A_2574 = vector.broadcast %lt3A_2573 : i32 to vector<16xi32>
      %lt3A_2575 = arith.cmpi slt, %rem3A_2569, %lt3A_2574 : vector<16xi32>
      %lt3A_2576 = arith.constant 0 : i32
      %lt3A_2577 = arith.cmpi slt, %select_n3A_2567, %lt3A_2576 : i32
      %ne3A_2578 = vector.broadcast %lt3A_2577 : i1 to vector<16xi1>
      %ne3A_2579 = vector.broadcast %ne3A_2578 : vector<16xi1> to vector<16xi1>
      %ne3A_2580 = arith.xori %lt3A_2575, %ne3A_2579 : vector<16xi1>
      %and3A_2581 = arith.andi %ne3A_2580, %ne3A_2572 : vector<16xi1>
      %add3A_2582 = vector.broadcast %select_n3A_2567 : i32 to vector<16xi32>
      %add3A_2583 = arith.addi %rem3A_2569, %add3A_2582 : vector<16xi32>
      %select_n3A_2584 = arith.select %and3A_2581, %add3A_2583, %rem3A_2569 : vector<16xi1>, vector<16xi32>
      %mul3A_2585 = arith.constant 81 : i32
      %mul3A_2586 = vector.broadcast %mul3A_2585 : i32 to vector<16xi32>
      %mul3A_2587 = arith.muli %get3A_2557, %mul3A_2586 : vector<16xi32>
      %add3A_2588 = arith.addi %mul3A_2587, %select_n3A_2584 : vector<16xi32>
      %swap3A_2589 = arith.constant 1 : i32
      %swap3A_2590 = arith.index_cast %swap3A_2589 : i32 to index
      %swap3A_2591 = arith.constant 64 : index
      %swap3A_2592 = tpu.vector_load %arg7[%swap3A_2590, %swap3A_2591] {strides = array<i32>} : memref<3x128xi32, #tpu.memory_space<vmem>>, vector<1x16xi32>,
      %swap3A_2593 = vector.shape_cast %swap3A_2592 : vector<1x16xi32> to vector<16xi32>
      %swap3A_2594 = vector.shape_cast %add3A_2588 : vector<16xi32> to vector<1x16xi32>
      tpu.vector_store %arg7[%swap3A_2590, %swap3A_2591], %swap3A_2594 {strides = array<i32>} : memref<3x128xi32, #tpu.memory_space<vmem>>, vector<1x16xi32>,
      %get3A_2595 = arith.constant 208 : index
      %get3A_2596 = tpu.vector_load %arg5[%get3A_2595] {strides = array<i32>} : memref<384xi32, #tpu.memory_space<vmem>>, vector<16xi32>,
      %get3A_2597 = vector.shape_cast %get3A_2596 : vector<16xi32> to vector<16xi32>
      %add3A_2598 = arith.constant 208 : i32
      %add3A_2599 = arith.addi %add3A_2068, %add3A_2598 : i32
      %iota3A_2600 = tpu.iota {dimensions = array<i32: 0>} : vector<16xi32>
      %add3A_2601 = vector.broadcast %add3A_2599 : i32 to vector<16xi32>
      %add3A_2602 = arith.addi %add3A_2601, %iota3A_2600 : vector<16xi32>
      %jit3A_2603 = arith.constant 81 : i32
      %eq3A_2604 = arith.constant 0 : i32
      %eq3A_2605 = arith.cmpi eq, %jit3A_2603, %eq3A_2604 : i32
      %jit3A_2606 = arith.constant 1 : i32
      %select_n3A_2607 = arith.select %eq3A_2605, %jit3A_2606, %jit3A_2603 : i32
      %rem3A_2608 = vector.broadcast %select_n3A_2607 : i32 to vector<16xi32>
      %rem3A_2609 = arith.remsi %add3A_2602, %rem3A_2608 : vector<16xi32>
      %ne3A_2610 = arith.constant 0 : i32
      %ne3A_2611 = vector.broadcast %ne3A_2610 : i32 to vector<16xi32>
      %ne3A_2612 = arith.cmpi ne, %rem3A_2609, %ne3A_2611 : vector<16xi32>
      %lt3A_2613 = arith.constant 0 : i32
      %lt3A_2614 = vector.broadcast %lt3A_2613 : i32 to vector<16xi32>
      %lt3A_2615 = arith.cmpi slt, %rem3A_2609, %lt3A_2614 : vector<16xi32>
      %lt3A_2616 = arith.constant 0 : i32
      %lt3A_2617 = arith.cmpi slt, %select_n3A_2607, %lt3A_2616 : i32
      %ne3A_2618 = vector.broadcast %lt3A_2617 : i1 to vector<16xi1>
      %ne3A_2619 = vector.broadcast %ne3A_2618 : vector<16xi1> to vector<16xi1>
      %ne3A_2620 = arith.xori %lt3A_2615, %ne3A_2619 : vector<16xi1>
      %and3A_2621 = arith.andi %ne3A_2620, %ne3A_2612 : vector<16xi1>
      %add3A_2622 = vector.broadcast %select_n3A_2607 : i32 to vector<16xi32>
      %add3A_2623 = arith.addi %rem3A_2609, %add3A_2622 : vector<16xi32>
      %select_n3A_2624 = arith.select %and3A_2621, %add3A_2623, %rem3A_2609 : vector<16xi1>, vector<16xi32>
      %mul3A_2625 = arith.constant 81 : i32
      %mul3A_2626 = vector.broadcast %mul3A_2625 : i32 to vector<16xi32>
      %mul3A_2627 = arith.muli %get3A_2597, %mul3A_2626 : vector<16xi32>
      %add3A_2628 = arith.addi %mul3A_2627, %select_n3A_2624 : vector<16xi32>
      %swap3A_2629 = arith.constant 1 : i32
      %swap3A_2630 = arith.index_cast %swap3A_2629 : i32 to index
      %swap3A_2631 = arith.constant 80 : index
      %swap3A_2632 = tpu.vector_load %arg7[%swap3A_2630, %swap3A_2631] {strides = array<i32>} : memref<3x128xi32, #tpu.memory_space<vmem>>, vector<1x16xi32>,
      %swap3A_2633 = vector.shape_cast %swap3A_2632 : vector<1x16xi32> to vector<16xi32>
      %swap3A_2634 = vector.shape_cast %add3A_2628 : vector<16xi32> to vector<1x16xi32>
      tpu.vector_store %arg7[%swap3A_2630, %swap3A_2631], %swap3A_2634 {strides = array<i32>} : memref<3x128xi32, #tpu.memory_space<vmem>>, vector<1x16xi32>,
      %get3A_2635 = arith.constant 224 : index
      %get3A_2636 = tpu.vector_load %arg5[%get3A_2635] {strides = array<i32>} : memref<384xi32, #tpu.memory_space<vmem>>, vector<16xi32>,
      %get3A_2637 = vector.shape_cast %get3A_2636 : vector<16xi32> to vector<16xi32>
      %add3A_2638 = arith.constant 224 : i32
      %add3A_2639 = arith.addi %add3A_2068, %add3A_2638 : i32
      %iota3A_2640 = tpu.iota {dimensions = array<i32: 0>} : vector<16xi32>
      %add3A_2641 = vector.broadcast %add3A_2639 : i32 to vector<16xi32>
      %add3A_2642 = arith.addi %add3A_2641, %iota3A_2640 : vector<16xi32>
      %jit3A_2643 = arith.constant 81 : i32
      %eq3A_2644 = arith.constant 0 : i32
      %eq3A_2645 = arith.cmpi eq, %jit3A_2643, %eq3A_2644 : i32
      %jit3A_2646 = arith.constant 1 : i32
      %select_n3A_2647 = arith.select %eq3A_2645, %jit3A_2646, %jit3A_2643 : i32
      %rem3A_2648 = vector.broadcast %select_n3A_2647 : i32 to vector<16xi32>
      %rem3A_2649 = arith.remsi %add3A_2642, %rem3A_2648 : vector<16xi32>
      %ne3A_2650 = arith.constant 0 : i32
      %ne3A_2651 = vector.broadcast %ne3A_2650 : i32 to vector<16xi32>
      %ne3A_2652 = arith.cmpi ne, %rem3A_2649, %ne3A_2651 : vector<16xi32>
      %lt3A_2653 = arith.constant 0 : i32
      %lt3A_2654 = vector.broadcast %lt3A_2653 : i32 to vector<16xi32>
      %lt3A_2655 = arith.cmpi slt, %rem3A_2649, %lt3A_2654 : vector<16xi32>
      %lt3A_2656 = arith.constant 0 : i32
      %lt3A_2657 = arith.cmpi slt, %select_n3A_2647, %lt3A_2656 : i32
      %ne3A_2658 = vector.broadcast %lt3A_2657 : i1 to vector<16xi1>
      %ne3A_2659 = vector.broadcast %ne3A_2658 : vector<16xi1> to vector<16xi1>
      %ne3A_2660 = arith.xori %lt3A_2655, %ne3A_2659 : vector<16xi1>
      %and3A_2661 = arith.andi %ne3A_2660, %ne3A_2652 : vector<16xi1>
      %add3A_2662 = vector.broadcast %select_n3A_2647 : i32 to vector<16xi32>
      %add3A_2663 = arith.addi %rem3A_2649, %add3A_2662 : vector<16xi32>
      %select_n3A_2664 = arith.select %and3A_2661, %add3A_2663, %rem3A_2649 : vector<16xi1>, vector<16xi32>
      %mul3A_2665 = arith.constant 81 : i32
      %mul3A_2666 = vector.broadcast %mul3A_2665 : i32 to vector<16xi32>
      %mul3A_2667 = arith.muli %get3A_2637, %mul3A_2666 : vector<16xi32>
      %add3A_2668 = arith.addi %mul3A_2667, %select_n3A_2664 : vector<16xi32>
      %swap3A_2669 = arith.constant 1 : i32
      %swap3A_2670 = arith.index_cast %swap3A_2669 : i32 to index
      %swap3A_2671 = arith.constant 96 : index
      %swap3A_2672 = tpu.vector_load %arg7[%swap3A_2670, %swap3A_2671] {strides = array<i32>} : memref<3x128xi32, #tpu.memory_space<vmem>>, vector<1x16xi32>,
      %swap3A_2673 = vector.shape_cast %swap3A_2672 : vector<1x16xi32> to vector<16xi32>
      %swap3A_2674 = vector.shape_cast %add3A_2668 : vector<16xi32> to vector<1x16xi32>
      tpu.vector_store %arg7[%swap3A_2670, %swap3A_2671], %swap3A_2674 {strides = array<i32>} : memref<3x128xi32, #tpu.memory_space<vmem>>, vector<1x16xi32>,
      %get3A_2675 = arith.constant 240 : index
      %get3A_2676 = tpu.vector_load %arg5[%get3A_2675] {strides = array<i32>} : memref<384xi32, #tpu.memory_space<vmem>>, vector<16xi32>,
      %get3A_2677 = vector.shape_cast %get3A_2676 : vector<16xi32> to vector<16xi32>
      %add3A_2678 = arith.constant 240 : i32
      %add3A_2679 = arith.addi %add3A_2068, %add3A_2678 : i32
      %iota3A_2680 = tpu.iota {dimensions = array<i32: 0>} : vector<16xi32>
      %add3A_2681 = vector.broadcast %add3A_2679 : i32 to vector<16xi32>
      %add3A_2682 = arith.addi %add3A_2681, %iota3A_2680 : vector<16xi32>
      %jit3A_2683 = arith.constant 81 : i32
      %eq3A_2684 = arith.constant 0 : i32
      %eq3A_2685 = arith.cmpi eq, %jit3A_2683, %eq3A_2684 : i32
      %jit3A_2686 = arith.constant 1 : i32
      %select_n3A_2687 = arith.select %eq3A_2685, %jit3A_2686, %jit3A_2683 : i32
      %rem3A_2688 = vector.broadcast %select_n3A_2687 : i32 to vector<16xi32>
      %rem3A_2689 = arith.remsi %add3A_2682, %rem3A_2688 : vector<16xi32>
      %ne3A_2690 = arith.constant 0 : i32
      %ne3A_2691 = vector.broadcast %ne3A_2690 : i32 to vector<16xi32>
      %ne3A_2692 = arith.cmpi ne, %rem3A_2689, %ne3A_2691 : vector<16xi32>
      %lt3A_2693 = arith.constant 0 : i32
      %lt3A_2694 = vector.broadcast %lt3A_2693 : i32 to vector<16xi32>
      %lt3A_2695 = arith.cmpi slt, %rem3A_2689, %lt3A_2694 : vector<16xi32>
      %lt3A_2696 = arith.constant 0 : i32
      %lt3A_2697 = arith.cmpi slt, %select_n3A_2687, %lt3A_2696 : i32
      %ne3A_2698 = vector.broadcast %lt3A_2697 : i1 to vector<16xi1>
      %ne3A_2699 = vector.broadcast %ne3A_2698 : vector<16xi1> to vector<16xi1>
      %ne3A_2700 = arith.xori %lt3A_2695, %ne3A_2699 : vector<16xi1>
      %and3A_2701 = arith.andi %ne3A_2700, %ne3A_2692 : vector<16xi1>
      %add3A_2702 = vector.broadcast %select_n3A_2687 : i32 to vector<16xi32>
      %add3A_2703 = arith.addi %rem3A_2689, %add3A_2702 : vector<16xi32>
      %select_n3A_2704 = arith.select %and3A_2701, %add3A_2703, %rem3A_2689 : vector<16xi1>, vector<16xi32>
      %mul3A_2705 = arith.constant 81 : i32
      %mul3A_2706 = vector.broadcast %mul3A_2705 : i32 to vector<16xi32>
      %mul3A_2707 = arith.muli %get3A_2677, %mul3A_2706 : vector<16xi32>
      %add3A_2708 = arith.addi %mul3A_2707, %select_n3A_2704 : vector<16xi32>
      %swap3A_2709 = arith.constant 1 : i32
      %swap3A_2710 = arith.index_cast %swap3A_2709 : i32 to index
      %swap3A_2711 = arith.constant 112 : index
      %swap3A_2712 = tpu.vector_load %arg7[%swap3A_2710, %swap3A_2711] {strides = array<i32>} : memref<3x128xi32, #tpu.memory_space<vmem>>, vector<1x16xi32>,
      %swap3A_2713 = vector.shape_cast %swap3A_2712 : vector<1x16xi32> to vector<16xi32>
      %swap3A_2714 = vector.shape_cast %add3A_2708 : vector<16xi32> to vector<1x16xi32>
      tpu.vector_store %arg7[%swap3A_2710, %swap3A_2711], %swap3A_2714 {strides = array<i32>} : memref<3x128xi32, #tpu.memory_space<vmem>>, vector<1x16xi32>,
      %get3A_2715 = arith.constant 256 : index
      %get3A_2716 = tpu.vector_load %arg5[%get3A_2715] {strides = array<i32>} : memref<384xi32, #tpu.memory_space<vmem>>, vector<16xi32>,
      %get3A_2717 = vector.shape_cast %get3A_2716 : vector<16xi32> to vector<16xi32>
      %add3A_2718 = arith.constant 256 : i32
      %add3A_2719 = arith.addi %add3A_2068, %add3A_2718 : i32
      %iota3A_2720 = tpu.iota {dimensions = array<i32: 0>} : vector<16xi32>
      %add3A_2721 = vector.broadcast %add3A_2719 : i32 to vector<16xi32>
      %add3A_2722 = arith.addi %add3A_2721, %iota3A_2720 : vector<16xi32>
      %jit3A_2723 = arith.constant 81 : i32
      %eq3A_2724 = arith.constant 0 : i32
      %eq3A_2725 = arith.cmpi eq, %jit3A_2723, %eq3A_2724 : i32
      %jit3A_2726 = arith.constant 1 : i32
      %select_n3A_2727 = arith.select %eq3A_2725, %jit3A_2726, %jit3A_2723 : i32
      %rem3A_2728 = vector.broadcast %select_n3A_2727 : i32 to vector<16xi32>
      %rem3A_2729 = arith.remsi %add3A_2722, %rem3A_2728 : vector<16xi32>
      %ne3A_2730 = arith.constant 0 : i32
      %ne3A_2731 = vector.broadcast %ne3A_2730 : i32 to vector<16xi32>
      %ne3A_2732 = arith.cmpi ne, %rem3A_2729, %ne3A_2731 : vector<16xi32>
      %lt3A_2733 = arith.constant 0 : i32
      %lt3A_2734 = vector.broadcast %lt3A_2733 : i32 to vector<16xi32>
      %lt3A_2735 = arith.cmpi slt, %rem3A_2729, %lt3A_2734 : vector<16xi32>
      %lt3A_2736 = arith.constant 0 : i32
      %lt3A_2737 = arith.cmpi slt, %select_n3A_2727, %lt3A_2736 : i32
      %ne3A_2738 = vector.broadcast %lt3A_2737 : i1 to vector<16xi1>
      %ne3A_2739 = vector.broadcast %ne3A_2738 : vector<16xi1> to vector<16xi1>
      %ne3A_2740 = arith.xori %lt3A_2735, %ne3A_2739 : vector<16xi1>
      %and3A_2741 = arith.andi %ne3A_2740, %ne3A_2732 : vector<16xi1>
      %add3A_2742 = vector.broadcast %select_n3A_2727 : i32 to vector<16xi32>
      %add3A_2743 = arith.addi %rem3A_2729, %add3A_2742 : vector<16xi32>
      %select_n3A_2744 = arith.select %and3A_2741, %add3A_2743, %rem3A_2729 : vector<16xi1>, vector<16xi32>
      %mul3A_2745 = arith.constant 81 : i32
      %mul3A_2746 = vector.broadcast %mul3A_2745 : i32 to vector<16xi32>
      %mul3A_2747 = arith.muli %get3A_2717, %mul3A_2746 : vector<16xi32>
      %add3A_2748 = arith.addi %mul3A_2747, %select_n3A_2744 : vector<16xi32>
      %swap3A_2749 = arith.constant 2 : i32
      %swap3A_2750 = arith.index_cast %swap3A_2749 : i32 to index
      %swap3A_2751 = arith.constant 0 : index
      %swap3A_2752 = tpu.vector_load %arg7[%swap3A_2750, %swap3A_2751] {strides = array<i32>} : memref<3x128xi32, #tpu.memory_space<vmem>>, vector<1x16xi32>,
      %swap3A_2753 = vector.shape_cast %swap3A_2752 : vector<1x16xi32> to vector<16xi32>
      %swap3A_2754 = vector.shape_cast %add3A_2748 : vector<16xi32> to vector<1x16xi32>
      tpu.vector_store %arg7[%swap3A_2750, %swap3A_2751], %swap3A_2754 {strides = array<i32>} : memref<3x128xi32, #tpu.memory_space<vmem>>, vector<1x16xi32>,
      %get3A_2755 = arith.constant 272 : index
      %get3A_2756 = tpu.vector_load %arg5[%get3A_2755] {strides = array<i32>} : memref<384xi32, #tpu.memory_space<vmem>>, vector<16xi32>,
      %get3A_2757 = vector.shape_cast %get3A_2756 : vector<16xi32> to vector<16xi32>
      %add3A_2758 = arith.constant 272 : i32
      %add3A_2759 = arith.addi %add3A_2068, %add3A_2758 : i32
      %iota3A_2760 = tpu.iota {dimensions = array<i32: 0>} : vector<16xi32>
      %add3A_2761 = vector.broadcast %add3A_2759 : i32 to vector<16xi32>
      %add3A_2762 = arith.addi %add3A_2761, %iota3A_2760 : vector<16xi32>
      %jit3A_2763 = arith.constant 81 : i32
      %eq3A_2764 = arith.constant 0 : i32
      %eq3A_2765 = arith.cmpi eq, %jit3A_2763, %eq3A_2764 : i32
      %jit3A_2766 = arith.constant 1 : i32
      %select_n3A_2767 = arith.select %eq3A_2765, %jit3A_2766, %jit3A_2763 : i32
      %rem3A_2768 = vector.broadcast %select_n3A_2767 : i32 to vector<16xi32>
      %rem3A_2769 = arith.remsi %add3A_2762, %rem3A_2768 : vector<16xi32>
      %ne3A_2770 = arith.constant 0 : i32
      %ne3A_2771 = vector.broadcast %ne3A_2770 : i32 to vector<16xi32>
      %ne3A_2772 = arith.cmpi ne, %rem3A_2769, %ne3A_2771 : vector<16xi32>
      %lt3A_2773 = arith.constant 0 : i32
      %lt3A_2774 = vector.broadcast %lt3A_2773 : i32 to vector<16xi32>
      %lt3A_2775 = arith.cmpi slt, %rem3A_2769, %lt3A_2774 : vector<16xi32>
      %lt3A_2776 = arith.constant 0 : i32
      %lt3A_2777 = arith.cmpi slt, %select_n3A_2767, %lt3A_2776 : i32
      %ne3A_2778 = vector.broadcast %lt3A_2777 : i1 to vector<16xi1>
      %ne3A_2779 = vector.broadcast %ne3A_2778 : vector<16xi1> to vector<16xi1>
      %ne3A_2780 = arith.xori %lt3A_2775, %ne3A_2779 : vector<16xi1>
      %and3A_2781 = arith.andi %ne3A_2780, %ne3A_2772 : vector<16xi1>
      %add3A_2782 = vector.broadcast %select_n3A_2767 : i32 to vector<16xi32>
      %add3A_2783 = arith.addi %rem3A_2769, %add3A_2782 : vector<16xi32>
      %select_n3A_2784 = arith.select %and3A_2781, %add3A_2783, %rem3A_2769 : vector<16xi1>, vector<16xi32>
      %mul3A_2785 = arith.constant 81 : i32
      %mul3A_2786 = vector.broadcast %mul3A_2785 : i32 to vector<16xi32>
      %mul3A_2787 = arith.muli %get3A_2757, %mul3A_2786 : vector<16xi32>
      %add3A_2788 = arith.addi %mul3A_2787, %select_n3A_2784 : vector<16xi32>
      %swap3A_2789 = arith.constant 2 : i32
      %swap3A_2790 = arith.index_cast %swap3A_2789 : i32 to index
      %swap3A_2791 = arith.constant 16 : index
      %swap3A_2792 = tpu.vector_load %arg7[%swap3A_2790, %swap3A_2791] {strides = array<i32>} : memref<3x128xi32, #tpu.memory_space<vmem>>, vector<1x16xi32>,
      %swap3A_2793 = vector.shape_cast %swap3A_2792 : vector<1x16xi32> to vector<16xi32>
      %swap3A_2794 = vector.shape_cast %add3A_2788 : vector<16xi32> to vector<1x16xi32>
      tpu.vector_store %arg7[%swap3A_2790, %swap3A_2791], %swap3A_2794 {strides = array<i32>} : memref<3x128xi32, #tpu.memory_space<vmem>>, vector<1x16xi32>,
      %get3A_2795 = arith.constant 288 : index
      %get3A_2796 = tpu.vector_load %arg5[%get3A_2795] {strides = array<i32>} : memref<384xi32, #tpu.memory_space<vmem>>, vector<16xi32>,
      %get3A_2797 = vector.shape_cast %get3A_2796 : vector<16xi32> to vector<16xi32>
      %add3A_2798 = arith.constant 288 : i32
      %add3A_2799 = arith.addi %add3A_2068, %add3A_2798 : i32
      %iota3A_2800 = tpu.iota {dimensions = array<i32: 0>} : vector<16xi32>
      %add3A_2801 = vector.broadcast %add3A_2799 : i32 to vector<16xi32>
      %add3A_2802 = arith.addi %add3A_2801, %iota3A_2800 : vector<16xi32>
      %jit3A_2803 = arith.constant 81 : i32
      %eq3A_2804 = arith.constant 0 : i32
      %eq3A_2805 = arith.cmpi eq, %jit3A_2803, %eq3A_2804 : i32
      %jit3A_2806 = arith.constant 1 : i32
      %select_n3A_2807 = arith.select %eq3A_2805, %jit3A_2806, %jit3A_2803 : i32
      %rem3A_2808 = vector.broadcast %select_n3A_2807 : i32 to vector<16xi32>
      %rem3A_2809 = arith.remsi %add3A_2802, %rem3A_2808 : vector<16xi32>
      %ne3A_2810 = arith.constant 0 : i32
      %ne3A_2811 = vector.broadcast %ne3A_2810 : i32 to vector<16xi32>
      %ne3A_2812 = arith.cmpi ne, %rem3A_2809, %ne3A_2811 : vector<16xi32>
      %lt3A_2813 = arith.constant 0 : i32
      %lt3A_2814 = vector.broadcast %lt3A_2813 : i32 to vector<16xi32>
      %lt3A_2815 = arith.cmpi slt, %rem3A_2809, %lt3A_2814 : vector<16xi32>
      %lt3A_2816 = arith.constant 0 : i32
      %lt3A_2817 = arith.cmpi slt, %select_n3A_2807, %lt3A_2816 : i32
      %ne3A_2818 = vector.broadcast %lt3A_2817 : i1 to vector<16xi1>
      %ne3A_2819 = vector.broadcast %ne3A_2818 : vector<16xi1> to vector<16xi1>
      %ne3A_2820 = arith.xori %lt3A_2815, %ne3A_2819 : vector<16xi1>
      %and3A_2821 = arith.andi %ne3A_2820, %ne3A_2812 : vector<16xi1>
      %add3A_2822 = vector.broadcast %select_n3A_2807 : i32 to vector<16xi32>
      %add3A_2823 = arith.addi %rem3A_2809, %add3A_2822 : vector<16xi32>
      %select_n3A_2824 = arith.select %and3A_2821, %add3A_2823, %rem3A_2809 : vector<16xi1>, vector<16xi32>
      %mul3A_2825 = arith.constant 81 : i32
      %mul3A_2826 = vector.broadcast %mul3A_2825 : i32 to vector<16xi32>
      %mul3A_2827 = arith.muli %get3A_2797, %mul3A_2826 : vector<16xi32>
      %add3A_2828 = arith.addi %mul3A_2827, %select_n3A_2824 : vector<16xi32>
      %swap3A_2829 = arith.constant 2 : i32
      %swap3A_2830 = arith.index_cast %swap3A_2829 : i32 to index
      %swap3A_2831 = arith.constant 32 : index
      %swap3A_2832 = tpu.vector_load %arg7[%swap3A_2830, %swap3A_2831] {strides = array<i32>} : memref<3x128xi32, #tpu.memory_space<vmem>>, vector<1x16xi32>,
      %swap3A_2833 = vector.shape_cast %swap3A_2832 : vector<1x16xi32> to vector<16xi32>
      %swap3A_2834 = vector.shape_cast %add3A_2828 : vector<16xi32> to vector<1x16xi32>
      tpu.vector_store %arg7[%swap3A_2830, %swap3A_2831], %swap3A_2834 {strides = array<i32>} : memref<3x128xi32, #tpu.memory_space<vmem>>, vector<1x16xi32>,
      %get3A_2835 = arith.constant 304 : index
      %get3A_2836 = tpu.vector_load %arg5[%get3A_2835] {strides = array<i32>} : memref<384xi32, #tpu.memory_space<vmem>>, vector<16xi32>,
      %get3A_2837 = vector.shape_cast %get3A_2836 : vector<16xi32> to vector<16xi32>
      %add3A_2838 = arith.constant 304 : i32
      %add3A_2839 = arith.addi %add3A_2068, %add3A_2838 : i32
      %iota3A_2840 = tpu.iota {dimensions = array<i32: 0>} : vector<16xi32>
      %add3A_2841 = vector.broadcast %add3A_2839 : i32 to vector<16xi32>
      %add3A_2842 = arith.addi %add3A_2841, %iota3A_2840 : vector<16xi32>
      %jit3A_2843 = arith.constant 81 : i32
      %eq3A_2844 = arith.constant 0 : i32
      %eq3A_2845 = arith.cmpi eq, %jit3A_2843, %eq3A_2844 : i32
      %jit3A_2846 = arith.constant 1 : i32
      %select_n3A_2847 = arith.select %eq3A_2845, %jit3A_2846, %jit3A_2843 : i32
      %rem3A_2848 = vector.broadcast %select_n3A_2847 : i32 to vector<16xi32>
      %rem3A_2849 = arith.remsi %add3A_2842, %rem3A_2848 : vector<16xi32>
      %ne3A_2850 = arith.constant 0 : i32
      %ne3A_2851 = vector.broadcast %ne3A_2850 : i32 to vector<16xi32>
      %ne3A_2852 = arith.cmpi ne, %rem3A_2849, %ne3A_2851 : vector<16xi32>
      %lt3A_2853 = arith.constant 0 : i32
      %lt3A_2854 = vector.broadcast %lt3A_2853 : i32 to vector<16xi32>
      %lt3A_2855 = arith.cmpi slt, %rem3A_2849, %lt3A_2854 : vector<16xi32>
      %lt3A_2856 = arith.constant 0 : i32
      %lt3A_2857 = arith.cmpi slt, %select_n3A_2847, %lt3A_2856 : i32
      %ne3A_2858 = vector.broadcast %lt3A_2857 : i1 to vector<16xi1>
      %ne3A_2859 = vector.broadcast %ne3A_2858 : vector<16xi1> to vector<16xi1>
      %ne3A_2860 = arith.xori %lt3A_2855, %ne3A_2859 : vector<16xi1>
      %and3A_2861 = arith.andi %ne3A_2860, %ne3A_2852 : vector<16xi1>
      %add3A_2862 = vector.broadcast %select_n3A_2847 : i32 to vector<16xi32>
      %add3A_2863 = arith.addi %rem3A_2849, %add3A_2862 : vector<16xi32>
      %select_n3A_2864 = arith.select %and3A_2861, %add3A_2863, %rem3A_2849 : vector<16xi1>, vector<16xi32>
      %mul3A_2865 = arith.constant 81 : i32
      %mul3A_2866 = vector.broadcast %mul3A_2865 : i32 to vector<16xi32>
      %mul3A_2867 = arith.muli %get3A_2837, %mul3A_2866 : vector<16xi32>
      %add3A_2868 = arith.addi %mul3A_2867, %select_n3A_2864 : vector<16xi32>
      %swap3A_2869 = arith.constant 2 : i32
      %swap3A_2870 = arith.index_cast %swap3A_2869 : i32 to index
      %swap3A_2871 = arith.constant 48 : index
      %swap3A_2872 = tpu.vector_load %arg7[%swap3A_2870, %swap3A_2871] {strides = array<i32>} : memref<3x128xi32, #tpu.memory_space<vmem>>, vector<1x16xi32>,
      %swap3A_2873 = vector.shape_cast %swap3A_2872 : vector<1x16xi32> to vector<16xi32>
      %swap3A_2874 = vector.shape_cast %add3A_2868 : vector<16xi32> to vector<1x16xi32>
      tpu.vector_store %arg7[%swap3A_2870, %swap3A_2871], %swap3A_2874 {strides = array<i32>} : memref<3x128xi32, #tpu.memory_space<vmem>>, vector<1x16xi32>,
      %get3A_2875 = arith.constant 320 : index
      %get3A_2876 = tpu.vector_load %arg5[%get3A_2875] {strides = array<i32>} : memref<384xi32, #tpu.memory_space<vmem>>, vector<16xi32>,
      %get3A_2877 = vector.shape_cast %get3A_2876 : vector<16xi32> to vector<16xi32>
      %add3A_2878 = arith.constant 320 : i32
      %add3A_2879 = arith.addi %add3A_2068, %add3A_2878 : i32
      %iota3A_2880 = tpu.iota {dimensions = array<i32: 0>} : vector<16xi32>
      %add3A_2881 = vector.broadcast %add3A_2879 : i32 to vector<16xi32>
      %add3A_2882 = arith.addi %add3A_2881, %iota3A_2880 : vector<16xi32>
      %jit3A_2883 = arith.constant 81 : i32
      %eq3A_2884 = arith.constant 0 : i32
      %eq3A_2885 = arith.cmpi eq, %jit3A_2883, %eq3A_2884 : i32
      %jit3A_2886 = arith.constant 1 : i32
      %select_n3A_2887 = arith.select %eq3A_2885, %jit3A_2886, %jit3A_2883 : i32
      %rem3A_2888 = vector.broadcast %select_n3A_2887 : i32 to vector<16xi32>
      %rem3A_2889 = arith.remsi %add3A_2882, %rem3A_2888 : vector<16xi32>
      %ne3A_2890 = arith.constant 0 : i32
      %ne3A_2891 = vector.broadcast %ne3A_2890 : i32 to vector<16xi32>
      %ne3A_2892 = arith.cmpi ne, %rem3A_2889, %ne3A_2891 : vector<16xi32>
      %lt3A_2893 = arith.constant 0 : i32
      %lt3A_2894 = vector.broadcast %lt3A_2893 : i32 to vector<16xi32>
      %lt3A_2895 = arith.cmpi slt, %rem3A_2889, %lt3A_2894 : vector<16xi32>
      %lt3A_2896 = arith.constant 0 : i32
      %lt3A_2897 = arith.cmpi slt, %select_n3A_2887, %lt3A_2896 : i32
      %ne3A_2898 = vector.broadcast %lt3A_2897 : i1 to vector<16xi1>
      %ne3A_2899 = vector.broadcast %ne3A_2898 : vector<16xi1> to vector<16xi1>
      %ne3A_2900 = arith.xori %lt3A_2895, %ne3A_2899 : vector<16xi1>
      %and3A_2901 = arith.andi %ne3A_2900, %ne3A_2892 : vector<16xi1>
      %add3A_2902 = vector.broadcast %select_n3A_2887 : i32 to vector<16xi32>
      %add3A_2903 = arith.addi %rem3A_2889, %add3A_2902 : vector<16xi32>
      %select_n3A_2904 = arith.select %and3A_2901, %add3A_2903, %rem3A_2889 : vector<16xi1>, vector<16xi32>
      %mul3A_2905 = arith.constant 81 : i32
      %mul3A_2906 = vector.broadcast %mul3A_2905 : i32 to vector<16xi32>
      %mul3A_2907 = arith.muli %get3A_2877, %mul3A_2906 : vector<16xi32>
      %add3A_2908 = arith.addi %mul3A_2907, %select_n3A_2904 : vector<16xi32>
      %swap3A_2909 = arith.constant 2 : i32
      %swap3A_2910 = arith.index_cast %swap3A_2909 : i32 to index
      %swap3A_2911 = arith.constant 64 : index
      %swap3A_2912 = tpu.vector_load %arg7[%swap3A_2910, %swap3A_2911] {strides = array<i32>} : memref<3x128xi32, #tpu.memory_space<vmem>>, vector<1x16xi32>,
      %swap3A_2913 = vector.shape_cast %swap3A_2912 : vector<1x16xi32> to vector<16xi32>
      %swap3A_2914 = vector.shape_cast %add3A_2908 : vector<16xi32> to vector<1x16xi32>
      tpu.vector_store %arg7[%swap3A_2910, %swap3A_2911], %swap3A_2914 {strides = array<i32>} : memref<3x128xi32, #tpu.memory_space<vmem>>, vector<1x16xi32>,
      %get3A_2915 = arith.constant 336 : index
      %get3A_2916 = tpu.vector_load %arg5[%get3A_2915] {strides = array<i32>} : memref<384xi32, #tpu.memory_space<vmem>>, vector<16xi32>,
      %get3A_2917 = vector.shape_cast %get3A_2916 : vector<16xi32> to vector<16xi32>
      %add3A_2918 = arith.constant 336 : i32
      %add3A_2919 = arith.addi %add3A_2068, %add3A_2918 : i32
      %iota3A_2920 = tpu.iota {dimensions = array<i32: 0>} : vector<16xi32>
      %add3A_2921 = vector.broadcast %add3A_2919 : i32 to vector<16xi32>
      %add3A_2922 = arith.addi %add3A_2921, %iota3A_2920 : vector<16xi32>
      %jit3A_2923 = arith.constant 81 : i32
      %eq3A_2924 = arith.constant 0 : i32
      %eq3A_2925 = arith.cmpi eq, %jit3A_2923, %eq3A_2924 : i32
      %jit3A_2926 = arith.constant 1 : i32
      %select_n3A_2927 = arith.select %eq3A_2925, %jit3A_2926, %jit3A_2923 : i32
      %rem3A_2928 = vector.broadcast %select_n3A_2927 : i32 to vector<16xi32>
      %rem3A_2929 = arith.remsi %add3A_2922, %rem3A_2928 : vector<16xi32>
      %ne3A_2930 = arith.constant 0 : i32
      %ne3A_2931 = vector.broadcast %ne3A_2930 : i32 to vector<16xi32>
      %ne3A_2932 = arith.cmpi ne, %rem3A_2929, %ne3A_2931 : vector<16xi32>
      %lt3A_2933 = arith.constant 0 : i32
      %lt3A_2934 = vector.broadcast %lt3A_2933 : i32 to vector<16xi32>
      %lt3A_2935 = arith.cmpi slt, %rem3A_2929, %lt3A_2934 : vector<16xi32>
      %lt3A_2936 = arith.constant 0 : i32
      %lt3A_2937 = arith.cmpi slt, %select_n3A_2927, %lt3A_2936 : i32
      %ne3A_2938 = vector.broadcast %lt3A_2937 : i1 to vector<16xi1>
      %ne3A_2939 = vector.broadcast %ne3A_2938 : vector<16xi1> to vector<16xi1>
      %ne3A_2940 = arith.xori %lt3A_2935, %ne3A_2939 : vector<16xi1>
      %and3A_2941 = arith.andi %ne3A_2940, %ne3A_2932 : vector<16xi1>
      %add3A_2942 = vector.broadcast %select_n3A_2927 : i32 to vector<16xi32>
      %add3A_2943 = arith.addi %rem3A_2929, %add3A_2942 : vector<16xi32>
      %select_n3A_2944 = arith.select %and3A_2941, %add3A_2943, %rem3A_2929 : vector<16xi1>, vector<16xi32>
      %mul3A_2945 = arith.constant 81 : i32
      %mul3A_2946 = vector.broadcast %mul3A_2945 : i32 to vector<16xi32>
      %mul3A_2947 = arith.muli %get3A_2917, %mul3A_2946 : vector<16xi32>
      %add3A_2948 = arith.addi %mul3A_2947, %select_n3A_2944 : vector<16xi32>
      %swap3A_2949 = arith.constant 2 : i32
      %swap3A_2950 = arith.index_cast %swap3A_2949 : i32 to index
      %swap3A_2951 = arith.constant 80 : index
      %swap3A_2952 = tpu.vector_load %arg7[%swap3A_2950, %swap3A_2951] {strides = array<i32>} : memref<3x128xi32, #tpu.memory_space<vmem>>, vector<1x16xi32>,
      %swap3A_2953 = vector.shape_cast %swap3A_2952 : vector<1x16xi32> to vector<16xi32>
      %swap3A_2954 = vector.shape_cast %add3A_2948 : vector<16xi32> to vector<1x16xi32>
      tpu.vector_store %arg7[%swap3A_2950, %swap3A_2951], %swap3A_2954 {strides = array<i32>} : memref<3x128xi32, #tpu.memory_space<vmem>>, vector<1x16xi32>,
      %get3A_2955 = arith.constant 352 : index
      %get3A_2956 = tpu.vector_load %arg5[%get3A_2955] {strides = array<i32>} : memref<384xi32, #tpu.memory_space<vmem>>, vector<16xi32>,
      %get3A_2957 = vector.shape_cast %get3A_2956 : vector<16xi32> to vector<16xi32>
      %add3A_2958 = arith.constant 352 : i32
      %add3A_2959 = arith.addi %add3A_2068, %add3A_2958 : i32
      %iota3A_2960 = tpu.iota {dimensions = array<i32: 0>} : vector<16xi32>
      %add3A_2961 = vector.broadcast %add3A_2959 : i32 to vector<16xi32>
      %add3A_2962 = arith.addi %add3A_2961, %iota3A_2960 : vector<16xi32>
      %jit3A_2963 = arith.constant 81 : i32
      %eq3A_2964 = arith.constant 0 : i32
      %eq3A_2965 = arith.cmpi eq, %jit3A_2963, %eq3A_2964 : i32
      %jit3A_2966 = arith.constant 1 : i32
      %select_n3A_2967 = arith.select %eq3A_2965, %jit3A_2966, %jit3A_2963 : i32
      %rem3A_2968 = vector.broadcast %select_n3A_2967 : i32 to vector<16xi32>
      %rem3A_2969 = arith.remsi %add3A_2962, %rem3A_2968 : vector<16xi32>
      %ne3A_2970 = arith.constant 0 : i32
      %ne3A_2971 = vector.broadcast %ne3A_2970 : i32 to vector<16xi32>
      %ne3A_2972 = arith.cmpi ne, %rem3A_2969, %ne3A_2971 : vector<16xi32>
      %lt3A_2973 = arith.constant 0 : i32
      %lt3A_2974 = vector.broadcast %lt3A_2973 : i32 to vector<16xi32>
      %lt3A_2975 = arith.cmpi slt, %rem3A_2969, %lt3A_2974 : vector<16xi32>
      %lt3A_2976 = arith.constant 0 : i32
      %lt3A_2977 = arith.cmpi slt, %select_n3A_2967, %lt3A_2976 : i32
      %ne3A_2978 = vector.broadcast %lt3A_2977 : i1 to vector<16xi1>
      %ne3A_2979 = vector.broadcast %ne3A_2978 : vector<16xi1> to vector<16xi1>
      %ne3A_2980 = arith.xori %lt3A_2975, %ne3A_2979 : vector<16xi1>
      %and3A_2981 = arith.andi %ne3A_2980, %ne3A_2972 : vector<16xi1>
      %add3A_2982 = vector.broadcast %select_n3A_2967 : i32 to vector<16xi32>
      %add3A_2983 = arith.addi %rem3A_2969, %add3A_2982 : vector<16xi32>
      %select_n3A_2984 = arith.select %and3A_2981, %add3A_2983, %rem3A_2969 : vector<16xi1>, vector<16xi32>
      %mul3A_2985 = arith.constant 81 : i32
      %mul3A_2986 = vector.broadcast %mul3A_2985 : i32 to vector<16xi32>
      %mul3A_2987 = arith.muli %get3A_2957, %mul3A_2986 : vector<16xi32>
      %add3A_2988 = arith.addi %mul3A_2987, %select_n3A_2984 : vector<16xi32>
      %swap3A_2989 = arith.constant 2 : i32
      %swap3A_2990 = arith.index_cast %swap3A_2989 : i32 to index
      %swap3A_2991 = arith.constant 96 : index
      %swap3A_2992 = tpu.vector_load %arg7[%swap3A_2990, %swap3A_2991] {strides = array<i32>} : memref<3x128xi32, #tpu.memory_space<vmem>>, vector<1x16xi32>,
      %swap3A_2993 = vector.shape_cast %swap3A_2992 : vector<1x16xi32> to vector<16xi32>
      %swap3A_2994 = vector.shape_cast %add3A_2988 : vector<16xi32> to vector<1x16xi32>
      tpu.vector_store %arg7[%swap3A_2990, %swap3A_2991], %swap3A_2994 {strides = array<i32>} : memref<3x128xi32, #tpu.memory_space<vmem>>, vector<1x16xi32>,
      %get3A_2995 = arith.constant 368 : index
      %get3A_2996 = tpu.vector_load %arg5[%get3A_2995] {strides = array<i32>} : memref<384xi32, #tpu.memory_space<vmem>>, vector<16xi32>,
      %get3A_2997 = vector.shape_cast %get3A_2996 : vector<16xi32> to vector<16xi32>
      %add3A_2998 = arith.constant 368 : i32
      %add3A_2999 = arith.addi %add3A_2068, %add3A_2998 : i32
      %iota3A_3000 = tpu.iota {dimensions = array<i32: 0>} : vector<16xi32>
      %add3A_3001 = vector.broadcast %add3A_2999 : i32 to vector<16xi32>
      %add3A_3002 = arith.addi %add3A_3001, %iota3A_3000 : vector<16xi32>
      %jit3A_3003 = arith.constant 81 : i32
      %eq3A_3004 = arith.constant 0 : i32
      %eq3A_3005 = arith.cmpi eq, %jit3A_3003, %eq3A_3004 : i32
      %jit3A_3006 = arith.constant 1 : i32
      %select_n3A_3007 = arith.select %eq3A_3005, %jit3A_3006, %jit3A_3003 : i32
      %rem3A_3008 = vector.broadcast %select_n3A_3007 : i32 to vector<16xi32>
      %rem3A_3009 = arith.remsi %add3A_3002, %rem3A_3008 : vector<16xi32>
      %ne3A_3010 = arith.constant 0 : i32
      %ne3A_3011 = vector.broadcast %ne3A_3010 : i32 to vector<16xi32>
      %ne3A_3012 = arith.cmpi ne, %rem3A_3009, %ne3A_3011 : vector<16xi32>
      %lt3A_3013 = arith.constant 0 : i32
      %lt3A_3014 = vector.broadcast %lt3A_3013 : i32 to vector<16xi32>
      %lt3A_3015 = arith.cmpi slt, %rem3A_3009, %lt3A_3014 : vector<16xi32>
      %lt3A_3016 = arith.constant 0 : i32
      %lt3A_3017 = arith.cmpi slt, %select_n3A_3007, %lt3A_3016 : i32
      %ne3A_3018 = vector.broadcast %lt3A_3017 : i1 to vector<16xi1>
      %ne3A_3019 = vector.broadcast %ne3A_3018 : vector<16xi1> to vector<16xi1>
      %ne3A_3020 = arith.xori %lt3A_3015, %ne3A_3019 : vector<16xi1>
      %and3A_3021 = arith.andi %ne3A_3020, %ne3A_3012 : vector<16xi1>
      %add3A_3022 = vector.broadcast %select_n3A_3007 : i32 to vector<16xi32>
      %add3A_3023 = arith.addi %rem3A_3009, %add3A_3022 : vector<16xi32>
      %select_n3A_3024 = arith.select %and3A_3021, %add3A_3023, %rem3A_3009 : vector<16xi1>, vector<16xi32>
      %mul3A_3025 = arith.constant 81 : i32
      %mul3A_3026 = vector.broadcast %mul3A_3025 : i32 to vector<16xi32>
      %mul3A_3027 = arith.muli %get3A_2997, %mul3A_3026 : vector<16xi32>
      %add3A_3028 = arith.addi %mul3A_3027, %select_n3A_3024 : vector<16xi32>
      %swap3A_3029 = arith.constant 2 : i32
      %swap3A_3030 = arith.index_cast %swap3A_3029 : i32 to index
      %swap3A_3031 = arith.constant 112 : index
      %swap3A_3032 = tpu.vector_load %arg7[%swap3A_3030, %swap3A_3031] {strides = array<i32>} : memref<3x128xi32, #tpu.memory_space<vmem>>, vector<1x16xi32>,
      %swap3A_3033 = vector.shape_cast %swap3A_3032 : vector<1x16xi32> to vector<16xi32>
      %swap3A_3034 = vector.shape_cast %add3A_3028 : vector<16xi32> to vector<1x16xi32>
      tpu.vector_store %arg7[%swap3A_3030, %swap3A_3031], %swap3A_3034 {strides = array<i32>} : memref<3x128xi32, #tpu.memory_space<vmem>>, vector<1x16xi32>,
      %dma_start3A_3035 = arith.constant 0 : i32
      %dma_start3A_3036 = arith.constant 0 : i32
      %dma_start3A_3037 = arith.constant 0 : i32
      %dma_start3A_3038 = tpu.memref_slice %arg9[%dma_start3A_3036, %dma_start3A_3037] : memref<384x128xf32, #tpu.memory_space<vmem>> -> memref<128x128xf32, #tpu.memory_space<vmem>>
      %dma_start3A_3039 = arith.constant 0 : i32
      %dma_start3A_3040 = tpu.memref_slice %arg7[%dma_start3A_3035, %dma_start3A_3039] : memref<3x128xi32, #tpu.memory_space<vmem>> -> memref<1x128xi32, #tpu.memory_space<vmem>>
      %dma_start3A_3041 = tpu.memref_squeeze %dma_start3A_3040 : memref<1x128xi32, #tpu.memory_space<vmem>> -> memref<128xi32, #tpu.memory_space<vmem>>
      %dma_start3A_3042 = arith.constant 0 : i32
      %dma_start3A_3043 = arith.constant 0 : i32
      %dma_start3A_3044 = tpu.memref_slice %arg2[%dma_start3A_3042, %dma_start3A_3043] : memref<810x128xf32, #tpu.memory_space<hbm>> -> memref<810x128xf32, #tpu.memory_space<hbm>>
      tpu.enqueue_indirect_dma source(%dma_start3A_3044 : memref<810x128xf32, #tpu.memory_space<hbm>>) target(%dma_start3A_3038 : memref<128x128xf32, #tpu.memory_space<vmem>>) offsets(%dma_start3A_3041 : memref<128xi32, #tpu.memory_space<vmem>>) semaphore(%arg11 : memref<!tpu.dma_semaphore, #tpu.memory_space<semaphore_mem>>)
      %dma_start3A_3045 = arith.constant 1 : i32
      %dma_start3A_3046 = arith.constant 128 : i32
      %dma_start3A_3047 = arith.constant 0 : i32
      %dma_start3A_3048 = tpu.memref_slice %arg9[%dma_start3A_3046, %dma_start3A_3047] : memref<384x128xf32, #tpu.memory_space<vmem>> -> memref<128x128xf32, #tpu.memory_space<vmem>>
      %dma_start3A_3049 = arith.constant 0 : i32
      %dma_start3A_3050 = tpu.memref_slice %arg7[%dma_start3A_3045, %dma_start3A_3049] : memref<3x128xi32, #tpu.memory_space<vmem>> -> memref<1x128xi32, #tpu.memory_space<vmem>>
      %dma_start3A_3051 = tpu.memref_squeeze %dma_start3A_3050 : memref<1x128xi32, #tpu.memory_space<vmem>> -> memref<128xi32, #tpu.memory_space<vmem>>
      %dma_start3A_3052 = arith.constant 0 : i32
      %dma_start3A_3053 = arith.constant 0 : i32
      %dma_start3A_3054 = tpu.memref_slice %arg2[%dma_start3A_3052, %dma_start3A_3053] : memref<810x128xf32, #tpu.memory_space<hbm>> -> memref<810x128xf32, #tpu.memory_space<hbm>>
      tpu.enqueue_indirect_dma source(%dma_start3A_3054 : memref<810x128xf32, #tpu.memory_space<hbm>>) target(%dma_start3A_3048 : memref<128x128xf32, #tpu.memory_space<vmem>>) offsets(%dma_start3A_3051 : memref<128xi32, #tpu.memory_space<vmem>>) semaphore(%arg11 : memref<!tpu.dma_semaphore, #tpu.memory_space<semaphore_mem>>)
      %dma_start3A_3055 = arith.constant 2 : i32
      %dma_start3A_3056 = arith.constant 256 : i32
      %dma_start3A_3057 = arith.constant 0 : i32
      %dma_start3A_3058 = tpu.memref_slice %arg9[%dma_start3A_3056, %dma_start3A_3057] : memref<384x128xf32, #tpu.memory_space<vmem>> -> memref<128x128xf32, #tpu.memory_space<vmem>>
      %dma_start3A_3059 = arith.constant 0 : i32
      %dma_start3A_3060 = tpu.memref_slice %arg7[%dma_start3A_3055, %dma_start3A_3059] : memref<3x128xi32, #tpu.memory_space<vmem>> -> memref<1x128xi32, #tpu.memory_space<vmem>>
      %dma_start3A_3061 = tpu.memref_squeeze %dma_start3A_3060 : memref<1x128xi32, #tpu.memory_space<vmem>> -> memref<128xi32, #tpu.memory_space<vmem>>
      %dma_start3A_3062 = arith.constant 0 : i32
      %dma_start3A_3063 = arith.constant 0 : i32
      %dma_start3A_3064 = tpu.memref_slice %arg2[%dma_start3A_3062, %dma_start3A_3063] : memref<810x128xf32, #tpu.memory_space<hbm>> -> memref<810x128xf32, #tpu.memory_space<hbm>>
      tpu.enqueue_indirect_dma source(%dma_start3A_3064 : memref<810x128xf32, #tpu.memory_space<hbm>>) target(%dma_start3A_3058 : memref<128x128xf32, #tpu.memory_space<vmem>>) offsets(%dma_start3A_3061 : memref<128xi32, #tpu.memory_space<vmem>>) semaphore(%arg11 : memref<!tpu.dma_semaphore, #tpu.memory_space<semaphore_mem>>)
      %dma_wait3A_3065 = arith.constant 0 : i32
      %dma_wait3A_3066 = arith.constant 0 : i32
      %dma_wait3A_3067 = arith.constant 0 : i32
      %dma_wait3A_3068 = tpu.memref_slice %arg9[%dma_wait3A_3066, %dma_wait3A_3067] : memref<384x128xf32, #tpu.memory_space<vmem>> -> memref<128x128xf32, #tpu.memory_space<vmem>>
      %dma_wait3A_3069 = arith.constant 0 : i32
      %dma_wait3A_3070 = tpu.memref_slice %arg7[%dma_wait3A_3065, %dma_wait3A_3069] : memref<3x128xi32, #tpu.memory_space<vmem>> -> memref<1x128xi32, #tpu.memory_space<vmem>>
      %dma_wait3A_3071 = tpu.memref_squeeze %dma_wait3A_3070 : memref<1x128xi32, #tpu.memory_space<vmem>> -> memref<128xi32, #tpu.memory_space<vmem>>
      %dma_wait3A_3072 = arith.constant 0 : i32
      %dma_wait3A_3073 = arith.constant 0 : i32
      %dma_wait3A_3074 = tpu.memref_slice %arg2[%dma_wait3A_3072, %dma_wait3A_3073] : memref<810x128xf32, #tpu.memory_space<hbm>> -> memref<810x128xf32, #tpu.memory_space<hbm>>
      tpu.wait_indirect_dma semaphore(%arg11 : memref<!tpu.dma_semaphore, #tpu.memory_space<semaphore_mem>>) src(%dma_wait3A_3074 : memref<810x128xf32, #tpu.memory_space<hbm>>) dst(%dma_wait3A_3068 : memref<128x128xf32, #tpu.memory_space<vmem>>)
      %dma_wait3A_3075 = arith.constant 1 : i32
      %dma_wait3A_3076 = arith.constant 128 : i32
      %dma_wait3A_3077 = arith.constant 0 : i32
      %dma_wait3A_3078 = tpu.memref_slice %arg9[%dma_wait3A_3076, %dma_wait3A_3077] : memref<384x128xf32, #tpu.memory_space<vmem>> -> memref<128x128xf32, #tpu.memory_space<vmem>>
      %dma_wait3A_3079 = arith.constant 0 : i32
      %dma_wait3A_3080 = tpu.memref_slice %arg7[%dma_wait3A_3075, %dma_wait3A_3079] : memref<3x128xi32, #tpu.memory_space<vmem>> -> memref<1x128xi32, #tpu.memory_space<vmem>>
      %dma_wait3A_3081 = tpu.memref_squeeze %dma_wait3A_3080 : memref<1x128xi32, #tpu.memory_space<vmem>> -> memref<128xi32, #tpu.memory_space<vmem>>
      %dma_wait3A_3082 = arith.constant 0 : i32
      %dma_wait3A_3083 = arith.constant 0 : i32
      %dma_wait3A_3084 = tpu.memref_slice %arg2[%dma_wait3A_3082, %dma_wait3A_3083] : memref<810x128xf32, #tpu.memory_space<hbm>> -> memref<810x128xf32, #tpu.memory_space<hbm>>
      tpu.wait_indirect_dma semaphore(%arg11 : memref<!tpu.dma_semaphore, #tpu.memory_space<semaphore_mem>>) src(%dma_wait3A_3084 : memref<810x128xf32, #tpu.memory_space<hbm>>) dst(%dma_wait3A_3078 : memref<128x128xf32, #tpu.memory_space<vmem>>)
      %dma_wait3A_3085 = arith.constant 2 : i32
      %dma_wait3A_3086 = arith.constant 256 : i32
      %dma_wait3A_3087 = arith.constant 0 : i32
      %dma_wait3A_3088 = tpu.memref_slice %arg9[%dma_wait3A_3086, %dma_wait3A_3087] : memref<384x128xf32, #tpu.memory_space<vmem>> -> memref<128x128xf32, #tpu.memory_space<vmem>>
      %dma_wait3A_3089 = arith.constant 0 : i32
      %dma_wait3A_3090 = tpu.memref_slice %arg7[%dma_wait3A_3085, %dma_wait3A_3089] : memref<3x128xi32, #tpu.memory_space<vmem>> -> memref<1x128xi32, #tpu.memory_space<vmem>>
      %dma_wait3A_3091 = tpu.memref_squeeze %dma_wait3A_3090 : memref<1x128xi32, #tpu.memory_space<vmem>> -> memref<128xi32, #tpu.memory_space<vmem>>
      %dma_wait3A_3092 = arith.constant 0 : i32
      %dma_wait3A_3093 = arith.constant 0 : i32
      %dma_wait3A_3094 = tpu.memref_slice %arg2[%dma_wait3A_3092, %dma_wait3A_3093] : memref<810x128xf32, #tpu.memory_space<hbm>> -> memref<810x128xf32, #tpu.memory_space<hbm>>
      tpu.wait_indirect_dma semaphore(%arg11 : memref<!tpu.dma_semaphore, #tpu.memory_space<semaphore_mem>>) src(%dma_wait3A_3094 : memref<810x128xf32, #tpu.memory_space<hbm>>) dst(%dma_wait3A_3088 : memref<128x128xf32, #tpu.memory_space<vmem>>)
      %dma_start3A_3095 = arith.constant 0 : i32
      %dma_start3A_3096 = tpu.memref_slice %arg4[%add3A_2068, %dma_start3A_3095] : memref<1327104x128xf32, #tpu.memory_space<hbm>> -> memref<384x128xf32, #tpu.memory_space<hbm>>
      %dma_start3A_3097 = arith.constant 0 : i32
      %dma_start3A_3098 = tpu.memref_slice %arg4[%add3A_2068, %dma_start3A_3097] : memref<1327104x128xf32, #tpu.memory_space<hbm>> -> memref<384x128xf32, #tpu.memory_space<hbm>>
      tpu.enqueue_dma source(%arg9 : memref<384x128xf32, #tpu.memory_space<vmem>>) target(%dma_start3A_3098 : memref<384x128xf32, #tpu.memory_space<hbm>>) target_semaphore(%arg13 : memref<!tpu.dma_semaphore, #tpu.memory_space<semaphore_mem>>)
      %mul3A_3099 = arith.constant 2 : i32
      %mul3A_3100 = arith.muli %mul3A_3099, %scan3A_2061 : i32
      %add3A_3101 = arith.constant 1 : i32
      %add3A_3102 = arith.addi %mul3A_3100, %add3A_3101 : i32
      %mul3A_3103 = arith.constant 41472 : i32
      %mul3A_3104 = arith.muli %add3A, %mul3A_3103 : i32
      %mul3A_3105 = arith.constant 384 : i32
      %mul3A_3106 = arith.muli %add3A_3102, %mul3A_3105 : i32
      %add3A_3107 = arith.addi %mul3A_3104, %mul3A_3106 : i32
      %dma_wait3A_3108 = arith.constant 0 : i32
      %dma_wait3A_3109 = arith.constant 0 : i32
      %dma_wait3A_3110 = tpu.memref_slice %arg4[%dma_wait3A_3108, %dma_wait3A_3109] : memref<1327104x128xf32, #tpu.memory_space<hbm>> -> memref<384x128xf32, #tpu.memory_space<hbm>>
      %dma_wait3A_3111 = arith.constant 0 : i32
      %dma_wait3A_3112 = arith.constant 0 : i32
      %dma_wait3A_3113 = tpu.memref_slice %arg4[%dma_wait3A_3111, %dma_wait3A_3112] : memref<1327104x128xf32, #tpu.memory_space<hbm>> -> memref<384x128xf32, #tpu.memory_space<hbm>>
      tpu.wait_dma2 semaphore(%arg14 : memref<!tpu.dma_semaphore, #tpu.memory_space<semaphore_mem>>) src(%arg10 : memref<384x128xf32, #tpu.memory_space<vmem>>) dst(%dma_wait3A_3113 : memref<384x128xf32, #tpu.memory_space<hbm>>)
      "tpu.region"() ({
        %run_scoped3A = tpu.sem_alloc : memref<!tpu.dma_semaphore, #tpu.memory_space<semaphore_mem>>
        %dma_start3A_4138 = tpu.memref_slice %arg3[%add3A_3107] : memref<1327104xi32, #tpu.memory_space<hbm>> -> memref<384xi32, #tpu.memory_space<hbm>>
        %dma_start3A_4139 = tpu.memref_slice %arg3[%add3A_3107] : memref<1327104xi32, #tpu.memory_space<hbm>> -> memref<384xi32, #tpu.memory_space<hbm>>
        tpu.enqueue_dma source(%dma_start3A_4139 : memref<384xi32, #tpu.memory_space<hbm>>) target(%arg6 : memref<384xi32, #tpu.memory_space<vmem>>) target_semaphore(%run_scoped3A : memref<!tpu.dma_semaphore, #tpu.memory_space<semaphore_mem>>)
        %dma_wait3A_4140 = tpu.memref_slice %arg3[%add3A_3107] : memref<1327104xi32, #tpu.memory_space<hbm>> -> memref<384xi32, #tpu.memory_space<hbm>>
        %dma_wait3A_4141 = tpu.memref_slice %arg3[%add3A_3107] : memref<1327104xi32, #tpu.memory_space<hbm>> -> memref<384xi32, #tpu.memory_space<hbm>>
        tpu.wait_dma2 semaphore(%run_scoped3A : memref<!tpu.dma_semaphore, #tpu.memory_space<semaphore_mem>>) src(%dma_wait3A_4141 : memref<384xi32, #tpu.memory_space<hbm>>) dst(%arg6 : memref<384xi32, #tpu.memory_space<vmem>>)
        tpu.yield
      }) : () -> ()
      %get3A_3114 = arith.constant 0 : index
      %get3A_3115 = tpu.vector_load %arg6[%get3A_3114] {strides = array<i32>} : memref<384xi32, #tpu.memory_space<vmem>>, vector<16xi32>,
      %get3A_3116 = vector.shape_cast %get3A_3115 : vector<16xi32> to vector<16xi32>
      %add3A_3117 = arith.constant 0 : i32
      %add3A_3118 = arith.addi %add3A_3107, %add3A_3117 : i32
      %iota3A_3119 = tpu.iota {dimensions = array<i32: 0>} : vector<16xi32>
      %add3A_3120 = vector.broadcast %add3A_3118 : i32 to vector<16xi32>
      %add3A_3121 = arith.addi %add3A_3120, %iota3A_3119 : vector<16xi32>
      %jit3A_3122 = arith.constant 81 : i32
      %eq3A_3123 = arith.constant 0 : i32
      %eq3A_3124 = arith.cmpi eq, %jit3A_3122, %eq3A_3123 : i32
      %jit3A_3125 = arith.constant 1 : i32
      %select_n3A_3126 = arith.select %eq3A_3124, %jit3A_3125, %jit3A_3122 : i32
      %rem3A_3127 = vector.broadcast %select_n3A_3126 : i32 to vector<16xi32>
      %rem3A_3128 = arith.remsi %add3A_3121, %rem3A_3127 : vector<16xi32>
      %ne3A_3129 = arith.constant 0 : i32
      %ne3A_3130 = vector.broadcast %ne3A_3129 : i32 to vector<16xi32>
      %ne3A_3131 = arith.cmpi ne, %rem3A_3128, %ne3A_3130 : vector<16xi32>
      %lt3A_3132 = arith.constant 0 : i32
      %lt3A_3133 = vector.broadcast %lt3A_3132 : i32 to vector<16xi32>
      %lt3A_3134 = arith.cmpi slt, %rem3A_3128, %lt3A_3133 : vector<16xi32>
      %lt3A_3135 = arith.constant 0 : i32
      %lt3A_3136 = arith.cmpi slt, %select_n3A_3126, %lt3A_3135 : i32
      %ne3A_3137 = vector.broadcast %lt3A_3136 : i1 to vector<16xi1>
      %ne3A_3138 = vector.broadcast %ne3A_3137 : vector<16xi1> to vector<16xi1>
      %ne3A_3139 = arith.xori %lt3A_3134, %ne3A_3138 : vector<16xi1>
      %and3A_3140 = arith.andi %ne3A_3139, %ne3A_3131 : vector<16xi1>
      %add3A_3141 = vector.broadcast %select_n3A_3126 : i32 to vector<16xi32>
      %add3A_3142 = arith.addi %rem3A_3128, %add3A_3141 : vector<16xi32>
      %select_n3A_3143 = arith.select %and3A_3140, %add3A_3142, %rem3A_3128 : vector<16xi1>, vector<16xi32>
      %mul3A_3144 = arith.constant 81 : i32
      %mul3A_3145 = vector.broadcast %mul3A_3144 : i32 to vector<16xi32>
      %mul3A_3146 = arith.muli %get3A_3116, %mul3A_3145 : vector<16xi32>
      %add3A_3147 = arith.addi %mul3A_3146, %select_n3A_3143 : vector<16xi32>
      %swap3A_3148 = arith.constant 0 : i32
      %swap3A_3149 = arith.index_cast %swap3A_3148 : i32 to index
      %swap3A_3150 = arith.constant 0 : index
      %swap3A_3151 = tpu.vector_load %arg8[%swap3A_3149, %swap3A_3150] {strides = array<i32>} : memref<3x128xi32, #tpu.memory_space<vmem>>, vector<1x16xi32>,
      %swap3A_3152 = vector.shape_cast %swap3A_3151 : vector<1x16xi32> to vector<16xi32>
      %swap3A_3153 = vector.shape_cast %add3A_3147 : vector<16xi32> to vector<1x16xi32>
      tpu.vector_store %arg8[%swap3A_3149, %swap3A_3150], %swap3A_3153 {strides = array<i32>} : memref<3x128xi32, #tpu.memory_space<vmem>>, vector<1x16xi32>,
      %get3A_3154 = arith.constant 16 : index
      %get3A_3155 = tpu.vector_load %arg6[%get3A_3154] {strides = array<i32>} : memref<384xi32, #tpu.memory_space<vmem>>, vector<16xi32>,
      %get3A_3156 = vector.shape_cast %get3A_3155 : vector<16xi32> to vector<16xi32>
      %add3A_3157 = arith.constant 16 : i32
      %add3A_3158 = arith.addi %add3A_3107, %add3A_3157 : i32
      %iota3A_3159 = tpu.iota {dimensions = array<i32: 0>} : vector<16xi32>
      %add3A_3160 = vector.broadcast %add3A_3158 : i32 to vector<16xi32>
      %add3A_3161 = arith.addi %add3A_3160, %iota3A_3159 : vector<16xi32>
      %jit3A_3162 = arith.constant 81 : i32
      %eq3A_3163 = arith.constant 0 : i32
      %eq3A_3164 = arith.cmpi eq, %jit3A_3162, %eq3A_3163 : i32
      %jit3A_3165 = arith.constant 1 : i32
      %select_n3A_3166 = arith.select %eq3A_3164, %jit3A_3165, %jit3A_3162 : i32
      %rem3A_3167 = vector.broadcast %select_n3A_3166 : i32 to vector<16xi32>
      %rem3A_3168 = arith.remsi %add3A_3161, %rem3A_3167 : vector<16xi32>
      %ne3A_3169 = arith.constant 0 : i32
      %ne3A_3170 = vector.broadcast %ne3A_3169 : i32 to vector<16xi32>
      %ne3A_3171 = arith.cmpi ne, %rem3A_3168, %ne3A_3170 : vector<16xi32>
      %lt3A_3172 = arith.constant 0 : i32
      %lt3A_3173 = vector.broadcast %lt3A_3172 : i32 to vector<16xi32>
      %lt3A_3174 = arith.cmpi slt, %rem3A_3168, %lt3A_3173 : vector<16xi32>
      %lt3A_3175 = arith.constant 0 : i32
      %lt3A_3176 = arith.cmpi slt, %select_n3A_3166, %lt3A_3175 : i32
      %ne3A_3177 = vector.broadcast %lt3A_3176 : i1 to vector<16xi1>
      %ne3A_3178 = vector.broadcast %ne3A_3177 : vector<16xi1> to vector<16xi1>
      %ne3A_3179 = arith.xori %lt3A_3174, %ne3A_3178 : vector<16xi1>
      %and3A_3180 = arith.andi %ne3A_3179, %ne3A_3171 : vector<16xi1>
      %add3A_3181 = vector.broadcast %select_n3A_3166 : i32 to vector<16xi32>
      %add3A_3182 = arith.addi %rem3A_3168, %add3A_3181 : vector<16xi32>
      %select_n3A_3183 = arith.select %and3A_3180, %add3A_3182, %rem3A_3168 : vector<16xi1>, vector<16xi32>
      %mul3A_3184 = arith.constant 81 : i32
      %mul3A_3185 = vector.broadcast %mul3A_3184 : i32 to vector<16xi32>
      %mul3A_3186 = arith.muli %get3A_3156, %mul3A_3185 : vector<16xi32>
      %add3A_3187 = arith.addi %mul3A_3186, %select_n3A_3183 : vector<16xi32>
      %swap3A_3188 = arith.constant 0 : i32
      %swap3A_3189 = arith.index_cast %swap3A_3188 : i32 to index
      %swap3A_3190 = arith.constant 16 : index
      %swap3A_3191 = tpu.vector_load %arg8[%swap3A_3189, %swap3A_3190] {strides = array<i32>} : memref<3x128xi32, #tpu.memory_space<vmem>>, vector<1x16xi32>,
      %swap3A_3192 = vector.shape_cast %swap3A_3191 : vector<1x16xi32> to vector<16xi32>
      %swap3A_3193 = vector.shape_cast %add3A_3187 : vector<16xi32> to vector<1x16xi32>
      tpu.vector_store %arg8[%swap3A_3189, %swap3A_3190], %swap3A_3193 {strides = array<i32>} : memref<3x128xi32, #tpu.memory_space<vmem>>, vector<1x16xi32>,
      %get3A_3194 = arith.constant 32 : index
      %get3A_3195 = tpu.vector_load %arg6[%get3A_3194] {strides = array<i32>} : memref<384xi32, #tpu.memory_space<vmem>>, vector<16xi32>,
      %get3A_3196 = vector.shape_cast %get3A_3195 : vector<16xi32> to vector<16xi32>
      %add3A_3197 = arith.constant 32 : i32
      %add3A_3198 = arith.addi %add3A_3107, %add3A_3197 : i32
      %iota3A_3199 = tpu.iota {dimensions = array<i32: 0>} : vector<16xi32>
      %add3A_3200 = vector.broadcast %add3A_3198 : i32 to vector<16xi32>
      %add3A_3201 = arith.addi %add3A_3200, %iota3A_3199 : vector<16xi32>
      %jit3A_3202 = arith.constant 81 : i32
      %eq3A_3203 = arith.constant 0 : i32
      %eq3A_3204 = arith.cmpi eq, %jit3A_3202, %eq3A_3203 : i32
      %jit3A_3205 = arith.constant 1 : i32
      %select_n3A_3206 = arith.select %eq3A_3204, %jit3A_3205, %jit3A_3202 : i32
      %rem3A_3207 = vector.broadcast %select_n3A_3206 : i32 to vector<16xi32>
      %rem3A_3208 = arith.remsi %add3A_3201, %rem3A_3207 : vector<16xi32>
      %ne3A_3209 = arith.constant 0 : i32
      %ne3A_3210 = vector.broadcast %ne3A_3209 : i32 to vector<16xi32>
      %ne3A_3211 = arith.cmpi ne, %rem3A_3208, %ne3A_3210 : vector<16xi32>
      %lt3A_3212 = arith.constant 0 : i32
      %lt3A_3213 = vector.broadcast %lt3A_3212 : i32 to vector<16xi32>
      %lt3A_3214 = arith.cmpi slt, %rem3A_3208, %lt3A_3213 : vector<16xi32>
      %lt3A_3215 = arith.constant 0 : i32
      %lt3A_3216 = arith.cmpi slt, %select_n3A_3206, %lt3A_3215 : i32
      %ne3A_3217 = vector.broadcast %lt3A_3216 : i1 to vector<16xi1>
      %ne3A_3218 = vector.broadcast %ne3A_3217 : vector<16xi1> to vector<16xi1>
      %ne3A_3219 = arith.xori %lt3A_3214, %ne3A_3218 : vector<16xi1>
      %and3A_3220 = arith.andi %ne3A_3219, %ne3A_3211 : vector<16xi1>
      %add3A_3221 = vector.broadcast %select_n3A_3206 : i32 to vector<16xi32>
      %add3A_3222 = arith.addi %rem3A_3208, %add3A_3221 : vector<16xi32>
      %select_n3A_3223 = arith.select %and3A_3220, %add3A_3222, %rem3A_3208 : vector<16xi1>, vector<16xi32>
      %mul3A_3224 = arith.constant 81 : i32
      %mul3A_3225 = vector.broadcast %mul3A_3224 : i32 to vector<16xi32>
      %mul3A_3226 = arith.muli %get3A_3196, %mul3A_3225 : vector<16xi32>
      %add3A_3227 = arith.addi %mul3A_3226, %select_n3A_3223 : vector<16xi32>
      %swap3A_3228 = arith.constant 0 : i32
      %swap3A_3229 = arith.index_cast %swap3A_3228 : i32 to index
      %swap3A_3230 = arith.constant 32 : index
      %swap3A_3231 = tpu.vector_load %arg8[%swap3A_3229, %swap3A_3230] {strides = array<i32>} : memref<3x128xi32, #tpu.memory_space<vmem>>, vector<1x16xi32>,
      %swap3A_3232 = vector.shape_cast %swap3A_3231 : vector<1x16xi32> to vector<16xi32>
      %swap3A_3233 = vector.shape_cast %add3A_3227 : vector<16xi32> to vector<1x16xi32>
      tpu.vector_store %arg8[%swap3A_3229, %swap3A_3230], %swap3A_3233 {strides = array<i32>} : memref<3x128xi32, #tpu.memory_space<vmem>>, vector<1x16xi32>,
      %get3A_3234 = arith.constant 48 : index
      %get3A_3235 = tpu.vector_load %arg6[%get3A_3234] {strides = array<i32>} : memref<384xi32, #tpu.memory_space<vmem>>, vector<16xi32>,
      %get3A_3236 = vector.shape_cast %get3A_3235 : vector<16xi32> to vector<16xi32>
      %add3A_3237 = arith.constant 48 : i32
      %add3A_3238 = arith.addi %add3A_3107, %add3A_3237 : i32
      %iota3A_3239 = tpu.iota {dimensions = array<i32: 0>} : vector<16xi32>
      %add3A_3240 = vector.broadcast %add3A_3238 : i32 to vector<16xi32>
      %add3A_3241 = arith.addi %add3A_3240, %iota3A_3239 : vector<16xi32>
      %jit3A_3242 = arith.constant 81 : i32
      %eq3A_3243 = arith.constant 0 : i32
      %eq3A_3244 = arith.cmpi eq, %jit3A_3242, %eq3A_3243 : i32
      %jit3A_3245 = arith.constant 1 : i32
      %select_n3A_3246 = arith.select %eq3A_3244, %jit3A_3245, %jit3A_3242 : i32
      %rem3A_3247 = vector.broadcast %select_n3A_3246 : i32 to vector<16xi32>
      %rem3A_3248 = arith.remsi %add3A_3241, %rem3A_3247 : vector<16xi32>
      %ne3A_3249 = arith.constant 0 : i32
      %ne3A_3250 = vector.broadcast %ne3A_3249 : i32 to vector<16xi32>
      %ne3A_3251 = arith.cmpi ne, %rem3A_3248, %ne3A_3250 : vector<16xi32>
      %lt3A_3252 = arith.constant 0 : i32
      %lt3A_3253 = vector.broadcast %lt3A_3252 : i32 to vector<16xi32>
      %lt3A_3254 = arith.cmpi slt, %rem3A_3248, %lt3A_3253 : vector<16xi32>
      %lt3A_3255 = arith.constant 0 : i32
      %lt3A_3256 = arith.cmpi slt, %select_n3A_3246, %lt3A_3255 : i32
      %ne3A_3257 = vector.broadcast %lt3A_3256 : i1 to vector<16xi1>
      %ne3A_3258 = vector.broadcast %ne3A_3257 : vector<16xi1> to vector<16xi1>
      %ne3A_3259 = arith.xori %lt3A_3254, %ne3A_3258 : vector<16xi1>
      %and3A_3260 = arith.andi %ne3A_3259, %ne3A_3251 : vector<16xi1>
      %add3A_3261 = vector.broadcast %select_n3A_3246 : i32 to vector<16xi32>
      %add3A_3262 = arith.addi %rem3A_3248, %add3A_3261 : vector<16xi32>
      %select_n3A_3263 = arith.select %and3A_3260, %add3A_3262, %rem3A_3248 : vector<16xi1>, vector<16xi32>
      %mul3A_3264 = arith.constant 81 : i32
      %mul3A_3265 = vector.broadcast %mul3A_3264 : i32 to vector<16xi32>
      %mul3A_3266 = arith.muli %get3A_3236, %mul3A_3265 : vector<16xi32>
      %add3A_3267 = arith.addi %mul3A_3266, %select_n3A_3263 : vector<16xi32>
      %swap3A_3268 = arith.constant 0 : i32
      %swap3A_3269 = arith.index_cast %swap3A_3268 : i32 to index
      %swap3A_3270 = arith.constant 48 : index
      %swap3A_3271 = tpu.vector_load %arg8[%swap3A_3269, %swap3A_3270] {strides = array<i32>} : memref<3x128xi32, #tpu.memory_space<vmem>>, vector<1x16xi32>,
      %swap3A_3272 = vector.shape_cast %swap3A_3271 : vector<1x16xi32> to vector<16xi32>
      %swap3A_3273 = vector.shape_cast %add3A_3267 : vector<16xi32> to vector<1x16xi32>
      tpu.vector_store %arg8[%swap3A_3269, %swap3A_3270], %swap3A_3273 {strides = array<i32>} : memref<3x128xi32, #tpu.memory_space<vmem>>, vector<1x16xi32>,
      %get3A_3274 = arith.constant 64 : index
      %get3A_3275 = tpu.vector_load %arg6[%get3A_3274] {strides = array<i32>} : memref<384xi32, #tpu.memory_space<vmem>>, vector<16xi32>,
      %get3A_3276 = vector.shape_cast %get3A_3275 : vector<16xi32> to vector<16xi32>
      %add3A_3277 = arith.constant 64 : i32
      %add3A_3278 = arith.addi %add3A_3107, %add3A_3277 : i32
      %iota3A_3279 = tpu.iota {dimensions = array<i32: 0>} : vector<16xi32>
      %add3A_3280 = vector.broadcast %add3A_3278 : i32 to vector<16xi32>
      %add3A_3281 = arith.addi %add3A_3280, %iota3A_3279 : vector<16xi32>
      %jit3A_3282 = arith.constant 81 : i32
      %eq3A_3283 = arith.constant 0 : i32
      %eq3A_3284 = arith.cmpi eq, %jit3A_3282, %eq3A_3283 : i32
      %jit3A_3285 = arith.constant 1 : i32
      %select_n3A_3286 = arith.select %eq3A_3284, %jit3A_3285, %jit3A_3282 : i32
      %rem3A_3287 = vector.broadcast %select_n3A_3286 : i32 to vector<16xi32>
      %rem3A_3288 = arith.remsi %add3A_3281, %rem3A_3287 : vector<16xi32>
      %ne3A_3289 = arith.constant 0 : i32
      %ne3A_3290 = vector.broadcast %ne3A_3289 : i32 to vector<16xi32>
      %ne3A_3291 = arith.cmpi ne, %rem3A_3288, %ne3A_3290 : vector<16xi32>
      %lt3A_3292 = arith.constant 0 : i32
      %lt3A_3293 = vector.broadcast %lt3A_3292 : i32 to vector<16xi32>
      %lt3A_3294 = arith.cmpi slt, %rem3A_3288, %lt3A_3293 : vector<16xi32>
      %lt3A_3295 = arith.constant 0 : i32
      %lt3A_3296 = arith.cmpi slt, %select_n3A_3286, %lt3A_3295 : i32
      %ne3A_3297 = vector.broadcast %lt3A_3296 : i1 to vector<16xi1>
      %ne3A_3298 = vector.broadcast %ne3A_3297 : vector<16xi1> to vector<16xi1>
      %ne3A_3299 = arith.xori %lt3A_3294, %ne3A_3298 : vector<16xi1>
      %and3A_3300 = arith.andi %ne3A_3299, %ne3A_3291 : vector<16xi1>
      %add3A_3301 = vector.broadcast %select_n3A_3286 : i32 to vector<16xi32>
      %add3A_3302 = arith.addi %rem3A_3288, %add3A_3301 : vector<16xi32>
      %select_n3A_3303 = arith.select %and3A_3300, %add3A_3302, %rem3A_3288 : vector<16xi1>, vector<16xi32>
      %mul3A_3304 = arith.constant 81 : i32
      %mul3A_3305 = vector.broadcast %mul3A_3304 : i32 to vector<16xi32>
      %mul3A_3306 = arith.muli %get3A_3276, %mul3A_3305 : vector<16xi32>
      %add3A_3307 = arith.addi %mul3A_3306, %select_n3A_3303 : vector<16xi32>
      %swap3A_3308 = arith.constant 0 : i32
      %swap3A_3309 = arith.index_cast %swap3A_3308 : i32 to index
      %swap3A_3310 = arith.constant 64 : index
      %swap3A_3311 = tpu.vector_load %arg8[%swap3A_3309, %swap3A_3310] {strides = array<i32>} : memref<3x128xi32, #tpu.memory_space<vmem>>, vector<1x16xi32>,
      %swap3A_3312 = vector.shape_cast %swap3A_3311 : vector<1x16xi32> to vector<16xi32>
      %swap3A_3313 = vector.shape_cast %add3A_3307 : vector<16xi32> to vector<1x16xi32>
      tpu.vector_store %arg8[%swap3A_3309, %swap3A_3310], %swap3A_3313 {strides = array<i32>} : memref<3x128xi32, #tpu.memory_space<vmem>>, vector<1x16xi32>,
      %get3A_3314 = arith.constant 80 : index
      %get3A_3315 = tpu.vector_load %arg6[%get3A_3314] {strides = array<i32>} : memref<384xi32, #tpu.memory_space<vmem>>, vector<16xi32>,
      %get3A_3316 = vector.shape_cast %get3A_3315 : vector<16xi32> to vector<16xi32>
      %add3A_3317 = arith.constant 80 : i32
      %add3A_3318 = arith.addi %add3A_3107, %add3A_3317 : i32
      %iota3A_3319 = tpu.iota {dimensions = array<i32: 0>} : vector<16xi32>
      %add3A_3320 = vector.broadcast %add3A_3318 : i32 to vector<16xi32>
      %add3A_3321 = arith.addi %add3A_3320, %iota3A_3319 : vector<16xi32>
      %jit3A_3322 = arith.constant 81 : i32
      %eq3A_3323 = arith.constant 0 : i32
      %eq3A_3324 = arith.cmpi eq, %jit3A_3322, %eq3A_3323 : i32
      %jit3A_3325 = arith.constant 1 : i32
      %select_n3A_3326 = arith.select %eq3A_3324, %jit3A_3325, %jit3A_3322 : i32
      %rem3A_3327 = vector.broadcast %select_n3A_3326 : i32 to vector<16xi32>
      %rem3A_3328 = arith.remsi %add3A_3321, %rem3A_3327 : vector<16xi32>
      %ne3A_3329 = arith.constant 0 : i32
      %ne3A_3330 = vector.broadcast %ne3A_3329 : i32 to vector<16xi32>
      %ne3A_3331 = arith.cmpi ne, %rem3A_3328, %ne3A_3330 : vector<16xi32>
      %lt3A_3332 = arith.constant 0 : i32
      %lt3A_3333 = vector.broadcast %lt3A_3332 : i32 to vector<16xi32>
      %lt3A_3334 = arith.cmpi slt, %rem3A_3328, %lt3A_3333 : vector<16xi32>
      %lt3A_3335 = arith.constant 0 : i32
      %lt3A_3336 = arith.cmpi slt, %select_n3A_3326, %lt3A_3335 : i32
      %ne3A_3337 = vector.broadcast %lt3A_3336 : i1 to vector<16xi1>
      %ne3A_3338 = vector.broadcast %ne3A_3337 : vector<16xi1> to vector<16xi1>
      %ne3A_3339 = arith.xori %lt3A_3334, %ne3A_3338 : vector<16xi1>
      %and3A_3340 = arith.andi %ne3A_3339, %ne3A_3331 : vector<16xi1>
      %add3A_3341 = vector.broadcast %select_n3A_3326 : i32 to vector<16xi32>
      %add3A_3342 = arith.addi %rem3A_3328, %add3A_3341 : vector<16xi32>
      %select_n3A_3343 = arith.select %and3A_3340, %add3A_3342, %rem3A_3328 : vector<16xi1>, vector<16xi32>
      %mul3A_3344 = arith.constant 81 : i32
      %mul3A_3345 = vector.broadcast %mul3A_3344 : i32 to vector<16xi32>
      %mul3A_3346 = arith.muli %get3A_3316, %mul3A_3345 : vector<16xi32>
      %add3A_3347 = arith.addi %mul3A_3346, %select_n3A_3343 : vector<16xi32>
      %swap3A_3348 = arith.constant 0 : i32
      %swap3A_3349 = arith.index_cast %swap3A_3348 : i32 to index
      %swap3A_3350 = arith.constant 80 : index
      %swap3A_3351 = tpu.vector_load %arg8[%swap3A_3349, %swap3A_3350] {strides = array<i32>} : memref<3x128xi32, #tpu.memory_space<vmem>>, vector<1x16xi32>,
      %swap3A_3352 = vector.shape_cast %swap3A_3351 : vector<1x16xi32> to vector<16xi32>
      %swap3A_3353 = vector.shape_cast %add3A_3347 : vector<16xi32> to vector<1x16xi32>
      tpu.vector_store %arg8[%swap3A_3349, %swap3A_3350], %swap3A_3353 {strides = array<i32>} : memref<3x128xi32, #tpu.memory_space<vmem>>, vector<1x16xi32>,
      %get3A_3354 = arith.constant 96 : index
      %get3A_3355 = tpu.vector_load %arg6[%get3A_3354] {strides = array<i32>} : memref<384xi32, #tpu.memory_space<vmem>>, vector<16xi32>,
      %get3A_3356 = vector.shape_cast %get3A_3355 : vector<16xi32> to vector<16xi32>
      %add3A_3357 = arith.constant 96 : i32
      %add3A_3358 = arith.addi %add3A_3107, %add3A_3357 : i32
      %iota3A_3359 = tpu.iota {dimensions = array<i32: 0>} : vector<16xi32>
      %add3A_3360 = vector.broadcast %add3A_3358 : i32 to vector<16xi32>
      %add3A_3361 = arith.addi %add3A_3360, %iota3A_3359 : vector<16xi32>
      %jit3A_3362 = arith.constant 81 : i32
      %eq3A_3363 = arith.constant 0 : i32
      %eq3A_3364 = arith.cmpi eq, %jit3A_3362, %eq3A_3363 : i32
      %jit3A_3365 = arith.constant 1 : i32
      %select_n3A_3366 = arith.select %eq3A_3364, %jit3A_3365, %jit3A_3362 : i32
      %rem3A_3367 = vector.broadcast %select_n3A_3366 : i32 to vector<16xi32>
      %rem3A_3368 = arith.remsi %add3A_3361, %rem3A_3367 : vector<16xi32>
      %ne3A_3369 = arith.constant 0 : i32
      %ne3A_3370 = vector.broadcast %ne3A_3369 : i32 to vector<16xi32>
      %ne3A_3371 = arith.cmpi ne, %rem3A_3368, %ne3A_3370 : vector<16xi32>
      %lt3A_3372 = arith.constant 0 : i32
      %lt3A_3373 = vector.broadcast %lt3A_3372 : i32 to vector<16xi32>
      %lt3A_3374 = arith.cmpi slt, %rem3A_3368, %lt3A_3373 : vector<16xi32>
      %lt3A_3375 = arith.constant 0 : i32
      %lt3A_3376 = arith.cmpi slt, %select_n3A_3366, %lt3A_3375 : i32
      %ne3A_3377 = vector.broadcast %lt3A_3376 : i1 to vector<16xi1>
      %ne3A_3378 = vector.broadcast %ne3A_3377 : vector<16xi1> to vector<16xi1>
      %ne3A_3379 = arith.xori %lt3A_3374, %ne3A_3378 : vector<16xi1>
      %and3A_3380 = arith.andi %ne3A_3379, %ne3A_3371 : vector<16xi1>
      %add3A_3381 = vector.broadcast %select_n3A_3366 : i32 to vector<16xi32>
      %add3A_3382 = arith.addi %rem3A_3368, %add3A_3381 : vector<16xi32>
      %select_n3A_3383 = arith.select %and3A_3380, %add3A_3382, %rem3A_3368 : vector<16xi1>, vector<16xi32>
      %mul3A_3384 = arith.constant 81 : i32
      %mul3A_3385 = vector.broadcast %mul3A_3384 : i32 to vector<16xi32>
      %mul3A_3386 = arith.muli %get3A_3356, %mul3A_3385 : vector<16xi32>
      %add3A_3387 = arith.addi %mul3A_3386, %select_n3A_3383 : vector<16xi32>
      %swap3A_3388 = arith.constant 0 : i32
      %swap3A_3389 = arith.index_cast %swap3A_3388 : i32 to index
      %swap3A_3390 = arith.constant 96 : index
      %swap3A_3391 = tpu.vector_load %arg8[%swap3A_3389, %swap3A_3390] {strides = array<i32>} : memref<3x128xi32, #tpu.memory_space<vmem>>, vector<1x16xi32>,
      %swap3A_3392 = vector.shape_cast %swap3A_3391 : vector<1x16xi32> to vector<16xi32>
      %swap3A_3393 = vector.shape_cast %add3A_3387 : vector<16xi32> to vector<1x16xi32>
      tpu.vector_store %arg8[%swap3A_3389, %swap3A_3390], %swap3A_3393 {strides = array<i32>} : memref<3x128xi32, #tpu.memory_space<vmem>>, vector<1x16xi32>,
      %get3A_3394 = arith.constant 112 : index
      %get3A_3395 = tpu.vector_load %arg6[%get3A_3394] {strides = array<i32>} : memref<384xi32, #tpu.memory_space<vmem>>, vector<16xi32>,
      %get3A_3396 = vector.shape_cast %get3A_3395 : vector<16xi32> to vector<16xi32>
      %add3A_3397 = arith.constant 112 : i32
      %add3A_3398 = arith.addi %add3A_3107, %add3A_3397 : i32
      %iota3A_3399 = tpu.iota {dimensions = array<i32: 0>} : vector<16xi32>
      %add3A_3400 = vector.broadcast %add3A_3398 : i32 to vector<16xi32>
      %add3A_3401 = arith.addi %add3A_3400, %iota3A_3399 : vector<16xi32>
      %jit3A_3402 = arith.constant 81 : i32
      %eq3A_3403 = arith.constant 0 : i32
      %eq3A_3404 = arith.cmpi eq, %jit3A_3402, %eq3A_3403 : i32
      %jit3A_3405 = arith.constant 1 : i32
      %select_n3A_3406 = arith.select %eq3A_3404, %jit3A_3405, %jit3A_3402 : i32
      %rem3A_3407 = vector.broadcast %select_n3A_3406 : i32 to vector<16xi32>
      %rem3A_3408 = arith.remsi %add3A_3401, %rem3A_3407 : vector<16xi32>
      %ne3A_3409 = arith.constant 0 : i32
      %ne3A_3410 = vector.broadcast %ne3A_3409 : i32 to vector<16xi32>
      %ne3A_3411 = arith.cmpi ne, %rem3A_3408, %ne3A_3410 : vector<16xi32>
      %lt3A_3412 = arith.constant 0 : i32
      %lt3A_3413 = vector.broadcast %lt3A_3412 : i32 to vector<16xi32>
      %lt3A_3414 = arith.cmpi slt, %rem3A_3408, %lt3A_3413 : vector<16xi32>
      %lt3A_3415 = arith.constant 0 : i32
      %lt3A_3416 = arith.cmpi slt, %select_n3A_3406, %lt3A_3415 : i32
      %ne3A_3417 = vector.broadcast %lt3A_3416 : i1 to vector<16xi1>
      %ne3A_3418 = vector.broadcast %ne3A_3417 : vector<16xi1> to vector<16xi1>
      %ne3A_3419 = arith.xori %lt3A_3414, %ne3A_3418 : vector<16xi1>
      %and3A_3420 = arith.andi %ne3A_3419, %ne3A_3411 : vector<16xi1>
      %add3A_3421 = vector.broadcast %select_n3A_3406 : i32 to vector<16xi32>
      %add3A_3422 = arith.addi %rem3A_3408, %add3A_3421 : vector<16xi32>
      %select_n3A_3423 = arith.select %and3A_3420, %add3A_3422, %rem3A_3408 : vector<16xi1>, vector<16xi32>
      %mul3A_3424 = arith.constant 81 : i32
      %mul3A_3425 = vector.broadcast %mul3A_3424 : i32 to vector<16xi32>
      %mul3A_3426 = arith.muli %get3A_3396, %mul3A_3425 : vector<16xi32>
      %add3A_3427 = arith.addi %mul3A_3426, %select_n3A_3423 : vector<16xi32>
      %swap3A_3428 = arith.constant 0 : i32
      %swap3A_3429 = arith.index_cast %swap3A_3428 : i32 to index
      %swap3A_3430 = arith.constant 112 : index
      %swap3A_3431 = tpu.vector_load %arg8[%swap3A_3429, %swap3A_3430] {strides = array<i32>} : memref<3x128xi32, #tpu.memory_space<vmem>>, vector<1x16xi32>,
      %swap3A_3432 = vector.shape_cast %swap3A_3431 : vector<1x16xi32> to vector<16xi32>
      %swap3A_3433 = vector.shape_cast %add3A_3427 : vector<16xi32> to vector<1x16xi32>
      tpu.vector_store %arg8[%swap3A_3429, %swap3A_3430], %swap3A_3433 {strides = array<i32>} : memref<3x128xi32, #tpu.memory_space<vmem>>, vector<1x16xi32>,
      %get3A_3434 = arith.constant 128 : index
      %get3A_3435 = tpu.vector_load %arg6[%get3A_3434] {strides = array<i32>} : memref<384xi32, #tpu.memory_space<vmem>>, vector<16xi32>,
      %get3A_3436 = vector.shape_cast %get3A_3435 : vector<16xi32> to vector<16xi32>
      %add3A_3437 = arith.constant 128 : i32
      %add3A_3438 = arith.addi %add3A_3107, %add3A_3437 : i32
      %iota3A_3439 = tpu.iota {dimensions = array<i32: 0>} : vector<16xi32>
      %add3A_3440 = vector.broadcast %add3A_3438 : i32 to vector<16xi32>
      %add3A_3441 = arith.addi %add3A_3440, %iota3A_3439 : vector<16xi32>
      %jit3A_3442 = arith.constant 81 : i32
      %eq3A_3443 = arith.constant 0 : i32
      %eq3A_3444 = arith.cmpi eq, %jit3A_3442, %eq3A_3443 : i32
      %jit3A_3445 = arith.constant 1 : i32
      %select_n3A_3446 = arith.select %eq3A_3444, %jit3A_3445, %jit3A_3442 : i32
      %rem3A_3447 = vector.broadcast %select_n3A_3446 : i32 to vector<16xi32>
      %rem3A_3448 = arith.remsi %add3A_3441, %rem3A_3447 : vector<16xi32>
      %ne3A_3449 = arith.constant 0 : i32
      %ne3A_3450 = vector.broadcast %ne3A_3449 : i32 to vector<16xi32>
      %ne3A_3451 = arith.cmpi ne, %rem3A_3448, %ne3A_3450 : vector<16xi32>
      %lt3A_3452 = arith.constant 0 : i32
      %lt3A_3453 = vector.broadcast %lt3A_3452 : i32 to vector<16xi32>
      %lt3A_3454 = arith.cmpi slt, %rem3A_3448, %lt3A_3453 : vector<16xi32>
      %lt3A_3455 = arith.constant 0 : i32
      %lt3A_3456 = arith.cmpi slt, %select_n3A_3446, %lt3A_3455 : i32
      %ne3A_3457 = vector.broadcast %lt3A_3456 : i1 to vector<16xi1>
      %ne3A_3458 = vector.broadcast %ne3A_3457 : vector<16xi1> to vector<16xi1>
      %ne3A_3459 = arith.xori %lt3A_3454, %ne3A_3458 : vector<16xi1>
      %and3A_3460 = arith.andi %ne3A_3459, %ne3A_3451 : vector<16xi1>
      %add3A_3461 = vector.broadcast %select_n3A_3446 : i32 to vector<16xi32>
      %add3A_3462 = arith.addi %rem3A_3448, %add3A_3461 : vector<16xi32>
      %select_n3A_3463 = arith.select %and3A_3460, %add3A_3462, %rem3A_3448 : vector<16xi1>, vector<16xi32>
      %mul3A_3464 = arith.constant 81 : i32
      %mul3A_3465 = vector.broadcast %mul3A_3464 : i32 to vector<16xi32>
      %mul3A_3466 = arith.muli %get3A_3436, %mul3A_3465 : vector<16xi32>
      %add3A_3467 = arith.addi %mul3A_3466, %select_n3A_3463 : vector<16xi32>
      %swap3A_3468 = arith.constant 1 : i32
      %swap3A_3469 = arith.index_cast %swap3A_3468 : i32 to index
      %swap3A_3470 = arith.constant 0 : index
      %swap3A_3471 = tpu.vector_load %arg8[%swap3A_3469, %swap3A_3470] {strides = array<i32>} : memref<3x128xi32, #tpu.memory_space<vmem>>, vector<1x16xi32>,
      %swap3A_3472 = vector.shape_cast %swap3A_3471 : vector<1x16xi32> to vector<16xi32>
      %swap3A_3473 = vector.shape_cast %add3A_3467 : vector<16xi32> to vector<1x16xi32>
      tpu.vector_store %arg8[%swap3A_3469, %swap3A_3470], %swap3A_3473 {strides = array<i32>} : memref<3x128xi32, #tpu.memory_space<vmem>>, vector<1x16xi32>,
      %get3A_3474 = arith.constant 144 : index
      %get3A_3475 = tpu.vector_load %arg6[%get3A_3474] {strides = array<i32>} : memref<384xi32, #tpu.memory_space<vmem>>, vector<16xi32>,
      %get3A_3476 = vector.shape_cast %get3A_3475 : vector<16xi32> to vector<16xi32>
      %add3A_3477 = arith.constant 144 : i32
      %add3A_3478 = arith.addi %add3A_3107, %add3A_3477 : i32
      %iota3A_3479 = tpu.iota {dimensions = array<i32: 0>} : vector<16xi32>
      %add3A_3480 = vector.broadcast %add3A_3478 : i32 to vector<16xi32>
      %add3A_3481 = arith.addi %add3A_3480, %iota3A_3479 : vector<16xi32>
      %jit3A_3482 = arith.constant 81 : i32
      %eq3A_3483 = arith.constant 0 : i32
      %eq3A_3484 = arith.cmpi eq, %jit3A_3482, %eq3A_3483 : i32
      %jit3A_3485 = arith.constant 1 : i32
      %select_n3A_3486 = arith.select %eq3A_3484, %jit3A_3485, %jit3A_3482 : i32
      %rem3A_3487 = vector.broadcast %select_n3A_3486 : i32 to vector<16xi32>
      %rem3A_3488 = arith.remsi %add3A_3481, %rem3A_3487 : vector<16xi32>
      %ne3A_3489 = arith.constant 0 : i32
      %ne3A_3490 = vector.broadcast %ne3A_3489 : i32 to vector<16xi32>
      %ne3A_3491 = arith.cmpi ne, %rem3A_3488, %ne3A_3490 : vector<16xi32>
      %lt3A_3492 = arith.constant 0 : i32
      %lt3A_3493 = vector.broadcast %lt3A_3492 : i32 to vector<16xi32>
      %lt3A_3494 = arith.cmpi slt, %rem3A_3488, %lt3A_3493 : vector<16xi32>
      %lt3A_3495 = arith.constant 0 : i32
      %lt3A_3496 = arith.cmpi slt, %select_n3A_3486, %lt3A_3495 : i32
      %ne3A_3497 = vector.broadcast %lt3A_3496 : i1 to vector<16xi1>
      %ne3A_3498 = vector.broadcast %ne3A_3497 : vector<16xi1> to vector<16xi1>
      %ne3A_3499 = arith.xori %lt3A_3494, %ne3A_3498 : vector<16xi1>
      %and3A_3500 = arith.andi %ne3A_3499, %ne3A_3491 : vector<16xi1>
      %add3A_3501 = vector.broadcast %select_n3A_3486 : i32 to vector<16xi32>
      %add3A_3502 = arith.addi %rem3A_3488, %add3A_3501 : vector<16xi32>
      %select_n3A_3503 = arith.select %and3A_3500, %add3A_3502, %rem3A_3488 : vector<16xi1>, vector<16xi32>
      %mul3A_3504 = arith.constant 81 : i32
      %mul3A_3505 = vector.broadcast %mul3A_3504 : i32 to vector<16xi32>
      %mul3A_3506 = arith.muli %get3A_3476, %mul3A_3505 : vector<16xi32>
      %add3A_3507 = arith.addi %mul3A_3506, %select_n3A_3503 : vector<16xi32>
      %swap3A_3508 = arith.constant 1 : i32
      %swap3A_3509 = arith.index_cast %swap3A_3508 : i32 to index
      %swap3A_3510 = arith.constant 16 : index
      %swap3A_3511 = tpu.vector_load %arg8[%swap3A_3509, %swap3A_3510] {strides = array<i32>} : memref<3x128xi32, #tpu.memory_space<vmem>>, vector<1x16xi32>,
      %swap3A_3512 = vector.shape_cast %swap3A_3511 : vector<1x16xi32> to vector<16xi32>
      %swap3A_3513 = vector.shape_cast %add3A_3507 : vector<16xi32> to vector<1x16xi32>
      tpu.vector_store %arg8[%swap3A_3509, %swap3A_3510], %swap3A_3513 {strides = array<i32>} : memref<3x128xi32, #tpu.memory_space<vmem>>, vector<1x16xi32>,
      %get3A_3514 = arith.constant 160 : index
      %get3A_3515 = tpu.vector_load %arg6[%get3A_3514] {strides = array<i32>} : memref<384xi32, #tpu.memory_space<vmem>>, vector<16xi32>,
      %get3A_3516 = vector.shape_cast %get3A_3515 : vector<16xi32> to vector<16xi32>
      %add3A_3517 = arith.constant 160 : i32
      %add3A_3518 = arith.addi %add3A_3107, %add3A_3517 : i32
      %iota3A_3519 = tpu.iota {dimensions = array<i32: 0>} : vector<16xi32>
      %add3A_3520 = vector.broadcast %add3A_3518 : i32 to vector<16xi32>
      %add3A_3521 = arith.addi %add3A_3520, %iota3A_3519 : vector<16xi32>
      %jit3A_3522 = arith.constant 81 : i32
      %eq3A_3523 = arith.constant 0 : i32
      %eq3A_3524 = arith.cmpi eq, %jit3A_3522, %eq3A_3523 : i32
      %jit3A_3525 = arith.constant 1 : i32
      %select_n3A_3526 = arith.select %eq3A_3524, %jit3A_3525, %jit3A_3522 : i32
      %rem3A_3527 = vector.broadcast %select_n3A_3526 : i32 to vector<16xi32>
      %rem3A_3528 = arith.remsi %add3A_3521, %rem3A_3527 : vector<16xi32>
      %ne3A_3529 = arith.constant 0 : i32
      %ne3A_3530 = vector.broadcast %ne3A_3529 : i32 to vector<16xi32>
      %ne3A_3531 = arith.cmpi ne, %rem3A_3528, %ne3A_3530 : vector<16xi32>
      %lt3A_3532 = arith.constant 0 : i32
      %lt3A_3533 = vector.broadcast %lt3A_3532 : i32 to vector<16xi32>
      %lt3A_3534 = arith.cmpi slt, %rem3A_3528, %lt3A_3533 : vector<16xi32>
      %lt3A_3535 = arith.constant 0 : i32
      %lt3A_3536 = arith.cmpi slt, %select_n3A_3526, %lt3A_3535 : i32
      %ne3A_3537 = vector.broadcast %lt3A_3536 : i1 to vector<16xi1>
      %ne3A_3538 = vector.broadcast %ne3A_3537 : vector<16xi1> to vector<16xi1>
      %ne3A_3539 = arith.xori %lt3A_3534, %ne3A_3538 : vector<16xi1>
      %and3A_3540 = arith.andi %ne3A_3539, %ne3A_3531 : vector<16xi1>
      %add3A_3541 = vector.broadcast %select_n3A_3526 : i32 to vector<16xi32>
      %add3A_3542 = arith.addi %rem3A_3528, %add3A_3541 : vector<16xi32>
      %select_n3A_3543 = arith.select %and3A_3540, %add3A_3542, %rem3A_3528 : vector<16xi1>, vector<16xi32>
      %mul3A_3544 = arith.constant 81 : i32
      %mul3A_3545 = vector.broadcast %mul3A_3544 : i32 to vector<16xi32>
      %mul3A_3546 = arith.muli %get3A_3516, %mul3A_3545 : vector<16xi32>
      %add3A_3547 = arith.addi %mul3A_3546, %select_n3A_3543 : vector<16xi32>
      %swap3A_3548 = arith.constant 1 : i32
      %swap3A_3549 = arith.index_cast %swap3A_3548 : i32 to index
      %swap3A_3550 = arith.constant 32 : index
      %swap3A_3551 = tpu.vector_load %arg8[%swap3A_3549, %swap3A_3550] {strides = array<i32>} : memref<3x128xi32, #tpu.memory_space<vmem>>, vector<1x16xi32>,
      %swap3A_3552 = vector.shape_cast %swap3A_3551 : vector<1x16xi32> to vector<16xi32>
      %swap3A_3553 = vector.shape_cast %add3A_3547 : vector<16xi32> to vector<1x16xi32>
      tpu.vector_store %arg8[%swap3A_3549, %swap3A_3550], %swap3A_3553 {strides = array<i32>} : memref<3x128xi32, #tpu.memory_space<vmem>>, vector<1x16xi32>,
      %get3A_3554 = arith.constant 176 : index
      %get3A_3555 = tpu.vector_load %arg6[%get3A_3554] {strides = array<i32>} : memref<384xi32, #tpu.memory_space<vmem>>, vector<16xi32>,
      %get3A_3556 = vector.shape_cast %get3A_3555 : vector<16xi32> to vector<16xi32>
      %add3A_3557 = arith.constant 176 : i32
      %add3A_3558 = arith.addi %add3A_3107, %add3A_3557 : i32
      %iota3A_3559 = tpu.iota {dimensions = array<i32: 0>} : vector<16xi32>
      %add3A_3560 = vector.broadcast %add3A_3558 : i32 to vector<16xi32>
      %add3A_3561 = arith.addi %add3A_3560, %iota3A_3559 : vector<16xi32>
      %jit3A_3562 = arith.constant 81 : i32
      %eq3A_3563 = arith.constant 0 : i32
      %eq3A_3564 = arith.cmpi eq, %jit3A_3562, %eq3A_3563 : i32
      %jit3A_3565 = arith.constant 1 : i32
      %select_n3A_3566 = arith.select %eq3A_3564, %jit3A_3565, %jit3A_3562 : i32
      %rem3A_3567 = vector.broadcast %select_n3A_3566 : i32 to vector<16xi32>
      %rem3A_3568 = arith.remsi %add3A_3561, %rem3A_3567 : vector<16xi32>
      %ne3A_3569 = arith.constant 0 : i32
      %ne3A_3570 = vector.broadcast %ne3A_3569 : i32 to vector<16xi32>
      %ne3A_3571 = arith.cmpi ne, %rem3A_3568, %ne3A_3570 : vector<16xi32>
      %lt3A_3572 = arith.constant 0 : i32
      %lt3A_3573 = vector.broadcast %lt3A_3572 : i32 to vector<16xi32>
      %lt3A_3574 = arith.cmpi slt, %rem3A_3568, %lt3A_3573 : vector<16xi32>
      %lt3A_3575 = arith.constant 0 : i32
      %lt3A_3576 = arith.cmpi slt, %select_n3A_3566, %lt3A_3575 : i32
      %ne3A_3577 = vector.broadcast %lt3A_3576 : i1 to vector<16xi1>
      %ne3A_3578 = vector.broadcast %ne3A_3577 : vector<16xi1> to vector<16xi1>
      %ne3A_3579 = arith.xori %lt3A_3574, %ne3A_3578 : vector<16xi1>
      %and3A_3580 = arith.andi %ne3A_3579, %ne3A_3571 : vector<16xi1>
      %add3A_3581 = vector.broadcast %select_n3A_3566 : i32 to vector<16xi32>
      %add3A_3582 = arith.addi %rem3A_3568, %add3A_3581 : vector<16xi32>
      %select_n3A_3583 = arith.select %and3A_3580, %add3A_3582, %rem3A_3568 : vector<16xi1>, vector<16xi32>
      %mul3A_3584 = arith.constant 81 : i32
      %mul3A_3585 = vector.broadcast %mul3A_3584 : i32 to vector<16xi32>
      %mul3A_3586 = arith.muli %get3A_3556, %mul3A_3585 : vector<16xi32>
      %add3A_3587 = arith.addi %mul3A_3586, %select_n3A_3583 : vector<16xi32>
      %swap3A_3588 = arith.constant 1 : i32
      %swap3A_3589 = arith.index_cast %swap3A_3588 : i32 to index
      %swap3A_3590 = arith.constant 48 : index
      %swap3A_3591 = tpu.vector_load %arg8[%swap3A_3589, %swap3A_3590] {strides = array<i32>} : memref<3x128xi32, #tpu.memory_space<vmem>>, vector<1x16xi32>,
      %swap3A_3592 = vector.shape_cast %swap3A_3591 : vector<1x16xi32> to vector<16xi32>
      %swap3A_3593 = vector.shape_cast %add3A_3587 : vector<16xi32> to vector<1x16xi32>
      tpu.vector_store %arg8[%swap3A_3589, %swap3A_3590], %swap3A_3593 {strides = array<i32>} : memref<3x128xi32, #tpu.memory_space<vmem>>, vector<1x16xi32>,
      %get3A_3594 = arith.constant 192 : index
      %get3A_3595 = tpu.vector_load %arg6[%get3A_3594] {strides = array<i32>} : memref<384xi32, #tpu.memory_space<vmem>>, vector<16xi32>,
      %get3A_3596 = vector.shape_cast %get3A_3595 : vector<16xi32> to vector<16xi32>
      %add3A_3597 = arith.constant 192 : i32
      %add3A_3598 = arith.addi %add3A_3107, %add3A_3597 : i32
      %iota3A_3599 = tpu.iota {dimensions = array<i32: 0>} : vector<16xi32>
      %add3A_3600 = vector.broadcast %add3A_3598 : i32 to vector<16xi32>
      %add3A_3601 = arith.addi %add3A_3600, %iota3A_3599 : vector<16xi32>
      %jit3A_3602 = arith.constant 81 : i32
      %eq3A_3603 = arith.constant 0 : i32
      %eq3A_3604 = arith.cmpi eq, %jit3A_3602, %eq3A_3603 : i32
      %jit3A_3605 = arith.constant 1 : i32
      %select_n3A_3606 = arith.select %eq3A_3604, %jit3A_3605, %jit3A_3602 : i32
      %rem3A_3607 = vector.broadcast %select_n3A_3606 : i32 to vector<16xi32>
      %rem3A_3608 = arith.remsi %add3A_3601, %rem3A_3607 : vector<16xi32>
      %ne3A_3609 = arith.constant 0 : i32
      %ne3A_3610 = vector.broadcast %ne3A_3609 : i32 to vector<16xi32>
      %ne3A_3611 = arith.cmpi ne, %rem3A_3608, %ne3A_3610 : vector<16xi32>
      %lt3A_3612 = arith.constant 0 : i32
      %lt3A_3613 = vector.broadcast %lt3A_3612 : i32 to vector<16xi32>
      %lt3A_3614 = arith.cmpi slt, %rem3A_3608, %lt3A_3613 : vector<16xi32>
      %lt3A_3615 = arith.constant 0 : i32
      %lt3A_3616 = arith.cmpi slt, %select_n3A_3606, %lt3A_3615 : i32
      %ne3A_3617 = vector.broadcast %lt3A_3616 : i1 to vector<16xi1>
      %ne3A_3618 = vector.broadcast %ne3A_3617 : vector<16xi1> to vector<16xi1>
      %ne3A_3619 = arith.xori %lt3A_3614, %ne3A_3618 : vector<16xi1>
      %and3A_3620 = arith.andi %ne3A_3619, %ne3A_3611 : vector<16xi1>
      %add3A_3621 = vector.broadcast %select_n3A_3606 : i32 to vector<16xi32>
      %add3A_3622 = arith.addi %rem3A_3608, %add3A_3621 : vector<16xi32>
      %select_n3A_3623 = arith.select %and3A_3620, %add3A_3622, %rem3A_3608 : vector<16xi1>, vector<16xi32>
      %mul3A_3624 = arith.constant 81 : i32
      %mul3A_3625 = vector.broadcast %mul3A_3624 : i32 to vector<16xi32>
      %mul3A_3626 = arith.muli %get3A_3596, %mul3A_3625 : vector<16xi32>
      %add3A_3627 = arith.addi %mul3A_3626, %select_n3A_3623 : vector<16xi32>
      %swap3A_3628 = arith.constant 1 : i32
      %swap3A_3629 = arith.index_cast %swap3A_3628 : i32 to index
      %swap3A_3630 = arith.constant 64 : index
      %swap3A_3631 = tpu.vector_load %arg8[%swap3A_3629, %swap3A_3630] {strides = array<i32>} : memref<3x128xi32, #tpu.memory_space<vmem>>, vector<1x16xi32>,
      %swap3A_3632 = vector.shape_cast %swap3A_3631 : vector<1x16xi32> to vector<16xi32>
      %swap3A_3633 = vector.shape_cast %add3A_3627 : vector<16xi32> to vector<1x16xi32>
      tpu.vector_store %arg8[%swap3A_3629, %swap3A_3630], %swap3A_3633 {strides = array<i32>} : memref<3x128xi32, #tpu.memory_space<vmem>>, vector<1x16xi32>,
      %get3A_3634 = arith.constant 208 : index
      %get3A_3635 = tpu.vector_load %arg6[%get3A_3634] {strides = array<i32>} : memref<384xi32, #tpu.memory_space<vmem>>, vector<16xi32>,
      %get3A_3636 = vector.shape_cast %get3A_3635 : vector<16xi32> to vector<16xi32>
      %add3A_3637 = arith.constant 208 : i32
      %add3A_3638 = arith.addi %add3A_3107, %add3A_3637 : i32
      %iota3A_3639 = tpu.iota {dimensions = array<i32: 0>} : vector<16xi32>
      %add3A_3640 = vector.broadcast %add3A_3638 : i32 to vector<16xi32>
      %add3A_3641 = arith.addi %add3A_3640, %iota3A_3639 : vector<16xi32>
      %jit3A_3642 = arith.constant 81 : i32
      %eq3A_3643 = arith.constant 0 : i32
      %eq3A_3644 = arith.cmpi eq, %jit3A_3642, %eq3A_3643 : i32
      %jit3A_3645 = arith.constant 1 : i32
      %select_n3A_3646 = arith.select %eq3A_3644, %jit3A_3645, %jit3A_3642 : i32
      %rem3A_3647 = vector.broadcast %select_n3A_3646 : i32 to vector<16xi32>
      %rem3A_3648 = arith.remsi %add3A_3641, %rem3A_3647 : vector<16xi32>
      %ne3A_3649 = arith.constant 0 : i32
      %ne3A_3650 = vector.broadcast %ne3A_3649 : i32 to vector<16xi32>
      %ne3A_3651 = arith.cmpi ne, %rem3A_3648, %ne3A_3650 : vector<16xi32>
      %lt3A_3652 = arith.constant 0 : i32
      %lt3A_3653 = vector.broadcast %lt3A_3652 : i32 to vector<16xi32>
      %lt3A_3654 = arith.cmpi slt, %rem3A_3648, %lt3A_3653 : vector<16xi32>
      %lt3A_3655 = arith.constant 0 : i32
      %lt3A_3656 = arith.cmpi slt, %select_n3A_3646, %lt3A_3655 : i32
      %ne3A_3657 = vector.broadcast %lt3A_3656 : i1 to vector<16xi1>
      %ne3A_3658 = vector.broadcast %ne3A_3657 : vector<16xi1> to vector<16xi1>
      %ne3A_3659 = arith.xori %lt3A_3654, %ne3A_3658 : vector<16xi1>
      %and3A_3660 = arith.andi %ne3A_3659, %ne3A_3651 : vector<16xi1>
      %add3A_3661 = vector.broadcast %select_n3A_3646 : i32 to vector<16xi32>
      %add3A_3662 = arith.addi %rem3A_3648, %add3A_3661 : vector<16xi32>
      %select_n3A_3663 = arith.select %and3A_3660, %add3A_3662, %rem3A_3648 : vector<16xi1>, vector<16xi32>
      %mul3A_3664 = arith.constant 81 : i32
      %mul3A_3665 = vector.broadcast %mul3A_3664 : i32 to vector<16xi32>
      %mul3A_3666 = arith.muli %get3A_3636, %mul3A_3665 : vector<16xi32>
      %add3A_3667 = arith.addi %mul3A_3666, %select_n3A_3663 : vector<16xi32>
      %swap3A_3668 = arith.constant 1 : i32
      %swap3A_3669 = arith.index_cast %swap3A_3668 : i32 to index
      %swap3A_3670 = arith.constant 80 : index
      %swap3A_3671 = tpu.vector_load %arg8[%swap3A_3669, %swap3A_3670] {strides = array<i32>} : memref<3x128xi32, #tpu.memory_space<vmem>>, vector<1x16xi32>,
      %swap3A_3672 = vector.shape_cast %swap3A_3671 : vector<1x16xi32> to vector<16xi32>
      %swap3A_3673 = vector.shape_cast %add3A_3667 : vector<16xi32> to vector<1x16xi32>
      tpu.vector_store %arg8[%swap3A_3669, %swap3A_3670], %swap3A_3673 {strides = array<i32>} : memref<3x128xi32, #tpu.memory_space<vmem>>, vector<1x16xi32>,
      %get3A_3674 = arith.constant 224 : index
      %get3A_3675 = tpu.vector_load %arg6[%get3A_3674] {strides = array<i32>} : memref<384xi32, #tpu.memory_space<vmem>>, vector<16xi32>,
      %get3A_3676 = vector.shape_cast %get3A_3675 : vector<16xi32> to vector<16xi32>
      %add3A_3677 = arith.constant 224 : i32
      %add3A_3678 = arith.addi %add3A_3107, %add3A_3677 : i32
      %iota3A_3679 = tpu.iota {dimensions = array<i32: 0>} : vector<16xi32>
      %add3A_3680 = vector.broadcast %add3A_3678 : i32 to vector<16xi32>
      %add3A_3681 = arith.addi %add3A_3680, %iota3A_3679 : vector<16xi32>
      %jit3A_3682 = arith.constant 81 : i32
      %eq3A_3683 = arith.constant 0 : i32
      %eq3A_3684 = arith.cmpi eq, %jit3A_3682, %eq3A_3683 : i32
      %jit3A_3685 = arith.constant 1 : i32
      %select_n3A_3686 = arith.select %eq3A_3684, %jit3A_3685, %jit3A_3682 : i32
      %rem3A_3687 = vector.broadcast %select_n3A_3686 : i32 to vector<16xi32>
      %rem3A_3688 = arith.remsi %add3A_3681, %rem3A_3687 : vector<16xi32>
      %ne3A_3689 = arith.constant 0 : i32
      %ne3A_3690 = vector.broadcast %ne3A_3689 : i32 to vector<16xi32>
      %ne3A_3691 = arith.cmpi ne, %rem3A_3688, %ne3A_3690 : vector<16xi32>
      %lt3A_3692 = arith.constant 0 : i32
      %lt3A_3693 = vector.broadcast %lt3A_3692 : i32 to vector<16xi32>
      %lt3A_3694 = arith.cmpi slt, %rem3A_3688, %lt3A_3693 : vector<16xi32>
      %lt3A_3695 = arith.constant 0 : i32
      %lt3A_3696 = arith.cmpi slt, %select_n3A_3686, %lt3A_3695 : i32
      %ne3A_3697 = vector.broadcast %lt3A_3696 : i1 to vector<16xi1>
      %ne3A_3698 = vector.broadcast %ne3A_3697 : vector<16xi1> to vector<16xi1>
      %ne3A_3699 = arith.xori %lt3A_3694, %ne3A_3698 : vector<16xi1>
      %and3A_3700 = arith.andi %ne3A_3699, %ne3A_3691 : vector<16xi1>
      %add3A_3701 = vector.broadcast %select_n3A_3686 : i32 to vector<16xi32>
      %add3A_3702 = arith.addi %rem3A_3688, %add3A_3701 : vector<16xi32>
      %select_n3A_3703 = arith.select %and3A_3700, %add3A_3702, %rem3A_3688 : vector<16xi1>, vector<16xi32>
      %mul3A_3704 = arith.constant 81 : i32
      %mul3A_3705 = vector.broadcast %mul3A_3704 : i32 to vector<16xi32>
      %mul3A_3706 = arith.muli %get3A_3676, %mul3A_3705 : vector<16xi32>
      %add3A_3707 = arith.addi %mul3A_3706, %select_n3A_3703 : vector<16xi32>
      %swap3A_3708 = arith.constant 1 : i32
      %swap3A_3709 = arith.index_cast %swap3A_3708 : i32 to index
      %swap3A_3710 = arith.constant 96 : index
      %swap3A_3711 = tpu.vector_load %arg8[%swap3A_3709, %swap3A_3710] {strides = array<i32>} : memref<3x128xi32, #tpu.memory_space<vmem>>, vector<1x16xi32>,
      %swap3A_3712 = vector.shape_cast %swap3A_3711 : vector<1x16xi32> to vector<16xi32>
      %swap3A_3713 = vector.shape_cast %add3A_3707 : vector<16xi32> to vector<1x16xi32>
      tpu.vector_store %arg8[%swap3A_3709, %swap3A_3710], %swap3A_3713 {strides = array<i32>} : memref<3x128xi32, #tpu.memory_space<vmem>>, vector<1x16xi32>,
      %get3A_3714 = arith.constant 240 : index
      %get3A_3715 = tpu.vector_load %arg6[%get3A_3714] {strides = array<i32>} : memref<384xi32, #tpu.memory_space<vmem>>, vector<16xi32>,
      %get3A_3716 = vector.shape_cast %get3A_3715 : vector<16xi32> to vector<16xi32>
      %add3A_3717 = arith.constant 240 : i32
      %add3A_3718 = arith.addi %add3A_3107, %add3A_3717 : i32
      %iota3A_3719 = tpu.iota {dimensions = array<i32: 0>} : vector<16xi32>
      %add3A_3720 = vector.broadcast %add3A_3718 : i32 to vector<16xi32>
      %add3A_3721 = arith.addi %add3A_3720, %iota3A_3719 : vector<16xi32>
      %jit3A_3722 = arith.constant 81 : i32
      %eq3A_3723 = arith.constant 0 : i32
      %eq3A_3724 = arith.cmpi eq, %jit3A_3722, %eq3A_3723 : i32
      %jit3A_3725 = arith.constant 1 : i32
      %select_n3A_3726 = arith.select %eq3A_3724, %jit3A_3725, %jit3A_3722 : i32
      %rem3A_3727 = vector.broadcast %select_n3A_3726 : i32 to vector<16xi32>
      %rem3A_3728 = arith.remsi %add3A_3721, %rem3A_3727 : vector<16xi32>
      %ne3A_3729 = arith.constant 0 : i32
      %ne3A_3730 = vector.broadcast %ne3A_3729 : i32 to vector<16xi32>
      %ne3A_3731 = arith.cmpi ne, %rem3A_3728, %ne3A_3730 : vector<16xi32>
      %lt3A_3732 = arith.constant 0 : i32
      %lt3A_3733 = vector.broadcast %lt3A_3732 : i32 to vector<16xi32>
      %lt3A_3734 = arith.cmpi slt, %rem3A_3728, %lt3A_3733 : vector<16xi32>
      %lt3A_3735 = arith.constant 0 : i32
      %lt3A_3736 = arith.cmpi slt, %select_n3A_3726, %lt3A_3735 : i32
      %ne3A_3737 = vector.broadcast %lt3A_3736 : i1 to vector<16xi1>
      %ne3A_3738 = vector.broadcast %ne3A_3737 : vector<16xi1> to vector<16xi1>
      %ne3A_3739 = arith.xori %lt3A_3734, %ne3A_3738 : vector<16xi1>
      %and3A_3740 = arith.andi %ne3A_3739, %ne3A_3731 : vector<16xi1>
      %add3A_3741 = vector.broadcast %select_n3A_3726 : i32 to vector<16xi32>
      %add3A_3742 = arith.addi %rem3A_3728, %add3A_3741 : vector<16xi32>
      %select_n3A_3743 = arith.select %and3A_3740, %add3A_3742, %rem3A_3728 : vector<16xi1>, vector<16xi32>
      %mul3A_3744 = arith.constant 81 : i32
      %mul3A_3745 = vector.broadcast %mul3A_3744 : i32 to vector<16xi32>
      %mul3A_3746 = arith.muli %get3A_3716, %mul3A_3745 : vector<16xi32>
      %add3A_3747 = arith.addi %mul3A_3746, %select_n3A_3743 : vector<16xi32>
      %swap3A_3748 = arith.constant 1 : i32
      %swap3A_3749 = arith.index_cast %swap3A_3748 : i32 to index
      %swap3A_3750 = arith.constant 112 : index
      %swap3A_3751 = tpu.vector_load %arg8[%swap3A_3749, %swap3A_3750] {strides = array<i32>} : memref<3x128xi32, #tpu.memory_space<vmem>>, vector<1x16xi32>,
      %swap3A_3752 = vector.shape_cast %swap3A_3751 : vector<1x16xi32> to vector<16xi32>
      %swap3A_3753 = vector.shape_cast %add3A_3747 : vector<16xi32> to vector<1x16xi32>
      tpu.vector_store %arg8[%swap3A_3749, %swap3A_3750], %swap3A_3753 {strides = array<i32>} : memref<3x128xi32, #tpu.memory_space<vmem>>, vector<1x16xi32>,
      %get3A_3754 = arith.constant 256 : index
      %get3A_3755 = tpu.vector_load %arg6[%get3A_3754] {strides = array<i32>} : memref<384xi32, #tpu.memory_space<vmem>>, vector<16xi32>,
      %get3A_3756 = vector.shape_cast %get3A_3755 : vector<16xi32> to vector<16xi32>
      %add3A_3757 = arith.constant 256 : i32
      %add3A_3758 = arith.addi %add3A_3107, %add3A_3757 : i32
      %iota3A_3759 = tpu.iota {dimensions = array<i32: 0>} : vector<16xi32>
      %add3A_3760 = vector.broadcast %add3A_3758 : i32 to vector<16xi32>
      %add3A_3761 = arith.addi %add3A_3760, %iota3A_3759 : vector<16xi32>
      %jit3A_3762 = arith.constant 81 : i32
      %eq3A_3763 = arith.constant 0 : i32
      %eq3A_3764 = arith.cmpi eq, %jit3A_3762, %eq3A_3763 : i32
      %jit3A_3765 = arith.constant 1 : i32
      %select_n3A_3766 = arith.select %eq3A_3764, %jit3A_3765, %jit3A_3762 : i32
      %rem3A_3767 = vector.broadcast %select_n3A_3766 : i32 to vector<16xi32>
      %rem3A_3768 = arith.remsi %add3A_3761, %rem3A_3767 : vector<16xi32>
      %ne3A_3769 = arith.constant 0 : i32
      %ne3A_3770 = vector.broadcast %ne3A_3769 : i32 to vector<16xi32>
      %ne3A_3771 = arith.cmpi ne, %rem3A_3768, %ne3A_3770 : vector<16xi32>
      %lt3A_3772 = arith.constant 0 : i32
      %lt3A_3773 = vector.broadcast %lt3A_3772 : i32 to vector<16xi32>
      %lt3A_3774 = arith.cmpi slt, %rem3A_3768, %lt3A_3773 : vector<16xi32>
      %lt3A_3775 = arith.constant 0 : i32
      %lt3A_3776 = arith.cmpi slt, %select_n3A_3766, %lt3A_3775 : i32
      %ne3A_3777 = vector.broadcast %lt3A_3776 : i1 to vector<16xi1>
      %ne3A_3778 = vector.broadcast %ne3A_3777 : vector<16xi1> to vector<16xi1>
      %ne3A_3779 = arith.xori %lt3A_3774, %ne3A_3778 : vector<16xi1>
      %and3A_3780 = arith.andi %ne3A_3779, %ne3A_3771 : vector<16xi1>
      %add3A_3781 = vector.broadcast %select_n3A_3766 : i32 to vector<16xi32>
      %add3A_3782 = arith.addi %rem3A_3768, %add3A_3781 : vector<16xi32>
      %select_n3A_3783 = arith.select %and3A_3780, %add3A_3782, %rem3A_3768 : vector<16xi1>, vector<16xi32>
      %mul3A_3784 = arith.constant 81 : i32
      %mul3A_3785 = vector.broadcast %mul3A_3784 : i32 to vector<16xi32>
      %mul3A_3786 = arith.muli %get3A_3756, %mul3A_3785 : vector<16xi32>
      %add3A_3787 = arith.addi %mul3A_3786, %select_n3A_3783 : vector<16xi32>
      %swap3A_3788 = arith.constant 2 : i32
      %swap3A_3789 = arith.index_cast %swap3A_3788 : i32 to index
      %swap3A_3790 = arith.constant 0 : index
      %swap3A_3791 = tpu.vector_load %arg8[%swap3A_3789, %swap3A_3790] {strides = array<i32>} : memref<3x128xi32, #tpu.memory_space<vmem>>, vector<1x16xi32>,
      %swap3A_3792 = vector.shape_cast %swap3A_3791 : vector<1x16xi32> to vector<16xi32>
      %swap3A_3793 = vector.shape_cast %add3A_3787 : vector<16xi32> to vector<1x16xi32>
      tpu.vector_store %arg8[%swap3A_3789, %swap3A_3790], %swap3A_3793 {strides = array<i32>} : memref<3x128xi32, #tpu.memory_space<vmem>>, vector<1x16xi32>,
      %get3A_3794 = arith.constant 272 : index
      %get3A_3795 = tpu.vector_load %arg6[%get3A_3794] {strides = array<i32>} : memref<384xi32, #tpu.memory_space<vmem>>, vector<16xi32>,
      %get3A_3796 = vector.shape_cast %get3A_3795 : vector<16xi32> to vector<16xi32>
      %add3A_3797 = arith.constant 272 : i32
      %add3A_3798 = arith.addi %add3A_3107, %add3A_3797 : i32
      %iota3A_3799 = tpu.iota {dimensions = array<i32: 0>} : vector<16xi32>
      %add3A_3800 = vector.broadcast %add3A_3798 : i32 to vector<16xi32>
      %add3A_3801 = arith.addi %add3A_3800, %iota3A_3799 : vector<16xi32>
      %jit3A_3802 = arith.constant 81 : i32
      %eq3A_3803 = arith.constant 0 : i32
      %eq3A_3804 = arith.cmpi eq, %jit3A_3802, %eq3A_3803 : i32
      %jit3A_3805 = arith.constant 1 : i32
      %select_n3A_3806 = arith.select %eq3A_3804, %jit3A_3805, %jit3A_3802 : i32
      %rem3A_3807 = vector.broadcast %select_n3A_3806 : i32 to vector<16xi32>
      %rem3A_3808 = arith.remsi %add3A_3801, %rem3A_3807 : vector<16xi32>
      %ne3A_3809 = arith.constant 0 : i32
      %ne3A_3810 = vector.broadcast %ne3A_3809 : i32 to vector<16xi32>
      %ne3A_3811 = arith.cmpi ne, %rem3A_3808, %ne3A_3810 : vector<16xi32>
      %lt3A_3812 = arith.constant 0 : i32
      %lt3A_3813 = vector.broadcast %lt3A_3812 : i32 to vector<16xi32>
      %lt3A_3814 = arith.cmpi slt, %rem3A_3808, %lt3A_3813 : vector<16xi32>
      %lt3A_3815 = arith.constant 0 : i32
      %lt3A_3816 = arith.cmpi slt, %select_n3A_3806, %lt3A_3815 : i32
      %ne3A_3817 = vector.broadcast %lt3A_3816 : i1 to vector<16xi1>
      %ne3A_3818 = vector.broadcast %ne3A_3817 : vector<16xi1> to vector<16xi1>
      %ne3A_3819 = arith.xori %lt3A_3814, %ne3A_3818 : vector<16xi1>
      %and3A_3820 = arith.andi %ne3A_3819, %ne3A_3811 : vector<16xi1>
      %add3A_3821 = vector.broadcast %select_n3A_3806 : i32 to vector<16xi32>
      %add3A_3822 = arith.addi %rem3A_3808, %add3A_3821 : vector<16xi32>
      %select_n3A_3823 = arith.select %and3A_3820, %add3A_3822, %rem3A_3808 : vector<16xi1>, vector<16xi32>
      %mul3A_3824 = arith.constant 81 : i32
      %mul3A_3825 = vector.broadcast %mul3A_3824 : i32 to vector<16xi32>
      %mul3A_3826 = arith.muli %get3A_3796, %mul3A_3825 : vector<16xi32>
      %add3A_3827 = arith.addi %mul3A_3826, %select_n3A_3823 : vector<16xi32>
      %swap3A_3828 = arith.constant 2 : i32
      %swap3A_3829 = arith.index_cast %swap3A_3828 : i32 to index
      %swap3A_3830 = arith.constant 16 : index
      %swap3A_3831 = tpu.vector_load %arg8[%swap3A_3829, %swap3A_3830] {strides = array<i32>} : memref<3x128xi32, #tpu.memory_space<vmem>>, vector<1x16xi32>,
      %swap3A_3832 = vector.shape_cast %swap3A_3831 : vector<1x16xi32> to vector<16xi32>
      %swap3A_3833 = vector.shape_cast %add3A_3827 : vector<16xi32> to vector<1x16xi32>
      tpu.vector_store %arg8[%swap3A_3829, %swap3A_3830], %swap3A_3833 {strides = array<i32>} : memref<3x128xi32, #tpu.memory_space<vmem>>, vector<1x16xi32>,
      %get3A_3834 = arith.constant 288 : index
      %get3A_3835 = tpu.vector_load %arg6[%get3A_3834] {strides = array<i32>} : memref<384xi32, #tpu.memory_space<vmem>>, vector<16xi32>,
      %get3A_3836 = vector.shape_cast %get3A_3835 : vector<16xi32> to vector<16xi32>
      %add3A_3837 = arith.constant 288 : i32
      %add3A_3838 = arith.addi %add3A_3107, %add3A_3837 : i32
      %iota3A_3839 = tpu.iota {dimensions = array<i32: 0>} : vector<16xi32>
      %add3A_3840 = vector.broadcast %add3A_3838 : i32 to vector<16xi32>
      %add3A_3841 = arith.addi %add3A_3840, %iota3A_3839 : vector<16xi32>
      %jit3A_3842 = arith.constant 81 : i32
      %eq3A_3843 = arith.constant 0 : i32
      %eq3A_3844 = arith.cmpi eq, %jit3A_3842, %eq3A_3843 : i32
      %jit3A_3845 = arith.constant 1 : i32
      %select_n3A_3846 = arith.select %eq3A_3844, %jit3A_3845, %jit3A_3842 : i32
      %rem3A_3847 = vector.broadcast %select_n3A_3846 : i32 to vector<16xi32>
      %rem3A_3848 = arith.remsi %add3A_3841, %rem3A_3847 : vector<16xi32>
      %ne3A_3849 = arith.constant 0 : i32
      %ne3A_3850 = vector.broadcast %ne3A_3849 : i32 to vector<16xi32>
      %ne3A_3851 = arith.cmpi ne, %rem3A_3848, %ne3A_3850 : vector<16xi32>
      %lt3A_3852 = arith.constant 0 : i32
      %lt3A_3853 = vector.broadcast %lt3A_3852 : i32 to vector<16xi32>
      %lt3A_3854 = arith.cmpi slt, %rem3A_3848, %lt3A_3853 : vector<16xi32>
      %lt3A_3855 = arith.constant 0 : i32
      %lt3A_3856 = arith.cmpi slt, %select_n3A_3846, %lt3A_3855 : i32
      %ne3A_3857 = vector.broadcast %lt3A_3856 : i1 to vector<16xi1>
      %ne3A_3858 = vector.broadcast %ne3A_3857 : vector<16xi1> to vector<16xi1>
      %ne3A_3859 = arith.xori %lt3A_3854, %ne3A_3858 : vector<16xi1>
      %and3A_3860 = arith.andi %ne3A_3859, %ne3A_3851 : vector<16xi1>
      %add3A_3861 = vector.broadcast %select_n3A_3846 : i32 to vector<16xi32>
      %add3A_3862 = arith.addi %rem3A_3848, %add3A_3861 : vector<16xi32>
      %select_n3A_3863 = arith.select %and3A_3860, %add3A_3862, %rem3A_3848 : vector<16xi1>, vector<16xi32>
      %mul3A_3864 = arith.constant 81 : i32
      %mul3A_3865 = vector.broadcast %mul3A_3864 : i32 to vector<16xi32>
      %mul3A_3866 = arith.muli %get3A_3836, %mul3A_3865 : vector<16xi32>
      %add3A_3867 = arith.addi %mul3A_3866, %select_n3A_3863 : vector<16xi32>
      %swap3A_3868 = arith.constant 2 : i32
      %swap3A_3869 = arith.index_cast %swap3A_3868 : i32 to index
      %swap3A_3870 = arith.constant 32 : index
      %swap3A_3871 = tpu.vector_load %arg8[%swap3A_3869, %swap3A_3870] {strides = array<i32>} : memref<3x128xi32, #tpu.memory_space<vmem>>, vector<1x16xi32>,
      %swap3A_3872 = vector.shape_cast %swap3A_3871 : vector<1x16xi32> to vector<16xi32>
      %swap3A_3873 = vector.shape_cast %add3A_3867 : vector<16xi32> to vector<1x16xi32>
      tpu.vector_store %arg8[%swap3A_3869, %swap3A_3870], %swap3A_3873 {strides = array<i32>} : memref<3x128xi32, #tpu.memory_space<vmem>>, vector<1x16xi32>,
      %get3A_3874 = arith.constant 304 : index
      %get3A_3875 = tpu.vector_load %arg6[%get3A_3874] {strides = array<i32>} : memref<384xi32, #tpu.memory_space<vmem>>, vector<16xi32>,
      %get3A_3876 = vector.shape_cast %get3A_3875 : vector<16xi32> to vector<16xi32>
      %add3A_3877 = arith.constant 304 : i32
      %add3A_3878 = arith.addi %add3A_3107, %add3A_3877 : i32
      %iota3A_3879 = tpu.iota {dimensions = array<i32: 0>} : vector<16xi32>
      %add3A_3880 = vector.broadcast %add3A_3878 : i32 to vector<16xi32>
      %add3A_3881 = arith.addi %add3A_3880, %iota3A_3879 : vector<16xi32>
      %jit3A_3882 = arith.constant 81 : i32
      %eq3A_3883 = arith.constant 0 : i32
      %eq3A_3884 = arith.cmpi eq, %jit3A_3882, %eq3A_3883 : i32
      %jit3A_3885 = arith.constant 1 : i32
      %select_n3A_3886 = arith.select %eq3A_3884, %jit3A_3885, %jit3A_3882 : i32
      %rem3A_3887 = vector.broadcast %select_n3A_3886 : i32 to vector<16xi32>
      %rem3A_3888 = arith.remsi %add3A_3881, %rem3A_3887 : vector<16xi32>
      %ne3A_3889 = arith.constant 0 : i32
      %ne3A_3890 = vector.broadcast %ne3A_3889 : i32 to vector<16xi32>
      %ne3A_3891 = arith.cmpi ne, %rem3A_3888, %ne3A_3890 : vector<16xi32>
      %lt3A_3892 = arith.constant 0 : i32
      %lt3A_3893 = vector.broadcast %lt3A_3892 : i32 to vector<16xi32>
      %lt3A_3894 = arith.cmpi slt, %rem3A_3888, %lt3A_3893 : vector<16xi32>
      %lt3A_3895 = arith.constant 0 : i32
      %lt3A_3896 = arith.cmpi slt, %select_n3A_3886, %lt3A_3895 : i32
      %ne3A_3897 = vector.broadcast %lt3A_3896 : i1 to vector<16xi1>
      %ne3A_3898 = vector.broadcast %ne3A_3897 : vector<16xi1> to vector<16xi1>
      %ne3A_3899 = arith.xori %lt3A_3894, %ne3A_3898 : vector<16xi1>
      %and3A_3900 = arith.andi %ne3A_3899, %ne3A_3891 : vector<16xi1>
      %add3A_3901 = vector.broadcast %select_n3A_3886 : i32 to vector<16xi32>
      %add3A_3902 = arith.addi %rem3A_3888, %add3A_3901 : vector<16xi32>
      %select_n3A_3903 = arith.select %and3A_3900, %add3A_3902, %rem3A_3888 : vector<16xi1>, vector<16xi32>
      %mul3A_3904 = arith.constant 81 : i32
      %mul3A_3905 = vector.broadcast %mul3A_3904 : i32 to vector<16xi32>
      %mul3A_3906 = arith.muli %get3A_3876, %mul3A_3905 : vector<16xi32>
      %add3A_3907 = arith.addi %mul3A_3906, %select_n3A_3903 : vector<16xi32>
      %swap3A_3908 = arith.constant 2 : i32
      %swap3A_3909 = arith.index_cast %swap3A_3908 : i32 to index
      %swap3A_3910 = arith.constant 48 : index
      %swap3A_3911 = tpu.vector_load %arg8[%swap3A_3909, %swap3A_3910] {strides = array<i32>} : memref<3x128xi32, #tpu.memory_space<vmem>>, vector<1x16xi32>,
      %swap3A_3912 = vector.shape_cast %swap3A_3911 : vector<1x16xi32> to vector<16xi32>
      %swap3A_3913 = vector.shape_cast %add3A_3907 : vector<16xi32> to vector<1x16xi32>
      tpu.vector_store %arg8[%swap3A_3909, %swap3A_3910], %swap3A_3913 {strides = array<i32>} : memref<3x128xi32, #tpu.memory_space<vmem>>, vector<1x16xi32>,
      %get3A_3914 = arith.constant 320 : index
      %get3A_3915 = tpu.vector_load %arg6[%get3A_3914] {strides = array<i32>} : memref<384xi32, #tpu.memory_space<vmem>>, vector<16xi32>,
      %get3A_3916 = vector.shape_cast %get3A_3915 : vector<16xi32> to vector<16xi32>
      %add3A_3917 = arith.constant 320 : i32
      %add3A_3918 = arith.addi %add3A_3107, %add3A_3917 : i32
      %iota3A_3919 = tpu.iota {dimensions = array<i32: 0>} : vector<16xi32>
      %add3A_3920 = vector.broadcast %add3A_3918 : i32 to vector<16xi32>
      %add3A_3921 = arith.addi %add3A_3920, %iota3A_3919 : vector<16xi32>
      %jit3A_3922 = arith.constant 81 : i32
      %eq3A_3923 = arith.constant 0 : i32
      %eq3A_3924 = arith.cmpi eq, %jit3A_3922, %eq3A_3923 : i32
      %jit3A_3925 = arith.constant 1 : i32
      %select_n3A_3926 = arith.select %eq3A_3924, %jit3A_3925, %jit3A_3922 : i32
      %rem3A_3927 = vector.broadcast %select_n3A_3926 : i32 to vector<16xi32>
      %rem3A_3928 = arith.remsi %add3A_3921, %rem3A_3927 : vector<16xi32>
      %ne3A_3929 = arith.constant 0 : i32
      %ne3A_3930 = vector.broadcast %ne3A_3929 : i32 to vector<16xi32>
      %ne3A_3931 = arith.cmpi ne, %rem3A_3928, %ne3A_3930 : vector<16xi32>
      %lt3A_3932 = arith.constant 0 : i32
      %lt3A_3933 = vector.broadcast %lt3A_3932 : i32 to vector<16xi32>
      %lt3A_3934 = arith.cmpi slt, %rem3A_3928, %lt3A_3933 : vector<16xi32>
      %lt3A_3935 = arith.constant 0 : i32
      %lt3A_3936 = arith.cmpi slt, %select_n3A_3926, %lt3A_3935 : i32
      %ne3A_3937 = vector.broadcast %lt3A_3936 : i1 to vector<16xi1>
      %ne3A_3938 = vector.broadcast %ne3A_3937 : vector<16xi1> to vector<16xi1>
      %ne3A_3939 = arith.xori %lt3A_3934, %ne3A_3938 : vector<16xi1>
      %and3A_3940 = arith.andi %ne3A_3939, %ne3A_3931 : vector<16xi1>
      %add3A_3941 = vector.broadcast %select_n3A_3926 : i32 to vector<16xi32>
      %add3A_3942 = arith.addi %rem3A_3928, %add3A_3941 : vector<16xi32>
      %select_n3A_3943 = arith.select %and3A_3940, %add3A_3942, %rem3A_3928 : vector<16xi1>, vector<16xi32>
      %mul3A_3944 = arith.constant 81 : i32
      %mul3A_3945 = vector.broadcast %mul3A_3944 : i32 to vector<16xi32>
      %mul3A_3946 = arith.muli %get3A_3916, %mul3A_3945 : vector<16xi32>
      %add3A_3947 = arith.addi %mul3A_3946, %select_n3A_3943 : vector<16xi32>
      %swap3A_3948 = arith.constant 2 : i32
      %swap3A_3949 = arith.index_cast %swap3A_3948 : i32 to index
      %swap3A_3950 = arith.constant 64 : index
      %swap3A_3951 = tpu.vector_load %arg8[%swap3A_3949, %swap3A_3950] {strides = array<i32>} : memref<3x128xi32, #tpu.memory_space<vmem>>, vector<1x16xi32>,
      %swap3A_3952 = vector.shape_cast %swap3A_3951 : vector<1x16xi32> to vector<16xi32>
      %swap3A_3953 = vector.shape_cast %add3A_3947 : vector<16xi32> to vector<1x16xi32>
      tpu.vector_store %arg8[%swap3A_3949, %swap3A_3950], %swap3A_3953 {strides = array<i32>} : memref<3x128xi32, #tpu.memory_space<vmem>>, vector<1x16xi32>,
      %get3A_3954 = arith.constant 336 : index
      %get3A_3955 = tpu.vector_load %arg6[%get3A_3954] {strides = array<i32>} : memref<384xi32, #tpu.memory_space<vmem>>, vector<16xi32>,
      %get3A_3956 = vector.shape_cast %get3A_3955 : vector<16xi32> to vector<16xi32>
      %add3A_3957 = arith.constant 336 : i32
      %add3A_3958 = arith.addi %add3A_3107, %add3A_3957 : i32
      %iota3A_3959 = tpu.iota {dimensions = array<i32: 0>} : vector<16xi32>
      %add3A_3960 = vector.broadcast %add3A_3958 : i32 to vector<16xi32>
      %add3A_3961 = arith.addi %add3A_3960, %iota3A_3959 : vector<16xi32>
      %jit3A_3962 = arith.constant 81 : i32
      %eq3A_3963 = arith.constant 0 : i32
      %eq3A_3964 = arith.cmpi eq, %jit3A_3962, %eq3A_3963 : i32
      %jit3A_3965 = arith.constant 1 : i32
      %select_n3A_3966 = arith.select %eq3A_3964, %jit3A_3965, %jit3A_3962 : i32
      %rem3A_3967 = vector.broadcast %select_n3A_3966 : i32 to vector<16xi32>
      %rem3A_3968 = arith.remsi %add3A_3961, %rem3A_3967 : vector<16xi32>
      %ne3A_3969 = arith.constant 0 : i32
      %ne3A_3970 = vector.broadcast %ne3A_3969 : i32 to vector<16xi32>
      %ne3A_3971 = arith.cmpi ne, %rem3A_3968, %ne3A_3970 : vector<16xi32>
      %lt3A_3972 = arith.constant 0 : i32
      %lt3A_3973 = vector.broadcast %lt3A_3972 : i32 to vector<16xi32>
      %lt3A_3974 = arith.cmpi slt, %rem3A_3968, %lt3A_3973 : vector<16xi32>
      %lt3A_3975 = arith.constant 0 : i32
      %lt3A_3976 = arith.cmpi slt, %select_n3A_3966, %lt3A_3975 : i32
      %ne3A_3977 = vector.broadcast %lt3A_3976 : i1 to vector<16xi1>
      %ne3A_3978 = vector.broadcast %ne3A_3977 : vector<16xi1> to vector<16xi1>
      %ne3A_3979 = arith.xori %lt3A_3974, %ne3A_3978 : vector<16xi1>
      %and3A_3980 = arith.andi %ne3A_3979, %ne3A_3971 : vector<16xi1>
      %add3A_3981 = vector.broadcast %select_n3A_3966 : i32 to vector<16xi32>
      %add3A_3982 = arith.addi %rem3A_3968, %add3A_3981 : vector<16xi32>
      %select_n3A_3983 = arith.select %and3A_3980, %add3A_3982, %rem3A_3968 : vector<16xi1>, vector<16xi32>
      %mul3A_3984 = arith.constant 81 : i32
      %mul3A_3985 = vector.broadcast %mul3A_3984 : i32 to vector<16xi32>
      %mul3A_3986 = arith.muli %get3A_3956, %mul3A_3985 : vector<16xi32>
      %add3A_3987 = arith.addi %mul3A_3986, %select_n3A_3983 : vector<16xi32>
      %swap3A_3988 = arith.constant 2 : i32
      %swap3A_3989 = arith.index_cast %swap3A_3988 : i32 to index
      %swap3A_3990 = arith.constant 80 : index
      %swap3A_3991 = tpu.vector_load %arg8[%swap3A_3989, %swap3A_3990] {strides = array<i32>} : memref<3x128xi32, #tpu.memory_space<vmem>>, vector<1x16xi32>,
      %swap3A_3992 = vector.shape_cast %swap3A_3991 : vector<1x16xi32> to vector<16xi32>
      %swap3A_3993 = vector.shape_cast %add3A_3987 : vector<16xi32> to vector<1x16xi32>
      tpu.vector_store %arg8[%swap3A_3989, %swap3A_3990], %swap3A_3993 {strides = array<i32>} : memref<3x128xi32, #tpu.memory_space<vmem>>, vector<1x16xi32>,
      %get3A_3994 = arith.constant 352 : index
      %get3A_3995 = tpu.vector_load %arg6[%get3A_3994] {strides = array<i32>} : memref<384xi32, #tpu.memory_space<vmem>>, vector<16xi32>,
      %get3A_3996 = vector.shape_cast %get3A_3995 : vector<16xi32> to vector<16xi32>
      %add3A_3997 = arith.constant 352 : i32
      %add3A_3998 = arith.addi %add3A_3107, %add3A_3997 : i32
      %iota3A_3999 = tpu.iota {dimensions = array<i32: 0>} : vector<16xi32>
      %add3A_4000 = vector.broadcast %add3A_3998 : i32 to vector<16xi32>
      %add3A_4001 = arith.addi %add3A_4000, %iota3A_3999 : vector<16xi32>
      %jit3A_4002 = arith.constant 81 : i32
      %eq3A_4003 = arith.constant 0 : i32
      %eq3A_4004 = arith.cmpi eq, %jit3A_4002, %eq3A_4003 : i32
      %jit3A_4005 = arith.constant 1 : i32
      %select_n3A_4006 = arith.select %eq3A_4004, %jit3A_4005, %jit3A_4002 : i32
      %rem3A_4007 = vector.broadcast %select_n3A_4006 : i32 to vector<16xi32>
      %rem3A_4008 = arith.remsi %add3A_4001, %rem3A_4007 : vector<16xi32>
      %ne3A_4009 = arith.constant 0 : i32
      %ne3A_4010 = vector.broadcast %ne3A_4009 : i32 to vector<16xi32>
      %ne3A_4011 = arith.cmpi ne, %rem3A_4008, %ne3A_4010 : vector<16xi32>
      %lt3A_4012 = arith.constant 0 : i32
      %lt3A_4013 = vector.broadcast %lt3A_4012 : i32 to vector<16xi32>
      %lt3A_4014 = arith.cmpi slt, %rem3A_4008, %lt3A_4013 : vector<16xi32>
      %lt3A_4015 = arith.constant 0 : i32
      %lt3A_4016 = arith.cmpi slt, %select_n3A_4006, %lt3A_4015 : i32
      %ne3A_4017 = vector.broadcast %lt3A_4016 : i1 to vector<16xi1>
      %ne3A_4018 = vector.broadcast %ne3A_4017 : vector<16xi1> to vector<16xi1>
      %ne3A_4019 = arith.xori %lt3A_4014, %ne3A_4018 : vector<16xi1>
      %and3A_4020 = arith.andi %ne3A_4019, %ne3A_4011 : vector<16xi1>
      %add3A_4021 = vector.broadcast %select_n3A_4006 : i32 to vector<16xi32>
      %add3A_4022 = arith.addi %rem3A_4008, %add3A_4021 : vector<16xi32>
      %select_n3A_4023 = arith.select %and3A_4020, %add3A_4022, %rem3A_4008 : vector<16xi1>, vector<16xi32>
      %mul3A_4024 = arith.constant 81 : i32
      %mul3A_4025 = vector.broadcast %mul3A_4024 : i32 to vector<16xi32>
      %mul3A_4026 = arith.muli %get3A_3996, %mul3A_4025 : vector<16xi32>
      %add3A_4027 = arith.addi %mul3A_4026, %select_n3A_4023 : vector<16xi32>
      %swap3A_4028 = arith.constant 2 : i32
      %swap3A_4029 = arith.index_cast %swap3A_4028 : i32 to index
      %swap3A_4030 = arith.constant 96 : index
      %swap3A_4031 = tpu.vector_load %arg8[%swap3A_4029, %swap3A_4030] {strides = array<i32>} : memref<3x128xi32, #tpu.memory_space<vmem>>, vector<1x16xi32>,
      %swap3A_4032 = vector.shape_cast %swap3A_4031 : vector<1x16xi32> to vector<16xi32>
      %swap3A_4033 = vector.shape_cast %add3A_4027 : vector<16xi32> to vector<1x16xi32>
      tpu.vector_store %arg8[%swap3A_4029, %swap3A_4030], %swap3A_4033 {strides = array<i32>} : memref<3x128xi32, #tpu.memory_space<vmem>>, vector<1x16xi32>,
      %get3A_4034 = arith.constant 368 : index
      %get3A_4035 = tpu.vector_load %arg6[%get3A_4034] {strides = array<i32>} : memref<384xi32, #tpu.memory_space<vmem>>, vector<16xi32>,
      %get3A_4036 = vector.shape_cast %get3A_4035 : vector<16xi32> to vector<16xi32>
      %add3A_4037 = arith.constant 368 : i32
      %add3A_4038 = arith.addi %add3A_3107, %add3A_4037 : i32
      %iota3A_4039 = tpu.iota {dimensions = array<i32: 0>} : vector<16xi32>
      %add3A_4040 = vector.broadcast %add3A_4038 : i32 to vector<16xi32>
      %add3A_4041 = arith.addi %add3A_4040, %iota3A_4039 : vector<16xi32>
      %jit3A_4042 = arith.constant 81 : i32
      %eq3A_4043 = arith.constant 0 : i32
      %eq3A_4044 = arith.cmpi eq, %jit3A_4042, %eq3A_4043 : i32
      %jit3A_4045 = arith.constant 1 : i32
      %select_n3A_4046 = arith.select %eq3A_4044, %jit3A_4045, %jit3A_4042 : i32
      %rem3A_4047 = vector.broadcast %select_n3A_4046 : i32 to vector<16xi32>
      %rem3A_4048 = arith.remsi %add3A_4041, %rem3A_4047 : vector<16xi32>
      %ne3A_4049 = arith.constant 0 : i32
      %ne3A_4050 = vector.broadcast %ne3A_4049 : i32 to vector<16xi32>
      %ne3A_4051 = arith.cmpi ne, %rem3A_4048, %ne3A_4050 : vector<16xi32>
      %lt3A_4052 = arith.constant 0 : i32
      %lt3A_4053 = vector.broadcast %lt3A_4052 : i32 to vector<16xi32>
      %lt3A_4054 = arith.cmpi slt, %rem3A_4048, %lt3A_4053 : vector<16xi32>
      %lt3A_4055 = arith.constant 0 : i32
      %lt3A_4056 = arith.cmpi slt, %select_n3A_4046, %lt3A_4055 : i32
      %ne3A_4057 = vector.broadcast %lt3A_4056 : i1 to vector<16xi1>
      %ne3A_4058 = vector.broadcast %ne3A_4057 : vector<16xi1> to vector<16xi1>
      %ne3A_4059 = arith.xori %lt3A_4054, %ne3A_4058 : vector<16xi1>
      %and3A_4060 = arith.andi %ne3A_4059, %ne3A_4051 : vector<16xi1>
      %add3A_4061 = vector.broadcast %select_n3A_4046 : i32 to vector<16xi32>
      %add3A_4062 = arith.addi %rem3A_4048, %add3A_4061 : vector<16xi32>
      %select_n3A_4063 = arith.select %and3A_4060, %add3A_4062, %rem3A_4048 : vector<16xi1>, vector<16xi32>
      %mul3A_4064 = arith.constant 81 : i32
      %mul3A_4065 = vector.broadcast %mul3A_4064 : i32 to vector<16xi32>
      %mul3A_4066 = arith.muli %get3A_4036, %mul3A_4065 : vector<16xi32>
      %add3A_4067 = arith.addi %mul3A_4066, %select_n3A_4063 : vector<16xi32>
      %swap3A_4068 = arith.constant 2 : i32
      %swap3A_4069 = arith.index_cast %swap3A_4068 : i32 to index
      %swap3A_4070 = arith.constant 112 : index
      %swap3A_4071 = tpu.vector_load %arg8[%swap3A_4069, %swap3A_4070] {strides = array<i32>} : memref<3x128xi32, #tpu.memory_space<vmem>>, vector<1x16xi32>,
      %swap3A_4072 = vector.shape_cast %swap3A_4071 : vector<1x16xi32> to vector<16xi32>
      %swap3A_4073 = vector.shape_cast %add3A_4067 : vector<16xi32> to vector<1x16xi32>
      tpu.vector_store %arg8[%swap3A_4069, %swap3A_4070], %swap3A_4073 {strides = array<i32>} : memref<3x128xi32, #tpu.memory_space<vmem>>, vector<1x16xi32>,
      %dma_start3A_4074 = arith.constant 0 : i32
      %dma_start3A_4075 = arith.constant 0 : i32
      %dma_start3A_4076 = arith.constant 0 : i32
      %dma_start3A_4077 = tpu.memref_slice %arg10[%dma_start3A_4075, %dma_start3A_4076] : memref<384x128xf32, #tpu.memory_space<vmem>> -> memref<128x128xf32, #tpu.memory_space<vmem>>
      %dma_start3A_4078 = arith.constant 0 : i32
      %dma_start3A_4079 = tpu.memref_slice %arg8[%dma_start3A_4074, %dma_start3A_4078] : memref<3x128xi32, #tpu.memory_space<vmem>> -> memref<1x128xi32, #tpu.memory_space<vmem>>
      %dma_start3A_4080 = tpu.memref_squeeze %dma_start3A_4079 : memref<1x128xi32, #tpu.memory_space<vmem>> -> memref<128xi32, #tpu.memory_space<vmem>>
      %dma_start3A_4081 = arith.constant 0 : i32
      %dma_start3A_4082 = arith.constant 0 : i32
      %dma_start3A_4083 = tpu.memref_slice %arg2[%dma_start3A_4081, %dma_start3A_4082] : memref<810x128xf32, #tpu.memory_space<hbm>> -> memref<810x128xf32, #tpu.memory_space<hbm>>
      tpu.enqueue_indirect_dma source(%dma_start3A_4083 : memref<810x128xf32, #tpu.memory_space<hbm>>) target(%dma_start3A_4077 : memref<128x128xf32, #tpu.memory_space<vmem>>) offsets(%dma_start3A_4080 : memref<128xi32, #tpu.memory_space<vmem>>) semaphore(%arg12 : memref<!tpu.dma_semaphore, #tpu.memory_space<semaphore_mem>>)
      %dma_start3A_4084 = arith.constant 1 : i32
      %dma_start3A_4085 = arith.constant 128 : i32
      %dma_start3A_4086 = arith.constant 0 : i32
      %dma_start3A_4087 = tpu.memref_slice %arg10[%dma_start3A_4085, %dma_start3A_4086] : memref<384x128xf32, #tpu.memory_space<vmem>> -> memref<128x128xf32, #tpu.memory_space<vmem>>
      %dma_start3A_4088 = arith.constant 0 : i32
      %dma_start3A_4089 = tpu.memref_slice %arg8[%dma_start3A_4084, %dma_start3A_4088] : memref<3x128xi32, #tpu.memory_space<vmem>> -> memref<1x128xi32, #tpu.memory_space<vmem>>
      %dma_start3A_4090 = tpu.memref_squeeze %dma_start3A_4089 : memref<1x128xi32, #tpu.memory_space<vmem>> -> memref<128xi32, #tpu.memory_space<vmem>>
      %dma_start3A_4091 = arith.constant 0 : i32
      %dma_start3A_4092 = arith.constant 0 : i32
      %dma_start3A_4093 = tpu.memref_slice %arg2[%dma_start3A_4091, %dma_start3A_4092] : memref<810x128xf32, #tpu.memory_space<hbm>> -> memref<810x128xf32, #tpu.memory_space<hbm>>
      tpu.enqueue_indirect_dma source(%dma_start3A_4093 : memref<810x128xf32, #tpu.memory_space<hbm>>) target(%dma_start3A_4087 : memref<128x128xf32, #tpu.memory_space<vmem>>) offsets(%dma_start3A_4090 : memref<128xi32, #tpu.memory_space<vmem>>) semaphore(%arg12 : memref<!tpu.dma_semaphore, #tpu.memory_space<semaphore_mem>>)
      %dma_start3A_4094 = arith.constant 2 : i32
      %dma_start3A_4095 = arith.constant 256 : i32
      %dma_start3A_4096 = arith.constant 0 : i32
      %dma_start3A_4097 = tpu.memref_slice %arg10[%dma_start3A_4095, %dma_start3A_4096] : memref<384x128xf32, #tpu.memory_space<vmem>> -> memref<128x128xf32, #tpu.memory_space<vmem>>
      %dma_start3A_4098 = arith.constant 0 : i32
      %dma_start3A_4099 = tpu.memref_slice %arg8[%dma_start3A_4094, %dma_start3A_4098] : memref<3x128xi32, #tpu.memory_space<vmem>> -> memref<1x128xi32, #tpu.memory_space<vmem>>
      %dma_start3A_4100 = tpu.memref_squeeze %dma_start3A_4099 : memref<1x128xi32, #tpu.memory_space<vmem>> -> memref<128xi32, #tpu.memory_space<vmem>>
      %dma_start3A_4101 = arith.constant 0 : i32
      %dma_start3A_4102 = arith.constant 0 : i32
      %dma_start3A_4103 = tpu.memref_slice %arg2[%dma_start3A_4101, %dma_start3A_4102] : memref<810x128xf32, #tpu.memory_space<hbm>> -> memref<810x128xf32, #tpu.memory_space<hbm>>
      tpu.enqueue_indirect_dma source(%dma_start3A_4103 : memref<810x128xf32, #tpu.memory_space<hbm>>) target(%dma_start3A_4097 : memref<128x128xf32, #tpu.memory_space<vmem>>) offsets(%dma_start3A_4100 : memref<128xi32, #tpu.memory_space<vmem>>) semaphore(%arg12 : memref<!tpu.dma_semaphore, #tpu.memory_space<semaphore_mem>>)
      %dma_wait3A_4104 = arith.constant 0 : i32
      %dma_wait3A_4105 = arith.constant 0 : i32
      %dma_wait3A_4106 = arith.constant 0 : i32
      %dma_wait3A_4107 = tpu.memref_slice %arg10[%dma_wait3A_4105, %dma_wait3A_4106] : memref<384x128xf32, #tpu.memory_space<vmem>> -> memref<128x128xf32, #tpu.memory_space<vmem>>
      %dma_wait3A_4108 = arith.constant 0 : i32
      %dma_wait3A_4109 = tpu.memref_slice %arg8[%dma_wait3A_4104, %dma_wait3A_4108] : memref<3x128xi32, #tpu.memory_space<vmem>> -> memref<1x128xi32, #tpu.memory_space<vmem>>
      %dma_wait3A_4110 = tpu.memref_squeeze %dma_wait3A_4109 : memref<1x128xi32, #tpu.memory_space<vmem>> -> memref<128xi32, #tpu.memory_space<vmem>>
      %dma_wait3A_4111 = arith.constant 0 : i32
      %dma_wait3A_4112 = arith.constant 0 : i32
      %dma_wait3A_4113 = tpu.memref_slice %arg2[%dma_wait3A_4111, %dma_wait3A_4112] : memref<810x128xf32, #tpu.memory_space<hbm>> -> memref<810x128xf32, #tpu.memory_space<hbm>>
      tpu.wait_indirect_dma semaphore(%arg12 : memref<!tpu.dma_semaphore, #tpu.memory_space<semaphore_mem>>) src(%dma_wait3A_4113 : memref<810x128xf32, #tpu.memory_space<hbm>>) dst(%dma_wait3A_4107 : memref<128x128xf32, #tpu.memory_space<vmem>>)
      %dma_wait3A_4114 = arith.constant 1 : i32
      %dma_wait3A_4115 = arith.constant 128 : i32
      %dma_wait3A_4116 = arith.constant 0 : i32
      %dma_wait3A_4117 = tpu.memref_slice %arg10[%dma_wait3A_4115, %dma_wait3A_4116] : memref<384x128xf32, #tpu.memory_space<vmem>> -> memref<128x128xf32, #tpu.memory_space<vmem>>
      %dma_wait3A_4118 = arith.constant 0 : i32
      %dma_wait3A_4119 = tpu.memref_slice %arg8[%dma_wait3A_4114, %dma_wait3A_4118] : memref<3x128xi32, #tpu.memory_space<vmem>> -> memref<1x128xi32, #tpu.memory_space<vmem>>
      %dma_wait3A_4120 = tpu.memref_squeeze %dma_wait3A_4119 : memref<1x128xi32, #tpu.memory_space<vmem>> -> memref<128xi32, #tpu.memory_space<vmem>>
      %dma_wait3A_4121 = arith.constant 0 : i32
      %dma_wait3A_4122 = arith.constant 0 : i32
      %dma_wait3A_4123 = tpu.memref_slice %arg2[%dma_wait3A_4121, %dma_wait3A_4122] : memref<810x128xf32, #tpu.memory_space<hbm>> -> memref<810x128xf32, #tpu.memory_space<hbm>>
      tpu.wait_indirect_dma semaphore(%arg12 : memref<!tpu.dma_semaphore, #tpu.memory_space<semaphore_mem>>) src(%dma_wait3A_4123 : memref<810x128xf32, #tpu.memory_space<hbm>>) dst(%dma_wait3A_4117 : memref<128x128xf32, #tpu.memory_space<vmem>>)
      %dma_wait3A_4124 = arith.constant 2 : i32
      %dma_wait3A_4125 = arith.constant 256 : i32
      %dma_wait3A_4126 = arith.constant 0 : i32
      %dma_wait3A_4127 = tpu.memref_slice %arg10[%dma_wait3A_4125, %dma_wait3A_4126] : memref<384x128xf32, #tpu.memory_space<vmem>> -> memref<128x128xf32, #tpu.memory_space<vmem>>
      %dma_wait3A_4128 = arith.constant 0 : i32
      %dma_wait3A_4129 = tpu.memref_slice %arg8[%dma_wait3A_4124, %dma_wait3A_4128] : memref<3x128xi32, #tpu.memory_space<vmem>> -> memref<1x128xi32, #tpu.memory_space<vmem>>
      %dma_wait3A_4130 = tpu.memref_squeeze %dma_wait3A_4129 : memref<1x128xi32, #tpu.memory_space<vmem>> -> memref<128xi32, #tpu.memory_space<vmem>>
      %dma_wait3A_4131 = arith.constant 0 : i32
      %dma_wait3A_4132 = arith.constant 0 : i32
      %dma_wait3A_4133 = tpu.memref_slice %arg2[%dma_wait3A_4131, %dma_wait3A_4132] : memref<810x128xf32, #tpu.memory_space<hbm>> -> memref<810x128xf32, #tpu.memory_space<hbm>>
      tpu.wait_indirect_dma semaphore(%arg12 : memref<!tpu.dma_semaphore, #tpu.memory_space<semaphore_mem>>) src(%dma_wait3A_4133 : memref<810x128xf32, #tpu.memory_space<hbm>>) dst(%dma_wait3A_4127 : memref<128x128xf32, #tpu.memory_space<vmem>>)
      %dma_start3A_4134 = arith.constant 0 : i32
      %dma_start3A_4135 = tpu.memref_slice %arg4[%add3A_3107, %dma_start3A_4134] : memref<1327104x128xf32, #tpu.memory_space<hbm>> -> memref<384x128xf32, #tpu.memory_space<hbm>>
      %dma_start3A_4136 = arith.constant 0 : i32
      %dma_start3A_4137 = tpu.memref_slice %arg4[%add3A_3107, %dma_start3A_4136] : memref<1327104x128xf32, #tpu.memory_space<hbm>> -> memref<384x128xf32, #tpu.memory_space<hbm>>
      tpu.enqueue_dma source(%arg10 : memref<384x128xf32, #tpu.memory_space<vmem>>) target(%dma_start3A_4137 : memref<384x128xf32, #tpu.memory_space<hbm>>) target_semaphore(%arg14 : memref<!tpu.dma_semaphore, #tpu.memory_space<semaphore_mem>>)
    }
    %scan3A_2048 = arith.constant 53 : i32
    %dma_wait3A_2049 = arith.constant 0 : i32
    %dma_wait3A_2050 = arith.constant 0 : i32
    %dma_wait3A_2051 = tpu.memref_slice %arg4[%dma_wait3A_2049, %dma_wait3A_2050] : memref<1327104x128xf32, #tpu.memory_space<hbm>> -> memref<384x128xf32, #tpu.memory_space<hbm>>
    %dma_wait3A_2052 = arith.constant 0 : i32
    %dma_wait3A_2053 = arith.constant 0 : i32
    %dma_wait3A_2054 = tpu.memref_slice %arg4[%dma_wait3A_2052, %dma_wait3A_2053] : memref<1327104x128xf32, #tpu.memory_space<hbm>> -> memref<384x128xf32, #tpu.memory_space<hbm>>
    tpu.wait_dma2 semaphore(%arg13 : memref<!tpu.dma_semaphore, #tpu.memory_space<semaphore_mem>>) src(%arg9 : memref<384x128xf32, #tpu.memory_space<vmem>>) dst(%dma_wait3A_2054 : memref<384x128xf32, #tpu.memory_space<hbm>>)
    %dma_wait3A_2055 = arith.constant 0 : i32
    %dma_wait3A_2056 = arith.constant 0 : i32
    %dma_wait3A_2057 = tpu.memref_slice %arg4[%dma_wait3A_2055, %dma_wait3A_2056] : memref<1327104x128xf32, #tpu.memory_space<hbm>> -> memref<384x128xf32, #tpu.memory_space<hbm>>
    %dma_wait3A_2058 = arith.constant 0 : i32
    %dma_wait3A_2059 = arith.constant 0 : i32
    %dma_wait3A_2060 = tpu.memref_slice %arg4[%dma_wait3A_2058, %dma_wait3A_2059] : memref<1327104x128xf32, #tpu.memory_space<hbm>> -> memref<384x128xf32, #tpu.memory_space<hbm>>
    tpu.wait_dma2 semaphore(%arg14 : memref<!tpu.dma_semaphore, #tpu.memory_space<semaphore_mem>>) src(%arg10 : memref<384x128xf32, #tpu.memory_space<vmem>>) dst(%dma_wait3A_2060 : memref<384x128xf32, #tpu.memory_space<hbm>>)
    return
  }
}

module attributes {stable_mosaic.version = 14 : i64} {
  func.func @_lut_body(%arg0: memref<10x128xf32, #tpu.memory_space<vmem>>, %arg1: memref<81x128xf32, #tpu.memory_space<vmem>>, %arg2: memref<1x128xf32, #tpu.memory_space<vmem>>, %arg3: memref<1x128xf32, #tpu.memory_space<vmem>>, %arg4: memref<10x81x128xf32, #tpu.memory_space<vmem>>) attributes {dimension_semantics = [], scalar_prefetch = 0 : i64, scratch_operands = 0 : i64, tpu.core_type = #tpu.core_type<tc>} {
    %get3A = arith.constant 0 : index
    %get3A_0 = arith.constant 0 : index
    %get3A_1 = vector.load %arg0[%get3A, %get3A_0] : memref<10x128xf32, #tpu.memory_space<vmem>>, vector<10x128xf32>
    %broadcast_in_dim3A = vector.shape_cast %get3A_1 : vector<10x128xf32> to vector<10x1x128xf32>
    %get3A_2 = arith.constant 0 : index
    %get3A_3 = arith.constant 0 : index
    %get3A_4 = vector.load %arg1[%get3A_2, %get3A_3] : memref<81x128xf32, #tpu.memory_space<vmem>>, vector<81x128xf32>
    %broadcast_in_dim3A_5 = vector.shape_cast %get3A_4 : vector<81x128xf32> to vector<1x81x128xf32>
    %add3A = vector.broadcast %broadcast_in_dim3A : vector<10x1x128xf32> to vector<10x81x128xf32>
    %add3A_6 = vector.broadcast %broadcast_in_dim3A_5 : vector<1x81x128xf32> to vector<10x81x128xf32>
    %add3A_7 = arith.addf %add3A, %add3A_6 : vector<10x81x128xf32>
    %reduce_sum3A = arith.constant dense<0.000000e+00> : vector<10x81xf32>
    %reduce_sum3A_8 = vector.multi_reduction <add>, %add3A_7, %reduce_sum3A [2] : vector<10x81x128xf32> to vector<10x81xf32>
    %broadcast_in_dim3A_9 = vector.shape_cast %reduce_sum3A_8 : vector<10x81xf32> to vector<10x81x1xf32>
    %div3A = arith.constant 1.280000e+02 : f32
    %div3A_10 = vector.broadcast %div3A : f32 to vector<10x81x1xf32>
    %div3A_11 = arith.divf %broadcast_in_dim3A_9, %div3A_10 : vector<10x81x1xf32>
    %mul3A = arith.mulf %add3A_7, %add3A_7 : vector<10x81x128xf32>
    %reduce_sum3A_12 = arith.constant dense<0.000000e+00> : vector<10x81xf32>
    %reduce_sum3A_13 = vector.multi_reduction <add>, %mul3A, %reduce_sum3A_12 [2] : vector<10x81x128xf32> to vector<10x81xf32>
    %broadcast_in_dim3A_14 = vector.shape_cast %reduce_sum3A_13 : vector<10x81xf32> to vector<10x81x1xf32>
    %div3A_15 = arith.constant 1.280000e+02 : f32
    %div3A_16 = vector.broadcast %div3A_15 : f32 to vector<10x81x1xf32>
    %div3A_17 = arith.divf %broadcast_in_dim3A_14, %div3A_16 : vector<10x81x1xf32>
    %mul3A_18 = arith.mulf %div3A_11, %div3A_11 : vector<10x81x1xf32>
    %sub3A = arith.subf %div3A_17, %mul3A_18 : vector<10x81x1xf32>
    %sub3A_19 = vector.broadcast %div3A_11 : vector<10x81x1xf32> to vector<10x81x128xf32>
    %sub3A_20 = arith.subf %add3A_7, %sub3A_19 : vector<10x81x128xf32>
    %add3A_21 = arith.constant 9.99999974E-6 : f32
    %add3A_22 = vector.broadcast %add3A_21 : f32 to vector<10x81x1xf32>
    %add3A_23 = arith.addf %sub3A, %add3A_22 : vector<10x81x1xf32>
    %rsqrt3A = math.rsqrt %add3A_23 : vector<10x81x1xf32>
    %mul3A_24 = vector.broadcast %rsqrt3A : vector<10x81x1xf32> to vector<10x81x128xf32>
    %mul3A_25 = arith.mulf %sub3A_20, %mul3A_24 : vector<10x81x128xf32>
    %get3A_26 = arith.constant 0 : index
    %get3A_27 = arith.constant 0 : index
    %get3A_28 = vector.load %arg2[%get3A_26, %get3A_27] : memref<1x128xf32, #tpu.memory_space<vmem>>, vector<1x128xf32>
    %broadcast_in_dim3A_29 = vector.shape_cast %get3A_28 : vector<1x128xf32> to vector<1x1x128xf32>
    %mul3A_30 = vector.broadcast %broadcast_in_dim3A_29 : vector<1x1x128xf32> to vector<10x81x128xf32>
    %mul3A_31 = arith.mulf %mul3A_25, %mul3A_30 : vector<10x81x128xf32>
    %get3A_32 = arith.constant 0 : index
    %get3A_33 = arith.constant 0 : index
    %get3A_34 = vector.load %arg3[%get3A_32, %get3A_33] : memref<1x128xf32, #tpu.memory_space<vmem>>, vector<1x128xf32>
    %broadcast_in_dim3A_35 = vector.shape_cast %get3A_34 : vector<1x128xf32> to vector<1x1x128xf32>
    %add3A_36 = vector.broadcast %broadcast_in_dim3A_35 : vector<1x1x128xf32> to vector<10x81x128xf32>
    %add3A_37 = arith.addf %mul3A_31, %add3A_36 : vector<10x81x128xf32>
    %swap3A = arith.constant 0 : index
    %swap3A_38 = arith.constant 0 : index
    %swap3A_39 = arith.constant 0 : index
    %swap3A_40 = vector.load %arg4[%swap3A, %swap3A_38, %swap3A_39] : memref<10x81x128xf32, #tpu.memory_space<vmem>>, vector<10x81x128xf32>
    tpu.vector_store %arg4[%swap3A, %swap3A_38, %swap3A_39], %add3A_37 {strides = array<i32>} : memref<10x81x128xf32, #tpu.memory_space<vmem>>, vector<10x81x128xf32>,
    return
  }
}

</mosaic_0001>

<sc_bundles>
// kernel: kernel.4.cloned.1.call-start
scs
__scs_entry_jumppad:
0x0: {  	(pc) =	sbr.rel $0x88, $3  }
0x1: {  	(tag) =	ssettag $0x0;
	lr =	simm.s32 $0x1  }
0x2: {  	[smem:$0x3F9C] =	sst lr;
	_ =	strace $0xD0000000  }
0x3: {  	_ = 	snop  }
0x4: {  	_ = 	snop  }
0x5: {  	_ = 	snop  }
0x6: {  	_ = 	snop  }
0x7: {  	_ = 	snop  }
__scs_overlays_trampoline_lowered:
0x8: {  	[smem:$0x3FAB] =	sst s0  }
0x9: {  	[smem:$0x3FAC] =	sst s1  }
0xa: {  	[smem:$0x3FAD] =	sst s2  }
0xb: {  	[smem:$0x3FAE] =	sst s3  }
0xc: {  	[smem:$0x3FAF] =	sst s4  }
0xd: {  	[smem:$0x3FB0] =	sst s5  }
0xe: {  	[smem:$0x3FB1] =	sst s6  }
0xf: {  	[smem:$0x3FB2] =	sst s7  }
0x10: {  	[smem:$0x3FB3] =	sst s8  }
0x11: {  	[smem:$0x3FB4] =	sst s9;
	s0 =	simm.s32 @!p0 $0x0  }
0x12: {  	s1 =	sld [smem:$0x3F9A];
	s0 =	simm.s32 @p0 $0x1  }
0x13: {  	[smem:$0x3FB5] =	sst s0;
	s0 =	simm.s32 @!p1 $0x0  }
0x14: {  	s2 =	sld [smem:$0x3F99];
	s0 =	simm.s32 @p1 $0x1  }
0x15: {  	[smem:$0x3FB6] =	sst s0;
	s0 =	simm.s32 @!p2 $0x0  }
0x16: {  	s3 =	sld [smem:$0x3FDB];
	s0 =	simm.s32 @p2 $0x1  }
0x17: {  	s4 =	simm.s32 $0x1BF5;
	[smem:$0x3FB8] =	sst s0  }
0x18: {  	s0 =	sld [smem:$0x3F9B];
	_ =	swait.ge [sflag:s4], $0x0  }
0x19: {  	s7 =	sld [smem:$0x3F9C]  }
0x1a: {  	s8 =	sadd.s32 $0xFFFFE003, lr  }
0x1b: {  	s9 =	sadd.s32 $0xFFFFFEF7, lr;
	s5 =	simm.s32 $0xFFFFFFFF;
	p2 =	slt.u32 s8, $0xFFFFF086  }
0x1c: {  	p1 =	slt.u32 s9, $0xF7A;
	s5 =	simm.s32 @!p2 $0x0  }
0x1d: {  	s5 =	simm.s32 @p1 $0x1;
	p0 =	seq.s32 s7, s2  }
0x1e: {  	s7 =	smul.u32 @!p0 $0xF7A, s2;
	p2 =	seq.s32 @!p0 s5, $0x0  }
0x1f: {  	s9 =	smul.u32 $0xF7A, s1;
	s8 =	simm.s32 @!p0 $0x1BF5;
	p2 =	por !p2, p0  }
0x20: {  	[sflag:s8] =	ssyncset.s32 @!p0 $0xFFFFF086;
	s6 =	sadd.s32 @!p0 s3, s7;
	s7 =	simm.s32 @!p0 $0x108  }
0x21: {  	s3 =	sadd.s32 s3, s9;
	s6 =	sadd.s32 @!p0 $0x88, s6;
	s7 =	simm.s32 @p2 $0x1082  }
0x22: {  	[simem:s7], [sflag:s8] =	dma.local @!p0 [hbm:s6], $0xF7A  }
0x23: {  	s9 =	sor.u32 $0xD0000000, s2;
	s6 =	simm.s32 $0x108;
	_ =	swait.ge @!p0 [sflag:s8], $0x0  }
0x24: {  	s3 =	sadd.s32 $0x88, s3;
	s6 =	simm.s32 @!p1 $0x1082;
	[sflag:s4] =	ssyncset.s32 $0xFFFFF086  }
0x25: {  	[simem:s6], [sflag:s4] =	dma.local [hbm:s3], $0xF7A  }
0x26: {  	[smem:$0x3F9C] =	sst s1;
	(tag) =	ssettag s2;
	_ =	strace s9  }
0x27: {  	s1 =	sld [smem:$0x3FAC]  }
0x28: {  	s2 =	sld [smem:$0x3FAD]  }
0x29: {  	s4 =	sld [smem:$0x3FAF]  }
0x2a: {  	p0 =	seq.s32 s5, $0x0;
	s5 =	sld [smem:$0x3FB0]  }
0x2b: {  	s6 =	sld [smem:$0x3FB1]  }
0x2c: {  	s7 =	sld [smem:$0x3FB2]  }
0x2d: {  	s3 =	simm.s32 $0x108;
	s8 =	sld [smem:$0x3FB3]  }
0x2e: {  	s3 =	simm.s32 @!p0 $0x1082;
	s9 =	sld [smem:$0x3FB4]  }
0x2f: {  	lr =	sadd.s32 s0, s3;
	s0 =	sld [smem:$0x3FAB]  }
0x30: {  	s3 =	sld [smem:$0x3FAE]  }
0x31: {  	[smem:$0x3FB7] =	sst s10  }
0x32: {  	s10 =	sld [smem:$0x3FB5];
	_ =	sdelay $0x3  }
0x33: {  	p0 =	seq.s32 s10, $0x1;
	s10 =	sld [smem:$0x3FB7];
	_ =	sdelay $0x3  }
0x34: {  	[smem:$0x3FB7] =	sst s10  }
0x35: {  	s10 =	sld [smem:$0x3FB6];
	_ =	sdelay $0x3  }
0x36: {  	p1 =	seq.s32 s10, $0x1;
	s10 =	sld [smem:$0x3FB7];
	_ =	sdelay $0x3  }
0x37: {  	[smem:$0x3FB7] =	sst s10  }
0x38: {  	s10 =	sld [smem:$0x3FB8]  }
0x39: {  	_ = 	snop;
	(pc) =	sbr.ind lr, $3  }
0x3a: {  	_ = 	snop  }
0x3b: {  	_ = 	snop  }
0x3c: {  	p2 =	seq.s32 s10, $0x1;
	s10 =	sld [smem:$0x3FB7]  }
0x3d: {  	_ =	shalt  }
0x3e: {  	_ =	shalt  }
0x3f: {  	_ =	shalt  }
0x40: {  	_ =	shalt  }
0x41: {  	_ =	shalt  }
0x42: {  	_ =	shalt  }
0x43: {  	_ =	shalt  }
0x44: {  	_ =	shalt  }
0x45: {  	_ =	shalt  }
0x46: {  	_ =	shalt  }
0x47: {  	_ =	shalt  }
0x48: {  	_ =	shalt  }
0x49: {  	_ =	shalt  }
0x4a: {  	_ =	shalt  }
0x4b: {  	_ =	shalt  }
0x4c: {  	_ =	shalt  }
0x4d: {  	_ =	shalt  }
0x4e: {  	_ =	shalt  }
0x4f: {  	_ =	shalt  }
0x50: {  	_ =	shalt  }
0x51: {  	_ =	shalt  }
0x52: {  	_ =	shalt  }
0x53: {  	_ =	shalt  }
0x54: {  	_ =	shalt  }
0x55: {  	_ =	shalt  }
0x56: {  	_ =	shalt  }
0x57: {  	_ =	shalt  }
0x58: {  	_ =	shalt  }
0x59: {  	_ =	shalt  }
0x5a: {  	_ =	shalt  }
0x5b: {  	_ =	shalt  }
0x5c: {  	_ =	shalt  }
0x5d: {  	_ =	shalt  }
0x5e: {  	_ =	shalt  }
0x5f: {  	_ =	shalt  }
0x60: {  	_ =	shalt  }
0x61: {  	_ =	shalt  }
0x62: {  	_ =	shalt  }
0x63: {  	_ =	shalt  }
0x64: {  	_ =	shalt  }
0x65: {  	_ =	shalt  }
0x66: {  	_ =	shalt  }
0x67: {  	_ =	shalt  }
0x68: {  	_ =	shalt  }
0x69: {  	_ =	shalt  }
0x6a: {  	_ =	shalt  }
0x6b: {  	_ =	shalt  }
0x6c: {  	_ =	shalt  }
0x6d: {  	_ =	shalt  }
0x6e: {  	_ =	shalt  }
0x6f: {  	_ =	shalt  }
0x70: {  	_ =	shalt  }
0x71: {  	_ =	shalt  }
0x72: {  	_ =	shalt  }
0x73: {  	_ =	shalt  }
0x74: {  	_ =	shalt  }
0x75: {  	_ =	shalt  }
0x76: {  	_ =	shalt  }
0x77: {  	_ =	shalt  }
0x78: {  	_ =	shalt  }
0x79: {  	_ =	shalt  }
0x7a: {  	_ =	shalt  }
0x7b: {  	_ =	shalt  }
0x7c: {  	_ =	shalt  }
0x7d: {  	_ =	shalt  }
0x7e: {  	_ =	shalt  }
0x7f: {  	_ =	shalt  }
0x80: {  	_ =	shalt  }
0x81: {  	_ =	shalt  }
0x82: {  	_ =	shalt  }
0x83: {  	_ =	shalt  }
0x84: {  	_ =	shalt  }
0x85: {  	_ =	shalt  }
0x86: {  	_ =	shalt  }
0x87: {  	_ =	shalt  }
.Lfunc_end0:
.L_simem_size_0:
called_computation.1_lowered:
.L_overlay_start_0:
0x88: {  	s2 =	sld [smem:$0x3FD9]  }
0x89: {  	s3 =	sld [smem:$0x3FFE];
	_ =	sdelay $0x1  }
0x8a: {  	s1 =	srdreg.scid  }
0x8b: {  	s0 =	sand.u32 $0x1, s1  }
0x8c: {  	s17 =	sshll.u32 s0, $0xA;
	s2 =	sadd.s32 s3, s2  }
0x8d: {  	s2 =	sadd.s32 s2, s17  }
0x8e: {  	[smem:$0x3FC3] =	sst s2  }
0x8f: {  	_ = 	snop  }
0x90: {  	s2 =	sld [smem:$0x3FD0];
	(tm) =	ssettm $0x1  }
0x91: {  	s18 =	sld [smem:$0x3FFB];
	_ =	sdelay $0x3  }
0x92: {  	_ =	strace s18  }
0x93: {  	s3 =	sld [smem:$0x3FFC];
	_ =	sdelay $0x3  }
0x94: {  	_ =	strace s3  }
0x95: {  	s3 =	sld [smem:$0x3FFD];
	_ =	sdelay $0x3  }
0x96: {  	_ =	strace s3  }
0x97: {  	_ =	strace $0x8FFFFFFF  }
0x98: {  	s19 =	sld [smem:$0x3FDB];
	_ =	sdelay $0x1  }
0x99: {  	s4 =	simm.s32 $_scs_section_size  }
0x9a: {  	s5 =	simm.s32 $_size__tile_overlayer_lowered;
	s6 =	simm.s32 $_tile_overlayer_lowered  }
0x9b: {  	s22 =	simm.s32 $0x1BFF;
	s21 =	sshll.u32 s6, $0x1;
	s3 =	sadd.s32 s4, s19  }
0x9c: {  	s7 =	simm.s32 $0x0;
	s20 =	sshll.u32 s5, $0x1;
	s5 =	sadd.s32 s21, s3  }
0x9d: {  	[timem:s7], [sflag:s22] =	dma.local [hbm:s5], s20  }
0x9e: {  	_ =	swait.ge [sflag:s22], s20  }
0x9f: {  	s4 =	ssub.s32 $0x0, s20;
	[sflag:s22] =	ssyncset.done $0x0  }
0xa0: {  	[sflag:s22] =	ssyncadd.s32 s4;
	_ =	sdelay $0x1  }
0xa1: {  	s23 =	simm.s32 $0x1B8B  }
0xa2: {  	_ =	swait.ge [sflag:s23], $0x1  }
0xa3: {  	[sflag:s23] =	ssyncset.done $0x0  }
0xa4: {  	s25 =	simm.s32 $0x1B8E;
	s24 =	sld [smem:$0x3FFE];
	[sflag:s23] =	ssyncadd.s32 $0xFFFFFFFF  }
0xa5: {  	s26 =	simm.s32 $execute0_lowered;
	[smem:$0x3FD2] =	sst s25  }
0xa6: {  	s5 =	sshll.u32 s26, $0x1;
	_ =	strace $0x80000046;
	[dreg:$0x1] =	wrdreg $0xFFFFFFFF  }
0xa7: {  	s28 =	simm.s32 $_size_execute0_lowered;
	s3 =	sadd.s32 s3, s5;
	[dreg:$0x0] =	wrdreg $0x0  }
0xa8: {  	s5 =	sshll.u32 s28, $0x1;
	[dreg:$0x2] =	wrdreg s3  }
0xa9: {  	[dreg:$0x3] =	wrdreg s5  }
0xaa: {  	[dreg:$0x4] =	wrdreg $0xC0  }
0xab: {  	_ =	task [dreg:s7], $0x5FFFF  }
0xac: {  	[dreg:$0x1] =	wrdreg $0xFFFFFFFF  }
0xad: {  	[dreg:$0x0] =	wrdreg $0x60  }
0xae: {  	[dreg:$0x2] =	wrdreg s24  }
0xaf: {  	[dreg:$0x3] =	wrdreg s2  }
0xb0: {  	[dreg:$0x4] =	wrdreg $0x9  }
0xb1: {  	_ =	task.clear_ibuf [dreg:s7], $0x5FFFF;
	_ =	strace $0x90000046  }
0xb2: {  	s29 =	simm.s32 $0x9;
	_ =	strace $0x80000048  }
0xb3: {  	_ =	swait.ge [sflag:s29], $0x1  }
0xb4: {  	[sflag:s29] =	ssyncadd.s32 $0xFFFFFFFF  }
0xb5: {  	_ =	strace $0x90000048  }
0xb6: {  	_ =	sfence  }
0xb7: {  	s30 =	sld [smem:$0x0];
	_ =	sdelay $0x2  }
0xb8: {  	s31 =	sshll.u32 s1, $0xD;
	s1 =	sshrl.u32 s1, $0x2  }
0xb9: {  	s3 =	sand.u32 $0x4000, s31;
	s1 =	sadd.s32 s1, s30  }
0xba: {  	s0 =	sor.u32 s3, s0;
	s1 =	sshll.u32 s1, $0x11  }
0xbb: {  	s0 =	sor.u32 s1, s0  }
0xbc: {  	s0 =	sadd.s32 $0x8F2B, s0  }
0xbd: {  	[sflag:s0] =	ssyncadd.remote.s32 $0x1  }
0xbe: {  	_ =	sfence.sel $0xFFFF  }
0xbf: {  	[dreg:$0x0] =	wrdreg $0xFFFFFFFF;
	(pc) =	sbr.abs _section_cstart, $3  }
0xc0: {  	[dreg:$0x1] =	wrdreg $0xFFFFFFFF  }
0xc1: {  	_ =	task.clear_ibuf [dreg:s7], $0x2FFFF;
	_ =	strace $0x9FFFFFFF  }
0xc2: {  	(tm) =	ssettm $0x7FFFFFFF  }
0xc3: {  	_ =	shalt  }
tec
execute0_lowered:
.L_overlay_start_1:
0x0: {  	(tag) =	ssettag $0x1  }
0x1: {  	s0 =	srdreg.scid;
	s11 =	stileid.u32  }
0x2: {  	s0 =	sand.u32 $0x1, s0;
	s1 =	sshll.u32 s11, $0x1  }
0x3: {  	s5 =	sor.u32 s0, s1  }
0x4: {  	s1 =	smul.u32 $0xA200, s5  }
0x5: {  	v0 =	vlaneseq.u32  }
0x6: {  	v1 =	vor.u32 s1, v0;
	s2 =	sor.u32 $0x10, s1  }
0x7: {  	s22 =	sor.u32 $0x20, s1;
	v2 =	vmulhi.u32 $0xCA4587E7, v1;
	v3 =	vor.u32 s2, v0  }
0x8: {  	s24 =	sor.u32 $0x40, s1;
	v5 =	vor.u32 s22, v0;
	v4 =	vmulhi.u32 $0xCA4587E7, v3  }
0x9: {  	s25 =	sor.u32 $0x50, s1;
	v8 =	vor.u32 s24, v0;
	v6 =	vmulhi.u32 $0xCA4587E7, v5  }
0xa: {  	s26 =	sor.u32 $0x60, s1;
	v45 =	vor.u32 s25, v0;
	v9 =	vmulhi.u32 $0xCA4587E7, v8  }
0xb: {  	s3 =	sor.u32 $0x70, s1;
	v13 =	vor.u32 s26, v0;
	v12 =	vmulhi.u32 $0xCA4587E7, v45  }
0xc: {  	s4 =	sor.u32 $0x80, s1;
	v48 =	vor.u32 s3, v0;
	v46 =	vmulhi.u32 $0xCA4587E7, v13  }
0xd: {  	s6 =	sor.u32 $0x90, s1;
	v51 =	vor.u32 s4, v0;
	v50 =	vmulhi.u32 $0xCA4587E7, v48  }
0xe: {  	s7 =	sor.u32 $0xA0, s1;
	v14 =	vor.u32 s6, v0;
	v52 =	vmulhi.u32 $0xCA4587E7, v51  }
0xf: {  	s8 =	sor.u32 $0xB0, s1;
	v54 =	vor.u32 s7, v0;
	v53 =	vmulhi.u32 $0xCA4587E7, v14  }
0x10: {  	s9 =	sor.u32 $0xC0, s1;
	v16 =	vor.u32 s8, v0;
	v15 =	vmulhi.u32 $0xCA4587E7, v54  }
0x11: {  	s20 =	sor.u32 $0x160, s1;
	v18 =	vor.u32 s9, v0;
	v17 =	vmulhi.u32 $0xCA4587E7, v16  }
0x12: {  	s21 =	sor.u32 $0x170, s1;
	v26 =	vor.u32 s20, v0;
	v55 =	vmulhi.u32 $0xCA4587E7, v18  }
0x13: {  	v28 =	vor.u32 s21, v0;
	s6 =	sor.u32 $0x180, s1;
	v27 =	vmulhi.u32 $0xCA4587E7, v26  }
0x14: {  	s25 =	sor.u32 $0x1C0, s1;
	v29 =	vmulhi.u32 $0xCA4587E7, v28;
	v30 =	vor.u32 s6, v0  }
0x15: {  	s26 =	sor.u32 $0x1D0, s1;
	v32 =	vor.u32 s25, v0;
	v31 =	vmulhi.u32 $0xCA4587E7, v30  }
0x16: {  	s3 =	sor.u32 $0x1E0, s1;
	v34 =	vor.u32 s26, v0;
	v33 =	vmulhi.u32 $0xCA4587E7, v32  }
0x17: {  	s4 =	sor.u32 $0x1F0, s1;
	v36 =	vor.u32 s3, v0;
	v35 =	vmulhi.u32 $0xCA4587E7, v34  }
0x18: {  	s7 =	sadd.s32 $0x200, s1;
	v58 =	vor.u32 s4, v0;
	v37 =	vmulhi.u32 $0xCA4587E7, v36  }
0x19: {  	s23 =	sor.u32 $0x30, s1;
	s8 =	sadd.s32 $0x210, s1;
	v60 =	vor.u32 s7, v0;
	v59 =	vmulhi.u32 $0xCA4587E7, v58  }
0x1a: {  	s10 =	sor.u32 $0xD0, s1;
	v7 =	vor.u32 s23, v0;
	s9 =	sadd.s32 $0x220, s1;
	v62 =	vor.u32 s8, v0;
	v61 =	vmulhi.u32 $0xCA4587E7, v60  }
0x1b: {  	s12 =	sor.u32 $0xE0, s1;
	v57 =	vor.u32 s10, v0;
	s10 =	sadd.s32 $0x230, s1;
	v38 =	vor.u32 s9, v0;
	v63 =	vmulhi.u32 $0xCA4587E7, v62  }
0x1c: {  	s13 =	sor.u32 $0xF0, s1;
	v19 =	vor.u32 s12, v0;
	s12 =	sadd.s32 $0x240, s1;
	v40 =	vor.u32 s10, v0;
	v39 =	vmulhi.u32 $0xCA4587E7, v38  }
0x1d: {  	s16 =	sor.u32 $0x120, s1;
	v20 =	vor.u32 s13, v0;
	v42 =	vor.u32 s12, v0;
	v41 =	vmulhi.u32 $0xCA4587E7, v40  }
0x1e: {  	v25 =	vor.u32 s16, v0;
	s10 =	sadd.s32 $0x280, s1;
	v2 =	vshrl.u32 v2, $0x6;
	v43 =	vmulhi.u32 $0xCA4587E7, v42  }
0x1f: {  	v44 =	vor.u32 s10, v0;
	v2 =	vmul.u32 $0x51, v2;
	v4 =	vshrl.u32 v4, $0x6  }
0x20: {  	v6 =	vshrl.u32 v6, $0x6;
	v47 =	vshrl.u32 v12, $0x6;
	v15 =	vshrl.u32 v15, $0x6  }
0x21: {  	v56 =	vshrl.u32 v17, $0x6;
	v12 =	vshrl.u32 v55, $0x6;
	v17 =	vmulhi.u32 $0xCA4587E7, v57  }
0x22: {  	v27 =	vshrl.u32 v27, $0x6;
	v4 =	vmul.u32 $0x51, v4;
	v6 =	vmul.u32 $0x51, v6  }
0x23: {  	v15 =	vmul.u32 $0x51, v15;
	v27 =	vmul.u32 $0x51, v27;
	v33 =	vshrl.u32 v33, $0x6  }
0x24: {  	v39 =	vshrl.u32 v39, $0x6;
	v1 =	vsub.s32 v1, v2;
	v2 =	vmulhi.u32 $0xCA4587E7, v7  }
0x25: {  	v17 =	vshrl.u32 v17, $0x6;
	v33 =	vmul.u32 $0x51, v33;
	v39 =	vmul.u32 $0x51, v39  }
0x26: {  	[tilespmem:$0x1FF00] =	vst v1;
	v1 =	vsub.s32 v3, v4;
	v17 =	vmul.u32 $0x51, v17;
	v4 =	vshrl.u32 v41, $0x6  }
0x27: {  	v2 =	vshrl.u32 v2, $0x6;
	[tilespmem:$0x1FF10] =	vst v1;
	v1 =	vsub.s32 v5, v6;
	v6 =	vshrl.u32 v46, $0x6  }
0x28: {  	s3 =	sadd.s32 $0x250, s1;
	v5 =	vshrl.u32 v43, $0x6;
	v10 =	vmul.u32 $0x51, v2;
	v2 =	vshrl.u32 v9, $0x6  }
0x29: {  	v49 =	vmul.u32 $0x51, v6;
	v9 =	vshrl.u32 v52, $0x6;
	v6 =	vor.u32 s3, v0  }
0x2a: {  	s21 =	sadd.s32 $0x2B0, s1;
	[tilespmem:$0x1FF20] =	vst v1;
	v11 =	vmul.u32 $0x51, v2;
	v9 =	vmul.u32 $0x51, v9;
	v1 =	vsub.s32 v7, v10  }
0x2b: {  	v7 =	vmul.u32 $0x51, v47;
	v10 =	vshrl.u32 v53, $0x6;
	v47 =	vor.u32 s21, v0  }
0x2c: {  	[tilespmem:$0x1FF30] =	vst v1;
	v1 =	vsub.s32 v8, v11;
	v11 =	vshrl.u32 v50, $0x6;
	v10 =	vmul.u32 $0x51, v10  }
0x2d: {  	s13 =	sadd.s32 $0x260, s1;
	[tilespmem:$0x1FF40] =	vst v1;
	v1 =	vsub.s32 v45, v7;
	v11 =	vmul.u32 $0x51, v11;
	v7 =	vmulhi.u32 $0xCA4587E7, v6  }
0x2e: {  	s12 =	sadd.s32 $0x2D0, s1;
	v8 =	vor.u32 s13, v0;
	v45 =	vmulhi.u32 $0xCA4587E7, v44;
	[tilespmem:$0x1FF50] =	vst v1;
	v1 =	vsub.s32 v13, v49  }
0x2f: {  	v50 =	vor.u32 s12, v0;
	[tilespmem:$0x1FF60] =	vst v1;
	v1 =	vsub.s32 v48, v11;
	v48 =	vmulhi.u32 $0xCA4587E7, v47  }
0x30: {  	s20 =	sadd.s32 $0x2A0, s1;
	s8 =	sadd.s32 $0x270, s1;
	v13 =	vmul.u32 $0x51, v56;
	[tilespmem:$0x1FF70] =	vst v1;
	v1 =	vsub.s32 v51, v9;
	v9 =	vmulhi.u32 $0xCA4587E7, v8  }
0x31: {  	[tilespmem:$0x1FF80] =	vst v1;
	v1 =	vsub.s32 v14, v10;
	v10 =	vor.u32 s8, v0;
	v14 =	vor.u32 s20, v0  }
0x32: {  	v48 =	vshrl.u32 v48, $0x6;
	[tilespmem:$0x1FF90] =	vst v1;
	v1 =	vsub.s32 v54, v15;
	v15 =	vmul.u32 $0x51, v12  }
0x33: {  	v11 =	vmulhi.u32 $0xCA4587E7, v10;
	v12 =	vshrl.u32 v45, $0x6;
	v48 =	vmul.u32 $0x51, v48  }
0x34: {  	s14 =	sor.u32 $0x100, s1;
	[tilespmem:$0x1FFA0] =	vst v1;
	v1 =	vsub.s32 v16, v13;
	v16 =	vmulhi.u32 $0xCA4587E7, v19;
	v41 =	vmul.u32 $0x51, v12  }
0x35: {  	[tilespmem:$0x1FFB0] =	vst v1;
	v1 =	vsub.s32 v18, v15;
	v15 =	vmulhi.u32 $0xCA4587E7, v20;
	v18 =	vor.u32 s14, v0  }
0x36: {  	[tilespmem:$0x1FFC0] =	vst v1;
	v16 =	vshrl.u32 v16, $0x6;
	v21 =	vmulhi.u32 $0xCA4587E7, v18;
	v1 =	vsub.s32 v57, v17  }
0x37: {  	s15 =	sor.u32 $0x110, s1;
	v57 =	vmulhi.u32 $0xCA4587E7, v14;
	v16 =	vmul.u32 $0x51, v16;
	v15 =	vshrl.u32 v15, $0x6  }
0x38: {  	v22 =	vmul.u32 $0x51, v15;
	v15 =	vshrl.u32 v21, $0x6;
	v21 =	vor.u32 s15, v0  }
0x39: {  	v45 =	vshrl.u32 v57, $0x6;
	v23 =	vmul.u32 $0x51, v15;
	v24 =	vmulhi.u32 $0xCA4587E7, v21  }
0x3a: {  	[tilespmem:$0x1FFD0] =	vst v1;
	v1 =	vsub.s32 v19, v16;
	v19 =	vmulhi.u32 $0xCA4587E7, v25;
	v45 =	vmul.u32 $0x51, v45  }
0x3b: {  	s17 =	sor.u32 $0x130, s1;
	[tilespmem:$0x1FFE0] =	vst v1;
	v1 =	vsub.s32 v20, v22;
	v17 =	vsub.s32 v18, v23;
	v18 =	vshrl.u32 v24, $0x6  }
0x3c: {  	s18 =	sor.u32 $0x140, s1;
	v20 =	vor.u32 s17, v0;
	v19 =	vshrl.u32 v19, $0x6;
	v18 =	vmul.u32 $0x51, v18  }
0x3d: {  	s19 =	sor.u32 $0x150, s1;
	v22 =	vmulhi.u32 $0xCA4587E7, v20;
	v23 =	vor.u32 s18, v0;
	v19 =	vmul.u32 $0x51, v19  }
0x3e: {  	s17 =	sadd.s32 $0x290, s1;
	v24 =	vor.u32 s19, v0;
	v18 =	vsub.s32 v21, v18;
	v21 =	vmulhi.u32 $0xCA4587E7, v23  }
0x3f: {  	v46 =	vor.u32 s17, v0;
	v19 =	vsub.s32 v25, v19;
	v25 =	vmulhi.u32 $0xCA4587E7, v24  }
0x40: {  	v13 =	vmulhi.u32 $0xCA4587E7, v46;
	v22 =	vshrl.u32 v22, $0x6;
	v21 =	vshrl.u32 v21, $0x6  }
0x41: {  	v22 =	vmul.u32 $0x51, v22;
	v25 =	vshrl.u32 v25, $0x6;
	v21 =	vmul.u32 $0x51, v21  }
0x42: {  	v41 =	vsub.s32 v44, v41;
	v43 =	vsub.s32 v14, v45;
	v25 =	vmul.u32 $0x51, v25  }
0x43: {  	v56 =	vshrl.u32 v13, $0x6;
	v20 =	vsub.s32 v20, v22;
	v21 =	vsub.s32 v23, v21  }
0x44: {  	s22 =	sor.u32 $0x190, s1;
	v22 =	vsub.s32 v24, v25;
	v23 =	vsub.s32 v26, v27;
	v24 =	vshrl.u32 v29, $0x6  }
0x45: {  	s23 =	sor.u32 $0x1A0, s1;
	v25 =	vshrl.u32 v31, $0x6;
	v26 =	vor.u32 s22, v0;
	v24 =	vmul.u32 $0x51, v24  }
0x46: {  	s24 =	sor.u32 $0x1B0, s1;
	v29 =	vor.u32 s23, v0;
	v25 =	vmul.u32 $0x51, v25;
	v27 =	vmulhi.u32 $0xCA4587E7, v26  }
0x47: {  	v31 =	vor.u32 s24, v0;
	s22 =	sadd.s32 $0x2C0, s1;
	v24 =	vsub.s32 v28, v24;
	v28 =	vmulhi.u32 $0xCA4587E7, v29  }
0x48: {  	s23 =	sadd.s32 $0x2E0, s1;
	v49 =	vor.u32 s22, v0;
	v25 =	vsub.s32 v30, v25;
	v30 =	vmulhi.u32 $0xCA4587E7, v31  }
0x49: {  	s28 =	simm.s32 $0x600;
	v51 =	vor.u32 s23, v0;
	v27 =	vshrl.u32 v27, $0x6;
	v28 =	vshrl.u32 v28, $0x6  }
0x4a: {  	s29 =	simm.s32 $0x14700;
	s15 =	sshrl.u32 s1, $0x3;
	s1 =	sadd.s32 $0x2F0, s1;
	v27 =	vmul.u32 $0x51, v27;
	v30 =	vshrl.u32 v30, $0x6;
	v28 =	vmul.u32 $0x51, v28  }
0x4b: {  	s30 =	simm.s32 $0x2;
	s31 =	simm.s32 $0x3;
	s4 =	rddreg [dreg:$0x0];
	v53 =	vor.u32 s1, v0;
	v52 =	vmulhi.u32 $0xCA4587E7, v51;
	v30 =	vmul.u32 $0x51, v30  }
0x4c: {  	s5 =	smul.u32 $0xA2000, s5;
	s2 =	simm.s32 $0x0;
	s7 =	rddreg [dreg:$0x1];
	v54 =	vmulhi.u32 $0xCA4587E7, v53;
	v26 =	vsub.s32 v26, v27;
	v27 =	vsub.s32 v29, v28  }
0x4d: {  	[smem:$0x7FF] =	sst s2;
	s16 =	sshrl.u32 s6, $0x3;
	s6 =	sshll.u32 s6, $0x4;
	v28 =	vsub.s32 v31, v30;
	v29 =	vsub.s32 v32, v33;
	v30 =	vshrl.u32 v35, $0x6  }
0x4e: {  	s9 =	ssub.s32 $0x2, s0;
	s5 =	sadd.s32 s7, s5;
	s6 =	sadd.s32 s7, s6;
	v31 =	vshrl.u32 v37, $0x6;
	v33 =	vshrl.u32 v59, $0x6;
	v30 =	vmul.u32 $0x51, v30  }
0x4f: {  	s3 =	sadd.s32 $0x1000, s4;
	s4 =	sadd.s32 $0x4400, s4;
	s13 =	smul.u32 $0xA200, s0;
	v35 =	vsub.s32 v38, v39;
	v37 =	vmul.u32 $0x51, v5;
	v31 =	vmul.u32 $0x51, v31  }
0x50: {  	s21 =	simm.s32 $0x1;
	s0 =	smul.u32 $0xA2000, s0;
	s14 =	sshrl.u32 s9, $0x1;
	v39 =	vshrl.u32 v7, $0x6;
	v33 =	vmul.u32 $0x51, v33;
	v30 =	vsub.s32 v34, v30  }
0x51: {  	s20 =	simm.s32 $0x8700;
	s9 =	ssub.s32 s9, s14;
	s8 =	sadd.s32 s4, s15;
	[tilespmem:$0x1FFF0] =	vst v1;
	v31 =	vsub.s32 v36, v31;
	v34 =	vshrl.u32 v61, $0x6;
	v36 =	vshrl.u32 v63, $0x6  }
0x52: {  	s14 =	simm.s32 $0x80;
	_ =	strace $0x80000047;
	[dreg:$0x3] =	wrdreg s8;
	v59 =	vmulhi.u32 $0xCA4587E7, v50;
	v34 =	vmul.u32 $0x51, v34;
	v36 =	vmul.u32 $0x51, v36  }
0x53: {  	s25 =	smax.u32 s9, $0x1;
	s18 =	sadd.s32 s4, s16;
	[dreg:$0x4] =	wrdreg s5;
	v39 =	vmul.u32 $0x51, v39;
	v37 =	vsub.s32 v42, v37;
	v32 =	vsub.s32 v58, v33  }
0x54: {  	s15 =	simm.s32 $0x300;
	s19 =	smul.u32 $0x144000, s11;
	[dreg:$0x5] =	wrdreg s18;
	v33 =	vsub.s32 v60, v34;
	v34 =	vsub.s32 v62, v36;
	v36 =	vmul.u32 $0x51, v4  }
0x55: {  	s11 =	smul.u32 $0x14400, s11;
	s16 =	simm.s32 $0x700;
	[dreg:$0x6] =	wrdreg s6;
	v42 =	vshrl.u32 v11, $0x6;
	v38 =	vsub.s32 v6, v39;
	v58 =	vmulhi.u32 $0xCA4587E7, v49  }
0x56: {  	s17 =	simm.s32 $0x380;
	[dreg:$0x7] =	wrdreg s25;
	s5 =	sadd.s32 s19, s7;
	v42 =	vmul.u32 $0x51, v42;
	v36 =	vsub.s32 v40, v36;
	v40 =	vshrl.u32 v9, $0x6  }
0x57: {  	s18 =	simm.s32 $0x4700;
	s25 =	simm.s32 $0x580;
	s0 =	sadd.s32 s0, s5;
	v61 =	vshrl.u32 v52, $0x6;
	v44 =	vshrl.u32 v58, $0x6;
	v40 =	vmul.u32 $0x51, v40  }
0x58: {  	s8 =	sadd.s32 s13, s11;
	s13 =	simm.s32 $0x5;
	s0 =	sadd.s32 $0x4800, s0;
	v55 =	vmul.u32 $0x51, v44;
	v60 =	vshrl.u32 v59, $0x6;
	v62 =	vshrl.u32 v54, $0x6  }
0x59: {  	s19 =	simm.s32 $0x400;
	[dreg:$0x8] =	wrdreg s0;
	s24 =	sadd.s32 $0x480, s8;
	v63 =	vmul.u32 $0x51, v60;
	v52 =	vmul.u32 $0x51, v62;
	v39 =	vsub.s32 v8, v40  }
0x5a: {  	s26 =	sshrl.u32 s24, $0x3;
	s22 =	simm.s32 $0x180;
	s23 =	simm.s32 $0x500;
	v40 =	vsub.s32 v10, v42;
	v42 =	vmul.u32 $0x51, v56;
	v56 =	vmul.u32 $0x51, v61  }
0x5b: {  	s24 =	simm.s32 $0xC700;
	s1 =	simm.s32 $0x4;
	s0 =	sadd.s32 s26, s4;
	v44 =	vsub.s32 v47, v48;
	v45 =	vsub.s32 v49, v55;
	v48 =	vsub.s32 v53, v52  }
0x5c: {  	s26 =	simm.s32 $0x10700;
	[dreg:$0x9] =	wrdreg s0;
	s0 =	simm.s32 $0x0;
	v42 =	vsub.s32 v46, v42;
	v46 =	vsub.s32 v50, v63;
	v47 =	vsub.s32 v51, v56  }
.LBB2_1:
0x5d: {  	s5 =	rddreg [dreg:$0x3]  }
0x5e: {  	[tilespmem:s2], [sflag:$0x5] =	stream.linear.gather [hbm4b:s5+s2], $0x180, $0x38;
	[tilespmem:$0x18700] =	vst v63  }
0x5f: {  	_ =	swait.ge [sflag:s13], $0x180  }
0x60: {  	[sflag:s13] =	ssyncset.done $0x0  }
0x61: {  	[sflag:s13] =	ssyncadd.s32 $0xFFFFFE80  }
0x62: {  	v49 =	vld [tilespmem:$0x0];
	_ =	sdelay $0x1  }
0x63: {  	v1 =	vld [tilespmem:$0x1FF00];
	_ =	sdelay $0x2  }
0x64: {  	v50 =	vld [tilespmem:$0x10];
	v49 =	vmul.u32 $0x51, v49;
	_ =	sdelay $0x1  }
0x65: {  	v49 =	vadd.s32 v1, v49;
	v1 =	vld [tilespmem:$0x1FF10];
	_ =	sdelay $0x2  }
0x66: {  	v51 =	vld [tilespmem:$0x20];
	v50 =	vmul.u32 $0x51, v50;
	_ =	sdelay $0x1  }
0x67: {  	v9 =	vadd.s32 v1, v50;
	v1 =	vld [tilespmem:$0x1FF20];
	_ =	sdelay $0x2  }
0x68: {  	v52 =	vld [tilespmem:$0x30];
	v51 =	vmul.u32 $0x51, v51;
	_ =	sdelay $0x1  }
0x69: {  	v12 =	vadd.s32 v1, v51;
	v1 =	vld [tilespmem:$0x1FF30];
	_ =	sdelay $0x2  }
0x6a: {  	v53 =	vld [tilespmem:$0x40];
	v10 =	vmul.u32 $0x51, v52;
	_ =	sdelay $0x1  }
0x6b: {  	v60 =	vadd.s32 v1, v10;
	v1 =	vld [tilespmem:$0x1FF40];
	_ =	sdelay $0x2  }
0x6c: {  	v54 =	vld [tilespmem:$0x50];
	v13 =	vmul.u32 $0x51, v53;
	_ =	sdelay $0x1  }
0x6d: {  	v63 =	vadd.s32 v1, v13;
	v1 =	vld [tilespmem:$0x1FF50];
	_ =	sdelay $0x2  }
0x6e: {  	v55 =	vld [tilespmem:$0x60];
	v61 =	vmul.u32 $0x51, v54;
	_ =	sdelay $0x1  }
0x6f: {  	v6 =	vadd.s32 v1, v61;
	v1 =	vld [tilespmem:$0x1FF60];
	_ =	sdelay $0x2  }
0x70: {  	v56 =	vld [tilespmem:$0x70];
	v4 =	vmul.u32 $0x51, v55;
	_ =	sdelay $0x1  }
0x71: {  	[tilespmem:$0x310] =	vst v9;
	v9 =	vadd.s32 v1, v4;
	v1 =	vld [tilespmem:$0x1FF70];
	_ =	sdelay $0x2  }
0x72: {  	v11 =	vld [tilespmem:$0x80];
	v7 =	vmul.u32 $0x51, v56;
	_ =	sdelay $0x1  }
0x73: {  	[tilespmem:$0x320] =	vst v12;
	v12 =	vadd.s32 v1, v7;
	v1 =	vld [tilespmem:$0x1FF80];
	_ =	sdelay $0x2  }
0x74: {  	v14 =	vld [tilespmem:$0x90];
	v10 =	vmul.u32 $0x51, v11;
	_ =	sdelay $0x1  }
0x75: {  	[tilespmem:$0x330] =	vst v60;
	v60 =	vadd.s32 v1, v10;
	v1 =	vld [tilespmem:$0x1FF90];
	_ =	sdelay $0x2  }
0x76: {  	v62 =	vld [tilespmem:$0xA0];
	v13 =	vmul.u32 $0x51, v14;
	_ =	sdelay $0x1  }
0x77: {  	[tilespmem:$0x340] =	vst v63;
	v63 =	vadd.s32 v1, v13;
	v1 =	vld [tilespmem:$0x1FFA0];
	_ =	sdelay $0x2  }
0x78: {  	v5 =	vld [tilespmem:$0xB0];
	v61 =	vmul.u32 $0x51, v62;
	_ =	sdelay $0x1  }
0x79: {  	[tilespmem:$0x350] =	vst v6;
	v6 =	vadd.s32 v1, v61;
	v1 =	vld [tilespmem:$0x1FFB0];
	_ =	sdelay $0x1  }
0x7a: {  	v8 =	vld [tilespmem:$0xC0]  }
0x7b: {  	v11 =	vld [tilespmem:$0xD0];
	v4 =	vmul.u32 $0x51, v5  }
0x7c: {  	v14 =	vld [tilespmem:$0xE0]  }
0x7d: {  	[tilespmem:$0x360] =	vst v9;
	v9 =	vadd.s32 v1, v4;
	v1 =	vld [tilespmem:$0x1FFC0]  }
0x7e: {  	v62 =	vld [tilespmem:$0xF0]  }
0x7f: {  	v5 =	vld [tilespmem:$0x100]  }
0x80: {  	v7 =	vmul.u32 $0x51, v8;
	v8 =	vld [tilespmem:$0x110]  }
0x81: {  	v10 =	vmul.u32 $0x51, v11;
	v11 =	vld [tilespmem:$0x120]  }
0x82: {  	[tilespmem:$0x370] =	vst v12;
	v12 =	vadd.s32 v1, v7;
	v1 =	vld [tilespmem:$0x1FFD0]  }
0x83: {  	[tilespmem:$0x300] =	vst v49;
	v4 =	vld [tilespmem:$0x150]  }
0x84: {  	v13 =	vmul.u32 $0x51, v14;
	v14 =	vld [tilespmem:$0x130];
	[tilespmem:$0x390] =	vst v63;
	v63 =	vmul.u32 $0x51, v5  }
0x85: {  	[tilespmem:$0x380] =	vst v60;
	v61 =	vld [tilespmem:$0x140]  }
0x86: {  	[tilespmem:$0x3A0] =	vst v6;
	v6 =	vmul.u32 $0x51, v8;
	v8 =	vadd.s32 v17, v63;
	v7 =	vld [tilespmem:$0x160]  }
0x87: {  	[tilespmem:$0x400] =	vst v8;
	v59 =	vadd.s32 v1, v10;
	v1 =	vld [tilespmem:$0x1FFE0]  }
0x88: {  	[tilespmem:$0x3B0] =	vst v9;
	v54 =	vmul.u32 $0x51, v4  }
0x89: {  	v9 =	vmul.u32 $0x51, v11;
	v11 =	vadd.s32 v18, v6;
	[tilespmem:$0x3C0] =	vst v12;
	v12 =	vmul.u32 $0x51, v14  }
0x8a: {  	[tilespmem:$0x410] =	vst v11;
	v14 =	vmul.u32 $0x51, v61;
	v57 =	vadd.s32 v22, v54  }
0x8b: {  	v60 =	vmul.u32 $0x51, v62;
	v53 =	vadd.s32 v20, v12;
	[tilespmem:$0x450] =	vst v57;
	v10 =	vld [tilespmem:$0x170]  }
0x8c: {  	v55 =	vadd.s32 v21, v14;
	[tilespmem:$0x430] =	vst v53;
	v56 =	vmul.u32 $0x51, v7;
	v62 =	vadd.s32 v1, v13;
	v1 =	vld [tilespmem:$0x1FFF0]  }
0x8d: {  	[tilespmem:$0x440] =	vst v55  }
0x8e: {  	[tilespmem:$0x3D0] =	vst v59;
	v59 =	vadd.s32 v23, v56  }
0x8f: {  	[tilespmem:$0x460] =	vst v59  }
0x90: {  	v13 =	vadd.s32 v19, v9;
	v58 =	vmul.u32 $0x51, v10;
	[tilespmem:$0x3E0] =	vst v62  }
0x91: {  	[tilespmem:$0x420] =	vst v13;
	v5 =	vadd.s32 v1, v60  }
0x92: {  	v60 =	vadd.s32 v24, v58;
	[tilespmem:$0x3F0] =	vst v5  }
0x93: {  	[tilespmem:$0x470] =	vst v60  }
0x94: {  	[tilespmem:s16], [sflag:$0x1] =	stream.indirect.gather [hbm4b:s3+s14], $0x80, s15, s14, $0xb8;
	[tilespmem:$0x18700] =	vst v63  }
0x95: {  	_ = 	snop  }
0x96: {  	[tilespmem:s18], [sflag:$0x1] =	stream.indirect.gather [hbm4b:s3+s14], $0x80, s17, s14, $0xb8;
	[tilespmem:$0x18700] =	vst v63  }
0x97: {  	_ = 	snop  }
0x98: {  	[tilespmem:s20], [sflag:$0x1] =	stream.indirect.gather [hbm4b:s3+s14], $0x80, s19, s14, $0xb8;
	[tilespmem:$0x18700] =	vst v63  }
0x99: {  	_ =	swait.ge [sflag:s21], $0x4000  }
0x9a: {  	[sflag:s21] =	ssyncset.done $0x0  }
0x9b: {  	[sflag:s21] =	ssyncadd.s32 $0xFFFFC000  }
0x9c: {  	_ =	swait.ge [sflag:s21], $0x4000  }
0x9d: {  	[sflag:s21] =	ssyncset.done $0x0  }
0x9e: {  	[sflag:s21] =	ssyncadd.s32 $0xFFFFC000  }
0x9f: {  	_ =	swait.ge [sflag:s21], $0x4000  }
0xa0: {  	[sflag:s21] =	ssyncset.done $0x0  }
0xa1: {  	s10 =	rddreg [dreg:$0x4];
	[sflag:s21] =	ssyncadd.s32 $0xFFFFC000  }
0xa2: {  	[hbm4b:s10+s2] =	stream.linear.scatter [tilespmem:s16], [sflag:$0x3], $0xC000, $0x38;
	[tilespmem:$0x18700] =	vst v63  }
0xa3: {  	s11 =	rddreg [dreg:$0x5]  }
0xa4: {  	[tilespmem:s22], [sflag:$0x5] =	stream.linear.gather [hbm4b:s11+s2], $0x180, $0x38;
	[tilespmem:$0x18700] =	vst v63  }
0xa5: {  	_ =	swait.ge [sflag:s13], $0x180  }
0xa6: {  	[sflag:s13] =	ssyncset.done $0x0  }
0xa7: {  	[sflag:s13] =	ssyncadd.s32 $0xFFFFFE80  }
0xa8: {  	v61 =	vld [tilespmem:$0x180]  }
0xa9: {  	v62 =	vld [tilespmem:$0x190]  }
0xaa: {  	v63 =	vld [tilespmem:$0x1A0]  }
0xab: {  	v4 =	vld [tilespmem:$0x1B0]  }
0xac: {  	v5 =	vld [tilespmem:$0x1C0]  }
0xad: {  	v6 =	vld [tilespmem:$0x1D0];
	v49 =	vmul.u32 $0x51, v61  }
0xae: {  	v7 =	vld [tilespmem:$0x1E0];
	v50 =	vmul.u32 $0x51, v62  }
0xaf: {  	v8 =	vld [tilespmem:$0x1F0];
	v51 =	vmul.u32 $0x51, v63;
	v49 =	vadd.s32 v25, v49  }
0xb0: {  	v11 =	vld [tilespmem:$0x200];
	v10 =	vmul.u32 $0x51, v4;
	v9 =	vadd.s32 v26, v50;
	[tilespmem:$0x500] =	vst v49  }
0xb1: {  	v14 =	vld [tilespmem:$0x210];
	v13 =	vmul.u32 $0x51, v5;
	v12 =	vadd.s32 v27, v51;
	[tilespmem:$0x510] =	vst v9  }
0xb2: {  	v61 =	vmul.u32 $0x51, v6;
	v62 =	vld [tilespmem:$0x220];
	v60 =	vadd.s32 v28, v10;
	[tilespmem:$0x520] =	vst v12  }
0xb3: {  	v4 =	vmul.u32 $0x51, v7;
	v5 =	vld [tilespmem:$0x230];
	v63 =	vadd.s32 v29, v13;
	[tilespmem:$0x530] =	vst v60  }
0xb4: {  	v7 =	vmul.u32 $0x51, v8;
	v8 =	vld [tilespmem:$0x240];
	v6 =	vadd.s32 v30, v61;
	[tilespmem:$0x540] =	vst v63  }
0xb5: {  	v10 =	vmul.u32 $0x51, v11;
	v11 =	vld [tilespmem:$0x250];
	[tilespmem:$0x550] =	vst v6;
	v9 =	vadd.s32 v31, v4  }
0xb6: {  	v13 =	vmul.u32 $0x51, v14;
	v14 =	vld [tilespmem:$0x260];
	v12 =	vadd.s32 v32, v7;
	[tilespmem:$0x560] =	vst v9  }
0xb7: {  	[tilespmem:$0x570] =	vst v12;
	v60 =	vadd.s32 v33, v10;
	v61 =	vmul.u32 $0x51, v62;
	v62 =	vld [tilespmem:$0x270]  }
0xb8: {  	v63 =	vadd.s32 v34, v13;
	[tilespmem:$0x580] =	vst v60;
	v4 =	vmul.u32 $0x51, v5;
	v5 =	vld [tilespmem:$0x280]  }
0xb9: {  	[tilespmem:$0x590] =	vst v63;
	v7 =	vmul.u32 $0x51, v8;
	v8 =	vld [tilespmem:$0x290];
	v6 =	vadd.s32 v35, v61  }
0xba: {  	v9 =	vadd.s32 v36, v4;
	v10 =	vmul.u32 $0x51, v11;
	v11 =	vld [tilespmem:$0x2A0];
	[tilespmem:$0x5A0] =	vst v6  }
0xbb: {  	v12 =	vadd.s32 v37, v7;
	v13 =	vmul.u32 $0x51, v14;
	v14 =	vld [tilespmem:$0x2B0];
	[tilespmem:$0x5B0] =	vst v9  }
0xbc: {  	v61 =	vld [tilespmem:$0x2C0];
	[tilespmem:$0x5C0] =	vst v12;
	v59 =	vadd.s32 v38, v10;
	v60 =	vmul.u32 $0x51, v62  }
0xbd: {  	v4 =	vld [tilespmem:$0x2D0];
	[tilespmem:$0x5D0] =	vst v59;
	v62 =	vadd.s32 v39, v13;
	v63 =	vmul.u32 $0x51, v5  }
0xbe: {  	v7 =	vld [tilespmem:$0x2E0];
	v6 =	vmul.u32 $0x51, v8;
	[tilespmem:$0x5E0] =	vst v62;
	v5 =	vadd.s32 v40, v60  }
0xbf: {  	v10 =	vld [tilespmem:$0x2F0];
	v8 =	vadd.s32 v41, v63;
	v9 =	vmul.u32 $0x51, v11;
	[tilespmem:$0x5F0] =	vst v5  }
0xc0: {  	v11 =	vadd.s32 v42, v6;
	v12 =	vmul.u32 $0x51, v14;
	[tilespmem:$0x600] =	vst v8  }
0xc1: {  	v14 =	vmul.u32 $0x51, v61;
	[tilespmem:$0x610] =	vst v11;
	v13 =	vadd.s32 v43, v9  }
0xc2: {  	v57 =	vmul.u32 $0x51, v4;
	v54 =	vadd.s32 v44, v12;
	[tilespmem:$0x620] =	vst v13  }
0xc3: {  	v59 =	vmul.u32 $0x51, v7;
	v58 =	vadd.s32 v45, v14;
	[tilespmem:$0x630] =	vst v54  }
0xc4: {  	v60 =	vadd.s32 v46, v57;
	v61 =	vmul.u32 $0x51, v10;
	[tilespmem:$0x640] =	vst v58  }
0xc5: {  	v62 =	vadd.s32 v47, v59;
	[tilespmem:$0x650] =	vst v60  }
0xc6: {  	[tilespmem:$0x660] =	vst v62;
	v63 =	vadd.s32 v48, v61  }
0xc7: {  	[tilespmem:$0x670] =	vst v63  }
0xc8: {  	[tilespmem:s24], [sflag:$0x2] =	stream.indirect.gather [hbm4b:s3+s14], $0x80, s23, s14, $0xb8;
	[tilespmem:$0x18700] =	vst v63  }
0xc9: {  	_ = 	snop  }
0xca: {  	[tilespmem:s26], [sflag:$0x2] =	stream.indirect.gather [hbm4b:s3+s14], $0x80, s25, s14, $0xb8;
	[tilespmem:$0x18700] =	vst v63  }
0xcb: {  	_ = 	snop  }
0xcc: {  	[tilespmem:s29], [sflag:$0x2] =	stream.indirect.gather [hbm4b:s3+s14], $0x80, s28, s14, $0xb8;
	[tilespmem:$0x18700] =	vst v63  }
0xcd: {  	_ =	swait.ge [sflag:s30], $0x4000  }
0xce: {  	[sflag:s30] =	ssyncset.done $0x0  }
0xcf: {  	[sflag:s30] =	ssyncadd.s32 $0xFFFFC000  }
0xd0: {  	_ =	swait.ge [sflag:s30], $0x4000  }
0xd1: {  	[sflag:s30] =	ssyncset.done $0x0  }
0xd2: {  	[sflag:s30] =	ssyncadd.s32 $0xFFFFC000  }
0xd3: {  	_ =	swait.ge [sflag:s30], $0x4000  }
0xd4: {  	[sflag:s30] =	ssyncset.done $0x0;
	s12 =	rddreg [dreg:$0x6]  }
0xd5: {  	s11 =	rddreg [dreg:$0x8];
	[sflag:s30] =	ssyncadd.s32 $0xFFFFC000  }
0xd6: {  	[hbm4b:s12+s2] =	stream.linear.scatter [tilespmem:s24], [sflag:$0x4], $0xC000, $0x38;
	[tilespmem:$0x18700] =	vst v63  }
0xd7: {  	s7 =	simm.s32 $0x0;
	s12 =	rddreg [dreg:$0x9]  }
.LBB2_2:
0xd8: {  	s9 =	sadd.s32 s7, s8  }
0xd9: {  	_ =	swait.ge [sflag:s31], $0xC000;
	s10 =	sadd.s32 $0x300, s9  }
0xda: {  	[sflag:s31] =	ssyncset.done $0x0;
	s6 =	sshrl.u32 s10, $0x3  }
0xdb: {  	[sflag:s31] =	ssyncadd.s32 $0xFFFF4000;
	s6 =	sadd.s32 s4, s6  }
0xdc: {  	[tilespmem:s2], [sflag:$0x5] =	stream.linear.gather [hbm4b:s6+s2], $0x180, $0x38;
	[tilespmem:$0x18700] =	vst v63  }
0xdd: {  	s5 =	sadd.s32 $0x320, s9;
	v50 =	vor.u32 s10, v0;
	_ =	swait.ge [sflag:s13], $0x180  }
0xde: {  	s10 =	sadd.s32 $0x310, s9;
	v56 =	vor.u32 s5, v0;
	v51 =	vmulhi.u32 $0xCA4587E7, v50;
	[sflag:s13] =	ssyncset.done $0x0  }
0xdf: {  	s5 =	sadd.s32 $0x340, s9;
	v52 =	vor.u32 s10, v0;
	v57 =	vmulhi.u32 $0xCA4587E7, v56;
	[sflag:s13] =	ssyncadd.s32 $0xFFFFFE80  }
0xe0: {  	s10 =	sadd.s32 $0x330, s9;
	v59 =	vor.u32 s5, v0;
	s5 =	sadd.s32 $0x360, s9;
	v54 =	vmulhi.u32 $0xCA4587E7, v52;
	v49 =	vld [tilespmem:$0x0]  }
0xe1: {  	v14 =	vor.u32 s10, v0;
	v61 =	vmulhi.u32 $0xCA4587E7, v59;
	s10 =	sadd.s32 $0x350, s9;
	v8 =	vor.u32 s5, v0;
	v53 =	vld [tilespmem:$0x10]  }
0xe2: {  	v51 =	vshrl.u32 v51, $0x6;
	v60 =	vmulhi.u32 $0xCA4587E7, v14;
	v5 =	vor.u32 s10, v0;
	v55 =	vld [tilespmem:$0x20]  }
0xe3: {  	v12 =	vshrl.u32 v57, $0x6;
	v54 =	vshrl.u32 v54, $0x6;
	v6 =	vmulhi.u32 $0xCA4587E7, v5;
	v13 =	vld [tilespmem:$0x30]  }
0xe4: {  	s10 =	sadd.s32 $0x370, s9;
	v51 =	vmul.u32 $0x51, v51;
	v63 =	vshrl.u32 v61, $0x6;
	v11 =	vmul.u32 $0x51, v54;
	v58 =	vld [tilespmem:$0x40]  }
0xe5: {  	v61 =	vor.u32 s10, v0;
	v54 =	vmul.u32 $0x51, v63;
	v57 =	vshrl.u32 v6, $0x6;
	v6 =	vld [tilespmem:$0x80]  }
0xe6: {  	s10 =	sadd.s32 $0x390, s9;
	v50 =	vsub.s32 v50, v51;
	v63 =	vld [tilespmem:$0x90];
	v51 =	vsub.s32 v52, v11;
	v52 =	vshrl.u32 v60, $0x6  }
0xe7: {  	v1 =	vor.u32 s10, v0;
	s10 =	sadd.s32 $0x3B0, s9;
	v2 =	vld [tilespmem:$0xB0];
	v60 =	vmulhi.u32 $0xCA4587E7, v8;
	v52 =	vmul.u32 $0x51, v52  }
0xe8: {  	v3 =	vor.u32 s10, v0;
	v54 =	vsub.s32 v59, v54;
	v11 =	vld [tilespmem:$0x70]  }
0xe9: {  	v10 =	vmul.u32 $0x51, v57;
	v60 =	vshrl.u32 v60, $0x6;
	v52 =	vsub.s32 v14, v52  }
0xea: {  	s5 =	sadd.s32 $0x380, s9;
	v49 =	vmul.u32 $0x51, v49;
	v53 =	vmul.u32 $0x51, v53;
	v55 =	vmul.u32 $0x51, v55  }
0xeb: {  	v9 =	vld [tilespmem:$0x60];
	v62 =	vmul.u32 $0x51, v13;
	v7 =	vmul.u32 $0x51, v58;
	v13 =	vor.u32 s5, v0  }
0xec: {  	v4 =	vld [tilespmem:$0x50];
	v59 =	vmul.u32 $0x51, v6;
	v63 =	vmul.u32 $0x51, v63;
	v2 =	vmul.u32 $0x51, v2  }
0xed: {  	v57 =	vmul.u32 $0x51, v11;
	v49 =	vadd.s32 v50, v49;
	v50 =	vmul.u32 $0x51, v12  }
0xee: {  	v51 =	vadd.s32 v51, v53;
	v52 =	vadd.s32 v52, v62;
	v12 =	vmul.u32 $0x51, v60  }
0xef: {  	v53 =	vadd.s32 v54, v7;
	v62 =	vmulhi.u32 $0xCA4587E7, v61;
	v54 =	vsub.s32 v5, v10  }
0xf0: {  	v5 =	vmul.u32 $0x51, v9;
	[tilespmem:$0x300] =	vst v49;
	v49 =	vld [tilespmem:$0x100];
	v50 =	vsub.s32 v56, v50;
	v56 =	vsub.s32 v8, v12  }
0xf1: {  	v8 =	vmulhi.u32 $0xCA4587E7, v1;
	v50 =	vadd.s32 v50, v55;
	v55 =	vmul.u32 $0x51, v4  }
0xf2: {  	v11 =	vld [tilespmem:$0xA0];
	v14 =	vshrl.u32 v62, $0x6;
	v4 =	vmulhi.u32 $0xCA4587E7, v13;
	v56 =	vadd.s32 v56, v5  }
0xf3: {  	v10 =	vshrl.u32 v8, $0x6;
	v54 =	vadd.s32 v54, v55;
	v55 =	vmul.u32 $0x51, v14  }
0xf4: {  	s10 =	sadd.s32 $0x3D0, s9;
	v62 =	vshrl.u32 v4, $0x6;
	v60 =	vmul.u32 $0x51, v10;
	v4 =	vmulhi.u32 $0xCA4587E7, v3  }
0xf5: {  	v5 =	vor.u32 s10, v0;
	v7 =	vmul.u32 $0x51, v62;
	v49 =	vmul.u32 $0x51, v49  }
0xf6: {  	s5 =	sadd.s32 $0x3A0, s9;
	v55 =	vsub.s32 v61, v55;
	v1 =	vsub.s32 v1, v60;
	v4 =	vshrl.u32 v4, $0x6  }
0xf7: {  	v10 =	vld [tilespmem:$0xD0];
	v61 =	vmul.u32 $0x51, v11;
	v55 =	vadd.s32 v55, v57;
	v57 =	vor.u32 s5, v0  }
0xf8: {  	s10 =	sadd.s32 $0x3F0, s9;
	v9 =	vsub.s32 v13, v7;
	v1 =	vadd.s32 v1, v63;
	v4 =	vmul.u32 $0x51, v4  }
0xf9: {  	s5 =	sadd.s32 $0x3C0, s9;
	v63 =	vor.u32 s10, v0;
	s10 =	sadd.s32 $0x410, s9;
	v12 =	vmulhi.u32 $0xCA4587E7, v57;
	v58 =	vadd.s32 v9, v59  }
0xfa: {  	[tilespmem:$0x320] =	vst v50;
	v8 =	vor.u32 s5, v0;
	v6 =	vmulhi.u32 $0xCA4587E7, v63;
	v50 =	vor.u32 s10, v0  }
0xfb: {  	v14 =	vld [tilespmem:$0xC0];
	v9 =	vmulhi.u32 $0xCA4587E7, v8;
	v3 =	vsub.s32 v3, v4;
	v62 =	vshrl.u32 v12, $0x6  }
0xfc: {  	v10 =	vmul.u32 $0x51, v10;
	v12 =	vmulhi.u32 $0xCA4587E7, v5;
	v13 =	vmul.u32 $0x51, v62  }
0xfd: {  	v2 =	vadd.s32 v3, v2;
	v6 =	vshrl.u32 v6, $0x6;
	v11 =	vshrl.u32 v9, $0x6  }
0xfe: {  	s5 =	sadd.s32 $0x3E0, s9;
	v6 =	vmul.u32 $0x51, v6;
	v59 =	vshrl.u32 v12, $0x6;
	v57 =	vsub.s32 v57, v13  }
0xff: {  	v12 =	vld [tilespmem:$0xF0];
	v59 =	vmul.u32 $0x51, v59;
	v57 =	vadd.s32 v57, v61;
	v61 =	vor.u32 s5, v0  }
0x100: {  	v3 =	vmul.u32 $0x51, v11;
	v13 =	vmul.u32 $0x51, v14;
	v14 =	vld [tilespmem:$0xE0];
	s5 =	sadd.s32 $0x400, s9;
	v9 =	vmulhi.u32 $0xCA4587E7, v61  }
0x101: {  	v6 =	vsub.s32 v63, v6;
	v5 =	vsub.s32 v5, v59;
	v59 =	vor.u32 s5, v0  }
0x102: {  	v3 =	vsub.s32 v8, v3;
	v11 =	vshrl.u32 v9, $0x6;
	v9 =	vmulhi.u32 $0xCA4587E7, v59  }
0x103: {  	[tilespmem:$0x310] =	vst v51;
	v3 =	vadd.s32 v3, v13;
	v4 =	vadd.s32 v5, v10;
	v13 =	vmul.u32 $0x51, v11  }
0x104: {  	[tilespmem:$0x330] =	vst v52;
	v12 =	vmul.u32 $0x51, v12;
	v11 =	vmulhi.u32 $0xCA4587E7, v50;
	v10 =	vshrl.u32 v9, $0x6  }
0x105: {  	[tilespmem:$0x350] =	vst v54;
	v54 =	vld [tilespmem:$0x120];
	s10 =	sadd.s32 $0x430, s9;
	s5 =	sadd.s32 $0x420, s9;
	v14 =	vmul.u32 $0x51, v14;
	v5 =	vsub.s32 v61, v13;
	v51 =	vmul.u32 $0x51, v10  }
0x106: {  	[tilespmem:$0x340] =	vst v53;
	v9 =	vld [tilespmem:$0x130];
	v52 =	vshrl.u32 v11, $0x6;
	v61 =	vor.u32 s5, v0;
	v10 =	vor.u32 s10, v0  }
0x107: {  	[tilespmem:$0x360] =	vst v56;
	v13 =	vld [tilespmem:$0x110];
	s5 =	sadd.s32 $0x440, s9;
	v5 =	vadd.s32 v5, v14;
	v52 =	vmul.u32 $0x51, v52;
	v14 =	vmulhi.u32 $0xCA4587E7, v61  }
0x108: {  	[tilespmem:$0x370] =	vst v55;
	v11 =	vmulhi.u32 $0xCA4587E7, v10;
	v55 =	vor.u32 s5, v0;
	v51 =	vsub.s32 v59, v51  }
0x109: {  	v60 =	vld [tilespmem:$0x140];
	[tilespmem:$0x390] =	vst v1;
	v6 =	vadd.s32 v6, v12;
	v7 =	vmulhi.u32 $0xCA4587E7, v55;
	v49 =	vadd.s32 v51, v49  }
0x10a: {  	[tilespmem:$0x380] =	vst v58;
	v50 =	vsub.s32 v50, v52;
	v12 =	vshrl.u32 v14, $0x6;
	v14 =	vmul.u32 $0x51, v54  }
0x10b: {  	[tilespmem:$0x3B0] =	vst v2;
	s5 =	sadd.s32 $0x460, s9;
	v51 =	vmul.u32 $0x51, v12;
	v62 =	vmul.u32 $0x51, v9;
	v8 =	vshrl.u32 v7, $0x6  }
0x10c: {  	[tilespmem:$0x3A0] =	vst v57;
	v12 =	vor.u32 s5, v0;
	v1 =	vmul.u32 $0x51, v13;
	v13 =	vshrl.u32 v11, $0x6  }
0x10d: {  	[tilespmem:$0x3D0] =	vst v4;
	s10 =	sadd.s32 $0x450, s9;
	v4 =	vmul.u32 $0x51, v8;
	v52 =	vmul.u32 $0x51, v13;
	v2 =	vsub.s32 v61, v51  }
0x10e: {  	[tilespmem:$0x3C0] =	vst v3;
	v9 =	vld [tilespmem:$0x150];
	v51 =	vor.u32 s10, v0;
	v13 =	vmul.u32 $0x51, v60;
	v1 =	vadd.s32 v50, v1  }
0x10f: {  	[tilespmem:$0x3F0] =	vst v6;
	v11 =	vld [tilespmem:$0x160];
	s10 =	sadd.s32 $0x470, s9;
	v2 =	vadd.s32 v2, v14;
	v3 =	vsub.s32 v10, v52;
	v10 =	vmulhi.u32 $0xCA4587E7, v51  }
0x110: {  	[tilespmem:$0x3E0] =	vst v5;
	v60 =	vld [tilespmem:$0x170];
	v14 =	vmulhi.u32 $0xCA4587E7, v12;
	v61 =	vor.u32 s10, v0;
	v4 =	vsub.s32 v55, v4  }
0x111: {  	[tilespmem:$0x400] =	vst v49;
	v3 =	vadd.s32 v3, v62;
	v62 =	vmulhi.u32 $0xCA4587E7, v61;
	v5 =	vshrl.u32 v10, $0x6  }
0x112: {  	[tilespmem:$0x410] =	vst v1;
	v1 =	vadd.s32 v4, v13;
	v8 =	vshrl.u32 v14, $0x6;
	v63 =	vmul.u32 $0x51, v5  }
0x113: {  	[tilespmem:$0x420] =	vst v2;
	v2 =	vmul.u32 $0x51, v9;
	v5 =	vmul.u32 $0x51, v8;
	v9 =	vshrl.u32 v62, $0x6  }
0x114: {  	[tilespmem:$0x430] =	vst v3;
	v10 =	vmul.u32 $0x51, v11;
	v6 =	vmul.u32 $0x51, v9;
	v3 =	vsub.s32 v51, v63  }
0x115: {  	[tilespmem:$0x440] =	vst v1;
	v1 =	vadd.s32 v3, v2;
	v2 =	vsub.s32 v12, v5;
	v3 =	vmul.u32 $0x51, v60  }
0x116: {  	[tilespmem:$0x450] =	vst v1;
	v1 =	vadd.s32 v2, v10;
	v2 =	vsub.s32 v61, v6  }
0x117: {  	[tilespmem:$0x460] =	vst v1;
	v1 =	vadd.s32 v2, v3  }
0x118: {  	[tilespmem:$0x470] =	vst v1  }
0x119: {  	[tilespmem:s16], [sflag:$0x1] =	stream.indirect.gather [hbm4b:s3+s14], $0x80, s15, s14, $0xb8;
	[tilespmem:$0x18700] =	vst v63  }
0x11a: {  	_ = 	snop  }
0x11b: {  	[tilespmem:s18], [sflag:$0x1] =	stream.indirect.gather [hbm4b:s3+s14], $0x80, s17, s14, $0xb8;
	[tilespmem:$0x18700] =	vst v63  }
0x11c: {  	_ = 	snop  }
0x11d: {  	[tilespmem:s20], [sflag:$0x1] =	stream.indirect.gather [hbm4b:s3+s14], $0x80, s19, s14, $0xb8;
	[tilespmem:$0x18700] =	vst v63  }
0x11e: {  	_ =	swait.ge [sflag:s21], $0x4000  }
0x11f: {  	[sflag:s21] =	ssyncset.done $0x0  }
0x120: {  	[sflag:s21] =	ssyncadd.s32 $0xFFFFC000  }
0x121: {  	_ =	swait.ge [sflag:s21], $0x4000  }
0x122: {  	[sflag:s21] =	ssyncset.done $0x0  }
0x123: {  	[sflag:s21] =	ssyncadd.s32 $0xFFFFC000  }
0x124: {  	_ =	swait.ge [sflag:s21], $0x4000  }
0x125: {  	[sflag:s21] =	ssyncset.done $0x0  }
0x126: {  	s6 =	sadd.s32 $0x4A0, s9;
	s5 =	sadd.s32 $0xFFFFE800, s11;
	[sflag:s21] =	ssyncadd.s32 $0xFFFFC000  }
0x127: {  	[hbm4b:s5+s2] =	stream.linear.scatter [tilespmem:s16], [sflag:$0x3], $0xC000, $0x38;
	[tilespmem:$0x18700] =	vst v63  }
0x128: {  	v4 =	vor.u32 s6, v0;
	s6 =	sadd.s32 $0x4E0, s9;
	_ =	swait.ge [sflag:s1], $0xC000  }
0x129: {  	s10 =	sadd.s32 $0x480, s9;
	v59 =	vor.u32 s6, v0;
	s6 =	sadd.s32 $0x510, s9;
	[sflag:s1] =	ssyncset.done $0x0  }
0x12a: {  	v62 =	vor.u32 s6, v0;
	s6 =	sadd.s32 $0x540, s9;
	v1 =	vor.u32 s10, v0;
	s10 =	sadd.s32 $0x4B0, s9;
	[sflag:s1] =	ssyncadd.s32 $0xFFFF4000  }
0x12b: {  	[tilespmem:s22], [sflag:$0x5] =	stream.linear.gather [hbm4b:s12+s2], $0x180, $0x38;
	[tilespmem:$0x18700] =	vst v63  }
0x12c: {  	v8 =	vor.u32 s6, v0;
	s6 =	sadd.s32 $0x570, s9;
	v2 =	vmulhi.u32 $0xCA4587E7, v1;
	v5 =	vor.u32 s10, v0;
	s10 =	sadd.s32 $0x4F0, s9;
	_ =	swait.ge [sflag:s13], $0x180  }
0x12d: {  	v57 =	vor.u32 s6, v0;
	s6 =	sadd.s32 $0x590, s9;
	v60 =	vor.u32 s10, v0;
	s10 =	sadd.s32 $0x520, s9;
	[sflag:s13] =	ssyncset.done $0x0  }
0x12e: {  	v55 =	vor.u32 s6, v0;
	s6 =	sadd.s32 $0x5B0, s9;
	v63 =	vor.u32 s10, v0;
	s10 =	sadd.s32 $0x550, s9;
	v2 =	vshrl.u32 v2, $0x6;
	[sflag:s13] =	ssyncadd.s32 $0xFFFFFE80  }
0x12f: {  	v53 =	vor.u32 s6, v0;
	s6 =	sadd.s32 $0x5D0, s9;
	v9 =	vor.u32 s10, v0;
	s10 =	sadd.s32 $0x580, s9;
	v2 =	vmul.u32 $0x51, v2;
	v50 =	vld [tilespmem:$0x180]  }
0x130: {  	v15 =	vmulhi.u32 $0xCA4587E7, v4;
	v51 =	vor.u32 s6, v0;
	v56 =	vor.u32 s10, v0;
	s10 =	sadd.s32 $0x5A0, s9;
	s5 =	sadd.s32 $0x490, s9  }
0x131: {  	v54 =	vor.u32 s10, v0;
	s10 =	sadd.s32 $0x5C0, s9;
	v1 =	vsub.s32 v1, v2;
	v3 =	vor.u32 s5, v0;
	s5 =	sadd.s32 $0x4C0, s9  }
0x132: {  	v52 =	vor.u32 s10, v0;
	s10 =	sadd.s32 $0x5E0, s9;
	v6 =	vor.u32 s5, v0;
	s5 =	sadd.s32 $0x4D0, s9;
	v12 =	vmulhi.u32 $0xCA4587E7, v3;
	v11 =	vld [tilespmem:$0x190]  }
0x133: {  	v49 =	vor.u32 s10, v0;
	v58 =	vor.u32 s5, v0;
	s5 =	sadd.s32 $0x500, s9;
	v16 =	vmulhi.u32 $0xCA4587E7, v6;
	v13 =	vld [tilespmem:$0x1A0]  }
0x134: {  	v61 =	vor.u32 s5, v0;
	s5 =	sadd.s32 $0x530, s9;
	v12 =	vshrl.u32 v12, $0x6;
	v14 =	vmul.u32 $0x51, v50  }
0x135: {  	v7 =	vor.u32 s5, v0;
	s5 =	sadd.s32 $0x560, s9;
	v2 =	vmul.u32 $0x51, v12;
	v12 =	vshrl.u32 v15, $0x6  }
0x136: {  	v15 =	vmulhi.u32 $0xCA4587E7, v5;
	v10 =	vor.u32 s5, v0;
	v1 =	vadd.s32 v1, v14;
	v14 =	vld [tilespmem:$0x1B0]  }
0x137: {  	s10 =	sadd.s32 $0x5F0, s9;
	v2 =	vsub.s32 v3, v2;
	v3 =	vmul.u32 $0x51, v11;
	v11 =	vmul.u32 $0x51, v12;
	v12 =	vld [tilespmem:$0x1C0]  }
0x138: {  	v15 =	vshrl.u32 v15, $0x6;
	v50 =	vor.u32 s10, v0;
	v13 =	vmul.u32 $0x51, v13  }
0x139: {  	v2 =	vadd.s32 v2, v3;
	v3 =	vsub.s32 v4, v11;
	v4 =	vmul.u32 $0x51, v15  }
0x13a: {  	v11 =	vshrl.u32 v16, $0x6;
	v15 =	vmulhi.u32 $0xCA4587E7, v58;
	v3 =	vadd.s32 v3, v13;
	v13 =	vld [tilespmem:$0x1D0]  }
0x13b: {  	v11 =	vmul.u32 $0x51, v11;
	v4 =	vsub.s32 v5, v4;
	v5 =	vmul.u32 $0x51, v14;
	v14 =	vld [tilespmem:$0x1E0]  }
0x13c: {  	v16 =	vmulhi.u32 $0xCA4587E7, v59;
	v15 =	vshrl.u32 v15, $0x6;
	v12 =	vmul.u32 $0x51, v12  }
0x13d: {  	v11 =	vsub.s32 v6, v11;
	v6 =	vmul.u32 $0x51, v15;
	v15 =	vmulhi.u32 $0xCA4587E7, v60  }
0x13e: {  	v4 =	vadd.s32 v4, v5;
	v5 =	vadd.s32 v11, v12;
	v11 =	vshrl.u32 v16, $0x6;
	v12 =	vld [tilespmem:$0x1F0]  }
0x13f: {  	v6 =	vsub.s32 v58, v6;
	v13 =	vmul.u32 $0x51, v13;
	v16 =	vld [tilespmem:$0x200];
	v11 =	vmul.u32 $0x51, v11  }
0x140: {  	v15 =	vshrl.u32 v15, $0x6;
	v58 =	vmulhi.u32 $0xCA4587E7, v61;
	v14 =	vmul.u32 $0x51, v14  }
0x141: {  	v6 =	vadd.s32 v6, v13;
	v13 =	vmul.u32 $0x51, v15;
	v15 =	vld [tilespmem:$0x210];
	v11 =	vsub.s32 v59, v11  }
0x142: {  	v59 =	vld [tilespmem:$0x220];
	v11 =	vadd.s32 v11, v14;
	v14 =	vshrl.u32 v58, $0x6;
	v58 =	vmulhi.u32 $0xCA4587E7, v62  }
0x143: {  	v13 =	vsub.s32 v60, v13;
	v12 =	vmul.u32 $0x51, v12;
	v14 =	vmul.u32 $0x51, v14  }
0x144: {  	v60 =	vmulhi.u32 $0xCA4587E7, v63;
	v16 =	vmul.u32 $0x51, v16;
	v58 =	vshrl.u32 v58, $0x6  }
0x145: {  	[tilespmem:$0x550] =	vst v6;
	v6 =	vld [tilespmem:$0x290];
	v12 =	vadd.s32 v13, v12;
	v61 =	vsub.s32 v61, v14;
	v14 =	vmul.u32 $0x51, v58  }
0x146: {  	v13 =	vadd.s32 v61, v16;
	v16 =	vshrl.u32 v60, $0x6;
	v60 =	vmulhi.u32 $0xCA4587E7, v7  }
0x147: {  	v15 =	vmul.u32 $0x51, v15;
	v58 =	vld [tilespmem:$0x230];
	v59 =	vmul.u32 $0x51, v59;
	v16 =	vmul.u32 $0x51, v16  }
0x148: {  	v61 =	vld [tilespmem:$0x240];
	v14 =	vsub.s32 v62, v14;
	v62 =	vmulhi.u32 $0xCA4587E7, v8;
	v60 =	vshrl.u32 v60, $0x6  }
0x149: {  	v14 =	vadd.s32 v14, v15;
	v15 =	vsub.s32 v63, v16;
	v63 =	vmulhi.u32 $0xCA4587E7, v10  }
0x14a: {  	v6 =	vmul.u32 $0x51, v6;
	v16 =	vmul.u32 $0x51, v60;
	[tilespmem:$0x590] =	vst v14;
	v14 =	vmulhi.u32 $0xCA4587E7, v51  }
0x14b: {  	v60 =	vld [tilespmem:$0x250];
	v15 =	vadd.s32 v15, v59;
	v59 =	vshrl.u32 v62, $0x6;
	v62 =	vmulhi.u32 $0xCA4587E7, v9  }
0x14c: {  	v7 =	vsub.s32 v7, v16;
	v16 =	vmul.u32 $0x51, v58;
	v58 =	vmul.u32 $0x51, v59;
	v59 =	vld [tilespmem:$0x260]  }
0x14d: {  	v61 =	vmul.u32 $0x51, v61;
	v63 =	vshrl.u32 v63, $0x6;
	v62 =	vshrl.u32 v62, $0x6  }
0x14e: {  	[tilespmem:$0x500] =	vst v1;
	v1 =	vadd.s32 v7, v16;
	v58 =	vsub.s32 v8, v58;
	v62 =	vmul.u32 $0x51, v62;
	v16 =	vld [tilespmem:$0x270]  }
0x14f: {  	[tilespmem:$0x510] =	vst v2;
	v7 =	vmul.u32 $0x51, v63;
	v2 =	vadd.s32 v58, v61;
	v61 =	vmulhi.u32 $0xCA4587E7, v57  }
0x150: {  	[tilespmem:$0x520] =	vst v3;
	v3 =	vsub.s32 v9, v62;
	v62 =	vmul.u32 $0x51, v60;
	v9 =	vld [tilespmem:$0x280];
	v60 =	vmulhi.u32 $0xCA4587E7, v56  }
0x151: {  	v63 =	vmul.u32 $0x51, v59;
	v58 =	vshrl.u32 v61, $0x6;
	v61 =	vsub.s32 v10, v7  }
0x152: {  	[tilespmem:$0x530] =	vst v4;
	v3 =	vadd.s32 v3, v62;
	v62 =	vmul.u32 $0x51, v58;
	v58 =	vmulhi.u32 $0xCA4587E7, v55  }
0x153: {  	[tilespmem:$0x540] =	vst v5;
	v4 =	vadd.s32 v61, v63;
	v63 =	vshrl.u32 v60, $0x6;
	v59 =	vmul.u32 $0x51, v16  }
0x154: {  	[tilespmem:$0x560] =	vst v11;
	v60 =	vld [tilespmem:$0x2A0];
	v61 =	vmulhi.u32 $0xCA4587E7, v54;
	v7 =	vsub.s32 v57, v62;
	v5 =	vmul.u32 $0x51, v63  }
0x155: {  	[tilespmem:$0x570] =	vst v12;
	v8 =	vshrl.u32 v58, $0x6;
	v62 =	vld [tilespmem:$0x2B0];
	v9 =	vmul.u32 $0x51, v9;
	v7 =	vadd.s32 v7, v59  }
0x156: {  	[tilespmem:$0x580] =	vst v13;
	v57 =	vld [tilespmem:$0x2C0];
	v8 =	vmul.u32 $0x51, v8;
	v5 =	vsub.s32 v56, v5;
	v56 =	vmulhi.u32 $0xCA4587E7, v53  }
0x157: {  	[tilespmem:$0x5A0] =	vst v15;
	v63 =	vshrl.u32 v61, $0x6;
	v59 =	vmulhi.u32 $0xCA4587E7, v52;
	v5 =	vadd.s32 v5, v9  }
0x158: {  	[tilespmem:$0x5B0] =	vst v1;
	v8 =	vsub.s32 v55, v8;
	v9 =	vmul.u32 $0x51, v63;
	v58 =	vshrl.u32 v56, $0x6  }
0x159: {  	[tilespmem:$0x5C0] =	vst v2;
	v55 =	vmulhi.u32 $0xCA4587E7, v49;
	v1 =	vmul.u32 $0x51, v60;
	v61 =	vmul.u32 $0x51, v58  }
0x15a: {  	[tilespmem:$0x5D0] =	vst v3;
	v63 =	vld [tilespmem:$0x2D0];
	v2 =	vadd.s32 v8, v6;
	v60 =	vsub.s32 v54, v9;
	v3 =	vmul.u32 $0x51, v62  }
0x15b: {  	[tilespmem:$0x5E0] =	vst v4;
	v62 =	vshrl.u32 v59, $0x6;
	v54 =	vmul.u32 $0x51, v57;
	v12 =	vsub.s32 v53, v61;
	v53 =	vld [tilespmem:$0x2E0]  }
0x15c: {  	[tilespmem:$0x5F0] =	vst v7;
	v56 =	vld [tilespmem:$0x2F0];
	v58 =	vshrl.u32 v14, $0x6;
	v59 =	vmulhi.u32 $0xCA4587E7, v50;
	v6 =	vmul.u32 $0x51, v62  }
0x15d: {  	[tilespmem:$0x600] =	vst v5;
	v1 =	vadd.s32 v60, v1;
	v60 =	vmul.u32 $0x51, v58;
	v61 =	vshrl.u32 v55, $0x6  }
0x15e: {  	[tilespmem:$0x610] =	vst v2;
	v62 =	vshrl.u32 v59, $0x6;
	v3 =	vadd.s32 v12, v3;
	v57 =	vsub.s32 v52, v6  }
0x15f: {  	[tilespmem:$0x620] =	vst v1;
	v1 =	vmul.u32 $0x51, v63;
	v5 =	vmul.u32 $0x51, v61;
	v6 =	vmul.u32 $0x51, v62  }
0x160: {  	v2 =	vadd.s32 v57, v54;
	[tilespmem:$0x630] =	vst v3;
	v3 =	vsub.s32 v51, v60;
	v63 =	vmul.u32 $0x51, v53  }
0x161: {  	[tilespmem:$0x640] =	vst v2;
	v1 =	vadd.s32 v3, v1;
	v2 =	vsub.s32 v49, v5;
	v3 =	vmul.u32 $0x51, v56  }
0x162: {  	[tilespmem:$0x650] =	vst v1;
	v1 =	vadd.s32 v2, v63;
	v2 =	vsub.s32 v50, v6  }
0x163: {  	[tilespmem:$0x660] =	vst v1;
	v1 =	vadd.s32 v2, v3  }
0x164: {  	[tilespmem:$0x670] =	vst v1  }
0x165: {  	[tilespmem:s24], [sflag:$0x2] =	stream.indirect.gather [hbm4b:s3+s14], $0x80, s23, s14, $0xb8;
	[tilespmem:$0x18700] =	vst v63  }
0x166: {  	_ = 	snop  }
0x167: {  	[tilespmem:s26], [sflag:$0x2] =	stream.indirect.gather [hbm4b:s3+s14], $0x80, s25, s14, $0xb8;
	[tilespmem:$0x18700] =	vst v63  }
0x168: {  	_ = 	snop  }
0x169: {  	[tilespmem:s29], [sflag:$0x2] =	stream.indirect.gather [hbm4b:s3+s14], $0x80, s28, s14, $0xb8;
	[tilespmem:$0x18700] =	vst v63  }
0x16a: {  	_ =	swait.ge [sflag:s30], $0x4000  }
0x16b: {  	[sflag:s30] =	ssyncset.done $0x0  }
0x16c: {  	[sflag:s30] =	ssyncadd.s32 $0xFFFFC000  }
0x16d: {  	_ =	swait.ge [sflag:s30], $0x4000  }
0x16e: {  	[sflag:s30] =	ssyncset.done $0x0  }
0x16f: {  	p0 =	sne.s32 s7, $0x9C00;
	[sflag:s30] =	ssyncadd.s32 $0xFFFFC000  }
.Ltmp0:
0x170: {  	_ =	swait.ge [sflag:s30], $0x4000;
	(pc) =	sbr.rel @p0 .LBB2_2-.Ltmp0, $4  }
0x171: {  	[sflag:s30] =	ssyncset.done $0x0  }
0x172: {  	[sflag:s30] =	ssyncadd.s32 $0xFFFFC000  }
0x173: {  	[hbm4b:s11+s2] =	stream.linear.scatter [tilespmem:s24], [sflag:$0x4], $0xC000, $0x38;
	[tilespmem:$0x18700] =	vst v63  }
0x174: {  	s7 =	sadd.s32 $0x300, s7;
	s12 =	sadd.s32 $0x60, s12;
	s11 =	sadd.s32 $0x3000, s11  }
0x175: {  	_ =	swait.ge [sflag:s31], $0xC000  }
0x176: {  	[sflag:s31] =	ssyncset.done $0x0  }
0x177: {  	[sflag:s31] =	ssyncadd.s32 $0xFFFF4000  }
0x178: {  	_ =	swait.ge [sflag:s1], $0xC000  }
0x179: {  	s0 =	sadd.s32 $0x1, s0;
	s5 =	rddreg [dreg:$0x7]  }
0x17a: {  	p0 =	sne.s32 s0, s5  }
.Ltmp1:
0x17b: {  	_ = 	snop;
	(pc) =	sbr.rel @p0 .LBB2_1-.Ltmp1, $3  }
0x17c: {  	_ =	sdelay $0x1  }
0x17d: {  	[sflag:s1] =	ssyncset.done $0x0  }
0x17e: {  	[sflag:s1] =	ssyncadd.s32 $0xFFFF4000  }
0x17f: {  	_ =	sfence.sel $0x180000  }
0x180: {  	[bflag:$0x0] =	sbarrier.arrive $0xFFFF  }
0x181: {  	_ =	strace $0x90000047  }
0x182: {  	s0 =	stileid.u32;
	[bflag:$0x2] =	sbarrier.arrive $0xFFFF  }
0x183: {  	p0 =	sne.s32 s0, $0x0;
	s0 =	rddreg [dreg:$0x2]  }
0x184: {  	s0 =	sadd.s32 @!p0 $0x100000, s0  }
0x185: {  	[sflag:s0] =	ssyncadd.tile.s32 @!p0 $0x1;
	_ =	shalt  }
.Lfunc_end2:
_tile_overlayer_lowered:
.L_overlay_start_2:
0x186: {  	(tag) =	ssettag $0x2  }
0x187: {  	s0 =	rddreg [dreg:$0x0];
	s2 =	stileid.u32  }
0x188: {  	s1 =	rddreg [dreg:$0x1];
	p0 =	sne.s32 s2, $0x0  }
0x189: {  	s3 =	rddreg [dreg:$0x2];
	[bflag:$0x3] =	sbarrier.arrive $0xFFFF;
	s2 =	simm.s32 @!p0 $0x1C05  }
0x18a: {  	[timem:s3], [sflag:s2] =	dma.local @!p0 [hbm:s0], s1  }
0x18b: {  	s0 =	simm.s32 @!p0 $0x5  }
0x18c: {  	_ =	swait.ge @!p0 [sflag:s0], s1  }
0x18d: {  	s1 =	ssub.s32 @!p0 $0x0, s1;
	[sflag:s0] =	ssyncset.done @!p0 $0x0  }
0x18e: {  	[sflag:s0] =	ssyncadd.s32 @!p0 s1  }
0x18f: {  	[bflag:$0x3] =	sbarrier.arrive $0xFFFF  }
0x190: {  	_ =	shalt  }

// kernel: sparse-core-data-format-call.cloned.1.call-start
scs
called_computation_lowered:
.L_overlay_start_0:
0x0: {  	s2 =	sld [smem:$0x3FD9]  }
0x1: {  	s3 =	sld [smem:$0x3FFE];
	_ =	sdelay $0x1  }
0x2: {  	s1 =	srdreg.scid  }
0x3: {  	s0 =	sand.u32 $0x1, s1  }
0x4: {  	s18 =	sshll.u32 s0, $0xA;
	s2 =	sadd.s32 s3, s2  }
0x5: {  	s2 =	sadd.s32 s2, s18  }
0x6: {  	[smem:$0x3FC3] =	sst s2  }
0x7: {  	_ = 	snop  }
0x8: {  	s2 =	sld [smem:$0x3FD0];
	(tm) =	ssettm $0x1  }
0x9: {  	s19 =	sld [smem:$0x3FFB];
	_ =	sdelay $0x3  }
0xa: {  	_ =	strace s19  }
0xb: {  	s3 =	sld [smem:$0x3FFC];
	_ =	sdelay $0x3  }
0xc: {  	_ =	strace s3  }
0xd: {  	s3 =	sld [smem:$0x3FFD];
	_ =	sdelay $0x3  }
0xe: {  	_ =	strace s3  }
0xf: {  	_ =	strace $0x8FFFFFFF  }
0x10: {  	s20 =	sld [smem:$0x3FDB];
	_ =	sdelay $0x1  }
0x11: {  	s4 =	simm.s32 $_scs_section_size  }
0x12: {  	s5 =	simm.s32 $_size__tile_overlayer_lowered;
	s6 =	simm.s32 $_tile_overlayer_lowered  }
0x13: {  	s23 =	simm.s32 $0x1BFF;
	s22 =	sshll.u32 s6, $0x1;
	s3 =	sadd.s32 s4, s20  }
0x14: {  	s7 =	simm.s32 $0x0;
	s21 =	sshll.u32 s5, $0x1;
	s5 =	sadd.s32 s22, s3  }
0x15: {  	[timem:s7], [sflag:s23] =	dma.local [hbm:s5], s21  }
0x16: {  	_ =	swait.ge [sflag:s23], s21  }
0x17: {  	s4 =	ssub.s32 $0x0, s21;
	[sflag:s23] =	ssyncset.done $0x0  }
0x18: {  	[sflag:s23] =	ssyncadd.s32 s4;
	_ =	sdelay $0x1  }
0x19: {  	s24 =	simm.s32 $0x1B8B  }
0x1a: {  	_ =	swait.ge [sflag:s24], $0x1  }
0x1b: {  	[sflag:s24] =	ssyncset.done $0x0  }
0x1c: {  	s26 =	simm.s32 $0x1B8E;
	s25 =	sld [smem:$0x3FFE];
	[sflag:s24] =	ssyncadd.s32 $0xFFFFFFFF  }
0x1d: {  	s27 =	simm.s32 $execute0_lowered;
	[smem:$0x3FD2] =	sst s26  }
0x1e: {  	s5 =	sshll.u32 s27, $0x1;
	_ =	strace $0x80000049;
	[dreg:$0x1] =	wrdreg $0xFFFFFFFF  }
0x1f: {  	s28 =	simm.s32 $_size_execute0_lowered;
	s3 =	sadd.s32 s3, s5;
	[dreg:$0x0] =	wrdreg $0x0  }
0x20: {  	s5 =	sshll.u32 s28, $0x1;
	[dreg:$0x2] =	wrdreg s3  }
0x21: {  	[dreg:$0x3] =	wrdreg s5  }
0x22: {  	[dreg:$0x4] =	wrdreg $0xC0  }
0x23: {  	_ =	task [dreg:s7], $0x5FFFF  }
0x24: {  	[dreg:$0x1] =	wrdreg $0xFFFFFFFF  }
0x25: {  	[dreg:$0x0] =	wrdreg $0x60  }
0x26: {  	[dreg:$0x2] =	wrdreg s25  }
0x27: {  	[dreg:$0x3] =	wrdreg s2  }
0x28: {  	[dreg:$0x4] =	wrdreg $0x9  }
0x29: {  	_ =	task.clear_ibuf [dreg:s7], $0x5FFFF;
	_ =	strace $0x90000049  }
0x2a: {  	s29 =	simm.s32 $0x9;
	_ =	strace $0x8000004B  }
0x2b: {  	_ =	swait.ge [sflag:s29], $0x1  }
0x2c: {  	[sflag:s29] =	ssyncadd.s32 $0xFFFFFFFF  }
0x2d: {  	_ =	strace $0x9000004B  }
0x2e: {  	_ =	sfence  }
0x2f: {  	s30 =	sld [smem:$0x0];
	_ =	sdelay $0x2  }
0x30: {  	s31 =	sshll.u32 s1, $0xD;
	s1 =	sshrl.u32 s1, $0x2  }
0x31: {  	s3 =	sand.u32 $0x4000, s31;
	s1 =	sadd.s32 s1, s30  }
0x32: {  	s0 =	sor.u32 s3, s0;
	s1 =	sshll.u32 s1, $0x11  }
0x33: {  	s0 =	sor.u32 s1, s0  }
0x34: {  	s0 =	sadd.s32 $0x8F2B, s0  }
0x35: {  	[sflag:s0] =	ssyncadd.remote.s32 $0x1  }
0x36: {  	_ =	sfence.sel $0xFFFF  }
0x37: {  	[dreg:$0x0] =	wrdreg $0xFFFFFFFF;
	(pc) =	sbr.abs _section_cstart, $3  }
0x38: {  	[dreg:$0x1] =	wrdreg $0xFFFFFFFF  }
0x39: {  	_ =	task.clear_ibuf [dreg:s7], $0x2FFFF;
	_ =	strace $0x9FFFFFFF  }
0x3a: {  	(tm) =	ssettm $0x7FFFFFFF  }
0x3b: {  	_ =	shalt  }
tec
execute0_lowered:
.L_overlay_start_1:
0x0: {  	(tag) =	ssettag $0x1  }
0x1: {  	s0 =	srdreg.scid  }
0x2: {  	s1 =	sshll.u32 s0, $0x4  }
0x3: {  	s0 =	stileid.u32;
	s1 =	sand.u32 $0x10, s1  }
0x4: {  	s1 =	sor.u32 s0, s1  }
0x5: {  	s6 =	rddreg [dreg:$0x0];
	s4 =	simm.s32 $0x1;
	s2 =	sshll.u32 s1, $0x7  }
0x6: {  	s7 =	simm.s32 $0x2;
	s8 =	simm.s32 $0x0;
	s1 =	ssub.s32 $0x4000, s2  }
0x7: {  	s9 =	simm.s32 $0x0;
	s13 =	simm.s32 $0x0;
	s3 =	sand.u32 $0xF80, s1  }
0x8: {  	s14 =	simm.s32 $0x0;
	s5 =	sshrl.u32 s1, $0xC;
	p0 =	sne.s32 s3, $0x0  }
.Ltmp0:
0x9: {  	s1 =	rddreg [dreg:$0x2];
	s4 =	simm.s32 @!p0 $0x0;
	(pc) =	sbr.rel .LBB1_1-.Ltmp0, $4  }
0xa: {  	s10 =	simm.s32 $0x0;
	s3 =	rddreg [dreg:$0x1];
	s5 =	sadd.s32 s4, s5  }
0xb: {  	_ =	strace $0x8000004A;
	s4 =	simm.s32 $0x1;
	s5 =	smul.u32 $0x51, s5  }
0xc: {  	s12 =	simm.s32 $0x0;
	s6 =	sadd.s32 $0x1000, s6;
	[sflag:s4] =	ssyncpa.u1 $0x0  }
0xd: {  	s11 =	smov.u32 s2;
	[sflag:s7] =	ssyncpa.u1 $0x0;
	s7 =	sadd.s32 $0x1, s5  }
.LBB1_4:
0xe: {  	_ =	sdelay $0x3  }
0xf: {  	[tilespmem:v0+s16+$0xFFFFFFD0 ss:$0x1] =	vst.idx.msk $0xffff, v6  }
0x10: {  	v56 =	vld.idx.msk [tilespmem:v1+s17+$0x0 ss:$0x1], $0xffff;
	[tilespmem:v0+s16+$0xFFFFFFE0 ss:$0x1] =	vst.idx.msk $0xffff, v4  }
0x11: {  	v57 =	vld.idx.msk [tilespmem:v1+s17+$0xFFFFFF90 ss:$0x1], $0xffff;
	[tilespmem:v0+s16+$0xFFFFFFF0 ss:$0x1] =	vst.idx.msk $0xffff, v2  }
0x12: {  	v58 =	vld.idx.msk [tilespmem:v1+s17+$0xFFFFFFA0 ss:$0x1], $0xffff;
	[tilespmem:v0+s16+$0x0 ss:$0x1] =	vst.idx.msk $0xffff, v3  }
0x13: {  	v59 =	vld.idx.msk [tilespmem:v1+s17+$0xFFFFFFB0 ss:$0x1], $0xffff;
	[tilespmem:v0+s16+$0x10 ss:$0x1] =	vst.idx.msk $0xffff, v5  }
0x14: {  	v60 =	vld.idx.msk [tilespmem:v1+s17+$0xFFFFFFC0 ss:$0x1], $0xffff;
	[tilespmem:v0+s16+$0x20 ss:$0x1] =	vst.idx.msk $0xffff, v7  }
0x15: {  	v61 =	vld.idx.msk [tilespmem:v1+s17+$0xFFFFFFD0 ss:$0x1], $0xffff;
	[tilespmem:v0+s17+$0x30 ss:$0x1] =	vst.idx.msk $0xffff, v56  }
0x16: {  	v62 =	vld.idx.msk [tilespmem:v1+s17+$0xFFFFFFE0 ss:$0x1], $0xffff;
	[tilespmem:v0+s17+$0xFFFFFFC0 ss:$0x1] =	vst.idx.msk $0xffff, v57  }
0x17: {  	v63 =	vld.idx.msk [tilespmem:v1+s17+$0xFFFFFFF0 ss:$0x1], $0xffff;
	[tilespmem:v0+s17+$0xFFFFFFD0 ss:$0x1] =	vst.idx.msk $0xffff, v58  }
0x18: {  	[tilespmem:v0+s17+$0xFFFFFFE0 ss:$0x1] =	vst.idx.msk $0xffff, v59  }
0x19: {  	s14 =	sshll.u32 s14, $0x4;
	[tilespmem:v0+s17+$0xFFFFFFF0 ss:$0x1] =	vst.idx.msk $0xffff, v60  }
0x1a: {  	s14 =	sand.u32 $0x3FFF0, s14;
	[tilespmem:v0+s17+$0x0 ss:$0x1] =	vst.idx.msk $0xffff, v61  }
0x1b: {  	s13 =	sshll.u32 s13, $0x12;
	s14 =	sadd.s32 s3, s14;
	[tilespmem:v0+s17+$0x10 ss:$0x1] =	vst.idx.msk $0xffff, v62  }
0x1c: {  	s13 =	sadd.s32 s13, s14;
	[tilespmem:v0+s17+$0x20 ss:$0x1] =	vst.idx.msk $0xffff, v63  }
0x1d: {  	[hbm4b:s13+s8] =	stream.linear.scatter [tilespmem:s15], [sflag:$0x2], $0x4000, $0x38;
	[tilespmem:$0x10000] =	vst v63  }
.LBB1_5:
0x1e: {  	s15 =	sadd.s32 $0x1, s10  }
0x1f: {  	s13 =	sadd.s32 $0x1000, s11;
	s17 =	smov.u32 s11;
	p1 =	sgt.s32 s15, $0x50  }
0x20: {  	s17 =	smov.u32 @p1 s13  }
0x21: {  	s15 =	simm.s32 @p1 $0x0;
	p1 =	sgt.s32 s17, $0x3FFF  }
0x22: {  	s17 =	smov.u32 @p1 s2;
	p1 =	sne.s32 s12, s7  }
.Ltmp1:
0x23: {  	p0 =	slt.u32 s12, $0x2;
	(pc) =	sbr.rel @!p1 .LBB1_6-.Ltmp1, $4  }
0x24: {  	s16 =	simm.s32 @!p0 $0x2  }
0x25: {  	s14 =	smov.u32 s11;
	s9 =	sadd.s32 $0x4000, s9;
	_ =	swait.ge @!p0 [sflag:s16], $0x4000  }
0x26: {  	s13 =	smov.u32 s10;
	[sflag:s16] =	ssyncset.done @!p0 $0x0;
	s10 =	smov.u32 s15  }
0x27: {  	s12 =	sadd.s32 $0x1, s12;
	[sflag:s16] =	ssyncadd.s32 @!p0 $0xFFFFC000;
	s11 =	smov.u32 s17  }
.LBB1_1:
0x28: {  	p0 =	sge.u32 s12, s5  }
0x29: {  	s15 =	sand.u32 @!p0 $0x1FFFFFF, s10  }
0x2a: {  	s16 =	smulhi.u32 @!p0 $0x2E8BA2F, s15;
	_ =	sdelay $0x1  }
0x2b: {  	s16 =	smul.u32 @!p0 $0x58, s16  }
0x2c: {  	s17 =	sxor.u32 @!p0 $0xFFFFFFFF, s12;
	s18 =	smul.u32 @!p0 $0x580, s11  }
0x2d: {  	s31 =	sadd.s32 $0xFFFFFFFF, s12;
	s17 =	sshll.u32 @!p0 s17, $0xE;
	s15 =	ssub.s32 @!p0 s15, s16  }
0x2e: {  	s16 =	sand.u32 @!p0 $0x4000, s17;
	s17 =	sadd.s32 @!p0 s6, s18;
	s15 =	sshll.u32 @!p0 s15, $0x4  }
0x2f: {  	s18 =	simm.s32 @!p0 $0x2C00;
	s15 =	sadd.s32 @!p0 s15, s17;
	s17 =	simm.s32 @!p0 $0x80  }
0x30: {  	[tilespmem:s16], [sflag:$0x1] =	stream.strided.gather @!p0 [hbm4b:s15+s17], $0x4000, s18, s17, $0x38;
	[tilespmem:$0x10000] =	vst v63  }
0x31: {  	p0 =	sge.u32 s31, s5  }
.Ltmp2:
0x32: {  	_ = 	snop;
	(pc) =	sbr.rel @p0 .LBB1_5-.Ltmp2, $1  }
0x33: {  	_ =	sdelay $0x3  }
0x34: {  	s15 =	sand.u32 $0x4000, s9  }
0x35: {  	s16 =	sor.u32 $0x70, s15  }
0x36: {  	v1 =	vmov s16;
	_ =	sdelay $0x1  }
0x37: {  	_ =	swait.ge [sflag:s4], $0x4000  }
0x38: {  	[sflag:s4] =	ssyncset.done $0x0  }
0x39: {  	[sflag:s4] =	ssyncadd.s32 $0xFFFFC000;
	s16 =	simm.s32 $0x0  }
0x3a: {  	s15 =	sor.u32 $0x8040, s15;
	v7 =	vld.idx.msk [tilespmem:v1+s16+$0x0 ss:$0x1], $0xffff  }
0x3b: {  	v0 =	vmov s15;
	v8 =	vld.idx.msk [tilespmem:v1+s16+$0xFFFFFF90 ss:$0x1], $0xffff  }
0x3c: {  	v6 =	vld.idx.msk [tilespmem:v1+s16+$0xFFFFFFA0 ss:$0x1], $0xffff  }
0x3d: {  	v4 =	vld.idx.msk [tilespmem:v1+s16+$0xFFFFFFB0 ss:$0x1], $0xffff  }
0x3e: {  	v2 =	vld.idx.msk [tilespmem:v1+s16+$0xFFFFFFC0 ss:$0x1], $0xffff  }
0x3f: {  	s31 =	sshll.u32 s12, $0xE;
	v3 =	vld.idx.msk [tilespmem:v1+s16+$0xFFFFFFD0 ss:$0x1], $0xffff  }
0x40: {  	s15 =	sand.u32 $0x4000, s31;
	v5 =	vld.idx.msk [tilespmem:v1+s16+$0xFFFFFFE0 ss:$0x1], $0xffff;
	[tilespmem:v0+s16+$0x30 ss:$0x1] =	vst.idx.msk $0xffff, v7  }
0x41: {  	s17 =	simm.s32 $0x80;
	s18 =	simm.s32 $0x400;
	s15 =	sor.u32 $0x8000, s15;
	[tilespmem:v0+s16+$0xFFFFFFC0 ss:$0x1] =	vst.idx.msk $0xffff, v8;
	v7 =	vld.idx.msk [tilespmem:v1+s16+$0xFFFFFFF0 ss:$0x1], $0xffff  }
.LBB1_3:
0x42: {  	p0 =	sne.s32 s18, $0xFE00;
	v8 =	vld.idx.msk [tilespmem:v1+s17+$0x0 ss:$0x1], $0xffff;
	[tilespmem:v0+s16+$0xFFFFFFD0 ss:$0x1] =	vst.idx.msk $0xffff, v6  }
0x43: {  	v9 =	vld.idx.msk [tilespmem:v1+s17+$0xFFFFFF90 ss:$0x1], $0xffff;
	[tilespmem:v0+s16+$0xFFFFFFE0 ss:$0x1] =	vst.idx.msk $0xffff, v4  }
0x44: {  	v6 =	vld.idx.msk [tilespmem:v1+s17+$0xFFFFFFA0 ss:$0x1], $0xffff;
	[tilespmem:v0+s16+$0xFFFFFFF0 ss:$0x1] =	vst.idx.msk $0xffff, v2  }
.Ltmp3:
0x45: {  	v4 =	vld.idx.msk [tilespmem:v1+s17+$0xFFFFFFB0 ss:$0x1], $0xffff;
	[tilespmem:v0+s16+$0x0 ss:$0x1] =	vst.idx.msk $0xffff, v3;
	(pc) =	sbr.rel @p0 .LBB1_3-.Ltmp3, $4  }
0x46: {  	v2 =	vld.idx.msk [tilespmem:v1+s17+$0xFFFFFFC0 ss:$0x1], $0xffff;
	[tilespmem:v0+s16+$0x10 ss:$0x1] =	vst.idx.msk $0xffff, v5  }
0x47: {  	v3 =	vld.idx.msk [tilespmem:v1+s17+$0xFFFFFFD0 ss:$0x1], $0xffff;
	[tilespmem:v0+s16+$0x20 ss:$0x1] =	vst.idx.msk $0xffff, v7;
	s16 =	smov.u32 s17  }
0x48: {  	v5 =	vld.idx.msk [tilespmem:v1+s16+$0xFFFFFFE0 ss:$0x1], $0xffff;
	[tilespmem:v0+s16+$0x30 ss:$0x1] =	vst.idx.msk $0xffff, v8  }
0x49: {  	s17 =	sshra.s32 s18, $0x2;
	s18 =	sadd.s32 $0x200, s18;
	[tilespmem:v0+s16+$0xFFFFFFC0 ss:$0x1] =	vst.idx.msk $0xffff, v9;
	v7 =	vld.idx.msk [tilespmem:v1+s16+$0xFFFFFFF0 ss:$0x1], $0xffff  }
.Ltmp4:
0x4a: {  	_ = 	snop;
	(pc) =	sbr.rel .LBB1_4-.Ltmp4, $1  }
0x4b: {  	_ =	sdelay $0x3  }
.LBB1_6:
0x4c: {  	_ =	sfence.sel $0x180000  }
0x4d: {  	s2 =	simm.s32 $0x1;
	[bflag:$0x0] =	sbarrier.arrive $0xFFFF  }
0x4e: {  	s31 =	simm.s32 $0x2;
	[sflag:s2] =	ssyncpa.u1 $0x1  }
0x4f: {  	[sflag:s31] =	ssyncpa.u1 $0x1  }
0x50: {  	p0 =	sne.s32 s0, $0x0;
	_ =	strace $0x9000004A  }
0x51: {  	s0 =	sadd.s32 @!p0 $0x100000, s1;
	[bflag:$0x2] =	sbarrier.arrive $0xFFFF  }
0x52: {  	[sflag:s0] =	ssyncadd.tile.s32 @!p0 $0x1;
	_ =	shalt  }
.Lfunc_end1:
_tile_overlayer_lowered:
.L_overlay_start_2:
0x53: {  	(tag) =	ssettag $0x2  }
0x54: {  	s0 =	rddreg [dreg:$0x0];
	s2 =	stileid.u32  }
0x55: {  	s1 =	rddreg [dreg:$0x1];
	p0 =	sne.s32 s2, $0x0  }
0x56: {  	s3 =	rddreg [dreg:$0x2];
	[bflag:$0x3] =	sbarrier.arrive $0xFFFF;
	s2 =	simm.s32 @!p0 $0x1C01  }
0x57: {  	[timem:s3], [sflag:s2] =	dma.local @!p0 [hbm:s0], s1  }
0x58: {  	s0 =	simm.s32 @!p0 $0x1  }
0x59: {  	_ =	swait.ge @!p0 [sflag:s0], s1  }
0x5a: {  	s1 =	ssub.s32 @!p0 $0x0, s1;
	[sflag:s0] =	ssyncset.done @!p0 $0x0  }
0x5b: {  	[sflag:s0] =	ssyncadd.s32 @!p0 s1  }
0x5c: {  	[bflag:$0x3] =	sbarrier.arrive $0xFFFF  }
0x5d: {  	_ =	shalt  }

</sc_bundles>
